<compile_context>
chip_gen: v7x
topology: tpu7x:2x2x1
jax: 0.10.2.dev20260603
libtpu: 0.0.44.dev20260713+nightly
codegen_flags: <defaults>
</compile_context>

<pallas_src>
import functools

import jax
import jax.numpy as jnp
from jax import lax
from jax.experimental import pallas as pl
from jax.experimental.pallas import tpu as pltpu
from jax.experimental.pallas import tpu_sc as plsc

_STRIDES = (4, 8, 16, 32)
_OUT = 7
_NB = _OUT * _OUT
_C = 256
_CC = _C // 16
_GRP = 7
_NG = _NB // _GRP
_TAPS = 16
_NW = 32


def _splat(ref, pos):
    return plsc.load_gather(ref, [jnp.full((16,), pos, jnp.int32)])


def _make_sc_call(n_rois):
    rois_per_w = (n_rois + _NW - 1) // _NW
    mesh = plsc.VectorSubcoreMesh(core_axis_name="c", subcore_axis_name="s")

    @functools.partial(
        pl.kernel,
        mesh=mesh,
        compiler_params=pltpu.CompilerParams(needs_layout_passes=False),
        out_type=jax.ShapeDtypeStruct((n_rois, _C * _NB), jnp.float32),
        scratch_types=[
            pltpu.VMEM((16,), jnp.float32),
            pltpu.VMEM((2 * _NG, _GRP * _TAPS), jnp.int32),
            pltpu.VMEM((2 * _NB * _TAPS,), jnp.float32),
            pltpu.VMEM((2, _GRP * _TAPS, _C // 2), jnp.float32),
            pltpu.VMEM((2 * _C * _NB,), jnp.float32),
            pltpu.SemaphoreType.DMA((2,)),
            pltpu.SemaphoreType.DMA((2,)),
        ],
    )
    def call(table, rois, out, roi_v, idx_v, wgt_v, gbuf, obuf, gsem, osem):
        wid = lax.axis_index("s") * 2 + lax.axis_index("c")

        lane = lax.iota(jnp.int32, 16)
        syf = ((lane >> 3) & 1).astype(jnp.float32)
        sxf = ((lane >> 2) & 1).astype(jnp.float32)
        cyb = ((lane >> 1) & 1) == 1
        cxb = (lane & 1) == 1
        cyf = ((lane >> 1) & 1).astype(jnp.float32)
        cxf = (lane & 1).astype(jnp.float32)
        lane2nb = lane * (2 * _NB)

        def do_prep(i):
            n = i * _NW + wid
            ip = i % 2
            pltpu.sync_copy(rois.at[n], roi_v)
            x1 = _splat(roi_v, 1)
            y1 = _splat(roi_v, 2)
            x2 = _splat(roi_v, 3)
            y2 = _splat(roi_v, 4)
            ssv = _splat(roi_v, 5)
            offv = _splat(roi_v, 6)
            wv = _splat(roi_v, 7)
            hv = _splat(roi_v, 8)
            x1s = x1 * ssv
            y1s = y1 * ssv
            bw = jnp.maximum((x2 - x1) * ssv, 1.0) * (1.0 / _OUT)
            bh = jnp.maximum((y2 - y1) * ssv, 1.0) * (1.0 / _OUT)
            wm1 = wv - 1.0
            hm1 = hv - 1.0

            def bin_prep(b, c2):
                py = b // _OUT
                px = b % _OUT
                pyf = py.astype(jnp.float32)
                pxf = px.astype(jnp.float32)
                ys = y1s + (pyf + 0.25 + 0.5 * syf) * bh
                xs = x1s + (pxf + 0.25 + 0.5 * sxf) * bw
                valid = (ys < hv) & (xs < wv)
                yc = jnp.minimum(ys, hm1)
                xc = jnp.minimum(xs, wm1)
                y0f = yc.astype(jnp.int32).astype(jnp.float32)
                x0f = xc.astype(jnp.int32).astype(jnp.float32)
                ly = yc - y0f
                lx = xc - x0f
                yif = jnp.minimum(y0f + cyf, hm1)
                xif = jnp.minimum(x0f + cxf, wm1)
                wy = jnp.where(cyb, ly, 1.0 - ly)
                wx = jnp.where(cxb, lx, 1.0 - lx)
                w = jnp.where(valid, wy * wx * 0.25, 0.0)
                idx = (offv + yif * wv + xif).astype(jnp.int32)
                idx_v[ip * _NG + py, pl.ds(px * _TAPS, _TAPS)] = idx
                wgt_v[pl.ds(ip * (_NB * _TAPS) + b * _TAPS, _TAPS)] = w
                return c2

            lax.fori_loop(0, _NB, bin_prep, 0)

        def gather_copy(i, g):
            gp = (i + g) % 2
            return pltpu.make_async_copy(
                table.at[idx_v.at[(i % 2) * _NG + g]], gbuf.at[gp],
                gsem.at[gp],
            )

        do_prep(0)
        gather_copy(0, 0).start()

        def roi_body(i, carry):
            n = i * _NW + wid

            @pl.when(n < n_rois)
            def _():
                op = i % 2
                obase = op * (_C * _NB)
                wbase = op * (_NB * _TAPS)

                @pl.when(i >= 2)
                def _():
                    pltpu.make_async_copy(
                        obuf.at[pl.ds(obase, _C * _NB)], out.at[n],
                        osem.at[op],
                    ).wait()

                def grp_body(g, c2):
                    gp = (i + g) % 2
                    gather_copy(i, g).wait()

                    @pl.when(g < _NG - 1)
                    def _():
                        gather_copy(i, g + 1).start()

                    @pl.when(g == _NG - 1)
                    def _():
                        nn = (i + 1) * _NW + wid

                        @pl.when(nn < n_rois)
                        def _():
                            do_prep(i + 1)
                            gather_copy(i + 1, 0).start()

                    def bin_comp(j, c3):
                        b = g * _GRP + j
                        base = j * _TAPS
                        wsp = [
                            _splat(wgt_v, wbase + b * _TAPS + t)
                            for t in range(_TAPS)
                        ]
                        for k in range(_C // 32):
                            a0, b0 = plsc.unpack(
                                plsc.bitcast(
                                    gbuf[gp, base, pl.ds(k * 16, 16)],
                                    jnp.bfloat16,
                                ),
                                format=plsc.PackFormat.INTERLEAVED,
                            )
                            acc_a = wsp[0] * a0
                            acc_b = wsp[0] * b0
                            for t in range(1, _TAPS):
                                at, bt = plsc.unpack(
                                    plsc.bitcast(
                                        gbuf[gp, base + t, pl.ds(k * 16, 16)],
                                        jnp.bfloat16,
                                    ),
                                    format=plsc.PackFormat.INTERLEAVED,
                                )
                                acc_a = acc_a + wsp[t] * at
                                acc_b = acc_b + wsp[t] * bt
                            oidx = lane2nb + (obase + (32 * k) * _NB + b)
                            plsc.store_scatter(obuf, [oidx], acc_a)
                            plsc.store_scatter(obuf, [oidx + _NB], acc_b)
                        return c3

                    lax.fori_loop(0, _GRP, bin_comp, 0)
                    return c2

                lax.fori_loop(0, _NG, grp_body, 0)
                pltpu.async_copy(
                    obuf.at[pl.ds(obase, _C * _NB)], out.at[n], osem.at[op]
                )

            return carry

        lax.fori_loop(0, rois_per_w, roi_body, 0)

        for p in range(2):
            pltpu.make_async_copy(
                obuf.at[pl.ds(p * (_C * _NB), _C * _NB)], out.at[wid],
                osem.at[p],
            ).wait()

    return call


def kernel(feats_0, feats_1, feats_2, feats_3, rois):
    feats = [feats_0, feats_1, feats_2, feats_3]
    n = rois.shape[0]

    tables = [jnp.transpose(f[0], (1, 2, 0)).reshape(-1, _C) for f in feats]
    table = lax.bitcast_convert_type(
        jnp.concatenate(tables, axis=0)
        .astype(jnp.bfloat16)
        .reshape(-1, _C // 2, 2),
        jnp.float32,
    )

    scale = jnp.sqrt((rois[:, 3] - rois[:, 1]) * (rois[:, 4] - rois[:, 2]))
    lvls = jnp.clip(
        jnp.floor(jnp.log2(scale / 56.0 + 1e-6)), 0, 3
    ).astype(jnp.int32)
    sizes = [feats[i].shape[2] * feats[i].shape[3] for i in range(4)]
    offs_t = jnp.array(
        [0.0, float(sizes[0]), float(sizes[0] + sizes[1]),
         float(sizes[0] + sizes[1] + sizes[2])], jnp.float32)
    dims_t = jnp.array([f.shape[2] for f in feats], jnp.float32)
    ss_t = jnp.array([1.0 / s for s in _STRIDES], jnp.float32)
    zeros = jnp.zeros((n,), jnp.float32)
    rois_aug = jnp.stack(
        [zeros, rois[:, 1], rois[:, 2], rois[:, 3], rois[:, 4],
         ss_t[lvls], offs_t[lvls], dims_t[lvls], dims_t[lvls]]
        + [zeros] * 7,
        axis=1,
    )

    out = _make_sc_call(n)(table, rois_aug)
    return out.reshape(n, _C, _OUT, _OUT)

# --- scband reference (transcript-rebuilt; emitter-appended) ---
"""Pipeline reference for scband-single-ro-iextractor-9174050144296 (READ-ONLY COPY).

The authoritative reference and input builder live on the scoring server;
editing this copy changes nothing except your own understanding.
"""

import jax, jax.numpy as jnp
import numpy as np

STRIDES = [4, 8, 16, 32]
OUT_SIZE = 7
SAMPLING_RATIO = 2
FINEST_SCALE = 56.0
OUT_CHANNELS = 256
IMG = 512
N_ROIS = 1000


def setup_inputs(seed: int = 0) -> dict:
    key = jax.random.key(seed)
    ks = jax.random.split(key, 8)
    inp = {}
    for i, s in enumerate(STRIDES):
        inp[f"feats_{i}"] = jax.random.normal(ks[i], (1, OUT_CHANNELS, IMG // s, IMG // s), dtype=jnp.float32)
    w = jax.random.uniform(ks[4], (N_ROIS,), minval=16.0, maxval=448.0)
    h = jax.random.uniform(ks[5], (N_ROIS,), minval=16.0, maxval=448.0)
    x1 = jax.random.uniform(ks[6], (N_ROIS,)) * (IMG - w)
    y1 = jax.random.uniform(ks[7], (N_ROIS,)) * (IMG - h)
    batch_idx = jnp.zeros((N_ROIS,), dtype=jnp.float32)
    inp["rois"] = jnp.stack([batch_idx, x1, y1, x1 + w, y1 + h], axis=1).astype(jnp.float32)
    return inp


def _roi_align(feat, rois, spatial_scale):
    # torchvision-style RoIAlign (aligned=False), fixed sampling_ratio.
    # Gradients do not flow to rois (matches torch RoIAlign op behavior).
    rois = jax.lax.stop_gradient(rois)
    N = rois.shape[0]
    B, C, H, W = feat.shape
    featp = jnp.transpose(feat, (0, 2, 3, 1))  # [B,H,W,C]
    b = rois[:, 0].astype(jnp.int32)
    x1 = rois[:, 1] * spatial_scale
    y1 = rois[:, 2] * spatial_scale
    x2 = rois[:, 3] * spatial_scale
    y2 = rois[:, 4] * spatial_scale
    roi_w = jnp.maximum(x2 - x1, 1.0)
    roi_h = jnp.maximum(y2 - y1, 1.0)
    bin_w = roi_w / OUT_SIZE
    bin_h = roi_h / OUT_SIZE
    sr = SAMPLING_RATIO
    p = jnp.arange(OUT_SIZE, dtype=jnp.float32)
    s = (jnp.arange(sr, dtype=jnp.float32) + 0.5) / sr
    # [N, OUT, sr] sample center coordinates along each axis
    ys = y1[:, None, None] + (p[None, :, None] + s[None, None, :]) * bin_h[:, None, None]
    xs = x1[:, None, None] + (p[None, :, None] + s[None, None, :]) * bin_w[:, None, None]
    shape5 = (N, OUT_SIZE, OUT_SIZE, sr, sr)
    y = jnp.broadcast_to(ys[:, :, None, :, None], shape5)
    x = jnp.broadcast_to(xs[:, None, :, None, :], shape5)
    valid = (y > -1.0) & (y < H) & (x > -1.0) & (x < W)
    yc = jnp.clip(y, 0.0, H - 1)
    xc = jnp.clip(x, 0.0, W - 1)
    y0 = jnp.floor(yc).astype(jnp.int32)
    x0 = jnp.floor(xc).astype(jnp.int32)
    y1i = jnp.minimum(y0 + 1, H - 1)
    x1i = jnp.minimum(x0 + 1, W - 1)
    ly = yc - y0.astype(jnp.float32)
    lx = xc - x0.astype(jnp.float32)
    hy = 1.0 - ly
    hx = 1.0 - lx
    bb = jnp.broadcast_to(b[:, None, None, None, None], shape5)

    def g(yi, xi):
        return featp[bb, yi, xi]  # [N,OUT,OUT,sr,sr,C]

    val = (hy * hx)[..., None] * g(y0, x0)
    val = val + (hy * lx)[..., None] * g(y0, x1i)
    val = val + (ly * hx)[..., None] * g(y1i, x0)
    val = val + (ly * lx)[..., None] * g(y1i, x1i)
    val = val * valid[..., None].astype(val.dtype)
    out = jnp.mean(val, axis=(3, 4))  # [N,OUT,OUT,C]
    return jnp.transpose(out, (0, 3, 1, 2))  # [N,C,OUT,OUT]


def reference(feats_0, feats_1, feats_2, feats_3, rois):
    feats = [feats_0, feats_1, feats_2, feats_3]
    num_levels = len(feats)
    # map_roi_levels
    scale = jnp.sqrt((rois[:, 3] - rois[:, 1]) * (rois[:, 4] - rois[:, 2]))
    lvls = jnp.floor(jnp.log2(scale / FINEST_SCALE + 1e-06))
    lvls = jnp.clip(lvls, 0, num_levels - 1).astype(jnp.int32)
    roi_feats = jnp.zeros((rois.shape[0], OUT_CHANNELS, OUT_SIZE, OUT_SIZE), dtype=jnp.float32)
    for i in range(num_levels):
        rf = _roi_align(feats[i], rois, 1.0 / STRIDES[i])
        mask = (lvls == i)[:, None, None, None]
        roi_feats = roi_feats + jnp.where(mask, rf, 0.0)
    return roi_feats

if __name__ == "__main__":
    import jax
    _d = setup_inputs()
    print(jax.jit(kernel)(*tuple(_d.values())))

</pallas_src>

<mosaic_0001>
#map = affine_map<(d0, d1) -> (0, 0)>
module attributes {stable_mosaic.version = 14 : i64} {
  func.func @call(%arg0: i32, %arg1: i32, %arg2: memref<21760x128xf32, #tpu.memory_space<hbm>>, %arg3: memref<1000x16xf32, #tpu.memory_space<hbm>>, %arg4: memref<1000x12544xf32, #tpu.memory_space<hbm>>, %arg5: memref<16xf32, #tpu.memory_space<vmem>>, %arg6: memref<14x112xi32, #tpu.memory_space<vmem>>, %arg7: memref<1568xf32, #tpu.memory_space<vmem>>, %arg8: memref<2x112x128xf32, #tpu.memory_space<vmem>>, %arg9: memref<25088xf32, #tpu.memory_space<vmem>>, %arg10: memref<2x!tpu.dma_semaphore, #tpu.memory_space<semaphore_mem>>, %arg11: memref<2x!tpu.dma_semaphore, #tpu.memory_space<semaphore_mem>>) attributes {dimension_semantics = [#tpu.dimension_semantics<core_parallel>, #tpu.dimension_semantics<subcore_parallel>], iteration_bounds = array<i64: 2, 16>, scalar_prefetch = 0 : i64, scratch_operands = 7 : i64, tpu.core_type = #tpu.core_type<sc_vector_subcore>, window_params = [{transform_indices = #map}, {transform_indices = #map}, {transform_indices = #map}]} {
    %mul3A = arith.constant 2 : i32
    %mul3A_0 = arith.muli %arg1, %mul3A : i32
    %add3A = arith.addi %mul3A_0, %arg0 : i32
    %iota3A = tpu.iota {dimensions = array<i32: 0>} : vector<16xi32>
    %shift_right_arithmetic3A = arith.constant 3 : i32
    %shift_right_arithmetic3A_1 = vector.broadcast %shift_right_arithmetic3A : i32 to vector<16xi32>
    %shift_right_arithmetic3A_2 = arith.shrsi %iota3A, %shift_right_arithmetic3A_1 : vector<16xi32>
    %and3A = arith.constant 1 : i32
    %and3A_3 = vector.broadcast %and3A : i32 to vector<16xi32>
    %and3A_4 = arith.andi %shift_right_arithmetic3A_2, %and3A_3 : vector<16xi32>
    %convert_element_type3A = arith.sitofp %and3A_4 : vector<16xi32> to vector<16xf32>
    %shift_right_arithmetic3A_5 = arith.constant 2 : i32
    %shift_right_arithmetic3A_6 = vector.broadcast %shift_right_arithmetic3A_5 : i32 to vector<16xi32>
    %shift_right_arithmetic3A_7 = arith.shrsi %iota3A, %shift_right_arithmetic3A_6 : vector<16xi32>
    %and3A_8 = arith.constant 1 : i32
    %and3A_9 = vector.broadcast %and3A_8 : i32 to vector<16xi32>
    %and3A_10 = arith.andi %shift_right_arithmetic3A_7, %and3A_9 : vector<16xi32>
    %convert_element_type3A_11 = arith.sitofp %and3A_10 : vector<16xi32> to vector<16xf32>
    %shift_right_arithmetic3A_12 = arith.constant 1 : i32
    %shift_right_arithmetic3A_13 = vector.broadcast %shift_right_arithmetic3A_12 : i32 to vector<16xi32>
    %shift_right_arithmetic3A_14 = arith.shrsi %iota3A, %shift_right_arithmetic3A_13 : vector<16xi32>
    %and3A_15 = arith.constant 1 : i32
    %and3A_16 = vector.broadcast %and3A_15 : i32 to vector<16xi32>
    %and3A_17 = arith.andi %shift_right_arithmetic3A_14, %and3A_16 : vector<16xi32>
    %eq3A = arith.constant 1 : i32
    %eq3A_18 = vector.broadcast %eq3A : i32 to vector<16xi32>
    %eq3A_19 = arith.cmpi eq, %and3A_17, %eq3A_18 : vector<16xi32>
    %and3A_20 = arith.constant 1 : i32
    %and3A_21 = vector.broadcast %and3A_20 : i32 to vector<16xi32>
    %and3A_22 = arith.andi %iota3A, %and3A_21 : vector<16xi32>
    %eq3A_23 = arith.constant 1 : i32
    %eq3A_24 = vector.broadcast %eq3A_23 : i32 to vector<16xi32>
    %eq3A_25 = arith.cmpi eq, %and3A_22, %eq3A_24 : vector<16xi32>
    %shift_right_arithmetic3A_26 = arith.constant 1 : i32
    %shift_right_arithmetic3A_27 = vector.broadcast %shift_right_arithmetic3A_26 : i32 to vector<16xi32>
    %shift_right_arithmetic3A_28 = arith.shrsi %iota3A, %shift_right_arithmetic3A_27 : vector<16xi32>
    %and3A_29 = arith.constant 1 : i32
    %and3A_30 = vector.broadcast %and3A_29 : i32 to vector<16xi32>
    %and3A_31 = arith.andi %shift_right_arithmetic3A_28, %and3A_30 : vector<16xi32>
    %convert_element_type3A_32 = arith.sitofp %and3A_31 : vector<16xi32> to vector<16xf32>
    %and3A_33 = arith.constant 1 : i32
    %and3A_34 = vector.broadcast %and3A_33 : i32 to vector<16xi32>
    %and3A_35 = arith.andi %iota3A, %and3A_34 : vector<16xi32>
    %convert_element_type3A_36 = arith.sitofp %and3A_35 : vector<16xi32> to vector<16xf32>
    %mul3A_37 = arith.constant 98 : i32
    %mul3A_38 = vector.broadcast %mul3A_37 : i32 to vector<16xi32>
    %mul3A_39 = arith.muli %iota3A, %mul3A_38 : vector<16xi32>
    %add3A_40 = arith.constant 0 : i32
    %add3A_41 = arith.addi %add3A_40, %add3A : i32
    "tpu.region"() ({
      %run_scoped3A = tpu.sem_alloc : memref<!tpu.dma_semaphore, #tpu.memory_space<semaphore_mem>>
      %dma_start3A_136 = arith.constant 0 : i32
      %dma_start3A_137 = tpu.memref_slice %arg3[%add3A_41, %dma_start3A_136] : memref<1000x16xf32, #tpu.memory_space<hbm>> -> memref<1x16xf32, #tpu.memory_space<hbm>>
      %dma_start3A_138 = tpu.memref_squeeze %dma_start3A_137 : memref<1x16xf32, #tpu.memory_space<hbm>> -> memref<16xf32, #tpu.memory_space<hbm>>
      %dma_start3A_139 = arith.constant 0 : i32
      %dma_start3A_140 = tpu.memref_slice %arg3[%add3A_41, %dma_start3A_139] : memref<1000x16xf32, #tpu.memory_space<hbm>> -> memref<1x16xf32, #tpu.memory_space<hbm>>
      %dma_start3A_141 = tpu.memref_squeeze %dma_start3A_140 : memref<1x16xf32, #tpu.memory_space<hbm>> -> memref<16xf32, #tpu.memory_space<hbm>>
      tpu.enqueue_dma source(%dma_start3A_141 : memref<16xf32, #tpu.memory_space<hbm>>) target(%arg5 : memref<16xf32, #tpu.memory_space<vmem>>) target_semaphore(%run_scoped3A : memref<!tpu.dma_semaphore, #tpu.memory_space<semaphore_mem>>)
      %dma_wait3A_142 = arith.constant 0 : i32
      %dma_wait3A_143 = tpu.memref_slice %arg3[%add3A_41, %dma_wait3A_142] : memref<1000x16xf32, #tpu.memory_space<hbm>> -> memref<1x16xf32, #tpu.memory_space<hbm>>
      %dma_wait3A_144 = tpu.memref_squeeze %dma_wait3A_143 : memref<1x16xf32, #tpu.memory_space<hbm>> -> memref<16xf32, #tpu.memory_space<hbm>>
      %dma_wait3A_145 = arith.constant 0 : i32
      %dma_wait3A_146 = tpu.memref_slice %arg3[%add3A_41, %dma_wait3A_145] : memref<1000x16xf32, #tpu.memory_space<hbm>> -> memref<1x16xf32, #tpu.memory_space<hbm>>
      %dma_wait3A_147 = tpu.memref_squeeze %dma_wait3A_146 : memref<1x16xf32, #tpu.memory_space<hbm>> -> memref<16xf32, #tpu.memory_space<hbm>>
      tpu.wait_dma2 semaphore(%run_scoped3A : memref<!tpu.dma_semaphore, #tpu.memory_space<semaphore_mem>>) src(%dma_wait3A_147 : memref<16xf32, #tpu.memory_space<hbm>>) dst(%arg5 : memref<16xf32, #tpu.memory_space<vmem>>)
      tpu.yield
    }) : () -> ()
    %broadcast_in_dim3A = arith.constant 1 : i32
    %broadcast_in_dim3A_42 = vector.broadcast %broadcast_in_dim3A : i32 to vector<16xi32>
    %gather3A = tpu.vector_load_idx %arg5[%broadcast_in_dim3A_42] : memref<16xf32, #tpu.memory_space<vmem>>[vector<16xi32>], vector<16xf32>,
    %broadcast_in_dim3A_43 = arith.constant 2 : i32
    %broadcast_in_dim3A_44 = vector.broadcast %broadcast_in_dim3A_43 : i32 to vector<16xi32>
    %gather3A_45 = tpu.vector_load_idx %arg5[%broadcast_in_dim3A_44] : memref<16xf32, #tpu.memory_space<vmem>>[vector<16xi32>], vector<16xf32>,
    %broadcast_in_dim3A_46 = arith.constant 3 : i32
    %broadcast_in_dim3A_47 = vector.broadcast %broadcast_in_dim3A_46 : i32 to vector<16xi32>
    %gather3A_48 = tpu.vector_load_idx %arg5[%broadcast_in_dim3A_47] : memref<16xf32, #tpu.memory_space<vmem>>[vector<16xi32>], vector<16xf32>,
    %broadcast_in_dim3A_49 = arith.constant 4 : i32
    %broadcast_in_dim3A_50 = vector.broadcast %broadcast_in_dim3A_49 : i32 to vector<16xi32>
    %gather3A_51 = tpu.vector_load_idx %arg5[%broadcast_in_dim3A_50] : memref<16xf32, #tpu.memory_space<vmem>>[vector<16xi32>], vector<16xf32>,
    %broadcast_in_dim3A_52 = arith.constant 5 : i32
    %broadcast_in_dim3A_53 = vector.broadcast %broadcast_in_dim3A_52 : i32 to vector<16xi32>
    %gather3A_54 = tpu.vector_load_idx %arg5[%broadcast_in_dim3A_53] : memref<16xf32, #tpu.memory_space<vmem>>[vector<16xi32>], vector<16xf32>,
    %broadcast_in_dim3A_55 = arith.constant 6 : i32
    %broadcast_in_dim3A_56 = vector.broadcast %broadcast_in_dim3A_55 : i32 to vector<16xi32>
    %gather3A_57 = tpu.vector_load_idx %arg5[%broadcast_in_dim3A_56] : memref<16xf32, #tpu.memory_space<vmem>>[vector<16xi32>], vector<16xf32>,
    %broadcast_in_dim3A_58 = arith.constant 7 : i32
    %broadcast_in_dim3A_59 = vector.broadcast %broadcast_in_dim3A_58 : i32 to vector<16xi32>
    %gather3A_60 = tpu.vector_load_idx %arg5[%broadcast_in_dim3A_59] : memref<16xf32, #tpu.memory_space<vmem>>[vector<16xi32>], vector<16xf32>,
    %broadcast_in_dim3A_61 = arith.constant 8 : i32
    %broadcast_in_dim3A_62 = vector.broadcast %broadcast_in_dim3A_61 : i32 to vector<16xi32>
    %gather3A_63 = tpu.vector_load_idx %arg5[%broadcast_in_dim3A_62] : memref<16xf32, #tpu.memory_space<vmem>>[vector<16xi32>], vector<16xf32>,
    %mul3A_64 = arith.mulf %gather3A, %gather3A_54 : vector<16xf32>
    %mul3A_65 = arith.mulf %gather3A_45, %gather3A_54 : vector<16xf32>
    %sub3A = arith.subf %gather3A_48, %gather3A : vector<16xf32>
    %mul3A_66 = arith.mulf %sub3A, %gather3A_54 : vector<16xf32>
    %max3A = arith.constant 1.000000e+00 : f32
    %max3A_67 = vector.broadcast %max3A : f32 to vector<16xf32>
    %max3A_68 = arith.maximumf %mul3A_66, %max3A_67 : vector<16xf32>
    %mul3A_69 = arith.constant 0.142857149 : f32
    %mul3A_70 = vector.broadcast %mul3A_69 : f32 to vector<16xf32>
    %mul3A_71 = arith.mulf %max3A_68, %mul3A_70 : vector<16xf32>
    %sub3A_72 = arith.subf %gather3A_51, %gather3A_45 : vector<16xf32>
    %mul3A_73 = arith.mulf %sub3A_72, %gather3A_54 : vector<16xf32>
    %max3A_74 = arith.constant 1.000000e+00 : f32
    %max3A_75 = vector.broadcast %max3A_74 : f32 to vector<16xf32>
    %max3A_76 = arith.maximumf %mul3A_73, %max3A_75 : vector<16xf32>
    %mul3A_77 = arith.constant 0.142857149 : f32
    %mul3A_78 = vector.broadcast %mul3A_77 : f32 to vector<16xf32>
    %mul3A_79 = arith.mulf %max3A_76, %mul3A_78 : vector<16xf32>
    %sub3A_80 = arith.constant 1.000000e+00 : f32
    %sub3A_81 = vector.broadcast %sub3A_80 : f32 to vector<16xf32>
    %sub3A_82 = arith.subf %gather3A_60, %sub3A_81 : vector<16xf32>
    %sub3A_83 = arith.constant 1.000000e+00 : f32
    %sub3A_84 = vector.broadcast %sub3A_83 : f32 to vector<16xf32>
    %sub3A_85 = arith.subf %gather3A_63, %sub3A_84 : vector<16xf32>
    %scan3A = arith.constant 0 : i32
    %scan3A_86 = arith.constant 0 : i32
    %scan3A_87 = arith.constant 49 : i32
    %scan3A_88 = arith.addi %scan3A_86, %scan3A_87 : i32
    %scan3A_89 = arith.constant 1 : i32
    scf.for %scan3A_136 = %scan3A_86 to %scan3A_88 step %scan3A_89  : i32 {
      %jit3A = arith.constant 7 : i32
      %div3A = arith.divsi %scan3A_136, %jit3A : i32
      %sign3A = arith.constant 0 : i32
      %sign3A_137 = arith.cmpi sgt, %scan3A_136, %sign3A : i32
      %sign3A_138 = arith.extui %sign3A_137 : i1 to i32
      %sign3A_139 = arith.constant 0 : i32
      %sign3A_140 = arith.cmpi slt, %scan3A_136, %sign3A_139 : i32
      %sign3A_141 = arith.extui %sign3A_140 : i1 to i32
      %sign3A_142 = arith.subi %sign3A_138, %sign3A_141 : i32
      %sign3A_143 = arith.constant 0 : i32
      %sign3A_144 = arith.cmpi sgt, %jit3A, %sign3A_143 : i32
      %sign3A_145 = arith.extui %sign3A_144 : i1 to i32
      %sign3A_146 = arith.constant 0 : i32
      %sign3A_147 = arith.cmpi slt, %jit3A, %sign3A_146 : i32
      %sign3A_148 = arith.extui %sign3A_147 : i1 to i32
      %sign3A_149 = arith.subi %sign3A_145, %sign3A_148 : i32
      %ne3A = arith.cmpi ne, %sign3A_142, %sign3A_149 : i32
      %rem3A = arith.remsi %scan3A_136, %jit3A : i32
      %ne3A_150 = arith.constant 0 : i32
      %ne3A_151 = arith.cmpi ne, %rem3A, %ne3A_150 : i32
      %and3A_152 = arith.andi %ne3A, %ne3A_151 : i1
      %sub3A_153 = arith.constant 1 : i32
      %sub3A_154 = arith.subi %div3A, %sub3A_153 : i32
      %select_n3A = arith.select %and3A_152, %sub3A_154, %div3A : i32
      %jit3A_155 = arith.constant 7 : i32
      %eq3A_156 = arith.constant 0 : i32
      %eq3A_157 = arith.cmpi eq, %jit3A_155, %eq3A_156 : i32
      %jit3A_158 = arith.constant 1 : i32
      %select_n3A_159 = arith.select %eq3A_157, %jit3A_158, %jit3A_155 : i32
      %rem3A_160 = arith.remsi %scan3A_136, %select_n3A_159 : i32
      %ne3A_161 = arith.constant 0 : i32
      %ne3A_162 = arith.cmpi ne, %rem3A_160, %ne3A_161 : i32
      %lt3A = arith.constant 0 : i32
      %lt3A_163 = arith.cmpi slt, %rem3A_160, %lt3A : i32
      %lt3A_164 = arith.constant 0 : i32
      %lt3A_165 = arith.cmpi slt, %select_n3A_159, %lt3A_164 : i32
      %ne3A_166 = arith.xori %lt3A_163, %lt3A_165 : i1
      %and3A_167 = arith.andi %ne3A_166, %ne3A_162 : i1
      %add3A_168 = arith.addi %rem3A_160, %select_n3A_159 : i32
      %select_n3A_169 = arith.select %and3A_167, %add3A_168, %rem3A_160 : i32
      %convert_element_type3A_170 = arith.sitofp %select_n3A : i32 to f32
      %convert_element_type3A_171 = arith.sitofp %select_n3A_169 : i32 to f32
      %add3A_172 = arith.constant 2.500000e-01 : f32
      %add3A_173 = arith.addf %convert_element_type3A_170, %add3A_172 : f32
      %mul3A_174 = arith.constant 5.000000e-01 : f32
      %mul3A_175 = vector.broadcast %mul3A_174 : f32 to vector<16xf32>
      %mul3A_176 = arith.mulf %mul3A_175, %convert_element_type3A : vector<16xf32>
      %add3A_177 = vector.broadcast %add3A_173 : f32 to vector<16xf32>
      %add3A_178 = arith.addf %add3A_177, %mul3A_176 : vector<16xf32>
      %mul3A_179 = arith.mulf %add3A_178, %mul3A_79 : vector<16xf32>
      %add3A_180 = arith.addf %mul3A_65, %mul3A_179 : vector<16xf32>
      %add3A_181 = arith.constant 2.500000e-01 : f32
      %add3A_182 = arith.addf %convert_element_type3A_171, %add3A_181 : f32
      %mul3A_183 = arith.constant 5.000000e-01 : f32
      %mul3A_184 = vector.broadcast %mul3A_183 : f32 to vector<16xf32>
      %mul3A_185 = arith.mulf %mul3A_184, %convert_element_type3A_11 : vector<16xf32>
      %add3A_186 = vector.broadcast %add3A_182 : f32 to vector<16xf32>
      %add3A_187 = arith.addf %add3A_186, %mul3A_185 : vector<16xf32>
      %mul3A_188 = arith.mulf %add3A_187, %mul3A_71 : vector<16xf32>
      %add3A_189 = arith.addf %mul3A_64, %mul3A_188 : vector<16xf32>
      %lt3A_190 = arith.cmpf olt, %add3A_180, %gather3A_63 : vector<16xf32>
      %lt3A_191 = arith.cmpf olt, %add3A_189, %gather3A_60 : vector<16xf32>
      %and3A_192 = arith.andi %lt3A_190, %lt3A_191 : vector<16xi1>
      %min3A = arith.minimumf %add3A_180, %sub3A_85 : vector<16xf32>
      %min3A_193 = arith.minimumf %add3A_189, %sub3A_82 : vector<16xf32>
      %convert_element_type3A_194 = arith.fptosi %min3A : vector<16xf32> to vector<16xi32>
      %convert_element_type3A_195 = arith.sitofp %convert_element_type3A_194 : vector<16xi32> to vector<16xf32>
      %convert_element_type3A_196 = arith.fptosi %min3A_193 : vector<16xf32> to vector<16xi32>
      %convert_element_type3A_197 = arith.sitofp %convert_element_type3A_196 : vector<16xi32> to vector<16xf32>
      %sub3A_198 = arith.subf %min3A, %convert_element_type3A_195 : vector<16xf32>
      %sub3A_199 = arith.subf %min3A_193, %convert_element_type3A_197 : vector<16xf32>
      %add3A_200 = arith.addf %convert_element_type3A_195, %convert_element_type3A_32 : vector<16xf32>
      %min3A_201 = arith.minimumf %add3A_200, %sub3A_85 : vector<16xf32>
      %add3A_202 = arith.addf %convert_element_type3A_197, %convert_element_type3A_36 : vector<16xf32>
      %min3A_203 = arith.minimumf %add3A_202, %sub3A_82 : vector<16xf32>
      %sub3A_204 = arith.constant 1.000000e+00 : f32
      %sub3A_205 = vector.broadcast %sub3A_204 : f32 to vector<16xf32>
      %sub3A_206 = arith.subf %sub3A_205, %sub3A_198 : vector<16xf32>
      %select_n3A_207 = arith.select %eq3A_19, %sub3A_198, %sub3A_206 : vector<16xi1>, vector<16xf32>
      %sub3A_208 = arith.constant 1.000000e+00 : f32
      %sub3A_209 = vector.broadcast %sub3A_208 : f32 to vector<16xf32>
      %sub3A_210 = arith.subf %sub3A_209, %sub3A_199 : vector<16xf32>
      %select_n3A_211 = arith.select %eq3A_25, %sub3A_199, %sub3A_210 : vector<16xi1>, vector<16xf32>
      %mul3A_212 = arith.mulf %select_n3A_207, %select_n3A_211 : vector<16xf32>
      %mul3A_213 = arith.constant 2.500000e-01 : f32
      %mul3A_214 = vector.broadcast %mul3A_213 : f32 to vector<16xf32>
      %mul3A_215 = arith.mulf %mul3A_212, %mul3A_214 : vector<16xf32>
      %jit3A_216 = arith.constant 0.000000e+00 : f32
      %broadcast_in_dim3A_217 = vector.broadcast %jit3A_216 : f32 to vector<16xf32>
      %select_n3A_218 = arith.select %and3A_192, %mul3A_215, %broadcast_in_dim3A_217 : vector<16xi1>, vector<16xf32>
      %mul3A_219 = arith.mulf %min3A_201, %gather3A_60 : vector<16xf32>
      %add3A_220 = arith.addf %gather3A_57, %mul3A_219 : vector<16xf32>
      %add3A_221 = arith.addf %add3A_220, %min3A_203 : vector<16xf32>
      %convert_element_type3A_222 = arith.fptosi %add3A_221 : vector<16xf32> to vector<16xi32>
      %add3A_223 = arith.constant 0 : i32
      %add3A_224 = arith.addi %add3A_223, %select_n3A : i32
      %mul3A_225 = arith.constant 16 : i32
      %mul3A_226 = arith.muli %select_n3A_169, %mul3A_225 : i32
      %swap3A = arith.index_cast %add3A_224 : i32 to index
      %swap3A_227 = arith.index_cast %mul3A_226 : i32 to index
      %swap3A_228 = tpu.vector_load %arg6[%swap3A, %swap3A_227] {strides = array<i32>} : memref<14x112xi32, #tpu.memory_space<vmem>>, vector<16xi32>,
      tpu.vector_store %arg6[%swap3A, %swap3A_227], %convert_element_type3A_222 {strides = array<i32>} : memref<14x112xi32, #tpu.memory_space<vmem>>, vector<16xi32>,
      %mul3A_229 = arith.constant 16 : i32
      %mul3A_230 = arith.muli %scan3A_136, %mul3A_229 : i32
      %add3A_231 = arith.constant 0 : i32
      %add3A_232 = arith.addi %add3A_231, %mul3A_230 : i32
      %swap3A_233 = arith.index_cast %add3A_232 : i32 to index
      %swap3A_234 = tpu.vector_load %arg7[%swap3A_233] {strides = array<i32>} : memref<1568xf32, #tpu.memory_space<vmem>>, vector<16xf32>,
      tpu.vector_store %arg7[%swap3A_233], %select_n3A_218 {strides = array<i32>} : memref<1568xf32, #tpu.memory_space<vmem>>, vector<16xf32>,
    }
    %scan3A_90 = arith.constant 49 : i32
    %dma_start3A = arith.constant 0 : i32
    %dma_start3A_91 = arith.constant 0 : i32
    %dma_start3A_92 = arith.constant 0 : i32
    %dma_start3A_93 = arith.constant 0 : i32
    %dma_start3A_94 = arith.constant 0 : i32
    %dma_start3A_95 = tpu.memref_slice %arg8[%dma_start3A_91, %dma_start3A_93, %dma_start3A_94] : memref<2x112x128xf32, #tpu.memory_space<vmem>> -> memref<1x112x128xf32, #tpu.memory_space<vmem>>
    %dma_start3A_96 = tpu.memref_squeeze %dma_start3A_95 : memref<1x112x128xf32, #tpu.memory_space<vmem>> -> memref<112x128xf32, #tpu.memory_space<vmem>>
    %dma_start3A_97 = arith.constant 0 : i32
    %dma_start3A_98 = tpu.memref_slice %arg6[%dma_start3A, %dma_start3A_97] : memref<14x112xi32, #tpu.memory_space<vmem>> -> memref<1x112xi32, #tpu.memory_space<vmem>>
    %dma_start3A_99 = tpu.memref_squeeze %dma_start3A_98 : memref<1x112xi32, #tpu.memory_space<vmem>> -> memref<112xi32, #tpu.memory_space<vmem>>
    %dma_start3A_100 = arith.constant 0 : i32
    %dma_start3A_101 = arith.constant 0 : i32
    %dma_start3A_102 = tpu.memref_slice %arg2[%dma_start3A_100, %dma_start3A_101] : memref<21760x128xf32, #tpu.memory_space<hbm>> -> memref<21760x128xf32, #tpu.memory_space<hbm>>
    %dma_start3A_103 = tpu.memref_slice %arg10[%dma_start3A_92] : memref<2x!tpu.dma_semaphore, #tpu.memory_space<semaphore_mem>> -> memref<1x!tpu.dma_semaphore, #tpu.memory_space<semaphore_mem>>
    %dma_start3A_104 = tpu.memref_squeeze %dma_start3A_103 : memref<1x!tpu.dma_semaphore, #tpu.memory_space<semaphore_mem>> -> memref<!tpu.dma_semaphore, #tpu.memory_space<semaphore_mem>>
    tpu.enqueue_indirect_dma source(%dma_start3A_102 : memref<21760x128xf32, #tpu.memory_space<hbm>>) target(%dma_start3A_96 : memref<112x128xf32, #tpu.memory_space<vmem>>) offsets(%dma_start3A_99 : memref<112xi32, #tpu.memory_space<vmem>>) semaphore(%dma_start3A_104 : memref<!tpu.dma_semaphore, #tpu.memory_space<semaphore_mem>>)
    %scan3A_105 = arith.constant 0 : i32
    %scan3A_106 = arith.constant 0 : i32
    %scan3A_107 = arith.constant 32 : i32
    %scan3A_108 = arith.addi %scan3A_106, %scan3A_107 : i32
    %scan3A_109 = arith.constant 1 : i32
    scf.for %scan3A_136 = %scan3A_106 to %scan3A_108 step %scan3A_109  : i32 {
      %mul3A_137 = arith.constant 32 : i32
      %mul3A_138 = arith.muli %scan3A_136, %mul3A_137 : i32
      %add3A_139 = arith.addi %mul3A_138, %add3A : i32
      %lt3A = arith.constant 1000 : i32
      %lt3A_140 = arith.cmpi slt, %add3A_139, %lt3A : i32
      %convert_element_type3A_141 = arith.extui %lt3A_140 : i1 to i32
      %cond3A = arith.constant 0 : i32
      %cond3A_142 = arith.cmpi ne, %convert_element_type3A_141, %cond3A : i32
      scf.if %cond3A_142 {
        %jit3A = arith.constant 2 : i32
        %eq3A_143 = arith.constant 0 : i32
        %eq3A_144 = arith.cmpi eq, %jit3A, %eq3A_143 : i32
        %jit3A_145 = arith.constant 1 : i32
        %select_n3A = arith.select %eq3A_144, %jit3A_145, %jit3A : i32
        %rem3A = arith.remsi %scan3A_136, %select_n3A : i32
        %ne3A = arith.constant 0 : i32
        %ne3A_146 = arith.cmpi ne, %rem3A, %ne3A : i32
        %lt3A_147 = arith.constant 0 : i32
        %lt3A_148 = arith.cmpi slt, %rem3A, %lt3A_147 : i32
        %lt3A_149 = arith.constant 0 : i32
        %lt3A_150 = arith.cmpi slt, %select_n3A, %lt3A_149 : i32
        %ne3A_151 = arith.xori %lt3A_148, %lt3A_150 : i1
        %and3A_152 = arith.andi %ne3A_151, %ne3A_146 : i1
        %add3A_153 = arith.addi %rem3A, %select_n3A : i32
        %select_n3A_154 = arith.select %and3A_152, %add3A_153, %rem3A : i32
        %mul3A_155 = arith.constant 12544 : i32
        %mul3A_156 = arith.muli %select_n3A_154, %mul3A_155 : i32
        %mul3A_157 = arith.constant 784 : i32
        %mul3A_158 = arith.muli %select_n3A_154, %mul3A_157 : i32
        %ge3A = arith.constant 2 : i32
        %ge3A_159 = arith.cmpi sge, %scan3A_136, %ge3A : i32
        %convert_element_type3A_160 = arith.extui %ge3A_159 : i1 to i32
        %cond3A_161 = arith.constant 0 : i32
        %cond3A_162 = arith.cmpi ne, %convert_element_type3A_160, %cond3A_161 : i32
        scf.if %cond3A_162 {
          %dma_wait3A_179 = tpu.memref_slice %arg9[%mul3A_156] : memref<25088xf32, #tpu.memory_space<vmem>> -> memref<12544xf32, #tpu.memory_space<vmem>>
          %dma_wait3A_180 = arith.constant 0 : i32
          %dma_wait3A_181 = tpu.memref_slice %arg4[%add3A_139, %dma_wait3A_180] : memref<1000x12544xf32, #tpu.memory_space<hbm>> -> memref<1x12544xf32, #tpu.memory_space<hbm>>
          %dma_wait3A_182 = tpu.memref_squeeze %dma_wait3A_181 : memref<1x12544xf32, #tpu.memory_space<hbm>> -> memref<12544xf32, #tpu.memory_space<hbm>>
          %dma_wait3A_183 = tpu.memref_slice %arg11[%select_n3A_154] : memref<2x!tpu.dma_semaphore, #tpu.memory_space<semaphore_mem>> -> memref<1x!tpu.dma_semaphore, #tpu.memory_space<semaphore_mem>>
          %dma_wait3A_184 = tpu.memref_squeeze %dma_wait3A_183 : memref<1x!tpu.dma_semaphore, #tpu.memory_space<semaphore_mem>> -> memref<!tpu.dma_semaphore, #tpu.memory_space<semaphore_mem>>
          %dma_wait3A_185 = arith.constant 0 : i32
          %dma_wait3A_186 = tpu.memref_slice %arg4[%add3A_139, %dma_wait3A_185] : memref<1000x12544xf32, #tpu.memory_space<hbm>> -> memref<1x12544xf32, #tpu.memory_space<hbm>>
          %dma_wait3A_187 = tpu.memref_squeeze %dma_wait3A_186 : memref<1x12544xf32, #tpu.memory_space<hbm>> -> memref<12544xf32, #tpu.memory_space<hbm>>
          %dma_wait3A_188 = tpu.memref_slice %arg9[%mul3A_156] : memref<25088xf32, #tpu.memory_space<vmem>> -> memref<12544xf32, #tpu.memory_space<vmem>>
          tpu.wait_dma2 semaphore(%dma_wait3A_184 : memref<!tpu.dma_semaphore, #tpu.memory_space<semaphore_mem>>) src(%dma_wait3A_188 : memref<12544xf32, #tpu.memory_space<vmem>>) dst(%dma_wait3A_187 : memref<12544xf32, #tpu.memory_space<hbm>>)
        } else {
        }
        %scan3A_163 = arith.constant 0 : i32
        %scan3A_164 = arith.constant 0 : i32
        %scan3A_165 = arith.constant 7 : i32
        %scan3A_166 = arith.addi %scan3A_164, %scan3A_165 : i32
        %scan3A_167 = arith.constant 1 : i32
        scf.for %scan3A_179 = %scan3A_164 to %scan3A_166 step %scan3A_167  : i32 {
          %add3A_180 = arith.addi %scan3A_136, %scan3A_179 : i32
          %jit3A_181 = arith.constant 2 : i32
          %eq3A_182 = arith.constant 0 : i32
          %eq3A_183 = arith.cmpi eq, %jit3A_181, %eq3A_182 : i32
          %jit3A_184 = arith.constant 1 : i32
          %select_n3A_185 = arith.select %eq3A_183, %jit3A_184, %jit3A_181 : i32
          %rem3A_186 = arith.remsi %add3A_180, %select_n3A_185 : i32
          %ne3A_187 = arith.constant 0 : i32
          %ne3A_188 = arith.cmpi ne, %rem3A_186, %ne3A_187 : i32
          %lt3A_189 = arith.constant 0 : i32
          %lt3A_190 = arith.cmpi slt, %rem3A_186, %lt3A_189 : i32
          %lt3A_191 = arith.constant 0 : i32
          %lt3A_192 = arith.cmpi slt, %select_n3A_185, %lt3A_191 : i32
          %ne3A_193 = arith.xori %lt3A_190, %lt3A_192 : i1
          %and3A_194 = arith.andi %ne3A_193, %ne3A_188 : i1
          %add3A_195 = arith.addi %rem3A_186, %select_n3A_185 : i32
          %select_n3A_196 = arith.select %and3A_194, %add3A_195, %rem3A_186 : i32
          %add3A_197 = arith.addi %scan3A_136, %scan3A_179 : i32
          %jit3A_198 = arith.constant 2 : i32
          %eq3A_199 = arith.constant 0 : i32
          %eq3A_200 = arith.cmpi eq, %jit3A_198, %eq3A_199 : i32
          %jit3A_201 = arith.constant 1 : i32
          %select_n3A_202 = arith.select %eq3A_200, %jit3A_201, %jit3A_198 : i32
          %rem3A_203 = arith.remsi %add3A_197, %select_n3A_202 : i32
          %ne3A_204 = arith.constant 0 : i32
          %ne3A_205 = arith.cmpi ne, %rem3A_203, %ne3A_204 : i32
          %lt3A_206 = arith.constant 0 : i32
          %lt3A_207 = arith.cmpi slt, %rem3A_203, %lt3A_206 : i32
          %lt3A_208 = arith.constant 0 : i32
          %lt3A_209 = arith.cmpi slt, %select_n3A_202, %lt3A_208 : i32
          %ne3A_210 = arith.xori %lt3A_207, %lt3A_209 : i1
          %and3A_211 = arith.andi %ne3A_210, %ne3A_205 : i1
          %add3A_212 = arith.addi %rem3A_203, %select_n3A_202 : i32
          %select_n3A_213 = arith.select %and3A_211, %add3A_212, %rem3A_203 : i32
          %jit3A_214 = arith.constant 2 : i32
          %eq3A_215 = arith.constant 0 : i32
          %eq3A_216 = arith.cmpi eq, %jit3A_214, %eq3A_215 : i32
          %jit3A_217 = arith.constant 1 : i32
          %select_n3A_218 = arith.select %eq3A_216, %jit3A_217, %jit3A_214 : i32
          %rem3A_219 = arith.remsi %scan3A_136, %select_n3A_218 : i32
          %ne3A_220 = arith.constant 0 : i32
          %ne3A_221 = arith.cmpi ne, %rem3A_219, %ne3A_220 : i32
          %lt3A_222 = arith.constant 0 : i32
          %lt3A_223 = arith.cmpi slt, %rem3A_219, %lt3A_222 : i32
          %lt3A_224 = arith.constant 0 : i32
          %lt3A_225 = arith.cmpi slt, %select_n3A_218, %lt3A_224 : i32
          %ne3A_226 = arith.xori %lt3A_223, %lt3A_225 : i1
          %and3A_227 = arith.andi %ne3A_226, %ne3A_221 : i1
          %add3A_228 = arith.addi %rem3A_219, %select_n3A_218 : i32
          %select_n3A_229 = arith.select %and3A_227, %add3A_228, %rem3A_219 : i32
          %mul3A_230 = arith.constant 7 : i32
          %mul3A_231 = arith.muli %select_n3A_229, %mul3A_230 : i32
          %add3A_232 = arith.addi %mul3A_231, %scan3A_179 : i32
          %dma_wait3A_233 = arith.constant 0 : i32
          %dma_wait3A_234 = arith.constant 0 : i32
          %dma_wait3A_235 = tpu.memref_slice %arg8[%select_n3A_213, %dma_wait3A_233, %dma_wait3A_234] : memref<2x112x128xf32, #tpu.memory_space<vmem>> -> memref<1x112x128xf32, #tpu.memory_space<vmem>>
          %dma_wait3A_236 = tpu.memref_squeeze %dma_wait3A_235 : memref<1x112x128xf32, #tpu.memory_space<vmem>> -> memref<112x128xf32, #tpu.memory_space<vmem>>
          %dma_wait3A_237 = arith.constant 0 : i32
          %dma_wait3A_238 = tpu.memref_slice %arg6[%add3A_232, %dma_wait3A_237] : memref<14x112xi32, #tpu.memory_space<vmem>> -> memref<1x112xi32, #tpu.memory_space<vmem>>
          %dma_wait3A_239 = tpu.memref_squeeze %dma_wait3A_238 : memref<1x112xi32, #tpu.memory_space<vmem>> -> memref<112xi32, #tpu.memory_space<vmem>>
          %dma_wait3A_240 = arith.constant 0 : i32
          %dma_wait3A_241 = arith.constant 0 : i32
          %dma_wait3A_242 = tpu.memref_slice %arg2[%dma_wait3A_240, %dma_wait3A_241] : memref<21760x128xf32, #tpu.memory_space<hbm>> -> memref<21760x128xf32, #tpu.memory_space<hbm>>
          %dma_wait3A_243 = tpu.memref_slice %arg10[%select_n3A_213] : memref<2x!tpu.dma_semaphore, #tpu.memory_space<semaphore_mem>> -> memref<1x!tpu.dma_semaphore, #tpu.memory_space<semaphore_mem>>
          %dma_wait3A_244 = tpu.memref_squeeze %dma_wait3A_243 : memref<1x!tpu.dma_semaphore, #tpu.memory_space<semaphore_mem>> -> memref<!tpu.dma_semaphore, #tpu.memory_space<semaphore_mem>>
          tpu.wait_indirect_dma semaphore(%dma_wait3A_244 : memref<!tpu.dma_semaphore, #tpu.memory_space<semaphore_mem>>) src(%dma_wait3A_242 : memref<21760x128xf32, #tpu.memory_space<hbm>>) dst(%dma_wait3A_236 : memref<112x128xf32, #tpu.memory_space<vmem>>)
          %lt3A_245 = arith.constant 6 : i32
          %lt3A_246 = arith.cmpi slt, %scan3A_179, %lt3A_245 : i32
          %convert_element_type3A_247 = arith.extui %lt3A_246 : i1 to i32
          %cond3A_248 = arith.constant 0 : i32
          %cond3A_249 = arith.cmpi ne, %convert_element_type3A_247, %cond3A_248 : i32
          scf.if %cond3A_249 {
            %add3A_261 = arith.constant 1 : i32
            %add3A_262 = arith.addi %scan3A_179, %add3A_261 : i32
            %add3A_263 = arith.addi %scan3A_136, %add3A_262 : i32
            %jit3A_264 = arith.constant 2 : i32
            %eq3A_265 = arith.constant 0 : i32
            %eq3A_266 = arith.cmpi eq, %jit3A_264, %eq3A_265 : i32
            %jit3A_267 = arith.constant 1 : i32
            %select_n3A_268 = arith.select %eq3A_266, %jit3A_267, %jit3A_264 : i32
            %rem3A_269 = arith.remsi %add3A_263, %select_n3A_268 : i32
            %ne3A_270 = arith.constant 0 : i32
            %ne3A_271 = arith.cmpi ne, %rem3A_269, %ne3A_270 : i32
            %lt3A_272 = arith.constant 0 : i32
            %lt3A_273 = arith.cmpi slt, %rem3A_269, %lt3A_272 : i32
            %lt3A_274 = arith.constant 0 : i32
            %lt3A_275 = arith.cmpi slt, %select_n3A_268, %lt3A_274 : i32
            %ne3A_276 = arith.xori %lt3A_273, %lt3A_275 : i1
            %and3A_277 = arith.andi %ne3A_276, %ne3A_271 : i1
            %add3A_278 = arith.addi %rem3A_269, %select_n3A_268 : i32
            %select_n3A_279 = arith.select %and3A_277, %add3A_278, %rem3A_269 : i32
            %jit3A_280 = arith.constant 2 : i32
            %eq3A_281 = arith.constant 0 : i32
            %eq3A_282 = arith.cmpi eq, %jit3A_280, %eq3A_281 : i32
            %jit3A_283 = arith.constant 1 : i32
            %select_n3A_284 = arith.select %eq3A_282, %jit3A_283, %jit3A_280 : i32
            %rem3A_285 = arith.remsi %scan3A_136, %select_n3A_284 : i32
            %ne3A_286 = arith.constant 0 : i32
            %ne3A_287 = arith.cmpi ne, %rem3A_285, %ne3A_286 : i32
            %lt3A_288 = arith.constant 0 : i32
            %lt3A_289 = arith.cmpi slt, %rem3A_285, %lt3A_288 : i32
            %lt3A_290 = arith.constant 0 : i32
            %lt3A_291 = arith.cmpi slt, %select_n3A_284, %lt3A_290 : i32
            %ne3A_292 = arith.xori %lt3A_289, %lt3A_291 : i1
            %and3A_293 = arith.andi %ne3A_292, %ne3A_287 : i1
            %add3A_294 = arith.addi %rem3A_285, %select_n3A_284 : i32
            %select_n3A_295 = arith.select %and3A_293, %add3A_294, %rem3A_285 : i32
            %mul3A_296 = arith.constant 7 : i32
            %mul3A_297 = arith.muli %select_n3A_295, %mul3A_296 : i32
            %add3A_298 = arith.addi %mul3A_297, %add3A_262 : i32
            %dma_start3A_299 = arith.constant 0 : i32
            %dma_start3A_300 = arith.constant 0 : i32
            %dma_start3A_301 = tpu.memref_slice %arg8[%select_n3A_279, %dma_start3A_299, %dma_start3A_300] : memref<2x112x128xf32, #tpu.memory_space<vmem>> -> memref<1x112x128xf32, #tpu.memory_space<vmem>>
            %dma_start3A_302 = tpu.memref_squeeze %dma_start3A_301 : memref<1x112x128xf32, #tpu.memory_space<vmem>> -> memref<112x128xf32, #tpu.memory_space<vmem>>
            %dma_start3A_303 = arith.constant 0 : i32
            %dma_start3A_304 = tpu.memref_slice %arg6[%add3A_298, %dma_start3A_303] : memref<14x112xi32, #tpu.memory_space<vmem>> -> memref<1x112xi32, #tpu.memory_space<vmem>>
            %dma_start3A_305 = tpu.memref_squeeze %dma_start3A_304 : memref<1x112xi32, #tpu.memory_space<vmem>> -> memref<112xi32, #tpu.memory_space<vmem>>
            %dma_start3A_306 = arith.constant 0 : i32
            %dma_start3A_307 = arith.constant 0 : i32
            %dma_start3A_308 = tpu.memref_slice %arg2[%dma_start3A_306, %dma_start3A_307] : memref<21760x128xf32, #tpu.memory_space<hbm>> -> memref<21760x128xf32, #tpu.memory_space<hbm>>
            %dma_start3A_309 = tpu.memref_slice %arg10[%select_n3A_279] : memref<2x!tpu.dma_semaphore, #tpu.memory_space<semaphore_mem>> -> memref<1x!tpu.dma_semaphore, #tpu.memory_space<semaphore_mem>>
            %dma_start3A_310 = tpu.memref_squeeze %dma_start3A_309 : memref<1x!tpu.dma_semaphore, #tpu.memory_space<semaphore_mem>> -> memref<!tpu.dma_semaphore, #tpu.memory_space<semaphore_mem>>
            tpu.enqueue_indirect_dma source(%dma_start3A_308 : memref<21760x128xf32, #tpu.memory_space<hbm>>) target(%dma_start3A_302 : memref<112x128xf32, #tpu.memory_space<vmem>>) offsets(%dma_start3A_305 : memref<112xi32, #tpu.memory_space<vmem>>) semaphore(%dma_start3A_310 : memref<!tpu.dma_semaphore, #tpu.memory_space<semaphore_mem>>)
          } else {
          }
          %eq3A_250 = arith.constant 6 : i32
          %eq3A_251 = arith.cmpi eq, %scan3A_179, %eq3A_250 : i32
          %convert_element_type3A_252 = arith.extui %eq3A_251 : i1 to i32
          %cond3A_253 = arith.constant 0 : i32
          %cond3A_254 = arith.cmpi ne, %convert_element_type3A_252, %cond3A_253 : i32
          scf.if %cond3A_254 {
            %add3A_261 = arith.constant 1 : i32
            %add3A_262 = arith.addi %scan3A_136, %add3A_261 : i32
            %mul3A_263 = arith.constant 32 : i32
            %mul3A_264 = arith.muli %add3A_262, %mul3A_263 : i32
            %add3A_265 = arith.addi %mul3A_264, %add3A : i32
            %lt3A_266 = arith.constant 1000 : i32
            %lt3A_267 = arith.cmpi slt, %add3A_265, %lt3A_266 : i32
            %convert_element_type3A_268 = arith.extui %lt3A_267 : i1 to i32
            %cond3A_269 = arith.constant 0 : i32
            %cond3A_270 = arith.cmpi ne, %convert_element_type3A_268, %cond3A_269 : i32
            scf.if %cond3A_270 {
              %add3A_271 = arith.constant 1 : i32
              %add3A_272 = arith.addi %scan3A_136, %add3A_271 : i32
              %mul3A_273 = arith.constant 32 : i32
              %mul3A_274 = arith.muli %add3A_272, %mul3A_273 : i32
              %add3A_275 = arith.addi %mul3A_274, %add3A : i32
              %jit3A_276 = arith.constant 2 : i32
              %eq3A_277 = arith.constant 0 : i32
              %eq3A_278 = arith.cmpi eq, %jit3A_276, %eq3A_277 : i32
              %jit3A_279 = arith.constant 1 : i32
              %select_n3A_280 = arith.select %eq3A_278, %jit3A_279, %jit3A_276 : i32
              %rem3A_281 = arith.remsi %add3A_272, %select_n3A_280 : i32
              %ne3A_282 = arith.constant 0 : i32
              %ne3A_283 = arith.cmpi ne, %rem3A_281, %ne3A_282 : i32
              %lt3A_284 = arith.constant 0 : i32
              %lt3A_285 = arith.cmpi slt, %rem3A_281, %lt3A_284 : i32
              %lt3A_286 = arith.constant 0 : i32
              %lt3A_287 = arith.cmpi slt, %select_n3A_280, %lt3A_286 : i32
              %ne3A_288 = arith.xori %lt3A_285, %lt3A_287 : i1
              %and3A_289 = arith.andi %ne3A_288, %ne3A_283 : i1
              %add3A_290 = arith.addi %rem3A_281, %select_n3A_280 : i32
              %select_n3A_291 = arith.select %and3A_289, %add3A_290, %rem3A_281 : i32
              "tpu.region"() ({
                %run_scoped3A = tpu.sem_alloc : memref<!tpu.dma_semaphore, #tpu.memory_space<semaphore_mem>>
                %dma_start3A_398 = arith.constant 0 : i32
                %dma_start3A_399 = tpu.memref_slice %arg3[%add3A_275, %dma_start3A_398] : memref<1000x16xf32, #tpu.memory_space<hbm>> -> memref<1x16xf32, #tpu.memory_space<hbm>>
                %dma_start3A_400 = tpu.memref_squeeze %dma_start3A_399 : memref<1x16xf32, #tpu.memory_space<hbm>> -> memref<16xf32, #tpu.memory_space<hbm>>
                %dma_start3A_401 = arith.constant 0 : i32
                %dma_start3A_402 = tpu.memref_slice %arg3[%add3A_275, %dma_start3A_401] : memref<1000x16xf32, #tpu.memory_space<hbm>> -> memref<1x16xf32, #tpu.memory_space<hbm>>
                %dma_start3A_403 = tpu.memref_squeeze %dma_start3A_402 : memref<1x16xf32, #tpu.memory_space<hbm>> -> memref<16xf32, #tpu.memory_space<hbm>>
                tpu.enqueue_dma source(%dma_start3A_403 : memref<16xf32, #tpu.memory_space<hbm>>) target(%arg5 : memref<16xf32, #tpu.memory_space<vmem>>) target_semaphore(%run_scoped3A : memref<!tpu.dma_semaphore, #tpu.memory_space<semaphore_mem>>)
                %dma_wait3A_404 = arith.constant 0 : i32
                %dma_wait3A_405 = tpu.memref_slice %arg3[%add3A_275, %dma_wait3A_404] : memref<1000x16xf32, #tpu.memory_space<hbm>> -> memref<1x16xf32, #tpu.memory_space<hbm>>
                %dma_wait3A_406 = tpu.memref_squeeze %dma_wait3A_405 : memref<1x16xf32, #tpu.memory_space<hbm>> -> memref<16xf32, #tpu.memory_space<hbm>>
                %dma_wait3A_407 = arith.constant 0 : i32
                %dma_wait3A_408 = tpu.memref_slice %arg3[%add3A_275, %dma_wait3A_407] : memref<1000x16xf32, #tpu.memory_space<hbm>> -> memref<1x16xf32, #tpu.memory_space<hbm>>
                %dma_wait3A_409 = tpu.memref_squeeze %dma_wait3A_408 : memref<1x16xf32, #tpu.memory_space<hbm>> -> memref<16xf32, #tpu.memory_space<hbm>>
                tpu.wait_dma2 semaphore(%run_scoped3A : memref<!tpu.dma_semaphore, #tpu.memory_space<semaphore_mem>>) src(%dma_wait3A_409 : memref<16xf32, #tpu.memory_space<hbm>>) dst(%arg5 : memref<16xf32, #tpu.memory_space<vmem>>)
                tpu.yield
              }) : () -> ()
              %broadcast_in_dim3A_292 = arith.constant 1 : i32
              %broadcast_in_dim3A_293 = vector.broadcast %broadcast_in_dim3A_292 : i32 to vector<16xi32>
              %gather3A_294 = tpu.vector_load_idx %arg5[%broadcast_in_dim3A_293] : memref<16xf32, #tpu.memory_space<vmem>>[vector<16xi32>], vector<16xf32>,
              %broadcast_in_dim3A_295 = arith.constant 2 : i32
              %broadcast_in_dim3A_296 = vector.broadcast %broadcast_in_dim3A_295 : i32 to vector<16xi32>
              %gather3A_297 = tpu.vector_load_idx %arg5[%broadcast_in_dim3A_296] : memref<16xf32, #tpu.memory_space<vmem>>[vector<16xi32>], vector<16xf32>,
              %broadcast_in_dim3A_298 = arith.constant 3 : i32
              %broadcast_in_dim3A_299 = vector.broadcast %broadcast_in_dim3A_298 : i32 to vector<16xi32>
              %gather3A_300 = tpu.vector_load_idx %arg5[%broadcast_in_dim3A_299] : memref<16xf32, #tpu.memory_space<vmem>>[vector<16xi32>], vector<16xf32>,
              %broadcast_in_dim3A_301 = arith.constant 4 : i32
              %broadcast_in_dim3A_302 = vector.broadcast %broadcast_in_dim3A_301 : i32 to vector<16xi32>
              %gather3A_303 = tpu.vector_load_idx %arg5[%broadcast_in_dim3A_302] : memref<16xf32, #tpu.memory_space<vmem>>[vector<16xi32>], vector<16xf32>,
              %broadcast_in_dim3A_304 = arith.constant 5 : i32
              %broadcast_in_dim3A_305 = vector.broadcast %broadcast_in_dim3A_304 : i32 to vector<16xi32>
              %gather3A_306 = tpu.vector_load_idx %arg5[%broadcast_in_dim3A_305] : memref<16xf32, #tpu.memory_space<vmem>>[vector<16xi32>], vector<16xf32>,
              %broadcast_in_dim3A_307 = arith.constant 6 : i32
              %broadcast_in_dim3A_308 = vector.broadcast %broadcast_in_dim3A_307 : i32 to vector<16xi32>
              %gather3A_309 = tpu.vector_load_idx %arg5[%broadcast_in_dim3A_308] : memref<16xf32, #tpu.memory_space<vmem>>[vector<16xi32>], vector<16xf32>,
              %broadcast_in_dim3A_310 = arith.constant 7 : i32
              %broadcast_in_dim3A_311 = vector.broadcast %broadcast_in_dim3A_310 : i32 to vector<16xi32>
              %gather3A_312 = tpu.vector_load_idx %arg5[%broadcast_in_dim3A_311] : memref<16xf32, #tpu.memory_space<vmem>>[vector<16xi32>], vector<16xf32>,
              %broadcast_in_dim3A_313 = arith.constant 8 : i32
              %broadcast_in_dim3A_314 = vector.broadcast %broadcast_in_dim3A_313 : i32 to vector<16xi32>
              %gather3A_315 = tpu.vector_load_idx %arg5[%broadcast_in_dim3A_314] : memref<16xf32, #tpu.memory_space<vmem>>[vector<16xi32>], vector<16xf32>,
              %mul3A_316 = arith.mulf %gather3A_294, %gather3A_306 : vector<16xf32>
              %mul3A_317 = arith.mulf %gather3A_297, %gather3A_306 : vector<16xf32>
              %sub3A_318 = arith.subf %gather3A_300, %gather3A_294 : vector<16xf32>
              %mul3A_319 = arith.mulf %sub3A_318, %gather3A_306 : vector<16xf32>
              %max3A_320 = arith.constant 1.000000e+00 : f32
              %max3A_321 = vector.broadcast %max3A_320 : f32 to vector<16xf32>
              %max3A_322 = arith.maximumf %mul3A_319, %max3A_321 : vector<16xf32>
              %mul3A_323 = arith.constant 0.142857149 : f32
              %mul3A_324 = vector.broadcast %mul3A_323 : f32 to vector<16xf32>
              %mul3A_325 = arith.mulf %max3A_322, %mul3A_324 : vector<16xf32>
              %sub3A_326 = arith.subf %gather3A_303, %gather3A_297 : vector<16xf32>
              %mul3A_327 = arith.mulf %sub3A_326, %gather3A_306 : vector<16xf32>
              %max3A_328 = arith.constant 1.000000e+00 : f32
              %max3A_329 = vector.broadcast %max3A_328 : f32 to vector<16xf32>
              %max3A_330 = arith.maximumf %mul3A_327, %max3A_329 : vector<16xf32>
              %mul3A_331 = arith.constant 0.142857149 : f32
              %mul3A_332 = vector.broadcast %mul3A_331 : f32 to vector<16xf32>
              %mul3A_333 = arith.mulf %max3A_330, %mul3A_332 : vector<16xf32>
              %sub3A_334 = arith.constant 1.000000e+00 : f32
              %sub3A_335 = vector.broadcast %sub3A_334 : f32 to vector<16xf32>
              %sub3A_336 = arith.subf %gather3A_312, %sub3A_335 : vector<16xf32>
              %sub3A_337 = arith.constant 1.000000e+00 : f32
              %sub3A_338 = vector.broadcast %sub3A_337 : f32 to vector<16xf32>
              %sub3A_339 = arith.subf %gather3A_315, %sub3A_338 : vector<16xf32>
              %scan3A_340 = arith.constant 0 : i32
              %scan3A_341 = arith.constant 0 : i32
              %scan3A_342 = arith.constant 49 : i32
              %scan3A_343 = arith.addi %scan3A_341, %scan3A_342 : i32
              %scan3A_344 = arith.constant 1 : i32
              scf.for %scan3A_398 = %scan3A_341 to %scan3A_343 step %scan3A_344  : i32 {
                %jit3A_399 = arith.constant 7 : i32
                %div3A = arith.divsi %scan3A_398, %jit3A_399 : i32
                %sign3A = arith.constant 0 : i32
                %sign3A_400 = arith.cmpi sgt, %scan3A_398, %sign3A : i32
                %sign3A_401 = arith.extui %sign3A_400 : i1 to i32
                %sign3A_402 = arith.constant 0 : i32
                %sign3A_403 = arith.cmpi slt, %scan3A_398, %sign3A_402 : i32
                %sign3A_404 = arith.extui %sign3A_403 : i1 to i32
                %sign3A_405 = arith.subi %sign3A_401, %sign3A_404 : i32
                %sign3A_406 = arith.constant 0 : i32
                %sign3A_407 = arith.cmpi sgt, %jit3A_399, %sign3A_406 : i32
                %sign3A_408 = arith.extui %sign3A_407 : i1 to i32
                %sign3A_409 = arith.constant 0 : i32
                %sign3A_410 = arith.cmpi slt, %jit3A_399, %sign3A_409 : i32
                %sign3A_411 = arith.extui %sign3A_410 : i1 to i32
                %sign3A_412 = arith.subi %sign3A_408, %sign3A_411 : i32
                %ne3A_413 = arith.cmpi ne, %sign3A_405, %sign3A_412 : i32
                %rem3A_414 = arith.remsi %scan3A_398, %jit3A_399 : i32
                %ne3A_415 = arith.constant 0 : i32
                %ne3A_416 = arith.cmpi ne, %rem3A_414, %ne3A_415 : i32
                %and3A_417 = arith.andi %ne3A_413, %ne3A_416 : i1
                %sub3A_418 = arith.constant 1 : i32
                %sub3A_419 = arith.subi %div3A, %sub3A_418 : i32
                %select_n3A_420 = arith.select %and3A_417, %sub3A_419, %div3A : i32
                %jit3A_421 = arith.constant 7 : i32
                %eq3A_422 = arith.constant 0 : i32
                %eq3A_423 = arith.cmpi eq, %jit3A_421, %eq3A_422 : i32
                %jit3A_424 = arith.constant 1 : i32
                %select_n3A_425 = arith.select %eq3A_423, %jit3A_424, %jit3A_421 : i32
                %rem3A_426 = arith.remsi %scan3A_398, %select_n3A_425 : i32
                %ne3A_427 = arith.constant 0 : i32
                %ne3A_428 = arith.cmpi ne, %rem3A_426, %ne3A_427 : i32
                %lt3A_429 = arith.constant 0 : i32
                %lt3A_430 = arith.cmpi slt, %rem3A_426, %lt3A_429 : i32
                %lt3A_431 = arith.constant 0 : i32
                %lt3A_432 = arith.cmpi slt, %select_n3A_425, %lt3A_431 : i32
                %ne3A_433 = arith.xori %lt3A_430, %lt3A_432 : i1
                %and3A_434 = arith.andi %ne3A_433, %ne3A_428 : i1
                %add3A_435 = arith.addi %rem3A_426, %select_n3A_425 : i32
                %select_n3A_436 = arith.select %and3A_434, %add3A_435, %rem3A_426 : i32
                %convert_element_type3A_437 = arith.sitofp %select_n3A_420 : i32 to f32
                %convert_element_type3A_438 = arith.sitofp %select_n3A_436 : i32 to f32
                %add3A_439 = arith.constant 2.500000e-01 : f32
                %add3A_440 = arith.addf %convert_element_type3A_437, %add3A_439 : f32
                %mul3A_441 = arith.constant 5.000000e-01 : f32
                %mul3A_442 = vector.broadcast %mul3A_441 : f32 to vector<16xf32>
                %mul3A_443 = arith.mulf %mul3A_442, %convert_element_type3A : vector<16xf32>
                %add3A_444 = vector.broadcast %add3A_440 : f32 to vector<16xf32>
                %add3A_445 = arith.addf %add3A_444, %mul3A_443 : vector<16xf32>
                %mul3A_446 = arith.mulf %add3A_445, %mul3A_333 : vector<16xf32>
                %add3A_447 = arith.addf %mul3A_317, %mul3A_446 : vector<16xf32>
                %add3A_448 = arith.constant 2.500000e-01 : f32
                %add3A_449 = arith.addf %convert_element_type3A_438, %add3A_448 : f32
                %mul3A_450 = arith.constant 5.000000e-01 : f32
                %mul3A_451 = vector.broadcast %mul3A_450 : f32 to vector<16xf32>
                %mul3A_452 = arith.mulf %mul3A_451, %convert_element_type3A_11 : vector<16xf32>
                %add3A_453 = vector.broadcast %add3A_449 : f32 to vector<16xf32>
                %add3A_454 = arith.addf %add3A_453, %mul3A_452 : vector<16xf32>
                %mul3A_455 = arith.mulf %add3A_454, %mul3A_325 : vector<16xf32>
                %add3A_456 = arith.addf %mul3A_316, %mul3A_455 : vector<16xf32>
                %lt3A_457 = arith.cmpf olt, %add3A_447, %gather3A_315 : vector<16xf32>
                %lt3A_458 = arith.cmpf olt, %add3A_456, %gather3A_312 : vector<16xf32>
                %and3A_459 = arith.andi %lt3A_457, %lt3A_458 : vector<16xi1>
                %min3A = arith.minimumf %add3A_447, %sub3A_339 : vector<16xf32>
                %min3A_460 = arith.minimumf %add3A_456, %sub3A_336 : vector<16xf32>
                %convert_element_type3A_461 = arith.fptosi %min3A : vector<16xf32> to vector<16xi32>
                %convert_element_type3A_462 = arith.sitofp %convert_element_type3A_461 : vector<16xi32> to vector<16xf32>
                %convert_element_type3A_463 = arith.fptosi %min3A_460 : vector<16xf32> to vector<16xi32>
                %convert_element_type3A_464 = arith.sitofp %convert_element_type3A_463 : vector<16xi32> to vector<16xf32>
                %sub3A_465 = arith.subf %min3A, %convert_element_type3A_462 : vector<16xf32>
                %sub3A_466 = arith.subf %min3A_460, %convert_element_type3A_464 : vector<16xf32>
                %add3A_467 = arith.addf %convert_element_type3A_462, %convert_element_type3A_32 : vector<16xf32>
                %min3A_468 = arith.minimumf %add3A_467, %sub3A_339 : vector<16xf32>
                %add3A_469 = arith.addf %convert_element_type3A_464, %convert_element_type3A_36 : vector<16xf32>
                %min3A_470 = arith.minimumf %add3A_469, %sub3A_336 : vector<16xf32>
                %sub3A_471 = arith.constant 1.000000e+00 : f32
                %sub3A_472 = vector.broadcast %sub3A_471 : f32 to vector<16xf32>
                %sub3A_473 = arith.subf %sub3A_472, %sub3A_465 : vector<16xf32>
                %select_n3A_474 = arith.select %eq3A_19, %sub3A_465, %sub3A_473 : vector<16xi1>, vector<16xf32>
                %sub3A_475 = arith.constant 1.000000e+00 : f32
                %sub3A_476 = vector.broadcast %sub3A_475 : f32 to vector<16xf32>
                %sub3A_477 = arith.subf %sub3A_476, %sub3A_466 : vector<16xf32>
                %select_n3A_478 = arith.select %eq3A_25, %sub3A_466, %sub3A_477 : vector<16xi1>, vector<16xf32>
                %mul3A_479 = arith.mulf %select_n3A_474, %select_n3A_478 : vector<16xf32>
                %mul3A_480 = arith.constant 2.500000e-01 : f32
                %mul3A_481 = vector.broadcast %mul3A_480 : f32 to vector<16xf32>
                %mul3A_482 = arith.mulf %mul3A_479, %mul3A_481 : vector<16xf32>
                %jit3A_483 = arith.constant 0.000000e+00 : f32
                %broadcast_in_dim3A_484 = vector.broadcast %jit3A_483 : f32 to vector<16xf32>
                %select_n3A_485 = arith.select %and3A_459, %mul3A_482, %broadcast_in_dim3A_484 : vector<16xi1>, vector<16xf32>
                %mul3A_486 = arith.mulf %min3A_468, %gather3A_312 : vector<16xf32>
                %add3A_487 = arith.addf %gather3A_309, %mul3A_486 : vector<16xf32>
                %add3A_488 = arith.addf %add3A_487, %min3A_470 : vector<16xf32>
                %convert_element_type3A_489 = arith.fptosi %add3A_488 : vector<16xf32> to vector<16xi32>
                %mul3A_490 = arith.constant 7 : i32
                %mul3A_491 = arith.muli %select_n3A_291, %mul3A_490 : i32
                %add3A_492 = arith.addi %mul3A_491, %select_n3A_420 : i32
                %mul3A_493 = arith.constant 16 : i32
                %mul3A_494 = arith.muli %select_n3A_436, %mul3A_493 : i32
                %swap3A = arith.index_cast %add3A_492 : i32 to index
                %swap3A_495 = arith.index_cast %mul3A_494 : i32 to index
                %swap3A_496 = tpu.vector_load %arg6[%swap3A, %swap3A_495] {strides = array<i32>} : memref<14x112xi32, #tpu.memory_space<vmem>>, vector<16xi32>,
                tpu.vector_store %arg6[%swap3A, %swap3A_495], %convert_element_type3A_489 {strides = array<i32>} : memref<14x112xi32, #tpu.memory_space<vmem>>, vector<16xi32>,
                %mul3A_497 = arith.constant 784 : i32
                %mul3A_498 = arith.muli %select_n3A_291, %mul3A_497 : i32
                %mul3A_499 = arith.constant 16 : i32
                %mul3A_500 = arith.muli %scan3A_398, %mul3A_499 : i32
                %add3A_501 = arith.addi %mul3A_498, %mul3A_500 : i32
                %swap3A_502 = arith.index_cast %add3A_501 : i32 to index
                %swap3A_503 = tpu.vector_load %arg7[%swap3A_502] {strides = array<i32>} : memref<1568xf32, #tpu.memory_space<vmem>>, vector<16xf32>,
                tpu.vector_store %arg7[%swap3A_502], %select_n3A_485 {strides = array<i32>} : memref<1568xf32, #tpu.memory_space<vmem>>, vector<16xf32>,
              }
              %scan3A_345 = arith.constant 49 : i32
              %add3A_346 = arith.constant 1 : i32
              %add3A_347 = arith.addi %scan3A_136, %add3A_346 : i32
              %add3A_348 = arith.constant 0 : i32
              %add3A_349 = arith.addi %add3A_347, %add3A_348 : i32
              %jit3A_350 = arith.constant 2 : i32
              %eq3A_351 = arith.constant 0 : i32
              %eq3A_352 = arith.cmpi eq, %jit3A_350, %eq3A_351 : i32
              %jit3A_353 = arith.constant 1 : i32
              %select_n3A_354 = arith.select %eq3A_352, %jit3A_353, %jit3A_350 : i32
              %rem3A_355 = arith.remsi %add3A_349, %select_n3A_354 : i32
              %ne3A_356 = arith.constant 0 : i32
              %ne3A_357 = arith.cmpi ne, %rem3A_355, %ne3A_356 : i32
              %lt3A_358 = arith.constant 0 : i32
              %lt3A_359 = arith.cmpi slt, %rem3A_355, %lt3A_358 : i32
              %lt3A_360 = arith.constant 0 : i32
              %lt3A_361 = arith.cmpi slt, %select_n3A_354, %lt3A_360 : i32
              %ne3A_362 = arith.xori %lt3A_359, %lt3A_361 : i1
              %and3A_363 = arith.andi %ne3A_362, %ne3A_357 : i1
              %add3A_364 = arith.addi %rem3A_355, %select_n3A_354 : i32
              %select_n3A_365 = arith.select %and3A_363, %add3A_364, %rem3A_355 : i32
              %jit3A_366 = arith.constant 2 : i32
              %eq3A_367 = arith.constant 0 : i32
              %eq3A_368 = arith.cmpi eq, %jit3A_366, %eq3A_367 : i32
              %jit3A_369 = arith.constant 1 : i32
              %select_n3A_370 = arith.select %eq3A_368, %jit3A_369, %jit3A_366 : i32
              %rem3A_371 = arith.remsi %add3A_347, %select_n3A_370 : i32
              %ne3A_372 = arith.constant 0 : i32
              %ne3A_373 = arith.cmpi ne, %rem3A_371, %ne3A_372 : i32
              %lt3A_374 = arith.constant 0 : i32
              %lt3A_375 = arith.cmpi slt, %rem3A_371, %lt3A_374 : i32
              %lt3A_376 = arith.constant 0 : i32
              %lt3A_377 = arith.cmpi slt, %select_n3A_370, %lt3A_376 : i32
              %ne3A_378 = arith.xori %lt3A_375, %lt3A_377 : i1
              %and3A_379 = arith.andi %ne3A_378, %ne3A_373 : i1
              %add3A_380 = arith.addi %rem3A_371, %select_n3A_370 : i32
              %select_n3A_381 = arith.select %and3A_379, %add3A_380, %rem3A_371 : i32
              %mul3A_382 = arith.constant 7 : i32
              %mul3A_383 = arith.muli %select_n3A_381, %mul3A_382 : i32
              %add3A_384 = arith.constant 0 : i32
              %add3A_385 = arith.addi %mul3A_383, %add3A_384 : i32
              %dma_start3A_386 = arith.constant 0 : i32
              %dma_start3A_387 = arith.constant 0 : i32
              %dma_start3A_388 = tpu.memref_slice %arg8[%select_n3A_365, %dma_start3A_386, %dma_start3A_387] : memref<2x112x128xf32, #tpu.memory_space<vmem>> -> memref<1x112x128xf32, #tpu.memory_space<vmem>>
              %dma_start3A_389 = tpu.memref_squeeze %dma_start3A_388 : memref<1x112x128xf32, #tpu.memory_space<vmem>> -> memref<112x128xf32, #tpu.memory_space<vmem>>
              %dma_start3A_390 = arith.constant 0 : i32
              %dma_start3A_391 = tpu.memref_slice %arg6[%add3A_385, %dma_start3A_390] : memref<14x112xi32, #tpu.memory_space<vmem>> -> memref<1x112xi32, #tpu.memory_space<vmem>>
              %dma_start3A_392 = tpu.memref_squeeze %dma_start3A_391 : memref<1x112xi32, #tpu.memory_space<vmem>> -> memref<112xi32, #tpu.memory_space<vmem>>
              %dma_start3A_393 = arith.constant 0 : i32
              %dma_start3A_394 = arith.constant 0 : i32
              %dma_start3A_395 = tpu.memref_slice %arg2[%dma_start3A_393, %dma_start3A_394] : memref<21760x128xf32, #tpu.memory_space<hbm>> -> memref<21760x128xf32, #tpu.memory_space<hbm>>
              %dma_start3A_396 = tpu.memref_slice %arg10[%select_n3A_365] : memref<2x!tpu.dma_semaphore, #tpu.memory_space<semaphore_mem>> -> memref<1x!tpu.dma_semaphore, #tpu.memory_space<semaphore_mem>>
              %dma_start3A_397 = tpu.memref_squeeze %dma_start3A_396 : memref<1x!tpu.dma_semaphore, #tpu.memory_space<semaphore_mem>> -> memref<!tpu.dma_semaphore, #tpu.memory_space<semaphore_mem>>
              tpu.enqueue_indirect_dma source(%dma_start3A_395 : memref<21760x128xf32, #tpu.memory_space<hbm>>) target(%dma_start3A_389 : memref<112x128xf32, #tpu.memory_space<vmem>>) offsets(%dma_start3A_392 : memref<112xi32, #tpu.memory_space<vmem>>) semaphore(%dma_start3A_397 : memref<!tpu.dma_semaphore, #tpu.memory_space<semaphore_mem>>)
            } else {
            }
          } else {
          }
          %scan3A_255 = arith.constant 0 : i32
          %scan3A_256 = arith.constant 0 : i32
          %scan3A_257 = arith.constant 7 : i32
          %scan3A_258 = arith.addi %scan3A_256, %scan3A_257 : i32
          %scan3A_259 = arith.constant 1 : i32
          scf.for %scan3A_261 = %scan3A_256 to %scan3A_258 step %scan3A_259  : i32 {
            %mul3A_262 = arith.constant 7 : i32
            %mul3A_263 = arith.muli %scan3A_179, %mul3A_262 : i32
            %add3A_264 = arith.addi %mul3A_263, %scan3A_261 : i32
            %mul3A_265 = arith.constant 16 : i32
            %mul3A_266 = arith.muli %scan3A_261, %mul3A_265 : i32
            %mul3A_267 = arith.constant 16 : i32
            %mul3A_268 = arith.muli %add3A_264, %mul3A_267 : i32
            %add3A_269 = arith.addi %mul3A_158, %mul3A_268 : i32
            %add3A_270 = arith.constant 0 : i32
            %add3A_271 = arith.addi %add3A_269, %add3A_270 : i32
            %broadcast_in_dim3A_272 = vector.broadcast %add3A_271 : i32 to vector<16xi32>
            %gather3A_273 = tpu.vector_load_idx %arg7[%broadcast_in_dim3A_272] : memref<1568xf32, #tpu.memory_space<vmem>>[vector<16xi32>], vector<16xf32>,
            %mul3A_274 = arith.constant 16 : i32
            %mul3A_275 = arith.muli %add3A_264, %mul3A_274 : i32
            %add3A_276 = arith.addi %mul3A_158, %mul3A_275 : i32
            %add3A_277 = arith.constant 1 : i32
            %add3A_278 = arith.addi %add3A_276, %add3A_277 : i32
            %broadcast_in_dim3A_279 = vector.broadcast %add3A_278 : i32 to vector<16xi32>
            %gather3A_280 = tpu.vector_load_idx %arg7[%broadcast_in_dim3A_279] : memref<1568xf32, #tpu.memory_space<vmem>>[vector<16xi32>], vector<16xf32>,
            %mul3A_281 = arith.constant 16 : i32
            %mul3A_282 = arith.muli %add3A_264, %mul3A_281 : i32
            %add3A_283 = arith.addi %mul3A_158, %mul3A_282 : i32
            %add3A_284 = arith.constant 2 : i32
            %add3A_285 = arith.addi %add3A_283, %add3A_284 : i32
            %broadcast_in_dim3A_286 = vector.broadcast %add3A_285 : i32 to vector<16xi32>
            %gather3A_287 = tpu.vector_load_idx %arg7[%broadcast_in_dim3A_286] : memref<1568xf32, #tpu.memory_space<vmem>>[vector<16xi32>], vector<16xf32>,
            %mul3A_288 = arith.constant 16 : i32
            %mul3A_289 = arith.muli %add3A_264, %mul3A_288 : i32
            %add3A_290 = arith.addi %mul3A_158, %mul3A_289 : i32
            %add3A_291 = arith.constant 3 : i32
            %add3A_292 = arith.addi %add3A_290, %add3A_291 : i32
            %broadcast_in_dim3A_293 = vector.broadcast %add3A_292 : i32 to vector<16xi32>
            %gather3A_294 = tpu.vector_load_idx %arg7[%broadcast_in_dim3A_293] : memref<1568xf32, #tpu.memory_space<vmem>>[vector<16xi32>], vector<16xf32>,
            %mul3A_295 = arith.constant 16 : i32
            %mul3A_296 = arith.muli %add3A_264, %mul3A_295 : i32
            %add3A_297 = arith.addi %mul3A_158, %mul3A_296 : i32
            %add3A_298 = arith.constant 4 : i32
            %add3A_299 = arith.addi %add3A_297, %add3A_298 : i32
            %broadcast_in_dim3A_300 = vector.broadcast %add3A_299 : i32 to vector<16xi32>
            %gather3A_301 = tpu.vector_load_idx %arg7[%broadcast_in_dim3A_300] : memref<1568xf32, #tpu.memory_space<vmem>>[vector<16xi32>], vector<16xf32>,
            %mul3A_302 = arith.constant 16 : i32
            %mul3A_303 = arith.muli %add3A_264, %mul3A_302 : i32
            %add3A_304 = arith.addi %mul3A_158, %mul3A_303 : i32
            %add3A_305 = arith.constant 5 : i32
            %add3A_306 = arith.addi %add3A_304, %add3A_305 : i32
            %broadcast_in_dim3A_307 = vector.broadcast %add3A_306 : i32 to vector<16xi32>
            %gather3A_308 = tpu.vector_load_idx %arg7[%broadcast_in_dim3A_307] : memref<1568xf32, #tpu.memory_space<vmem>>[vector<16xi32>], vector<16xf32>,
            %mul3A_309 = arith.constant 16 : i32
            %mul3A_310 = arith.muli %add3A_264, %mul3A_309 : i32
            %add3A_311 = arith.addi %mul3A_158, %mul3A_310 : i32
            %add3A_312 = arith.constant 6 : i32
            %add3A_313 = arith.addi %add3A_311, %add3A_312 : i32
            %broadcast_in_dim3A_314 = vector.broadcast %add3A_313 : i32 to vector<16xi32>
            %gather3A_315 = tpu.vector_load_idx %arg7[%broadcast_in_dim3A_314] : memref<1568xf32, #tpu.memory_space<vmem>>[vector<16xi32>], vector<16xf32>,
            %mul3A_316 = arith.constant 16 : i32
            %mul3A_317 = arith.muli %add3A_264, %mul3A_316 : i32
            %add3A_318 = arith.addi %mul3A_158, %mul3A_317 : i32
            %add3A_319 = arith.constant 7 : i32
            %add3A_320 = arith.addi %add3A_318, %add3A_319 : i32
            %broadcast_in_dim3A_321 = vector.broadcast %add3A_320 : i32 to vector<16xi32>
            %gather3A_322 = tpu.vector_load_idx %arg7[%broadcast_in_dim3A_321] : memref<1568xf32, #tpu.memory_space<vmem>>[vector<16xi32>], vector<16xf32>,
            %mul3A_323 = arith.constant 16 : i32
            %mul3A_324 = arith.muli %add3A_264, %mul3A_323 : i32
            %add3A_325 = arith.addi %mul3A_158, %mul3A_324 : i32
            %add3A_326 = arith.constant 8 : i32
            %add3A_327 = arith.addi %add3A_325, %add3A_326 : i32
            %broadcast_in_dim3A_328 = vector.broadcast %add3A_327 : i32 to vector<16xi32>
            %gather3A_329 = tpu.vector_load_idx %arg7[%broadcast_in_dim3A_328] : memref<1568xf32, #tpu.memory_space<vmem>>[vector<16xi32>], vector<16xf32>,
            %mul3A_330 = arith.constant 16 : i32
            %mul3A_331 = arith.muli %add3A_264, %mul3A_330 : i32
            %add3A_332 = arith.addi %mul3A_158, %mul3A_331 : i32
            %add3A_333 = arith.constant 9 : i32
            %add3A_334 = arith.addi %add3A_332, %add3A_333 : i32
            %broadcast_in_dim3A_335 = vector.broadcast %add3A_334 : i32 to vector<16xi32>
            %gather3A_336 = tpu.vector_load_idx %arg7[%broadcast_in_dim3A_335] : memref<1568xf32, #tpu.memory_space<vmem>>[vector<16xi32>], vector<16xf32>,
            %mul3A_337 = arith.constant 16 : i32
            %mul3A_338 = arith.muli %add3A_264, %mul3A_337 : i32
            %add3A_339 = arith.addi %mul3A_158, %mul3A_338 : i32
            %add3A_340 = arith.constant 10 : i32
            %add3A_341 = arith.addi %add3A_339, %add3A_340 : i32
            %broadcast_in_dim3A_342 = vector.broadcast %add3A_341 : i32 to vector<16xi32>
            %gather3A_343 = tpu.vector_load_idx %arg7[%broadcast_in_dim3A_342] : memref<1568xf32, #tpu.memory_space<vmem>>[vector<16xi32>], vector<16xf32>,
            %mul3A_344 = arith.constant 16 : i32
            %mul3A_345 = arith.muli %add3A_264, %mul3A_344 : i32
            %add3A_346 = arith.addi %mul3A_158, %mul3A_345 : i32
            %add3A_347 = arith.constant 11 : i32
            %add3A_348 = arith.addi %add3A_346, %add3A_347 : i32
            %broadcast_in_dim3A_349 = vector.broadcast %add3A_348 : i32 to vector<16xi32>
            %gather3A_350 = tpu.vector_load_idx %arg7[%broadcast_in_dim3A_349] : memref<1568xf32, #tpu.memory_space<vmem>>[vector<16xi32>], vector<16xf32>,
            %mul3A_351 = arith.constant 16 : i32
            %mul3A_352 = arith.muli %add3A_264, %mul3A_351 : i32
            %add3A_353 = arith.addi %mul3A_158, %mul3A_352 : i32
            %add3A_354 = arith.constant 12 : i32
            %add3A_355 = arith.addi %add3A_353, %add3A_354 : i32
            %broadcast_in_dim3A_356 = vector.broadcast %add3A_355 : i32 to vector<16xi32>
            %gather3A_357 = tpu.vector_load_idx %arg7[%broadcast_in_dim3A_356] : memref<1568xf32, #tpu.memory_space<vmem>>[vector<16xi32>], vector<16xf32>,
            %mul3A_358 = arith.constant 16 : i32
            %mul3A_359 = arith.muli %add3A_264, %mul3A_358 : i32
            %add3A_360 = arith.addi %mul3A_158, %mul3A_359 : i32
            %add3A_361 = arith.constant 13 : i32
            %add3A_362 = arith.addi %add3A_360, %add3A_361 : i32
            %broadcast_in_dim3A_363 = vector.broadcast %add3A_362 : i32 to vector<16xi32>
            %gather3A_364 = tpu.vector_load_idx %arg7[%broadcast_in_dim3A_363] : memref<1568xf32, #tpu.memory_space<vmem>>[vector<16xi32>], vector<16xf32>,
            %mul3A_365 = arith.constant 16 : i32
            %mul3A_366 = arith.muli %add3A_264, %mul3A_365 : i32
            %add3A_367 = arith.addi %mul3A_158, %mul3A_366 : i32
            %add3A_368 = arith.constant 14 : i32
            %add3A_369 = arith.addi %add3A_367, %add3A_368 : i32
            %broadcast_in_dim3A_370 = vector.broadcast %add3A_369 : i32 to vector<16xi32>
            %gather3A_371 = tpu.vector_load_idx %arg7[%broadcast_in_dim3A_370] : memref<1568xf32, #tpu.memory_space<vmem>>[vector<16xi32>], vector<16xf32>,
            %mul3A_372 = arith.constant 16 : i32
            %mul3A_373 = arith.muli %add3A_264, %mul3A_372 : i32
            %add3A_374 = arith.addi %mul3A_158, %mul3A_373 : i32
            %add3A_375 = arith.constant 15 : i32
            %add3A_376 = arith.addi %add3A_374, %add3A_375 : i32
            %broadcast_in_dim3A_377 = vector.broadcast %add3A_376 : i32 to vector<16xi32>
            %gather3A_378 = tpu.vector_load_idx %arg7[%broadcast_in_dim3A_377] : memref<1568xf32, #tpu.memory_space<vmem>>[vector<16xi32>], vector<16xf32>,
            %get3A = arith.index_cast %select_n3A_196 : i32 to index
            %get3A_379 = arith.index_cast %mul3A_266 : i32 to index
            %get3A_380 = arith.constant 0 : index
            %get3A_381 = tpu.vector_load %arg8[%get3A, %get3A_379, %get3A_380] {strides = array<i32>} : memref<2x112x128xf32, #tpu.memory_space<vmem>>, vector<16xf32>,
            %bitcast3A = vector.bitcast %get3A_381 : vector<16xf32> to vector<32xbf16>
            %unpack3A = tpu.unpack_subelements %bitcast3A, 0 {pack_format = #tpu.pack_format<interleaved>} : vector<32xbf16> -> vector<16xf32>
            %unpack3A_382 = tpu.unpack_subelements %bitcast3A, 1 {pack_format = #tpu.pack_format<interleaved>} : vector<32xbf16> -> vector<16xf32>
            %mul3A_383 = arith.mulf %gather3A_273, %unpack3A : vector<16xf32>
            %mul3A_384 = arith.mulf %gather3A_273, %unpack3A_382 : vector<16xf32>
            %add3A_385 = arith.constant 1 : i32
            %add3A_386 = arith.addi %mul3A_266, %add3A_385 : i32
            %get3A_387 = arith.index_cast %select_n3A_196 : i32 to index
            %get3A_388 = arith.index_cast %add3A_386 : i32 to index
            %get3A_389 = arith.constant 0 : index
            %get3A_390 = tpu.vector_load %arg8[%get3A_387, %get3A_388, %get3A_389] {strides = array<i32>} : memref<2x112x128xf32, #tpu.memory_space<vmem>>, vector<16xf32>,
            %bitcast3A_391 = vector.bitcast %get3A_390 : vector<16xf32> to vector<32xbf16>
            %unpack3A_392 = tpu.unpack_subelements %bitcast3A_391, 0 {pack_format = #tpu.pack_format<interleaved>} : vector<32xbf16> -> vector<16xf32>
            %unpack3A_393 = tpu.unpack_subelements %bitcast3A_391, 1 {pack_format = #tpu.pack_format<interleaved>} : vector<32xbf16> -> vector<16xf32>
            %mul3A_394 = arith.mulf %gather3A_280, %unpack3A_392 : vector<16xf32>
            %add3A_395 = arith.addf %mul3A_383, %mul3A_394 : vector<16xf32>
            %mul3A_396 = arith.mulf %gather3A_280, %unpack3A_393 : vector<16xf32>
            %add3A_397 = arith.addf %mul3A_384, %mul3A_396 : vector<16xf32>
            %add3A_398 = arith.constant 2 : i32
            %add3A_399 = arith.addi %mul3A_266, %add3A_398 : i32
            %get3A_400 = arith.index_cast %select_n3A_196 : i32 to index
            %get3A_401 = arith.index_cast %add3A_399 : i32 to index
            %get3A_402 = arith.constant 0 : index
            %get3A_403 = tpu.vector_load %arg8[%get3A_400, %get3A_401, %get3A_402] {strides = array<i32>} : memref<2x112x128xf32, #tpu.memory_space<vmem>>, vector<16xf32>,
            %bitcast3A_404 = vector.bitcast %get3A_403 : vector<16xf32> to vector<32xbf16>
            %unpack3A_405 = tpu.unpack_subelements %bitcast3A_404, 0 {pack_format = #tpu.pack_format<interleaved>} : vector<32xbf16> -> vector<16xf32>
            %unpack3A_406 = tpu.unpack_subelements %bitcast3A_404, 1 {pack_format = #tpu.pack_format<interleaved>} : vector<32xbf16> -> vector<16xf32>
            %mul3A_407 = arith.mulf %gather3A_287, %unpack3A_405 : vector<16xf32>
            %add3A_408 = arith.addf %add3A_395, %mul3A_407 : vector<16xf32>
            %mul3A_409 = arith.mulf %gather3A_287, %unpack3A_406 : vector<16xf32>
            %add3A_410 = arith.addf %add3A_397, %mul3A_409 : vector<16xf32>
            %add3A_411 = arith.constant 3 : i32
            %add3A_412 = arith.addi %mul3A_266, %add3A_411 : i32
            %get3A_413 = arith.index_cast %select_n3A_196 : i32 to index
            %get3A_414 = arith.index_cast %add3A_412 : i32 to index
            %get3A_415 = arith.constant 0 : index
            %get3A_416 = tpu.vector_load %arg8[%get3A_413, %get3A_414, %get3A_415] {strides = array<i32>} : memref<2x112x128xf32, #tpu.memory_space<vmem>>, vector<16xf32>,
            %bitcast3A_417 = vector.bitcast %get3A_416 : vector<16xf32> to vector<32xbf16>
            %unpack3A_418 = tpu.unpack_subelements %bitcast3A_417, 0 {pack_format = #tpu.pack_format<interleaved>} : vector<32xbf16> -> vector<16xf32>
            %unpack3A_419 = tpu.unpack_subelements %bitcast3A_417, 1 {pack_format = #tpu.pack_format<interleaved>} : vector<32xbf16> -> vector<16xf32>
            %mul3A_420 = arith.mulf %gather3A_294, %unpack3A_418 : vector<16xf32>
            %add3A_421 = arith.addf %add3A_408, %mul3A_420 : vector<16xf32>
            %mul3A_422 = arith.mulf %gather3A_294, %unpack3A_419 : vector<16xf32>
            %add3A_423 = arith.addf %add3A_410, %mul3A_422 : vector<16xf32>
            %add3A_424 = arith.constant 4 : i32
            %add3A_425 = arith.addi %mul3A_266, %add3A_424 : i32
            %get3A_426 = arith.index_cast %select_n3A_196 : i32 to index
            %get3A_427 = arith.index_cast %add3A_425 : i32 to index
            %get3A_428 = arith.constant 0 : index
            %get3A_429 = tpu.vector_load %arg8[%get3A_426, %get3A_427, %get3A_428] {strides = array<i32>} : memref<2x112x128xf32, #tpu.memory_space<vmem>>, vector<16xf32>,
            %bitcast3A_430 = vector.bitcast %get3A_429 : vector<16xf32> to vector<32xbf16>
            %unpack3A_431 = tpu.unpack_subelements %bitcast3A_430, 0 {pack_format = #tpu.pack_format<interleaved>} : vector<32xbf16> -> vector<16xf32>
            %unpack3A_432 = tpu.unpack_subelements %bitcast3A_430, 1 {pack_format = #tpu.pack_format<interleaved>} : vector<32xbf16> -> vector<16xf32>
            %mul3A_433 = arith.mulf %gather3A_301, %unpack3A_431 : vector<16xf32>
            %add3A_434 = arith.addf %add3A_421, %mul3A_433 : vector<16xf32>
            %mul3A_435 = arith.mulf %gather3A_301, %unpack3A_432 : vector<16xf32>
            %add3A_436 = arith.addf %add3A_423, %mul3A_435 : vector<16xf32>
            %add3A_437 = arith.constant 5 : i32
            %add3A_438 = arith.addi %mul3A_266, %add3A_437 : i32
            %get3A_439 = arith.index_cast %select_n3A_196 : i32 to index
            %get3A_440 = arith.index_cast %add3A_438 : i32 to index
            %get3A_441 = arith.constant 0 : index
            %get3A_442 = tpu.vector_load %arg8[%get3A_439, %get3A_440, %get3A_441] {strides = array<i32>} : memref<2x112x128xf32, #tpu.memory_space<vmem>>, vector<16xf32>,
            %bitcast3A_443 = vector.bitcast %get3A_442 : vector<16xf32> to vector<32xbf16>
            %unpack3A_444 = tpu.unpack_subelements %bitcast3A_443, 0 {pack_format = #tpu.pack_format<interleaved>} : vector<32xbf16> -> vector<16xf32>
            %unpack3A_445 = tpu.unpack_subelements %bitcast3A_443, 1 {pack_format = #tpu.pack_format<interleaved>} : vector<32xbf16> -> vector<16xf32>
            %mul3A_446 = arith.mulf %gather3A_308, %unpack3A_444 : vector<16xf32>
            %add3A_447 = arith.addf %add3A_434, %mul3A_446 : vector<16xf32>
            %mul3A_448 = arith.mulf %gather3A_308, %unpack3A_445 : vector<16xf32>
            %add3A_449 = arith.addf %add3A_436, %mul3A_448 : vector<16xf32>
            %add3A_450 = arith.constant 6 : i32
            %add3A_451 = arith.addi %mul3A_266, %add3A_450 : i32
            %get3A_452 = arith.index_cast %select_n3A_196 : i32 to index
            %get3A_453 = arith.index_cast %add3A_451 : i32 to index
            %get3A_454 = arith.constant 0 : index
            %get3A_455 = tpu.vector_load %arg8[%get3A_452, %get3A_453, %get3A_454] {strides = array<i32>} : memref<2x112x128xf32, #tpu.memory_space<vmem>>, vector<16xf32>,
            %bitcast3A_456 = vector.bitcast %get3A_455 : vector<16xf32> to vector<32xbf16>
            %unpack3A_457 = tpu.unpack_subelements %bitcast3A_456, 0 {pack_format = #tpu.pack_format<interleaved>} : vector<32xbf16> -> vector<16xf32>
            %unpack3A_458 = tpu.unpack_subelements %bitcast3A_456, 1 {pack_format = #tpu.pack_format<interleaved>} : vector<32xbf16> -> vector<16xf32>
            %mul3A_459 = arith.mulf %gather3A_315, %unpack3A_457 : vector<16xf32>
            %add3A_460 = arith.addf %add3A_447, %mul3A_459 : vector<16xf32>
            %mul3A_461 = arith.mulf %gather3A_315, %unpack3A_458 : vector<16xf32>
            %add3A_462 = arith.addf %add3A_449, %mul3A_461 : vector<16xf32>
            %add3A_463 = arith.constant 7 : i32
            %add3A_464 = arith.addi %mul3A_266, %add3A_463 : i32
            %get3A_465 = arith.index_cast %select_n3A_196 : i32 to index
            %get3A_466 = arith.index_cast %add3A_464 : i32 to index
            %get3A_467 = arith.constant 0 : index
            %get3A_468 = tpu.vector_load %arg8[%get3A_465, %get3A_466, %get3A_467] {strides = array<i32>} : memref<2x112x128xf32, #tpu.memory_space<vmem>>, vector<16xf32>,
            %bitcast3A_469 = vector.bitcast %get3A_468 : vector<16xf32> to vector<32xbf16>
            %unpack3A_470 = tpu.unpack_subelements %bitcast3A_469, 0 {pack_format = #tpu.pack_format<interleaved>} : vector<32xbf16> -> vector<16xf32>
            %unpack3A_471 = tpu.unpack_subelements %bitcast3A_469, 1 {pack_format = #tpu.pack_format<interleaved>} : vector<32xbf16> -> vector<16xf32>
            %mul3A_472 = arith.mulf %gather3A_322, %unpack3A_470 : vector<16xf32>
            %add3A_473 = arith.addf %add3A_460, %mul3A_472 : vector<16xf32>
            %mul3A_474 = arith.mulf %gather3A_322, %unpack3A_471 : vector<16xf32>
            %add3A_475 = arith.addf %add3A_462, %mul3A_474 : vector<16xf32>
            %add3A_476 = arith.constant 8 : i32
            %add3A_477 = arith.addi %mul3A_266, %add3A_476 : i32
            %get3A_478 = arith.index_cast %select_n3A_196 : i32 to index
            %get3A_479 = arith.index_cast %add3A_477 : i32 to index
            %get3A_480 = arith.constant 0 : index
            %get3A_481 = tpu.vector_load %arg8[%get3A_478, %get3A_479, %get3A_480] {strides = array<i32>} : memref<2x112x128xf32, #tpu.memory_space<vmem>>, vector<16xf32>,
            %bitcast3A_482 = vector.bitcast %get3A_481 : vector<16xf32> to vector<32xbf16>
            %unpack3A_483 = tpu.unpack_subelements %bitcast3A_482, 0 {pack_format = #tpu.pack_format<interleaved>} : vector<32xbf16> -> vector<16xf32>
            %unpack3A_484 = tpu.unpack_subelements %bitcast3A_482, 1 {pack_format = #tpu.pack_format<interleaved>} : vector<32xbf16> -> vector<16xf32>
            %mul3A_485 = arith.mulf %gather3A_329, %unpack3A_483 : vector<16xf32>
            %add3A_486 = arith.addf %add3A_473, %mul3A_485 : vector<16xf32>
            %mul3A_487 = arith.mulf %gather3A_329, %unpack3A_484 : vector<16xf32>
            %add3A_488 = arith.addf %add3A_475, %mul3A_487 : vector<16xf32>
            %add3A_489 = arith.constant 9 : i32
            %add3A_490 = arith.addi %mul3A_266, %add3A_489 : i32
            %get3A_491 = arith.index_cast %select_n3A_196 : i32 to index
            %get3A_492 = arith.index_cast %add3A_490 : i32 to index
            %get3A_493 = arith.constant 0 : index
            %get3A_494 = tpu.vector_load %arg8[%get3A_491, %get3A_492, %get3A_493] {strides = array<i32>} : memref<2x112x128xf32, #tpu.memory_space<vmem>>, vector<16xf32>,
            %bitcast3A_495 = vector.bitcast %get3A_494 : vector<16xf32> to vector<32xbf16>
            %unpack3A_496 = tpu.unpack_subelements %bitcast3A_495, 0 {pack_format = #tpu.pack_format<interleaved>} : vector<32xbf16> -> vector<16xf32>
            %unpack3A_497 = tpu.unpack_subelements %bitcast3A_495, 1 {pack_format = #tpu.pack_format<interleaved>} : vector<32xbf16> -> vector<16xf32>
            %mul3A_498 = arith.mulf %gather3A_336, %unpack3A_496 : vector<16xf32>
            %add3A_499 = arith.addf %add3A_486, %mul3A_498 : vector<16xf32>
            %mul3A_500 = arith.mulf %gather3A_336, %unpack3A_497 : vector<16xf32>
            %add3A_501 = arith.addf %add3A_488, %mul3A_500 : vector<16xf32>
            %add3A_502 = arith.constant 10 : i32
            %add3A_503 = arith.addi %mul3A_266, %add3A_502 : i32
            %get3A_504 = arith.index_cast %select_n3A_196 : i32 to index
            %get3A_505 = arith.index_cast %add3A_503 : i32 to index
            %get3A_506 = arith.constant 0 : index
            %get3A_507 = tpu.vector_load %arg8[%get3A_504, %get3A_505, %get3A_506] {strides = array<i32>} : memref<2x112x128xf32, #tpu.memory_space<vmem>>, vector<16xf32>,
            %bitcast3A_508 = vector.bitcast %get3A_507 : vector<16xf32> to vector<32xbf16>
            %unpack3A_509 = tpu.unpack_subelements %bitcast3A_508, 0 {pack_format = #tpu.pack_format<interleaved>} : vector<32xbf16> -> vector<16xf32>
            %unpack3A_510 = tpu.unpack_subelements %bitcast3A_508, 1 {pack_format = #tpu.pack_format<interleaved>} : vector<32xbf16> -> vector<16xf32>
            %mul3A_511 = arith.mulf %gather3A_343, %unpack3A_509 : vector<16xf32>
            %add3A_512 = arith.addf %add3A_499, %mul3A_511 : vector<16xf32>
            %mul3A_513 = arith.mulf %gather3A_343, %unpack3A_510 : vector<16xf32>
            %add3A_514 = arith.addf %add3A_501, %mul3A_513 : vector<16xf32>
            %add3A_515 = arith.constant 11 : i32
            %add3A_516 = arith.addi %mul3A_266, %add3A_515 : i32
            %get3A_517 = arith.index_cast %select_n3A_196 : i32 to index
            %get3A_518 = arith.index_cast %add3A_516 : i32 to index
            %get3A_519 = arith.constant 0 : index
            %get3A_520 = tpu.vector_load %arg8[%get3A_517, %get3A_518, %get3A_519] {strides = array<i32>} : memref<2x112x128xf32, #tpu.memory_space<vmem>>, vector<16xf32>,
            %bitcast3A_521 = vector.bitcast %get3A_520 : vector<16xf32> to vector<32xbf16>
            %unpack3A_522 = tpu.unpack_subelements %bitcast3A_521, 0 {pack_format = #tpu.pack_format<interleaved>} : vector<32xbf16> -> vector<16xf32>
            %unpack3A_523 = tpu.unpack_subelements %bitcast3A_521, 1 {pack_format = #tpu.pack_format<interleaved>} : vector<32xbf16> -> vector<16xf32>
            %mul3A_524 = arith.mulf %gather3A_350, %unpack3A_522 : vector<16xf32>
            %add3A_525 = arith.addf %add3A_512, %mul3A_524 : vector<16xf32>
            %mul3A_526 = arith.mulf %gather3A_350, %unpack3A_523 : vector<16xf32>
            %add3A_527 = arith.addf %add3A_514, %mul3A_526 : vector<16xf32>
            %add3A_528 = arith.constant 12 : i32
            %add3A_529 = arith.addi %mul3A_266, %add3A_528 : i32
            %get3A_530 = arith.index_cast %select_n3A_196 : i32 to index
            %get3A_531 = arith.index_cast %add3A_529 : i32 to index
            %get3A_532 = arith.constant 0 : index
            %get3A_533 = tpu.vector_load %arg8[%get3A_530, %get3A_531, %get3A_532] {strides = array<i32>} : memref<2x112x128xf32, #tpu.memory_space<vmem>>, vector<16xf32>,
            %bitcast3A_534 = vector.bitcast %get3A_533 : vector<16xf32> to vector<32xbf16>
            %unpack3A_535 = tpu.unpack_subelements %bitcast3A_534, 0 {pack_format = #tpu.pack_format<interleaved>} : vector<32xbf16> -> vector<16xf32>
            %unpack3A_536 = tpu.unpack_subelements %bitcast3A_534, 1 {pack_format = #tpu.pack_format<interleaved>} : vector<32xbf16> -> vector<16xf32>
            %mul3A_537 = arith.mulf %gather3A_357, %unpack3A_535 : vector<16xf32>
            %add3A_538 = arith.addf %add3A_525, %mul3A_537 : vector<16xf32>
            %mul3A_539 = arith.mulf %gather3A_357, %unpack3A_536 : vector<16xf32>
            %add3A_540 = arith.addf %add3A_527, %mul3A_539 : vector<16xf32>
            %add3A_541 = arith.constant 13 : i32
            %add3A_542 = arith.addi %mul3A_266, %add3A_541 : i32
            %get3A_543 = arith.index_cast %select_n3A_196 : i32 to index
            %get3A_544 = arith.index_cast %add3A_542 : i32 to index
            %get3A_545 = arith.constant 0 : index
            %get3A_546 = tpu.vector_load %arg8[%get3A_543, %get3A_544, %get3A_545] {strides = array<i32>} : memref<2x112x128xf32, #tpu.memory_space<vmem>>, vector<16xf32>,
            %bitcast3A_547 = vector.bitcast %get3A_546 : vector<16xf32> to vector<32xbf16>
            %unpack3A_548 = tpu.unpack_subelements %bitcast3A_547, 0 {pack_format = #tpu.pack_format<interleaved>} : vector<32xbf16> -> vector<16xf32>
            %unpack3A_549 = tpu.unpack_subelements %bitcast3A_547, 1 {pack_format = #tpu.pack_format<interleaved>} : vector<32xbf16> -> vector<16xf32>
            %mul3A_550 = arith.mulf %gather3A_364, %unpack3A_548 : vector<16xf32>
            %add3A_551 = arith.addf %add3A_538, %mul3A_550 : vector<16xf32>
            %mul3A_552 = arith.mulf %gather3A_364, %unpack3A_549 : vector<16xf32>
            %add3A_553 = arith.addf %add3A_540, %mul3A_552 : vector<16xf32>
            %add3A_554 = arith.constant 14 : i32
            %add3A_555 = arith.addi %mul3A_266, %add3A_554 : i32
            %get3A_556 = arith.index_cast %select_n3A_196 : i32 to index
            %get3A_557 = arith.index_cast %add3A_555 : i32 to index
            %get3A_558 = arith.constant 0 : index
            %get3A_559 = tpu.vector_load %arg8[%get3A_556, %get3A_557, %get3A_558] {strides = array<i32>} : memref<2x112x128xf32, #tpu.memory_space<vmem>>, vector<16xf32>,
            %bitcast3A_560 = vector.bitcast %get3A_559 : vector<16xf32> to vector<32xbf16>
            %unpack3A_561 = tpu.unpack_subelements %bitcast3A_560, 0 {pack_format = #tpu.pack_format<interleaved>} : vector<32xbf16> -> vector<16xf32>
            %unpack3A_562 = tpu.unpack_subelements %bitcast3A_560, 1 {pack_format = #tpu.pack_format<interleaved>} : vector<32xbf16> -> vector<16xf32>
            %mul3A_563 = arith.mulf %gather3A_371, %unpack3A_561 : vector<16xf32>
            %add3A_564 = arith.addf %add3A_551, %mul3A_563 : vector<16xf32>
            %mul3A_565 = arith.mulf %gather3A_371, %unpack3A_562 : vector<16xf32>
            %add3A_566 = arith.addf %add3A_553, %mul3A_565 : vector<16xf32>
            %add3A_567 = arith.constant 15 : i32
            %add3A_568 = arith.addi %mul3A_266, %add3A_567 : i32
            %get3A_569 = arith.index_cast %select_n3A_196 : i32 to index
            %get3A_570 = arith.index_cast %add3A_568 : i32 to index
            %get3A_571 = arith.constant 0 : index
            %get3A_572 = tpu.vector_load %arg8[%get3A_569, %get3A_570, %get3A_571] {strides = array<i32>} : memref<2x112x128xf32, #tpu.memory_space<vmem>>, vector<16xf32>,
            %bitcast3A_573 = vector.bitcast %get3A_572 : vector<16xf32> to vector<32xbf16>
            %unpack3A_574 = tpu.unpack_subelements %bitcast3A_573, 0 {pack_format = #tpu.pack_format<interleaved>} : vector<32xbf16> -> vector<16xf32>
            %unpack3A_575 = tpu.unpack_subelements %bitcast3A_573, 1 {pack_format = #tpu.pack_format<interleaved>} : vector<32xbf16> -> vector<16xf32>
            %mul3A_576 = arith.mulf %gather3A_378, %unpack3A_574 : vector<16xf32>
            %add3A_577 = arith.addf %add3A_564, %mul3A_576 : vector<16xf32>
            %mul3A_578 = arith.mulf %gather3A_378, %unpack3A_575 : vector<16xf32>
            %add3A_579 = arith.addf %add3A_566, %mul3A_578 : vector<16xf32>
            %add3A_580 = arith.constant 0 : i32
            %add3A_581 = arith.addi %mul3A_156, %add3A_580 : i32
            %add3A_582 = arith.addi %add3A_581, %add3A_264 : i32
            %add3A_583 = vector.broadcast %add3A_582 : i32 to vector<16xi32>
            %add3A_584 = arith.addi %mul3A_39, %add3A_583 : vector<16xi32>
            tpu.vector_store_idx %arg9[%add3A_584], %add3A_577 : memref<25088xf32, #tpu.memory_space<vmem>>[vector<16xi32>], vector<16xf32>,
            %add3A_585 = arith.constant 49 : i32
            %add3A_586 = vector.broadcast %add3A_585 : i32 to vector<16xi32>
            %add3A_587 = arith.addi %add3A_584, %add3A_586 : vector<16xi32>
            tpu.vector_store_idx %arg9[%add3A_587], %add3A_579 : memref<25088xf32, #tpu.memory_space<vmem>>[vector<16xi32>], vector<16xf32>,
            %get3A_588 = arith.index_cast %select_n3A_196 : i32 to index
            %get3A_589 = arith.index_cast %mul3A_266 : i32 to index
            %get3A_590 = arith.constant 16 : index
            %get3A_591 = tpu.vector_load %arg8[%get3A_588, %get3A_589, %get3A_590] {strides = array<i32>} : memref<2x112x128xf32, #tpu.memory_space<vmem>>, vector<16xf32>,
            %bitcast3A_592 = vector.bitcast %get3A_591 : vector<16xf32> to vector<32xbf16>
            %unpack3A_593 = tpu.unpack_subelements %bitcast3A_592, 0 {pack_format = #tpu.pack_format<interleaved>} : vector<32xbf16> -> vector<16xf32>
            %unpack3A_594 = tpu.unpack_subelements %bitcast3A_592, 1 {pack_format = #tpu.pack_format<interleaved>} : vector<32xbf16> -> vector<16xf32>
            %mul3A_595 = arith.mulf %gather3A_273, %unpack3A_593 : vector<16xf32>
            %mul3A_596 = arith.mulf %gather3A_273, %unpack3A_594 : vector<16xf32>
            %add3A_597 = arith.constant 1 : i32
            %add3A_598 = arith.addi %mul3A_266, %add3A_597 : i32
            %get3A_599 = arith.index_cast %select_n3A_196 : i32 to index
            %get3A_600 = arith.index_cast %add3A_598 : i32 to index
            %get3A_601 = arith.constant 16 : index
            %get3A_602 = tpu.vector_load %arg8[%get3A_599, %get3A_600, %get3A_601] {strides = array<i32>} : memref<2x112x128xf32, #tpu.memory_space<vmem>>, vector<16xf32>,
            %bitcast3A_603 = vector.bitcast %get3A_602 : vector<16xf32> to vector<32xbf16>
            %unpack3A_604 = tpu.unpack_subelements %bitcast3A_603, 0 {pack_format = #tpu.pack_format<interleaved>} : vector<32xbf16> -> vector<16xf32>
            %unpack3A_605 = tpu.unpack_subelements %bitcast3A_603, 1 {pack_format = #tpu.pack_format<interleaved>} : vector<32xbf16> -> vector<16xf32>
            %mul3A_606 = arith.mulf %gather3A_280, %unpack3A_604 : vector<16xf32>
            %add3A_607 = arith.addf %mul3A_595, %mul3A_606 : vector<16xf32>
            %mul3A_608 = arith.mulf %gather3A_280, %unpack3A_605 : vector<16xf32>
            %add3A_609 = arith.addf %mul3A_596, %mul3A_608 : vector<16xf32>
            %add3A_610 = arith.constant 2 : i32
            %add3A_611 = arith.addi %mul3A_266, %add3A_610 : i32
            %get3A_612 = arith.index_cast %select_n3A_196 : i32 to index
            %get3A_613 = arith.index_cast %add3A_611 : i32 to index
            %get3A_614 = arith.constant 16 : index
            %get3A_615 = tpu.vector_load %arg8[%get3A_612, %get3A_613, %get3A_614] {strides = array<i32>} : memref<2x112x128xf32, #tpu.memory_space<vmem>>, vector<16xf32>,
            %bitcast3A_616 = vector.bitcast %get3A_615 : vector<16xf32> to vector<32xbf16>
            %unpack3A_617 = tpu.unpack_subelements %bitcast3A_616, 0 {pack_format = #tpu.pack_format<interleaved>} : vector<32xbf16> -> vector<16xf32>
            %unpack3A_618 = tpu.unpack_subelements %bitcast3A_616, 1 {pack_format = #tpu.pack_format<interleaved>} : vector<32xbf16> -> vector<16xf32>
            %mul3A_619 = arith.mulf %gather3A_287, %unpack3A_617 : vector<16xf32>
            %add3A_620 = arith.addf %add3A_607, %mul3A_619 : vector<16xf32>
            %mul3A_621 = arith.mulf %gather3A_287, %unpack3A_618 : vector<16xf32>
            %add3A_622 = arith.addf %add3A_609, %mul3A_621 : vector<16xf32>
            %add3A_623 = arith.constant 3 : i32
            %add3A_624 = arith.addi %mul3A_266, %add3A_623 : i32
            %get3A_625 = arith.index_cast %select_n3A_196 : i32 to index
            %get3A_626 = arith.index_cast %add3A_624 : i32 to index
            %get3A_627 = arith.constant 16 : index
            %get3A_628 = tpu.vector_load %arg8[%get3A_625, %get3A_626, %get3A_627] {strides = array<i32>} : memref<2x112x128xf32, #tpu.memory_space<vmem>>, vector<16xf32>,
            %bitcast3A_629 = vector.bitcast %get3A_628 : vector<16xf32> to vector<32xbf16>
            %unpack3A_630 = tpu.unpack_subelements %bitcast3A_629, 0 {pack_format = #tpu.pack_format<interleaved>} : vector<32xbf16> -> vector<16xf32>
            %unpack3A_631 = tpu.unpack_subelements %bitcast3A_629, 1 {pack_format = #tpu.pack_format<interleaved>} : vector<32xbf16> -> vector<16xf32>
            %mul3A_632 = arith.mulf %gather3A_294, %unpack3A_630 : vector<16xf32>
            %add3A_633 = arith.addf %add3A_620, %mul3A_632 : vector<16xf32>
            %mul3A_634 = arith.mulf %gather3A_294, %unpack3A_631 : vector<16xf32>
            %add3A_635 = arith.addf %add3A_622, %mul3A_634 : vector<16xf32>
            %add3A_636 = arith.constant 4 : i32
            %add3A_637 = arith.addi %mul3A_266, %add3A_636 : i32
            %get3A_638 = arith.index_cast %select_n3A_196 : i32 to index
            %get3A_639 = arith.index_cast %add3A_637 : i32 to index
            %get3A_640 = arith.constant 16 : index
            %get3A_641 = tpu.vector_load %arg8[%get3A_638, %get3A_639, %get3A_640] {strides = array<i32>} : memref<2x112x128xf32, #tpu.memory_space<vmem>>, vector<16xf32>,
            %bitcast3A_642 = vector.bitcast %get3A_641 : vector<16xf32> to vector<32xbf16>
            %unpack3A_643 = tpu.unpack_subelements %bitcast3A_642, 0 {pack_format = #tpu.pack_format<interleaved>} : vector<32xbf16> -> vector<16xf32>
            %unpack3A_644 = tpu.unpack_subelements %bitcast3A_642, 1 {pack_format = #tpu.pack_format<interleaved>} : vector<32xbf16> -> vector<16xf32>
            %mul3A_645 = arith.mulf %gather3A_301, %unpack3A_643 : vector<16xf32>
            %add3A_646 = arith.addf %add3A_633, %mul3A_645 : vector<16xf32>
            %mul3A_647 = arith.mulf %gather3A_301, %unpack3A_644 : vector<16xf32>
            %add3A_648 = arith.addf %add3A_635, %mul3A_647 : vector<16xf32>
            %add3A_649 = arith.constant 5 : i32
            %add3A_650 = arith.addi %mul3A_266, %add3A_649 : i32
            %get3A_651 = arith.index_cast %select_n3A_196 : i32 to index
            %get3A_652 = arith.index_cast %add3A_650 : i32 to index
            %get3A_653 = arith.constant 16 : index
            %get3A_654 = tpu.vector_load %arg8[%get3A_651, %get3A_652, %get3A_653] {strides = array<i32>} : memref<2x112x128xf32, #tpu.memory_space<vmem>>, vector<16xf32>,
            %bitcast3A_655 = vector.bitcast %get3A_654 : vector<16xf32> to vector<32xbf16>
            %unpack3A_656 = tpu.unpack_subelements %bitcast3A_655, 0 {pack_format = #tpu.pack_format<interleaved>} : vector<32xbf16> -> vector<16xf32>
            %unpack3A_657 = tpu.unpack_subelements %bitcast3A_655, 1 {pack_format = #tpu.pack_format<interleaved>} : vector<32xbf16> -> vector<16xf32>
            %mul3A_658 = arith.mulf %gather3A_308, %unpack3A_656 : vector<16xf32>
            %add3A_659 = arith.addf %add3A_646, %mul3A_658 : vector<16xf32>
            %mul3A_660 = arith.mulf %gather3A_308, %unpack3A_657 : vector<16xf32>
            %add3A_661 = arith.addf %add3A_648, %mul3A_660 : vector<16xf32>
            %add3A_662 = arith.constant 6 : i32
            %add3A_663 = arith.addi %mul3A_266, %add3A_662 : i32
            %get3A_664 = arith.index_cast %select_n3A_196 : i32 to index
            %get3A_665 = arith.index_cast %add3A_663 : i32 to index
            %get3A_666 = arith.constant 16 : index
            %get3A_667 = tpu.vector_load %arg8[%get3A_664, %get3A_665, %get3A_666] {strides = array<i32>} : memref<2x112x128xf32, #tpu.memory_space<vmem>>, vector<16xf32>,
            %bitcast3A_668 = vector.bitcast %get3A_667 : vector<16xf32> to vector<32xbf16>
            %unpack3A_669 = tpu.unpack_subelements %bitcast3A_668, 0 {pack_format = #tpu.pack_format<interleaved>} : vector<32xbf16> -> vector<16xf32>
            %unpack3A_670 = tpu.unpack_subelements %bitcast3A_668, 1 {pack_format = #tpu.pack_format<interleaved>} : vector<32xbf16> -> vector<16xf32>
            %mul3A_671 = arith.mulf %gather3A_315, %unpack3A_669 : vector<16xf32>
            %add3A_672 = arith.addf %add3A_659, %mul3A_671 : vector<16xf32>
            %mul3A_673 = arith.mulf %gather3A_315, %unpack3A_670 : vector<16xf32>
            %add3A_674 = arith.addf %add3A_661, %mul3A_673 : vector<16xf32>
            %add3A_675 = arith.constant 7 : i32
            %add3A_676 = arith.addi %mul3A_266, %add3A_675 : i32
            %get3A_677 = arith.index_cast %select_n3A_196 : i32 to index
            %get3A_678 = arith.index_cast %add3A_676 : i32 to index
            %get3A_679 = arith.constant 16 : index
            %get3A_680 = tpu.vector_load %arg8[%get3A_677, %get3A_678, %get3A_679] {strides = array<i32>} : memref<2x112x128xf32, #tpu.memory_space<vmem>>, vector<16xf32>,
            %bitcast3A_681 = vector.bitcast %get3A_680 : vector<16xf32> to vector<32xbf16>
            %unpack3A_682 = tpu.unpack_subelements %bitcast3A_681, 0 {pack_format = #tpu.pack_format<interleaved>} : vector<32xbf16> -> vector<16xf32>
            %unpack3A_683 = tpu.unpack_subelements %bitcast3A_681, 1 {pack_format = #tpu.pack_format<interleaved>} : vector<32xbf16> -> vector<16xf32>
            %mul3A_684 = arith.mulf %gather3A_322, %unpack3A_682 : vector<16xf32>
            %add3A_685 = arith.addf %add3A_672, %mul3A_684 : vector<16xf32>
            %mul3A_686 = arith.mulf %gather3A_322, %unpack3A_683 : vector<16xf32>
            %add3A_687 = arith.addf %add3A_674, %mul3A_686 : vector<16xf32>
            %add3A_688 = arith.constant 8 : i32
            %add3A_689 = arith.addi %mul3A_266, %add3A_688 : i32
            %get3A_690 = arith.index_cast %select_n3A_196 : i32 to index
            %get3A_691 = arith.index_cast %add3A_689 : i32 to index
            %get3A_692 = arith.constant 16 : index
            %get3A_693 = tpu.vector_load %arg8[%get3A_690, %get3A_691, %get3A_692] {strides = array<i32>} : memref<2x112x128xf32, #tpu.memory_space<vmem>>, vector<16xf32>,
            %bitcast3A_694 = vector.bitcast %get3A_693 : vector<16xf32> to vector<32xbf16>
            %unpack3A_695 = tpu.unpack_subelements %bitcast3A_694, 0 {pack_format = #tpu.pack_format<interleaved>} : vector<32xbf16> -> vector<16xf32>
            %unpack3A_696 = tpu.unpack_subelements %bitcast3A_694, 1 {pack_format = #tpu.pack_format<interleaved>} : vector<32xbf16> -> vector<16xf32>
            %mul3A_697 = arith.mulf %gather3A_329, %unpack3A_695 : vector<16xf32>
            %add3A_698 = arith.addf %add3A_685, %mul3A_697 : vector<16xf32>
            %mul3A_699 = arith.mulf %gather3A_329, %unpack3A_696 : vector<16xf32>
            %add3A_700 = arith.addf %add3A_687, %mul3A_699 : vector<16xf32>
            %add3A_701 = arith.constant 9 : i32
            %add3A_702 = arith.addi %mul3A_266, %add3A_701 : i32
            %get3A_703 = arith.index_cast %select_n3A_196 : i32 to index
            %get3A_704 = arith.index_cast %add3A_702 : i32 to index
            %get3A_705 = arith.constant 16 : index
            %get3A_706 = tpu.vector_load %arg8[%get3A_703, %get3A_704, %get3A_705] {strides = array<i32>} : memref<2x112x128xf32, #tpu.memory_space<vmem>>, vector<16xf32>,
            %bitcast3A_707 = vector.bitcast %get3A_706 : vector<16xf32> to vector<32xbf16>
            %unpack3A_708 = tpu.unpack_subelements %bitcast3A_707, 0 {pack_format = #tpu.pack_format<interleaved>} : vector<32xbf16> -> vector<16xf32>
            %unpack3A_709 = tpu.unpack_subelements %bitcast3A_707, 1 {pack_format = #tpu.pack_format<interleaved>} : vector<32xbf16> -> vector<16xf32>
            %mul3A_710 = arith.mulf %gather3A_336, %unpack3A_708 : vector<16xf32>
            %add3A_711 = arith.addf %add3A_698, %mul3A_710 : vector<16xf32>
            %mul3A_712 = arith.mulf %gather3A_336, %unpack3A_709 : vector<16xf32>
            %add3A_713 = arith.addf %add3A_700, %mul3A_712 : vector<16xf32>
            %add3A_714 = arith.constant 10 : i32
            %add3A_715 = arith.addi %mul3A_266, %add3A_714 : i32
            %get3A_716 = arith.index_cast %select_n3A_196 : i32 to index
            %get3A_717 = arith.index_cast %add3A_715 : i32 to index
            %get3A_718 = arith.constant 16 : index
            %get3A_719 = tpu.vector_load %arg8[%get3A_716, %get3A_717, %get3A_718] {strides = array<i32>} : memref<2x112x128xf32, #tpu.memory_space<vmem>>, vector<16xf32>,
            %bitcast3A_720 = vector.bitcast %get3A_719 : vector<16xf32> to vector<32xbf16>
            %unpack3A_721 = tpu.unpack_subelements %bitcast3A_720, 0 {pack_format = #tpu.pack_format<interleaved>} : vector<32xbf16> -> vector<16xf32>
            %unpack3A_722 = tpu.unpack_subelements %bitcast3A_720, 1 {pack_format = #tpu.pack_format<interleaved>} : vector<32xbf16> -> vector<16xf32>
            %mul3A_723 = arith.mulf %gather3A_343, %unpack3A_721 : vector<16xf32>
            %add3A_724 = arith.addf %add3A_711, %mul3A_723 : vector<16xf32>
            %mul3A_725 = arith.mulf %gather3A_343, %unpack3A_722 : vector<16xf32>
            %add3A_726 = arith.addf %add3A_713, %mul3A_725 : vector<16xf32>
            %add3A_727 = arith.constant 11 : i32
            %add3A_728 = arith.addi %mul3A_266, %add3A_727 : i32
            %get3A_729 = arith.index_cast %select_n3A_196 : i32 to index
            %get3A_730 = arith.index_cast %add3A_728 : i32 to index
            %get3A_731 = arith.constant 16 : index
            %get3A_732 = tpu.vector_load %arg8[%get3A_729, %get3A_730, %get3A_731] {strides = array<i32>} : memref<2x112x128xf32, #tpu.memory_space<vmem>>, vector<16xf32>,
            %bitcast3A_733 = vector.bitcast %get3A_732 : vector<16xf32> to vector<32xbf16>
            %unpack3A_734 = tpu.unpack_subelements %bitcast3A_733, 0 {pack_format = #tpu.pack_format<interleaved>} : vector<32xbf16> -> vector<16xf32>
            %unpack3A_735 = tpu.unpack_subelements %bitcast3A_733, 1 {pack_format = #tpu.pack_format<interleaved>} : vector<32xbf16> -> vector<16xf32>
            %mul3A_736 = arith.mulf %gather3A_350, %unpack3A_734 : vector<16xf32>
            %add3A_737 = arith.addf %add3A_724, %mul3A_736 : vector<16xf32>
            %mul3A_738 = arith.mulf %gather3A_350, %unpack3A_735 : vector<16xf32>
            %add3A_739 = arith.addf %add3A_726, %mul3A_738 : vector<16xf32>
            %add3A_740 = arith.constant 12 : i32
            %add3A_741 = arith.addi %mul3A_266, %add3A_740 : i32
            %get3A_742 = arith.index_cast %select_n3A_196 : i32 to index
            %get3A_743 = arith.index_cast %add3A_741 : i32 to index
            %get3A_744 = arith.constant 16 : index
            %get3A_745 = tpu.vector_load %arg8[%get3A_742, %get3A_743, %get3A_744] {strides = array<i32>} : memref<2x112x128xf32, #tpu.memory_space<vmem>>, vector<16xf32>,
            %bitcast3A_746 = vector.bitcast %get3A_745 : vector<16xf32> to vector<32xbf16>
            %unpack3A_747 = tpu.unpack_subelements %bitcast3A_746, 0 {pack_format = #tpu.pack_format<interleaved>} : vector<32xbf16> -> vector<16xf32>
            %unpack3A_748 = tpu.unpack_subelements %bitcast3A_746, 1 {pack_format = #tpu.pack_format<interleaved>} : vector<32xbf16> -> vector<16xf32>
            %mul3A_749 = arith.mulf %gather3A_357, %unpack3A_747 : vector<16xf32>
            %add3A_750 = arith.addf %add3A_737, %mul3A_749 : vector<16xf32>
            %mul3A_751 = arith.mulf %gather3A_357, %unpack3A_748 : vector<16xf32>
            %add3A_752 = arith.addf %add3A_739, %mul3A_751 : vector<16xf32>
            %add3A_753 = arith.constant 13 : i32
            %add3A_754 = arith.addi %mul3A_266, %add3A_753 : i32
            %get3A_755 = arith.index_cast %select_n3A_196 : i32 to index
            %get3A_756 = arith.index_cast %add3A_754 : i32 to index
            %get3A_757 = arith.constant 16 : index
            %get3A_758 = tpu.vector_load %arg8[%get3A_755, %get3A_756, %get3A_757] {strides = array<i32>} : memref<2x112x128xf32, #tpu.memory_space<vmem>>, vector<16xf32>,
            %bitcast3A_759 = vector.bitcast %get3A_758 : vector<16xf32> to vector<32xbf16>
            %unpack3A_760 = tpu.unpack_subelements %bitcast3A_759, 0 {pack_format = #tpu.pack_format<interleaved>} : vector<32xbf16> -> vector<16xf32>
            %unpack3A_761 = tpu.unpack_subelements %bitcast3A_759, 1 {pack_format = #tpu.pack_format<interleaved>} : vector<32xbf16> -> vector<16xf32>
            %mul3A_762 = arith.mulf %gather3A_364, %unpack3A_760 : vector<16xf32>
            %add3A_763 = arith.addf %add3A_750, %mul3A_762 : vector<16xf32>
            %mul3A_764 = arith.mulf %gather3A_364, %unpack3A_761 : vector<16xf32>
            %add3A_765 = arith.addf %add3A_752, %mul3A_764 : vector<16xf32>
            %add3A_766 = arith.constant 14 : i32
            %add3A_767 = arith.addi %mul3A_266, %add3A_766 : i32
            %get3A_768 = arith.index_cast %select_n3A_196 : i32 to index
            %get3A_769 = arith.index_cast %add3A_767 : i32 to index
            %get3A_770 = arith.constant 16 : index
            %get3A_771 = tpu.vector_load %arg8[%get3A_768, %get3A_769, %get3A_770] {strides = array<i32>} : memref<2x112x128xf32, #tpu.memory_space<vmem>>, vector<16xf32>,
            %bitcast3A_772 = vector.bitcast %get3A_771 : vector<16xf32> to vector<32xbf16>
            %unpack3A_773 = tpu.unpack_subelements %bitcast3A_772, 0 {pack_format = #tpu.pack_format<interleaved>} : vector<32xbf16> -> vector<16xf32>
            %unpack3A_774 = tpu.unpack_subelements %bitcast3A_772, 1 {pack_format = #tpu.pack_format<interleaved>} : vector<32xbf16> -> vector<16xf32>
            %mul3A_775 = arith.mulf %gather3A_371, %unpack3A_773 : vector<16xf32>
            %add3A_776 = arith.addf %add3A_763, %mul3A_775 : vector<16xf32>
            %mul3A_777 = arith.mulf %gather3A_371, %unpack3A_774 : vector<16xf32>
            %add3A_778 = arith.addf %add3A_765, %mul3A_777 : vector<16xf32>
            %add3A_779 = arith.constant 15 : i32
            %add3A_780 = arith.addi %mul3A_266, %add3A_779 : i32
            %get3A_781 = arith.index_cast %select_n3A_196 : i32 to index
            %get3A_782 = arith.index_cast %add3A_780 : i32 to index
            %get3A_783 = arith.constant 16 : index
            %get3A_784 = tpu.vector_load %arg8[%get3A_781, %get3A_782, %get3A_783] {strides = array<i32>} : memref<2x112x128xf32, #tpu.memory_space<vmem>>, vector<16xf32>,
            %bitcast3A_785 = vector.bitcast %get3A_784 : vector<16xf32> to vector<32xbf16>
            %unpack3A_786 = tpu.unpack_subelements %bitcast3A_785, 0 {pack_format = #tpu.pack_format<interleaved>} : vector<32xbf16> -> vector<16xf32>
            %unpack3A_787 = tpu.unpack_subelements %bitcast3A_785, 1 {pack_format = #tpu.pack_format<interleaved>} : vector<32xbf16> -> vector<16xf32>
            %mul3A_788 = arith.mulf %gather3A_378, %unpack3A_786 : vector<16xf32>
            %add3A_789 = arith.addf %add3A_776, %mul3A_788 : vector<16xf32>
            %mul3A_790 = arith.mulf %gather3A_378, %unpack3A_787 : vector<16xf32>
            %add3A_791 = arith.addf %add3A_778, %mul3A_790 : vector<16xf32>
            %add3A_792 = arith.constant 1568 : i32
            %add3A_793 = arith.addi %mul3A_156, %add3A_792 : i32
            %add3A_794 = arith.addi %add3A_793, %add3A_264 : i32
            %add3A_795 = vector.broadcast %add3A_794 : i32 to vector<16xi32>
            %add3A_796 = arith.addi %mul3A_39, %add3A_795 : vector<16xi32>
            tpu.vector_store_idx %arg9[%add3A_796], %add3A_789 : memref<25088xf32, #tpu.memory_space<vmem>>[vector<16xi32>], vector<16xf32>,
            %add3A_797 = arith.constant 49 : i32
            %add3A_798 = vector.broadcast %add3A_797 : i32 to vector<16xi32>
            %add3A_799 = arith.addi %add3A_796, %add3A_798 : vector<16xi32>
            tpu.vector_store_idx %arg9[%add3A_799], %add3A_791 : memref<25088xf32, #tpu.memory_space<vmem>>[vector<16xi32>], vector<16xf32>,
            %get3A_800 = arith.index_cast %select_n3A_196 : i32 to index
            %get3A_801 = arith.index_cast %mul3A_266 : i32 to index
            %get3A_802 = arith.constant 32 : index
            %get3A_803 = tpu.vector_load %arg8[%get3A_800, %get3A_801, %get3A_802] {strides = array<i32>} : memref<2x112x128xf32, #tpu.memory_space<vmem>>, vector<16xf32>,
            %bitcast3A_804 = vector.bitcast %get3A_803 : vector<16xf32> to vector<32xbf16>
            %unpack3A_805 = tpu.unpack_subelements %bitcast3A_804, 0 {pack_format = #tpu.pack_format<interleaved>} : vector<32xbf16> -> vector<16xf32>
            %unpack3A_806 = tpu.unpack_subelements %bitcast3A_804, 1 {pack_format = #tpu.pack_format<interleaved>} : vector<32xbf16> -> vector<16xf32>
            %mul3A_807 = arith.mulf %gather3A_273, %unpack3A_805 : vector<16xf32>
            %mul3A_808 = arith.mulf %gather3A_273, %unpack3A_806 : vector<16xf32>
            %add3A_809 = arith.constant 1 : i32
            %add3A_810 = arith.addi %mul3A_266, %add3A_809 : i32
            %get3A_811 = arith.index_cast %select_n3A_196 : i32 to index
            %get3A_812 = arith.index_cast %add3A_810 : i32 to index
            %get3A_813 = arith.constant 32 : index
            %get3A_814 = tpu.vector_load %arg8[%get3A_811, %get3A_812, %get3A_813] {strides = array<i32>} : memref<2x112x128xf32, #tpu.memory_space<vmem>>, vector<16xf32>,
            %bitcast3A_815 = vector.bitcast %get3A_814 : vector<16xf32> to vector<32xbf16>
            %unpack3A_816 = tpu.unpack_subelements %bitcast3A_815, 0 {pack_format = #tpu.pack_format<interleaved>} : vector<32xbf16> -> vector<16xf32>
            %unpack3A_817 = tpu.unpack_subelements %bitcast3A_815, 1 {pack_format = #tpu.pack_format<interleaved>} : vector<32xbf16> -> vector<16xf32>
            %mul3A_818 = arith.mulf %gather3A_280, %unpack3A_816 : vector<16xf32>
            %add3A_819 = arith.addf %mul3A_807, %mul3A_818 : vector<16xf32>
            %mul3A_820 = arith.mulf %gather3A_280, %unpack3A_817 : vector<16xf32>
            %add3A_821 = arith.addf %mul3A_808, %mul3A_820 : vector<16xf32>
            %add3A_822 = arith.constant 2 : i32
            %add3A_823 = arith.addi %mul3A_266, %add3A_822 : i32
            %get3A_824 = arith.index_cast %select_n3A_196 : i32 to index
            %get3A_825 = arith.index_cast %add3A_823 : i32 to index
            %get3A_826 = arith.constant 32 : index
            %get3A_827 = tpu.vector_load %arg8[%get3A_824, %get3A_825, %get3A_826] {strides = array<i32>} : memref<2x112x128xf32, #tpu.memory_space<vmem>>, vector<16xf32>,
            %bitcast3A_828 = vector.bitcast %get3A_827 : vector<16xf32> to vector<32xbf16>
            %unpack3A_829 = tpu.unpack_subelements %bitcast3A_828, 0 {pack_format = #tpu.pack_format<interleaved>} : vector<32xbf16> -> vector<16xf32>
            %unpack3A_830 = tpu.unpack_subelements %bitcast3A_828, 1 {pack_format = #tpu.pack_format<interleaved>} : vector<32xbf16> -> vector<16xf32>
            %mul3A_831 = arith.mulf %gather3A_287, %unpack3A_829 : vector<16xf32>
            %add3A_832 = arith.addf %add3A_819, %mul3A_831 : vector<16xf32>
            %mul3A_833 = arith.mulf %gather3A_287, %unpack3A_830 : vector<16xf32>
            %add3A_834 = arith.addf %add3A_821, %mul3A_833 : vector<16xf32>
            %add3A_835 = arith.constant 3 : i32
            %add3A_836 = arith.addi %mul3A_266, %add3A_835 : i32
            %get3A_837 = arith.index_cast %select_n3A_196 : i32 to index
            %get3A_838 = arith.index_cast %add3A_836 : i32 to index
            %get3A_839 = arith.constant 32 : index
            %get3A_840 = tpu.vector_load %arg8[%get3A_837, %get3A_838, %get3A_839] {strides = array<i32>} : memref<2x112x128xf32, #tpu.memory_space<vmem>>, vector<16xf32>,
            %bitcast3A_841 = vector.bitcast %get3A_840 : vector<16xf32> to vector<32xbf16>
            %unpack3A_842 = tpu.unpack_subelements %bitcast3A_841, 0 {pack_format = #tpu.pack_format<interleaved>} : vector<32xbf16> -> vector<16xf32>
            %unpack3A_843 = tpu.unpack_subelements %bitcast3A_841, 1 {pack_format = #tpu.pack_format<interleaved>} : vector<32xbf16> -> vector<16xf32>
            %mul3A_844 = arith.mulf %gather3A_294, %unpack3A_842 : vector<16xf32>
            %add3A_845 = arith.addf %add3A_832, %mul3A_844 : vector<16xf32>
            %mul3A_846 = arith.mulf %gather3A_294, %unpack3A_843 : vector<16xf32>
            %add3A_847 = arith.addf %add3A_834, %mul3A_846 : vector<16xf32>
            %add3A_848 = arith.constant 4 : i32
            %add3A_849 = arith.addi %mul3A_266, %add3A_848 : i32
            %get3A_850 = arith.index_cast %select_n3A_196 : i32 to index
            %get3A_851 = arith.index_cast %add3A_849 : i32 to index
            %get3A_852 = arith.constant 32 : index
            %get3A_853 = tpu.vector_load %arg8[%get3A_850, %get3A_851, %get3A_852] {strides = array<i32>} : memref<2x112x128xf32, #tpu.memory_space<vmem>>, vector<16xf32>,
            %bitcast3A_854 = vector.bitcast %get3A_853 : vector<16xf32> to vector<32xbf16>
            %unpack3A_855 = tpu.unpack_subelements %bitcast3A_854, 0 {pack_format = #tpu.pack_format<interleaved>} : vector<32xbf16> -> vector<16xf32>
            %unpack3A_856 = tpu.unpack_subelements %bitcast3A_854, 1 {pack_format = #tpu.pack_format<interleaved>} : vector<32xbf16> -> vector<16xf32>
            %mul3A_857 = arith.mulf %gather3A_301, %unpack3A_855 : vector<16xf32>
            %add3A_858 = arith.addf %add3A_845, %mul3A_857 : vector<16xf32>
            %mul3A_859 = arith.mulf %gather3A_301, %unpack3A_856 : vector<16xf32>
            %add3A_860 = arith.addf %add3A_847, %mul3A_859 : vector<16xf32>
            %add3A_861 = arith.constant 5 : i32
            %add3A_862 = arith.addi %mul3A_266, %add3A_861 : i32
            %get3A_863 = arith.index_cast %select_n3A_196 : i32 to index
            %get3A_864 = arith.index_cast %add3A_862 : i32 to index
            %get3A_865 = arith.constant 32 : index
            %get3A_866 = tpu.vector_load %arg8[%get3A_863, %get3A_864, %get3A_865] {strides = array<i32>} : memref<2x112x128xf32, #tpu.memory_space<vmem>>, vector<16xf32>,
            %bitcast3A_867 = vector.bitcast %get3A_866 : vector<16xf32> to vector<32xbf16>
            %unpack3A_868 = tpu.unpack_subelements %bitcast3A_867, 0 {pack_format = #tpu.pack_format<interleaved>} : vector<32xbf16> -> vector<16xf32>
            %unpack3A_869 = tpu.unpack_subelements %bitcast3A_867, 1 {pack_format = #tpu.pack_format<interleaved>} : vector<32xbf16> -> vector<16xf32>
            %mul3A_870 = arith.mulf %gather3A_308, %unpack3A_868 : vector<16xf32>
            %add3A_871 = arith.addf %add3A_858, %mul3A_870 : vector<16xf32>
            %mul3A_872 = arith.mulf %gather3A_308, %unpack3A_869 : vector<16xf32>
            %add3A_873 = arith.addf %add3A_860, %mul3A_872 : vector<16xf32>
            %add3A_874 = arith.constant 6 : i32
            %add3A_875 = arith.addi %mul3A_266, %add3A_874 : i32
            %get3A_876 = arith.index_cast %select_n3A_196 : i32 to index
            %get3A_877 = arith.index_cast %add3A_875 : i32 to index
            %get3A_878 = arith.constant 32 : index
            %get3A_879 = tpu.vector_load %arg8[%get3A_876, %get3A_877, %get3A_878] {strides = array<i32>} : memref<2x112x128xf32, #tpu.memory_space<vmem>>, vector<16xf32>,
            %bitcast3A_880 = vector.bitcast %get3A_879 : vector<16xf32> to vector<32xbf16>
            %unpack3A_881 = tpu.unpack_subelements %bitcast3A_880, 0 {pack_format = #tpu.pack_format<interleaved>} : vector<32xbf16> -> vector<16xf32>
            %unpack3A_882 = tpu.unpack_subelements %bitcast3A_880, 1 {pack_format = #tpu.pack_format<interleaved>} : vector<32xbf16> -> vector<16xf32>
            %mul3A_883 = arith.mulf %gather3A_315, %unpack3A_881 : vector<16xf32>
            %add3A_884 = arith.addf %add3A_871, %mul3A_883 : vector<16xf32>
            %mul3A_885 = arith.mulf %gather3A_315, %unpack3A_882 : vector<16xf32>
            %add3A_886 = arith.addf %add3A_873, %mul3A_885 : vector<16xf32>
            %add3A_887 = arith.constant 7 : i32
            %add3A_888 = arith.addi %mul3A_266, %add3A_887 : i32
            %get3A_889 = arith.index_cast %select_n3A_196 : i32 to index
            %get3A_890 = arith.index_cast %add3A_888 : i32 to index
            %get3A_891 = arith.constant 32 : index
            %get3A_892 = tpu.vector_load %arg8[%get3A_889, %get3A_890, %get3A_891] {strides = array<i32>} : memref<2x112x128xf32, #tpu.memory_space<vmem>>, vector<16xf32>,
            %bitcast3A_893 = vector.bitcast %get3A_892 : vector<16xf32> to vector<32xbf16>
            %unpack3A_894 = tpu.unpack_subelements %bitcast3A_893, 0 {pack_format = #tpu.pack_format<interleaved>} : vector<32xbf16> -> vector<16xf32>
            %unpack3A_895 = tpu.unpack_subelements %bitcast3A_893, 1 {pack_format = #tpu.pack_format<interleaved>} : vector<32xbf16> -> vector<16xf32>
            %mul3A_896 = arith.mulf %gather3A_322, %unpack3A_894 : vector<16xf32>
            %add3A_897 = arith.addf %add3A_884, %mul3A_896 : vector<16xf32>
            %mul3A_898 = arith.mulf %gather3A_322, %unpack3A_895 : vector<16xf32>
            %add3A_899 = arith.addf %add3A_886, %mul3A_898 : vector<16xf32>
            %add3A_900 = arith.constant 8 : i32
            %add3A_901 = arith.addi %mul3A_266, %add3A_900 : i32
            %get3A_902 = arith.index_cast %select_n3A_196 : i32 to index
            %get3A_903 = arith.index_cast %add3A_901 : i32 to index
            %get3A_904 = arith.constant 32 : index
            %get3A_905 = tpu.vector_load %arg8[%get3A_902, %get3A_903, %get3A_904] {strides = array<i32>} : memref<2x112x128xf32, #tpu.memory_space<vmem>>, vector<16xf32>,
            %bitcast3A_906 = vector.bitcast %get3A_905 : vector<16xf32> to vector<32xbf16>
            %unpack3A_907 = tpu.unpack_subelements %bitcast3A_906, 0 {pack_format = #tpu.pack_format<interleaved>} : vector<32xbf16> -> vector<16xf32>
            %unpack3A_908 = tpu.unpack_subelements %bitcast3A_906, 1 {pack_format = #tpu.pack_format<interleaved>} : vector<32xbf16> -> vector<16xf32>
            %mul3A_909 = arith.mulf %gather3A_329, %unpack3A_907 : vector<16xf32>
            %add3A_910 = arith.addf %add3A_897, %mul3A_909 : vector<16xf32>
            %mul3A_911 = arith.mulf %gather3A_329, %unpack3A_908 : vector<16xf32>
            %add3A_912 = arith.addf %add3A_899, %mul3A_911 : vector<16xf32>
            %add3A_913 = arith.constant 9 : i32
            %add3A_914 = arith.addi %mul3A_266, %add3A_913 : i32
            %get3A_915 = arith.index_cast %select_n3A_196 : i32 to index
            %get3A_916 = arith.index_cast %add3A_914 : i32 to index
            %get3A_917 = arith.constant 32 : index
            %get3A_918 = tpu.vector_load %arg8[%get3A_915, %get3A_916, %get3A_917] {strides = array<i32>} : memref<2x112x128xf32, #tpu.memory_space<vmem>>, vector<16xf32>,
            %bitcast3A_919 = vector.bitcast %get3A_918 : vector<16xf32> to vector<32xbf16>
            %unpack3A_920 = tpu.unpack_subelements %bitcast3A_919, 0 {pack_format = #tpu.pack_format<interleaved>} : vector<32xbf16> -> vector<16xf32>
            %unpack3A_921 = tpu.unpack_subelements %bitcast3A_919, 1 {pack_format = #tpu.pack_format<interleaved>} : vector<32xbf16> -> vector<16xf32>
            %mul3A_922 = arith.mulf %gather3A_336, %unpack3A_920 : vector<16xf32>
            %add3A_923 = arith.addf %add3A_910, %mul3A_922 : vector<16xf32>
            %mul3A_924 = arith.mulf %gather3A_336, %unpack3A_921 : vector<16xf32>
            %add3A_925 = arith.addf %add3A_912, %mul3A_924 : vector<16xf32>
            %add3A_926 = arith.constant 10 : i32
            %add3A_927 = arith.addi %mul3A_266, %add3A_926 : i32
            %get3A_928 = arith.index_cast %select_n3A_196 : i32 to index
            %get3A_929 = arith.index_cast %add3A_927 : i32 to index
            %get3A_930 = arith.constant 32 : index
            %get3A_931 = tpu.vector_load %arg8[%get3A_928, %get3A_929, %get3A_930] {strides = array<i32>} : memref<2x112x128xf32, #tpu.memory_space<vmem>>, vector<16xf32>,
            %bitcast3A_932 = vector.bitcast %get3A_931 : vector<16xf32> to vector<32xbf16>
            %unpack3A_933 = tpu.unpack_subelements %bitcast3A_932, 0 {pack_format = #tpu.pack_format<interleaved>} : vector<32xbf16> -> vector<16xf32>
            %unpack3A_934 = tpu.unpack_subelements %bitcast3A_932, 1 {pack_format = #tpu.pack_format<interleaved>} : vector<32xbf16> -> vector<16xf32>
            %mul3A_935 = arith.mulf %gather3A_343, %unpack3A_933 : vector<16xf32>
            %add3A_936 = arith.addf %add3A_923, %mul3A_935 : vector<16xf32>
            %mul3A_937 = arith.mulf %gather3A_343, %unpack3A_934 : vector<16xf32>
            %add3A_938 = arith.addf %add3A_925, %mul3A_937 : vector<16xf32>
            %add3A_939 = arith.constant 11 : i32
            %add3A_940 = arith.addi %mul3A_266, %add3A_939 : i32
            %get3A_941 = arith.index_cast %select_n3A_196 : i32 to index
            %get3A_942 = arith.index_cast %add3A_940 : i32 to index
            %get3A_943 = arith.constant 32 : index
            %get3A_944 = tpu.vector_load %arg8[%get3A_941, %get3A_942, %get3A_943] {strides = array<i32>} : memref<2x112x128xf32, #tpu.memory_space<vmem>>, vector<16xf32>,
            %bitcast3A_945 = vector.bitcast %get3A_944 : vector<16xf32> to vector<32xbf16>
            %unpack3A_946 = tpu.unpack_subelements %bitcast3A_945, 0 {pack_format = #tpu.pack_format<interleaved>} : vector<32xbf16> -> vector<16xf32>
            %unpack3A_947 = tpu.unpack_subelements %bitcast3A_945, 1 {pack_format = #tpu.pack_format<interleaved>} : vector<32xbf16> -> vector<16xf32>
            %mul3A_948 = arith.mulf %gather3A_350, %unpack3A_946 : vector<16xf32>
            %add3A_949 = arith.addf %add3A_936, %mul3A_948 : vector<16xf32>
            %mul3A_950 = arith.mulf %gather3A_350, %unpack3A_947 : vector<16xf32>
            %add3A_951 = arith.addf %add3A_938, %mul3A_950 : vector<16xf32>
            %add3A_952 = arith.constant 12 : i32
            %add3A_953 = arith.addi %mul3A_266, %add3A_952 : i32
            %get3A_954 = arith.index_cast %select_n3A_196 : i32 to index
            %get3A_955 = arith.index_cast %add3A_953 : i32 to index
            %get3A_956 = arith.constant 32 : index
            %get3A_957 = tpu.vector_load %arg8[%get3A_954, %get3A_955, %get3A_956] {strides = array<i32>} : memref<2x112x128xf32, #tpu.memory_space<vmem>>, vector<16xf32>,
            %bitcast3A_958 = vector.bitcast %get3A_957 : vector<16xf32> to vector<32xbf16>
            %unpack3A_959 = tpu.unpack_subelements %bitcast3A_958, 0 {pack_format = #tpu.pack_format<interleaved>} : vector<32xbf16> -> vector<16xf32>
            %unpack3A_960 = tpu.unpack_subelements %bitcast3A_958, 1 {pack_format = #tpu.pack_format<interleaved>} : vector<32xbf16> -> vector<16xf32>
            %mul3A_961 = arith.mulf %gather3A_357, %unpack3A_959 : vector<16xf32>
            %add3A_962 = arith.addf %add3A_949, %mul3A_961 : vector<16xf32>
            %mul3A_963 = arith.mulf %gather3A_357, %unpack3A_960 : vector<16xf32>
            %add3A_964 = arith.addf %add3A_951, %mul3A_963 : vector<16xf32>
            %add3A_965 = arith.constant 13 : i32
            %add3A_966 = arith.addi %mul3A_266, %add3A_965 : i32
            %get3A_967 = arith.index_cast %select_n3A_196 : i32 to index
            %get3A_968 = arith.index_cast %add3A_966 : i32 to index
            %get3A_969 = arith.constant 32 : index
            %get3A_970 = tpu.vector_load %arg8[%get3A_967, %get3A_968, %get3A_969] {strides = array<i32>} : memref<2x112x128xf32, #tpu.memory_space<vmem>>, vector<16xf32>,
            %bitcast3A_971 = vector.bitcast %get3A_970 : vector<16xf32> to vector<32xbf16>
            %unpack3A_972 = tpu.unpack_subelements %bitcast3A_971, 0 {pack_format = #tpu.pack_format<interleaved>} : vector<32xbf16> -> vector<16xf32>
            %unpack3A_973 = tpu.unpack_subelements %bitcast3A_971, 1 {pack_format = #tpu.pack_format<interleaved>} : vector<32xbf16> -> vector<16xf32>
            %mul3A_974 = arith.mulf %gather3A_364, %unpack3A_972 : vector<16xf32>
            %add3A_975 = arith.addf %add3A_962, %mul3A_974 : vector<16xf32>
            %mul3A_976 = arith.mulf %gather3A_364, %unpack3A_973 : vector<16xf32>
            %add3A_977 = arith.addf %add3A_964, %mul3A_976 : vector<16xf32>
            %add3A_978 = arith.constant 14 : i32
            %add3A_979 = arith.addi %mul3A_266, %add3A_978 : i32
            %get3A_980 = arith.index_cast %select_n3A_196 : i32 to index
            %get3A_981 = arith.index_cast %add3A_979 : i32 to index
            %get3A_982 = arith.constant 32 : index
            %get3A_983 = tpu.vector_load %arg8[%get3A_980, %get3A_981, %get3A_982] {strides = array<i32>} : memref<2x112x128xf32, #tpu.memory_space<vmem>>, vector<16xf32>,
            %bitcast3A_984 = vector.bitcast %get3A_983 : vector<16xf32> to vector<32xbf16>
            %unpack3A_985 = tpu.unpack_subelements %bitcast3A_984, 0 {pack_format = #tpu.pack_format<interleaved>} : vector<32xbf16> -> vector<16xf32>
            %unpack3A_986 = tpu.unpack_subelements %bitcast3A_984, 1 {pack_format = #tpu.pack_format<interleaved>} : vector<32xbf16> -> vector<16xf32>
            %mul3A_987 = arith.mulf %gather3A_371, %unpack3A_985 : vector<16xf32>
            %add3A_988 = arith.addf %add3A_975, %mul3A_987 : vector<16xf32>
            %mul3A_989 = arith.mulf %gather3A_371, %unpack3A_986 : vector<16xf32>
            %add3A_990 = arith.addf %add3A_977, %mul3A_989 : vector<16xf32>
            %add3A_991 = arith.constant 15 : i32
            %add3A_992 = arith.addi %mul3A_266, %add3A_991 : i32
            %get3A_993 = arith.index_cast %select_n3A_196 : i32 to index
            %get3A_994 = arith.index_cast %add3A_992 : i32 to index
            %get3A_995 = arith.constant 32 : index
            %get3A_996 = tpu.vector_load %arg8[%get3A_993, %get3A_994, %get3A_995] {strides = array<i32>} : memref<2x112x128xf32, #tpu.memory_space<vmem>>, vector<16xf32>,
            %bitcast3A_997 = vector.bitcast %get3A_996 : vector<16xf32> to vector<32xbf16>
            %unpack3A_998 = tpu.unpack_subelements %bitcast3A_997, 0 {pack_format = #tpu.pack_format<interleaved>} : vector<32xbf16> -> vector<16xf32>
            %unpack3A_999 = tpu.unpack_subelements %bitcast3A_997, 1 {pack_format = #tpu.pack_format<interleaved>} : vector<32xbf16> -> vector<16xf32>
            %mul3A_1000 = arith.mulf %gather3A_378, %unpack3A_998 : vector<16xf32>
            %add3A_1001 = arith.addf %add3A_988, %mul3A_1000 : vector<16xf32>
            %mul3A_1002 = arith.mulf %gather3A_378, %unpack3A_999 : vector<16xf32>
            %add3A_1003 = arith.addf %add3A_990, %mul3A_1002 : vector<16xf32>
            %add3A_1004 = arith.constant 3136 : i32
            %add3A_1005 = arith.addi %mul3A_156, %add3A_1004 : i32
            %add3A_1006 = arith.addi %add3A_1005, %add3A_264 : i32
            %add3A_1007 = vector.broadcast %add3A_1006 : i32 to vector<16xi32>
            %add3A_1008 = arith.addi %mul3A_39, %add3A_1007 : vector<16xi32>
            tpu.vector_store_idx %arg9[%add3A_1008], %add3A_1001 : memref<25088xf32, #tpu.memory_space<vmem>>[vector<16xi32>], vector<16xf32>,
            %add3A_1009 = arith.constant 49 : i32
            %add3A_1010 = vector.broadcast %add3A_1009 : i32 to vector<16xi32>
            %add3A_1011 = arith.addi %add3A_1008, %add3A_1010 : vector<16xi32>
            tpu.vector_store_idx %arg9[%add3A_1011], %add3A_1003 : memref<25088xf32, #tpu.memory_space<vmem>>[vector<16xi32>], vector<16xf32>,
            %get3A_1012 = arith.index_cast %select_n3A_196 : i32 to index
            %get3A_1013 = arith.index_cast %mul3A_266 : i32 to index
            %get3A_1014 = arith.constant 48 : index
            %get3A_1015 = tpu.vector_load %arg8[%get3A_1012, %get3A_1013, %get3A_1014] {strides = array<i32>} : memref<2x112x128xf32, #tpu.memory_space<vmem>>, vector<16xf32>,
            %bitcast3A_1016 = vector.bitcast %get3A_1015 : vector<16xf32> to vector<32xbf16>
            %unpack3A_1017 = tpu.unpack_subelements %bitcast3A_1016, 0 {pack_format = #tpu.pack_format<interleaved>} : vector<32xbf16> -> vector<16xf32>
            %unpack3A_1018 = tpu.unpack_subelements %bitcast3A_1016, 1 {pack_format = #tpu.pack_format<interleaved>} : vector<32xbf16> -> vector<16xf32>
            %mul3A_1019 = arith.mulf %gather3A_273, %unpack3A_1017 : vector<16xf32>
            %mul3A_1020 = arith.mulf %gather3A_273, %unpack3A_1018 : vector<16xf32>
            %add3A_1021 = arith.constant 1 : i32
            %add3A_1022 = arith.addi %mul3A_266, %add3A_1021 : i32
            %get3A_1023 = arith.index_cast %select_n3A_196 : i32 to index
            %get3A_1024 = arith.index_cast %add3A_1022 : i32 to index
            %get3A_1025 = arith.constant 48 : index
            %get3A_1026 = tpu.vector_load %arg8[%get3A_1023, %get3A_1024, %get3A_1025] {strides = array<i32>} : memref<2x112x128xf32, #tpu.memory_space<vmem>>, vector<16xf32>,
            %bitcast3A_1027 = vector.bitcast %get3A_1026 : vector<16xf32> to vector<32xbf16>
            %unpack3A_1028 = tpu.unpack_subelements %bitcast3A_1027, 0 {pack_format = #tpu.pack_format<interleaved>} : vector<32xbf16> -> vector<16xf32>
            %unpack3A_1029 = tpu.unpack_subelements %bitcast3A_1027, 1 {pack_format = #tpu.pack_format<interleaved>} : vector<32xbf16> -> vector<16xf32>
            %mul3A_1030 = arith.mulf %gather3A_280, %unpack3A_1028 : vector<16xf32>
            %add3A_1031 = arith.addf %mul3A_1019, %mul3A_1030 : vector<16xf32>
            %mul3A_1032 = arith.mulf %gather3A_280, %unpack3A_1029 : vector<16xf32>
            %add3A_1033 = arith.addf %mul3A_1020, %mul3A_1032 : vector<16xf32>
            %add3A_1034 = arith.constant 2 : i32
            %add3A_1035 = arith.addi %mul3A_266, %add3A_1034 : i32
            %get3A_1036 = arith.index_cast %select_n3A_196 : i32 to index
            %get3A_1037 = arith.index_cast %add3A_1035 : i32 to index
            %get3A_1038 = arith.constant 48 : index
            %get3A_1039 = tpu.vector_load %arg8[%get3A_1036, %get3A_1037, %get3A_1038] {strides = array<i32>} : memref<2x112x128xf32, #tpu.memory_space<vmem>>, vector<16xf32>,
            %bitcast3A_1040 = vector.bitcast %get3A_1039 : vector<16xf32> to vector<32xbf16>
            %unpack3A_1041 = tpu.unpack_subelements %bitcast3A_1040, 0 {pack_format = #tpu.pack_format<interleaved>} : vector<32xbf16> -> vector<16xf32>
            %unpack3A_1042 = tpu.unpack_subelements %bitcast3A_1040, 1 {pack_format = #tpu.pack_format<interleaved>} : vector<32xbf16> -> vector<16xf32>
            %mul3A_1043 = arith.mulf %gather3A_287, %unpack3A_1041 : vector<16xf32>
            %add3A_1044 = arith.addf %add3A_1031, %mul3A_1043 : vector<16xf32>
            %mul3A_1045 = arith.mulf %gather3A_287, %unpack3A_1042 : vector<16xf32>
            %add3A_1046 = arith.addf %add3A_1033, %mul3A_1045 : vector<16xf32>
            %add3A_1047 = arith.constant 3 : i32
            %add3A_1048 = arith.addi %mul3A_266, %add3A_1047 : i32
            %get3A_1049 = arith.index_cast %select_n3A_196 : i32 to index
            %get3A_1050 = arith.index_cast %add3A_1048 : i32 to index
            %get3A_1051 = arith.constant 48 : index
            %get3A_1052 = tpu.vector_load %arg8[%get3A_1049, %get3A_1050, %get3A_1051] {strides = array<i32>} : memref<2x112x128xf32, #tpu.memory_space<vmem>>, vector<16xf32>,
            %bitcast3A_1053 = vector.bitcast %get3A_1052 : vector<16xf32> to vector<32xbf16>
            %unpack3A_1054 = tpu.unpack_subelements %bitcast3A_1053, 0 {pack_format = #tpu.pack_format<interleaved>} : vector<32xbf16> -> vector<16xf32>
            %unpack3A_1055 = tpu.unpack_subelements %bitcast3A_1053, 1 {pack_format = #tpu.pack_format<interleaved>} : vector<32xbf16> -> vector<16xf32>
            %mul3A_1056 = arith.mulf %gather3A_294, %unpack3A_1054 : vector<16xf32>
            %add3A_1057 = arith.addf %add3A_1044, %mul3A_1056 : vector<16xf32>
            %mul3A_1058 = arith.mulf %gather3A_294, %unpack3A_1055 : vector<16xf32>
            %add3A_1059 = arith.addf %add3A_1046, %mul3A_1058 : vector<16xf32>
            %add3A_1060 = arith.constant 4 : i32
            %add3A_1061 = arith.addi %mul3A_266, %add3A_1060 : i32
            %get3A_1062 = arith.index_cast %select_n3A_196 : i32 to index
            %get3A_1063 = arith.index_cast %add3A_1061 : i32 to index
            %get3A_1064 = arith.constant 48 : index
            %get3A_1065 = tpu.vector_load %arg8[%get3A_1062, %get3A_1063, %get3A_1064] {strides = array<i32>} : memref<2x112x128xf32, #tpu.memory_space<vmem>>, vector<16xf32>,
            %bitcast3A_1066 = vector.bitcast %get3A_1065 : vector<16xf32> to vector<32xbf16>
            %unpack3A_1067 = tpu.unpack_subelements %bitcast3A_1066, 0 {pack_format = #tpu.pack_format<interleaved>} : vector<32xbf16> -> vector<16xf32>
            %unpack3A_1068 = tpu.unpack_subelements %bitcast3A_1066, 1 {pack_format = #tpu.pack_format<interleaved>} : vector<32xbf16> -> vector<16xf32>
            %mul3A_1069 = arith.mulf %gather3A_301, %unpack3A_1067 : vector<16xf32>
            %add3A_1070 = arith.addf %add3A_1057, %mul3A_1069 : vector<16xf32>
            %mul3A_1071 = arith.mulf %gather3A_301, %unpack3A_1068 : vector<16xf32>
            %add3A_1072 = arith.addf %add3A_1059, %mul3A_1071 : vector<16xf32>
            %add3A_1073 = arith.constant 5 : i32
            %add3A_1074 = arith.addi %mul3A_266, %add3A_1073 : i32
            %get3A_1075 = arith.index_cast %select_n3A_196 : i32 to index
            %get3A_1076 = arith.index_cast %add3A_1074 : i32 to index
            %get3A_1077 = arith.constant 48 : index
            %get3A_1078 = tpu.vector_load %arg8[%get3A_1075, %get3A_1076, %get3A_1077] {strides = array<i32>} : memref<2x112x128xf32, #tpu.memory_space<vmem>>, vector<16xf32>,
            %bitcast3A_1079 = vector.bitcast %get3A_1078 : vector<16xf32> to vector<32xbf16>
            %unpack3A_1080 = tpu.unpack_subelements %bitcast3A_1079, 0 {pack_format = #tpu.pack_format<interleaved>} : vector<32xbf16> -> vector<16xf32>
            %unpack3A_1081 = tpu.unpack_subelements %bitcast3A_1079, 1 {pack_format = #tpu.pack_format<interleaved>} : vector<32xbf16> -> vector<16xf32>
            %mul3A_1082 = arith.mulf %gather3A_308, %unpack3A_1080 : vector<16xf32>
            %add3A_1083 = arith.addf %add3A_1070, %mul3A_1082 : vector<16xf32>
            %mul3A_1084 = arith.mulf %gather3A_308, %unpack3A_1081 : vector<16xf32>
            %add3A_1085 = arith.addf %add3A_1072, %mul3A_1084 : vector<16xf32>
            %add3A_1086 = arith.constant 6 : i32
            %add3A_1087 = arith.addi %mul3A_266, %add3A_1086 : i32
            %get3A_1088 = arith.index_cast %select_n3A_196 : i32 to index
            %get3A_1089 = arith.index_cast %add3A_1087 : i32 to index
            %get3A_1090 = arith.constant 48 : index
            %get3A_1091 = tpu.vector_load %arg8[%get3A_1088, %get3A_1089, %get3A_1090] {strides = array<i32>} : memref<2x112x128xf32, #tpu.memory_space<vmem>>, vector<16xf32>,
            %bitcast3A_1092 = vector.bitcast %get3A_1091 : vector<16xf32> to vector<32xbf16>
            %unpack3A_1093 = tpu.unpack_subelements %bitcast3A_1092, 0 {pack_format = #tpu.pack_format<interleaved>} : vector<32xbf16> -> vector<16xf32>
            %unpack3A_1094 = tpu.unpack_subelements %bitcast3A_1092, 1 {pack_format = #tpu.pack_format<interleaved>} : vector<32xbf16> -> vector<16xf32>
            %mul3A_1095 = arith.mulf %gather3A_315, %unpack3A_1093 : vector<16xf32>
            %add3A_1096 = arith.addf %add3A_1083, %mul3A_1095 : vector<16xf32>
            %mul3A_1097 = arith.mulf %gather3A_315, %unpack3A_1094 : vector<16xf32>
            %add3A_1098 = arith.addf %add3A_1085, %mul3A_1097 : vector<16xf32>
            %add3A_1099 = arith.constant 7 : i32
            %add3A_1100 = arith.addi %mul3A_266, %add3A_1099 : i32
            %get3A_1101 = arith.index_cast %select_n3A_196 : i32 to index
            %get3A_1102 = arith.index_cast %add3A_1100 : i32 to index
            %get3A_1103 = arith.constant 48 : index
            %get3A_1104 = tpu.vector_load %arg8[%get3A_1101, %get3A_1102, %get3A_1103] {strides = array<i32>} : memref<2x112x128xf32, #tpu.memory_space<vmem>>, vector<16xf32>,
            %bitcast3A_1105 = vector.bitcast %get3A_1104 : vector<16xf32> to vector<32xbf16>
            %unpack3A_1106 = tpu.unpack_subelements %bitcast3A_1105, 0 {pack_format = #tpu.pack_format<interleaved>} : vector<32xbf16> -> vector<16xf32>
            %unpack3A_1107 = tpu.unpack_subelements %bitcast3A_1105, 1 {pack_format = #tpu.pack_format<interleaved>} : vector<32xbf16> -> vector<16xf32>
            %mul3A_1108 = arith.mulf %gather3A_322, %unpack3A_1106 : vector<16xf32>
            %add3A_1109 = arith.addf %add3A_1096, %mul3A_1108 : vector<16xf32>
            %mul3A_1110 = arith.mulf %gather3A_322, %unpack3A_1107 : vector<16xf32>
            %add3A_1111 = arith.addf %add3A_1098, %mul3A_1110 : vector<16xf32>
            %add3A_1112 = arith.constant 8 : i32
            %add3A_1113 = arith.addi %mul3A_266, %add3A_1112 : i32
            %get3A_1114 = arith.index_cast %select_n3A_196 : i32 to index
            %get3A_1115 = arith.index_cast %add3A_1113 : i32 to index
            %get3A_1116 = arith.constant 48 : index
            %get3A_1117 = tpu.vector_load %arg8[%get3A_1114, %get3A_1115, %get3A_1116] {strides = array<i32>} : memref<2x112x128xf32, #tpu.memory_space<vmem>>, vector<16xf32>,
            %bitcast3A_1118 = vector.bitcast %get3A_1117 : vector<16xf32> to vector<32xbf16>
            %unpack3A_1119 = tpu.unpack_subelements %bitcast3A_1118, 0 {pack_format = #tpu.pack_format<interleaved>} : vector<32xbf16> -> vector<16xf32>
            %unpack3A_1120 = tpu.unpack_subelements %bitcast3A_1118, 1 {pack_format = #tpu.pack_format<interleaved>} : vector<32xbf16> -> vector<16xf32>
            %mul3A_1121 = arith.mulf %gather3A_329, %unpack3A_1119 : vector<16xf32>
            %add3A_1122 = arith.addf %add3A_1109, %mul3A_1121 : vector<16xf32>
            %mul3A_1123 = arith.mulf %gather3A_329, %unpack3A_1120 : vector<16xf32>
            %add3A_1124 = arith.addf %add3A_1111, %mul3A_1123 : vector<16xf32>
            %add3A_1125 = arith.constant 9 : i32
            %add3A_1126 = arith.addi %mul3A_266, %add3A_1125 : i32
            %get3A_1127 = arith.index_cast %select_n3A_196 : i32 to index
            %get3A_1128 = arith.index_cast %add3A_1126 : i32 to index
            %get3A_1129 = arith.constant 48 : index
            %get3A_1130 = tpu.vector_load %arg8[%get3A_1127, %get3A_1128, %get3A_1129] {strides = array<i32>} : memref<2x112x128xf32, #tpu.memory_space<vmem>>, vector<16xf32>,
            %bitcast3A_1131 = vector.bitcast %get3A_1130 : vector<16xf32> to vector<32xbf16>
            %unpack3A_1132 = tpu.unpack_subelements %bitcast3A_1131, 0 {pack_format = #tpu.pack_format<interleaved>} : vector<32xbf16> -> vector<16xf32>
            %unpack3A_1133 = tpu.unpack_subelements %bitcast3A_1131, 1 {pack_format = #tpu.pack_format<interleaved>} : vector<32xbf16> -> vector<16xf32>
            %mul3A_1134 = arith.mulf %gather3A_336, %unpack3A_1132 : vector<16xf32>
            %add3A_1135 = arith.addf %add3A_1122, %mul3A_1134 : vector<16xf32>
            %mul3A_1136 = arith.mulf %gather3A_336, %unpack3A_1133 : vector<16xf32>
            %add3A_1137 = arith.addf %add3A_1124, %mul3A_1136 : vector<16xf32>
            %add3A_1138 = arith.constant 10 : i32
            %add3A_1139 = arith.addi %mul3A_266, %add3A_1138 : i32
            %get3A_1140 = arith.index_cast %select_n3A_196 : i32 to index
            %get3A_1141 = arith.index_cast %add3A_1139 : i32 to index
            %get3A_1142 = arith.constant 48 : index
            %get3A_1143 = tpu.vector_load %arg8[%get3A_1140, %get3A_1141, %get3A_1142] {strides = array<i32>} : memref<2x112x128xf32, #tpu.memory_space<vmem>>, vector<16xf32>,
            %bitcast3A_1144 = vector.bitcast %get3A_1143 : vector<16xf32> to vector<32xbf16>
            %unpack3A_1145 = tpu.unpack_subelements %bitcast3A_1144, 0 {pack_format = #tpu.pack_format<interleaved>} : vector<32xbf16> -> vector<16xf32>
            %unpack3A_1146 = tpu.unpack_subelements %bitcast3A_1144, 1 {pack_format = #tpu.pack_format<interleaved>} : vector<32xbf16> -> vector<16xf32>
            %mul3A_1147 = arith.mulf %gather3A_343, %unpack3A_1145 : vector<16xf32>
            %add3A_1148 = arith.addf %add3A_1135, %mul3A_1147 : vector<16xf32>
            %mul3A_1149 = arith.mulf %gather3A_343, %unpack3A_1146 : vector<16xf32>
            %add3A_1150 = arith.addf %add3A_1137, %mul3A_1149 : vector<16xf32>
            %add3A_1151 = arith.constant 11 : i32
            %add3A_1152 = arith.addi %mul3A_266, %add3A_1151 : i32
            %get3A_1153 = arith.index_cast %select_n3A_196 : i32 to index
            %get3A_1154 = arith.index_cast %add3A_1152 : i32 to index
            %get3A_1155 = arith.constant 48 : index
            %get3A_1156 = tpu.vector_load %arg8[%get3A_1153, %get3A_1154, %get3A_1155] {strides = array<i32>} : memref<2x112x128xf32, #tpu.memory_space<vmem>>, vector<16xf32>,
            %bitcast3A_1157 = vector.bitcast %get3A_1156 : vector<16xf32> to vector<32xbf16>
            %unpack3A_1158 = tpu.unpack_subelements %bitcast3A_1157, 0 {pack_format = #tpu.pack_format<interleaved>} : vector<32xbf16> -> vector<16xf32>
            %unpack3A_1159 = tpu.unpack_subelements %bitcast3A_1157, 1 {pack_format = #tpu.pack_format<interleaved>} : vector<32xbf16> -> vector<16xf32>
            %mul3A_1160 = arith.mulf %gather3A_350, %unpack3A_1158 : vector<16xf32>
            %add3A_1161 = arith.addf %add3A_1148, %mul3A_1160 : vector<16xf32>
            %mul3A_1162 = arith.mulf %gather3A_350, %unpack3A_1159 : vector<16xf32>
            %add3A_1163 = arith.addf %add3A_1150, %mul3A_1162 : vector<16xf32>
            %add3A_1164 = arith.constant 12 : i32
            %add3A_1165 = arith.addi %mul3A_266, %add3A_1164 : i32
            %get3A_1166 = arith.index_cast %select_n3A_196 : i32 to index
            %get3A_1167 = arith.index_cast %add3A_1165 : i32 to index
            %get3A_1168 = arith.constant 48 : index
            %get3A_1169 = tpu.vector_load %arg8[%get3A_1166, %get3A_1167, %get3A_1168] {strides = array<i32>} : memref<2x112x128xf32, #tpu.memory_space<vmem>>, vector<16xf32>,
            %bitcast3A_1170 = vector.bitcast %get3A_1169 : vector<16xf32> to vector<32xbf16>
            %unpack3A_1171 = tpu.unpack_subelements %bitcast3A_1170, 0 {pack_format = #tpu.pack_format<interleaved>} : vector<32xbf16> -> vector<16xf32>
            %unpack3A_1172 = tpu.unpack_subelements %bitcast3A_1170, 1 {pack_format = #tpu.pack_format<interleaved>} : vector<32xbf16> -> vector<16xf32>
            %mul3A_1173 = arith.mulf %gather3A_357, %unpack3A_1171 : vector<16xf32>
            %add3A_1174 = arith.addf %add3A_1161, %mul3A_1173 : vector<16xf32>
            %mul3A_1175 = arith.mulf %gather3A_357, %unpack3A_1172 : vector<16xf32>
            %add3A_1176 = arith.addf %add3A_1163, %mul3A_1175 : vector<16xf32>
            %add3A_1177 = arith.constant 13 : i32
            %add3A_1178 = arith.addi %mul3A_266, %add3A_1177 : i32
            %get3A_1179 = arith.index_cast %select_n3A_196 : i32 to index
            %get3A_1180 = arith.index_cast %add3A_1178 : i32 to index
            %get3A_1181 = arith.constant 48 : index
            %get3A_1182 = tpu.vector_load %arg8[%get3A_1179, %get3A_1180, %get3A_1181] {strides = array<i32>} : memref<2x112x128xf32, #tpu.memory_space<vmem>>, vector<16xf32>,
            %bitcast3A_1183 = vector.bitcast %get3A_1182 : vector<16xf32> to vector<32xbf16>
            %unpack3A_1184 = tpu.unpack_subelements %bitcast3A_1183, 0 {pack_format = #tpu.pack_format<interleaved>} : vector<32xbf16> -> vector<16xf32>
            %unpack3A_1185 = tpu.unpack_subelements %bitcast3A_1183, 1 {pack_format = #tpu.pack_format<interleaved>} : vector<32xbf16> -> vector<16xf32>
            %mul3A_1186 = arith.mulf %gather3A_364, %unpack3A_1184 : vector<16xf32>
            %add3A_1187 = arith.addf %add3A_1174, %mul3A_1186 : vector<16xf32>
            %mul3A_1188 = arith.mulf %gather3A_364, %unpack3A_1185 : vector<16xf32>
            %add3A_1189 = arith.addf %add3A_1176, %mul3A_1188 : vector<16xf32>
            %add3A_1190 = arith.constant 14 : i32
            %add3A_1191 = arith.addi %mul3A_266, %add3A_1190 : i32
            %get3A_1192 = arith.index_cast %select_n3A_196 : i32 to index
            %get3A_1193 = arith.index_cast %add3A_1191 : i32 to index
            %get3A_1194 = arith.constant 48 : index
            %get3A_1195 = tpu.vector_load %arg8[%get3A_1192, %get3A_1193, %get3A_1194] {strides = array<i32>} : memref<2x112x128xf32, #tpu.memory_space<vmem>>, vector<16xf32>,
            %bitcast3A_1196 = vector.bitcast %get3A_1195 : vector<16xf32> to vector<32xbf16>
            %unpack3A_1197 = tpu.unpack_subelements %bitcast3A_1196, 0 {pack_format = #tpu.pack_format<interleaved>} : vector<32xbf16> -> vector<16xf32>
            %unpack3A_1198 = tpu.unpack_subelements %bitcast3A_1196, 1 {pack_format = #tpu.pack_format<interleaved>} : vector<32xbf16> -> vector<16xf32>
            %mul3A_1199 = arith.mulf %gather3A_371, %unpack3A_1197 : vector<16xf32>
            %add3A_1200 = arith.addf %add3A_1187, %mul3A_1199 : vector<16xf32>
            %mul3A_1201 = arith.mulf %gather3A_371, %unpack3A_1198 : vector<16xf32>
            %add3A_1202 = arith.addf %add3A_1189, %mul3A_1201 : vector<16xf32>
            %add3A_1203 = arith.constant 15 : i32
            %add3A_1204 = arith.addi %mul3A_266, %add3A_1203 : i32
            %get3A_1205 = arith.index_cast %select_n3A_196 : i32 to index
            %get3A_1206 = arith.index_cast %add3A_1204 : i32 to index
            %get3A_1207 = arith.constant 48 : index
            %get3A_1208 = tpu.vector_load %arg8[%get3A_1205, %get3A_1206, %get3A_1207] {strides = array<i32>} : memref<2x112x128xf32, #tpu.memory_space<vmem>>, vector<16xf32>,
            %bitcast3A_1209 = vector.bitcast %get3A_1208 : vector<16xf32> to vector<32xbf16>
            %unpack3A_1210 = tpu.unpack_subelements %bitcast3A_1209, 0 {pack_format = #tpu.pack_format<interleaved>} : vector<32xbf16> -> vector<16xf32>
            %unpack3A_1211 = tpu.unpack_subelements %bitcast3A_1209, 1 {pack_format = #tpu.pack_format<interleaved>} : vector<32xbf16> -> vector<16xf32>
            %mul3A_1212 = arith.mulf %gather3A_378, %unpack3A_1210 : vector<16xf32>
            %add3A_1213 = arith.addf %add3A_1200, %mul3A_1212 : vector<16xf32>
            %mul3A_1214 = arith.mulf %gather3A_378, %unpack3A_1211 : vector<16xf32>
            %add3A_1215 = arith.addf %add3A_1202, %mul3A_1214 : vector<16xf32>
            %add3A_1216 = arith.constant 4704 : i32
            %add3A_1217 = arith.addi %mul3A_156, %add3A_1216 : i32
            %add3A_1218 = arith.addi %add3A_1217, %add3A_264 : i32
            %add3A_1219 = vector.broadcast %add3A_1218 : i32 to vector<16xi32>
            %add3A_1220 = arith.addi %mul3A_39, %add3A_1219 : vector<16xi32>
            tpu.vector_store_idx %arg9[%add3A_1220], %add3A_1213 : memref<25088xf32, #tpu.memory_space<vmem>>[vector<16xi32>], vector<16xf32>,
            %add3A_1221 = arith.constant 49 : i32
            %add3A_1222 = vector.broadcast %add3A_1221 : i32 to vector<16xi32>
            %add3A_1223 = arith.addi %add3A_1220, %add3A_1222 : vector<16xi32>
            tpu.vector_store_idx %arg9[%add3A_1223], %add3A_1215 : memref<25088xf32, #tpu.memory_space<vmem>>[vector<16xi32>], vector<16xf32>,
            %get3A_1224 = arith.index_cast %select_n3A_196 : i32 to index
            %get3A_1225 = arith.index_cast %mul3A_266 : i32 to index
            %get3A_1226 = arith.constant 64 : index
            %get3A_1227 = tpu.vector_load %arg8[%get3A_1224, %get3A_1225, %get3A_1226] {strides = array<i32>} : memref<2x112x128xf32, #tpu.memory_space<vmem>>, vector<16xf32>,
            %bitcast3A_1228 = vector.bitcast %get3A_1227 : vector<16xf32> to vector<32xbf16>
            %unpack3A_1229 = tpu.unpack_subelements %bitcast3A_1228, 0 {pack_format = #tpu.pack_format<interleaved>} : vector<32xbf16> -> vector<16xf32>
            %unpack3A_1230 = tpu.unpack_subelements %bitcast3A_1228, 1 {pack_format = #tpu.pack_format<interleaved>} : vector<32xbf16> -> vector<16xf32>
            %mul3A_1231 = arith.mulf %gather3A_273, %unpack3A_1229 : vector<16xf32>
            %mul3A_1232 = arith.mulf %gather3A_273, %unpack3A_1230 : vector<16xf32>
            %add3A_1233 = arith.constant 1 : i32
            %add3A_1234 = arith.addi %mul3A_266, %add3A_1233 : i32
            %get3A_1235 = arith.index_cast %select_n3A_196 : i32 to index
            %get3A_1236 = arith.index_cast %add3A_1234 : i32 to index
            %get3A_1237 = arith.constant 64 : index
            %get3A_1238 = tpu.vector_load %arg8[%get3A_1235, %get3A_1236, %get3A_1237] {strides = array<i32>} : memref<2x112x128xf32, #tpu.memory_space<vmem>>, vector<16xf32>,
            %bitcast3A_1239 = vector.bitcast %get3A_1238 : vector<16xf32> to vector<32xbf16>
            %unpack3A_1240 = tpu.unpack_subelements %bitcast3A_1239, 0 {pack_format = #tpu.pack_format<interleaved>} : vector<32xbf16> -> vector<16xf32>
            %unpack3A_1241 = tpu.unpack_subelements %bitcast3A_1239, 1 {pack_format = #tpu.pack_format<interleaved>} : vector<32xbf16> -> vector<16xf32>
            %mul3A_1242 = arith.mulf %gather3A_280, %unpack3A_1240 : vector<16xf32>
            %add3A_1243 = arith.addf %mul3A_1231, %mul3A_1242 : vector<16xf32>
            %mul3A_1244 = arith.mulf %gather3A_280, %unpack3A_1241 : vector<16xf32>
            %add3A_1245 = arith.addf %mul3A_1232, %mul3A_1244 : vector<16xf32>
            %add3A_1246 = arith.constant 2 : i32
            %add3A_1247 = arith.addi %mul3A_266, %add3A_1246 : i32
            %get3A_1248 = arith.index_cast %select_n3A_196 : i32 to index
            %get3A_1249 = arith.index_cast %add3A_1247 : i32 to index
            %get3A_1250 = arith.constant 64 : index
            %get3A_1251 = tpu.vector_load %arg8[%get3A_1248, %get3A_1249, %get3A_1250] {strides = array<i32>} : memref<2x112x128xf32, #tpu.memory_space<vmem>>, vector<16xf32>,
            %bitcast3A_1252 = vector.bitcast %get3A_1251 : vector<16xf32> to vector<32xbf16>
            %unpack3A_1253 = tpu.unpack_subelements %bitcast3A_1252, 0 {pack_format = #tpu.pack_format<interleaved>} : vector<32xbf16> -> vector<16xf32>
            %unpack3A_1254 = tpu.unpack_subelements %bitcast3A_1252, 1 {pack_format = #tpu.pack_format<interleaved>} : vector<32xbf16> -> vector<16xf32>
            %mul3A_1255 = arith.mulf %gather3A_287, %unpack3A_1253 : vector<16xf32>
            %add3A_1256 = arith.addf %add3A_1243, %mul3A_1255 : vector<16xf32>
            %mul3A_1257 = arith.mulf %gather3A_287, %unpack3A_1254 : vector<16xf32>
            %add3A_1258 = arith.addf %add3A_1245, %mul3A_1257 : vector<16xf32>
            %add3A_1259 = arith.constant 3 : i32
            %add3A_1260 = arith.addi %mul3A_266, %add3A_1259 : i32
            %get3A_1261 = arith.index_cast %select_n3A_196 : i32 to index
            %get3A_1262 = arith.index_cast %add3A_1260 : i32 to index
            %get3A_1263 = arith.constant 64 : index
            %get3A_1264 = tpu.vector_load %arg8[%get3A_1261, %get3A_1262, %get3A_1263] {strides = array<i32>} : memref<2x112x128xf32, #tpu.memory_space<vmem>>, vector<16xf32>,
            %bitcast3A_1265 = vector.bitcast %get3A_1264 : vector<16xf32> to vector<32xbf16>
            %unpack3A_1266 = tpu.unpack_subelements %bitcast3A_1265, 0 {pack_format = #tpu.pack_format<interleaved>} : vector<32xbf16> -> vector<16xf32>
            %unpack3A_1267 = tpu.unpack_subelements %bitcast3A_1265, 1 {pack_format = #tpu.pack_format<interleaved>} : vector<32xbf16> -> vector<16xf32>
            %mul3A_1268 = arith.mulf %gather3A_294, %unpack3A_1266 : vector<16xf32>
            %add3A_1269 = arith.addf %add3A_1256, %mul3A_1268 : vector<16xf32>
            %mul3A_1270 = arith.mulf %gather3A_294, %unpack3A_1267 : vector<16xf32>
            %add3A_1271 = arith.addf %add3A_1258, %mul3A_1270 : vector<16xf32>
            %add3A_1272 = arith.constant 4 : i32
            %add3A_1273 = arith.addi %mul3A_266, %add3A_1272 : i32
            %get3A_1274 = arith.index_cast %select_n3A_196 : i32 to index
            %get3A_1275 = arith.index_cast %add3A_1273 : i32 to index
            %get3A_1276 = arith.constant 64 : index
            %get3A_1277 = tpu.vector_load %arg8[%get3A_1274, %get3A_1275, %get3A_1276] {strides = array<i32>} : memref<2x112x128xf32, #tpu.memory_space<vmem>>, vector<16xf32>,
            %bitcast3A_1278 = vector.bitcast %get3A_1277 : vector<16xf32> to vector<32xbf16>
            %unpack3A_1279 = tpu.unpack_subelements %bitcast3A_1278, 0 {pack_format = #tpu.pack_format<interleaved>} : vector<32xbf16> -> vector<16xf32>
            %unpack3A_1280 = tpu.unpack_subelements %bitcast3A_1278, 1 {pack_format = #tpu.pack_format<interleaved>} : vector<32xbf16> -> vector<16xf32>
            %mul3A_1281 = arith.mulf %gather3A_301, %unpack3A_1279 : vector<16xf32>
            %add3A_1282 = arith.addf %add3A_1269, %mul3A_1281 : vector<16xf32>
            %mul3A_1283 = arith.mulf %gather3A_301, %unpack3A_1280 : vector<16xf32>
            %add3A_1284 = arith.addf %add3A_1271, %mul3A_1283 : vector<16xf32>
            %add3A_1285 = arith.constant 5 : i32
            %add3A_1286 = arith.addi %mul3A_266, %add3A_1285 : i32
            %get3A_1287 = arith.index_cast %select_n3A_196 : i32 to index
            %get3A_1288 = arith.index_cast %add3A_1286 : i32 to index
            %get3A_1289 = arith.constant 64 : index
            %get3A_1290 = tpu.vector_load %arg8[%get3A_1287, %get3A_1288, %get3A_1289] {strides = array<i32>} : memref<2x112x128xf32, #tpu.memory_space<vmem>>, vector<16xf32>,
            %bitcast3A_1291 = vector.bitcast %get3A_1290 : vector<16xf32> to vector<32xbf16>
            %unpack3A_1292 = tpu.unpack_subelements %bitcast3A_1291, 0 {pack_format = #tpu.pack_format<interleaved>} : vector<32xbf16> -> vector<16xf32>
            %unpack3A_1293 = tpu.unpack_subelements %bitcast3A_1291, 1 {pack_format = #tpu.pack_format<interleaved>} : vector<32xbf16> -> vector<16xf32>
            %mul3A_1294 = arith.mulf %gather3A_308, %unpack3A_1292 : vector<16xf32>
            %add3A_1295 = arith.addf %add3A_1282, %mul3A_1294 : vector<16xf32>
            %mul3A_1296 = arith.mulf %gather3A_308, %unpack3A_1293 : vector<16xf32>
            %add3A_1297 = arith.addf %add3A_1284, %mul3A_1296 : vector<16xf32>
            %add3A_1298 = arith.constant 6 : i32
            %add3A_1299 = arith.addi %mul3A_266, %add3A_1298 : i32
            %get3A_1300 = arith.index_cast %select_n3A_196 : i32 to index
            %get3A_1301 = arith.index_cast %add3A_1299 : i32 to index
            %get3A_1302 = arith.constant 64 : index
            %get3A_1303 = tpu.vector_load %arg8[%get3A_1300, %get3A_1301, %get3A_1302] {strides = array<i32>} : memref<2x112x128xf32, #tpu.memory_space<vmem>>, vector<16xf32>,
            %bitcast3A_1304 = vector.bitcast %get3A_1303 : vector<16xf32> to vector<32xbf16>
            %unpack3A_1305 = tpu.unpack_subelements %bitcast3A_1304, 0 {pack_format = #tpu.pack_format<interleaved>} : vector<32xbf16> -> vector<16xf32>
            %unpack3A_1306 = tpu.unpack_subelements %bitcast3A_1304, 1 {pack_format = #tpu.pack_format<interleaved>} : vector<32xbf16> -> vector<16xf32>
            %mul3A_1307 = arith.mulf %gather3A_315, %unpack3A_1305 : vector<16xf32>
            %add3A_1308 = arith.addf %add3A_1295, %mul3A_1307 : vector<16xf32>
            %mul3A_1309 = arith.mulf %gather3A_315, %unpack3A_1306 : vector<16xf32>
            %add3A_1310 = arith.addf %add3A_1297, %mul3A_1309 : vector<16xf32>
            %add3A_1311 = arith.constant 7 : i32
            %add3A_1312 = arith.addi %mul3A_266, %add3A_1311 : i32
            %get3A_1313 = arith.index_cast %select_n3A_196 : i32 to index
            %get3A_1314 = arith.index_cast %add3A_1312 : i32 to index
            %get3A_1315 = arith.constant 64 : index
            %get3A_1316 = tpu.vector_load %arg8[%get3A_1313, %get3A_1314, %get3A_1315] {strides = array<i32>} : memref<2x112x128xf32, #tpu.memory_space<vmem>>, vector<16xf32>,
            %bitcast3A_1317 = vector.bitcast %get3A_1316 : vector<16xf32> to vector<32xbf16>
            %unpack3A_1318 = tpu.unpack_subelements %bitcast3A_1317, 0 {pack_format = #tpu.pack_format<interleaved>} : vector<32xbf16> -> vector<16xf32>
            %unpack3A_1319 = tpu.unpack_subelements %bitcast3A_1317, 1 {pack_format = #tpu.pack_format<interleaved>} : vector<32xbf16> -> vector<16xf32>
            %mul3A_1320 = arith.mulf %gather3A_322, %unpack3A_1318 : vector<16xf32>
            %add3A_1321 = arith.addf %add3A_1308, %mul3A_1320 : vector<16xf32>
            %mul3A_1322 = arith.mulf %gather3A_322, %unpack3A_1319 : vector<16xf32>
            %add3A_1323 = arith.addf %add3A_1310, %mul3A_1322 : vector<16xf32>
            %add3A_1324 = arith.constant 8 : i32
            %add3A_1325 = arith.addi %mul3A_266, %add3A_1324 : i32
            %get3A_1326 = arith.index_cast %select_n3A_196 : i32 to index
            %get3A_1327 = arith.index_cast %add3A_1325 : i32 to index
            %get3A_1328 = arith.constant 64 : index
            %get3A_1329 = tpu.vector_load %arg8[%get3A_1326, %get3A_1327, %get3A_1328] {strides = array<i32>} : memref<2x112x128xf32, #tpu.memory_space<vmem>>, vector<16xf32>,
            %bitcast3A_1330 = vector.bitcast %get3A_1329 : vector<16xf32> to vector<32xbf16>
            %unpack3A_1331 = tpu.unpack_subelements %bitcast3A_1330, 0 {pack_format = #tpu.pack_format<interleaved>} : vector<32xbf16> -> vector<16xf32>
            %unpack3A_1332 = tpu.unpack_subelements %bitcast3A_1330, 1 {pack_format = #tpu.pack_format<interleaved>} : vector<32xbf16> -> vector<16xf32>
            %mul3A_1333 = arith.mulf %gather3A_329, %unpack3A_1331 : vector<16xf32>
            %add3A_1334 = arith.addf %add3A_1321, %mul3A_1333 : vector<16xf32>
            %mul3A_1335 = arith.mulf %gather3A_329, %unpack3A_1332 : vector<16xf32>
            %add3A_1336 = arith.addf %add3A_1323, %mul3A_1335 : vector<16xf32>
            %add3A_1337 = arith.constant 9 : i32
            %add3A_1338 = arith.addi %mul3A_266, %add3A_1337 : i32
            %get3A_1339 = arith.index_cast %select_n3A_196 : i32 to index
            %get3A_1340 = arith.index_cast %add3A_1338 : i32 to index
            %get3A_1341 = arith.constant 64 : index
            %get3A_1342 = tpu.vector_load %arg8[%get3A_1339, %get3A_1340, %get3A_1341] {strides = array<i32>} : memref<2x112x128xf32, #tpu.memory_space<vmem>>, vector<16xf32>,
            %bitcast3A_1343 = vector.bitcast %get3A_1342 : vector<16xf32> to vector<32xbf16>
            %unpack3A_1344 = tpu.unpack_subelements %bitcast3A_1343, 0 {pack_format = #tpu.pack_format<interleaved>} : vector<32xbf16> -> vector<16xf32>
            %unpack3A_1345 = tpu.unpack_subelements %bitcast3A_1343, 1 {pack_format = #tpu.pack_format<interleaved>} : vector<32xbf16> -> vector<16xf32>
            %mul3A_1346 = arith.mulf %gather3A_336, %unpack3A_1344 : vector<16xf32>
            %add3A_1347 = arith.addf %add3A_1334, %mul3A_1346 : vector<16xf32>
            %mul3A_1348 = arith.mulf %gather3A_336, %unpack3A_1345 : vector<16xf32>
            %add3A_1349 = arith.addf %add3A_1336, %mul3A_1348 : vector<16xf32>
            %add3A_1350 = arith.constant 10 : i32
            %add3A_1351 = arith.addi %mul3A_266, %add3A_1350 : i32
            %get3A_1352 = arith.index_cast %select_n3A_196 : i32 to index
            %get3A_1353 = arith.index_cast %add3A_1351 : i32 to index
            %get3A_1354 = arith.constant 64 : index
            %get3A_1355 = tpu.vector_load %arg8[%get3A_1352, %get3A_1353, %get3A_1354] {strides = array<i32>} : memref<2x112x128xf32, #tpu.memory_space<vmem>>, vector<16xf32>,
            %bitcast3A_1356 = vector.bitcast %get3A_1355 : vector<16xf32> to vector<32xbf16>
            %unpack3A_1357 = tpu.unpack_subelements %bitcast3A_1356, 0 {pack_format = #tpu.pack_format<interleaved>} : vector<32xbf16> -> vector<16xf32>
            %unpack3A_1358 = tpu.unpack_subelements %bitcast3A_1356, 1 {pack_format = #tpu.pack_format<interleaved>} : vector<32xbf16> -> vector<16xf32>
            %mul3A_1359 = arith.mulf %gather3A_343, %unpack3A_1357 : vector<16xf32>
            %add3A_1360 = arith.addf %add3A_1347, %mul3A_1359 : vector<16xf32>
            %mul3A_1361 = arith.mulf %gather3A_343, %unpack3A_1358 : vector<16xf32>
            %add3A_1362 = arith.addf %add3A_1349, %mul3A_1361 : vector<16xf32>
            %add3A_1363 = arith.constant 11 : i32
            %add3A_1364 = arith.addi %mul3A_266, %add3A_1363 : i32
            %get3A_1365 = arith.index_cast %select_n3A_196 : i32 to index
            %get3A_1366 = arith.index_cast %add3A_1364 : i32 to index
            %get3A_1367 = arith.constant 64 : index
            %get3A_1368 = tpu.vector_load %arg8[%get3A_1365, %get3A_1366, %get3A_1367] {strides = array<i32>} : memref<2x112x128xf32, #tpu.memory_space<vmem>>, vector<16xf32>,
            %bitcast3A_1369 = vector.bitcast %get3A_1368 : vector<16xf32> to vector<32xbf16>
            %unpack3A_1370 = tpu.unpack_subelements %bitcast3A_1369, 0 {pack_format = #tpu.pack_format<interleaved>} : vector<32xbf16> -> vector<16xf32>
            %unpack3A_1371 = tpu.unpack_subelements %bitcast3A_1369, 1 {pack_format = #tpu.pack_format<interleaved>} : vector<32xbf16> -> vector<16xf32>
            %mul3A_1372 = arith.mulf %gather3A_350, %unpack3A_1370 : vector<16xf32>
            %add3A_1373 = arith.addf %add3A_1360, %mul3A_1372 : vector<16xf32>
            %mul3A_1374 = arith.mulf %gather3A_350, %unpack3A_1371 : vector<16xf32>
            %add3A_1375 = arith.addf %add3A_1362, %mul3A_1374 : vector<16xf32>
            %add3A_1376 = arith.constant 12 : i32
            %add3A_1377 = arith.addi %mul3A_266, %add3A_1376 : i32
            %get3A_1378 = arith.index_cast %select_n3A_196 : i32 to index
            %get3A_1379 = arith.index_cast %add3A_1377 : i32 to index
            %get3A_1380 = arith.constant 64 : index
            %get3A_1381 = tpu.vector_load %arg8[%get3A_1378, %get3A_1379, %get3A_1380] {strides = array<i32>} : memref<2x112x128xf32, #tpu.memory_space<vmem>>, vector<16xf32>,
            %bitcast3A_1382 = vector.bitcast %get3A_1381 : vector<16xf32> to vector<32xbf16>
            %unpack3A_1383 = tpu.unpack_subelements %bitcast3A_1382, 0 {pack_format = #tpu.pack_format<interleaved>} : vector<32xbf16> -> vector<16xf32>
            %unpack3A_1384 = tpu.unpack_subelements %bitcast3A_1382, 1 {pack_format = #tpu.pack_format<interleaved>} : vector<32xbf16> -> vector<16xf32>
            %mul3A_1385 = arith.mulf %gather3A_357, %unpack3A_1383 : vector<16xf32>
            %add3A_1386 = arith.addf %add3A_1373, %mul3A_1385 : vector<16xf32>
            %mul3A_1387 = arith.mulf %gather3A_357, %unpack3A_1384 : vector<16xf32>
            %add3A_1388 = arith.addf %add3A_1375, %mul3A_1387 : vector<16xf32>
            %add3A_1389 = arith.constant 13 : i32
            %add3A_1390 = arith.addi %mul3A_266, %add3A_1389 : i32
            %get3A_1391 = arith.index_cast %select_n3A_196 : i32 to index
            %get3A_1392 = arith.index_cast %add3A_1390 : i32 to index
            %get3A_1393 = arith.constant 64 : index
            %get3A_1394 = tpu.vector_load %arg8[%get3A_1391, %get3A_1392, %get3A_1393] {strides = array<i32>} : memref<2x112x128xf32, #tpu.memory_space<vmem>>, vector<16xf32>,
            %bitcast3A_1395 = vector.bitcast %get3A_1394 : vector<16xf32> to vector<32xbf16>
            %unpack3A_1396 = tpu.unpack_subelements %bitcast3A_1395, 0 {pack_format = #tpu.pack_format<interleaved>} : vector<32xbf16> -> vector<16xf32>
            %unpack3A_1397 = tpu.unpack_subelements %bitcast3A_1395, 1 {pack_format = #tpu.pack_format<interleaved>} : vector<32xbf16> -> vector<16xf32>
            %mul3A_1398 = arith.mulf %gather3A_364, %unpack3A_1396 : vector<16xf32>
            %add3A_1399 = arith.addf %add3A_1386, %mul3A_1398 : vector<16xf32>
            %mul3A_1400 = arith.mulf %gather3A_364, %unpack3A_1397 : vector<16xf32>
            %add3A_1401 = arith.addf %add3A_1388, %mul3A_1400 : vector<16xf32>
            %add3A_1402 = arith.constant 14 : i32
            %add3A_1403 = arith.addi %mul3A_266, %add3A_1402 : i32
            %get3A_1404 = arith.index_cast %select_n3A_196 : i32 to index
            %get3A_1405 = arith.index_cast %add3A_1403 : i32 to index
            %get3A_1406 = arith.constant 64 : index
            %get3A_1407 = tpu.vector_load %arg8[%get3A_1404, %get3A_1405, %get3A_1406] {strides = array<i32>} : memref<2x112x128xf32, #tpu.memory_space<vmem>>, vector<16xf32>,
            %bitcast3A_1408 = vector.bitcast %get3A_1407 : vector<16xf32> to vector<32xbf16>
            %unpack3A_1409 = tpu.unpack_subelements %bitcast3A_1408, 0 {pack_format = #tpu.pack_format<interleaved>} : vector<32xbf16> -> vector<16xf32>
            %unpack3A_1410 = tpu.unpack_subelements %bitcast3A_1408, 1 {pack_format = #tpu.pack_format<interleaved>} : vector<32xbf16> -> vector<16xf32>
            %mul3A_1411 = arith.mulf %gather3A_371, %unpack3A_1409 : vector<16xf32>
            %add3A_1412 = arith.addf %add3A_1399, %mul3A_1411 : vector<16xf32>
            %mul3A_1413 = arith.mulf %gather3A_371, %unpack3A_1410 : vector<16xf32>
            %add3A_1414 = arith.addf %add3A_1401, %mul3A_1413 : vector<16xf32>
            %add3A_1415 = arith.constant 15 : i32
            %add3A_1416 = arith.addi %mul3A_266, %add3A_1415 : i32
            %get3A_1417 = arith.index_cast %select_n3A_196 : i32 to index
            %get3A_1418 = arith.index_cast %add3A_1416 : i32 to index
            %get3A_1419 = arith.constant 64 : index
            %get3A_1420 = tpu.vector_load %arg8[%get3A_1417, %get3A_1418, %get3A_1419] {strides = array<i32>} : memref<2x112x128xf32, #tpu.memory_space<vmem>>, vector<16xf32>,
            %bitcast3A_1421 = vector.bitcast %get3A_1420 : vector<16xf32> to vector<32xbf16>
            %unpack3A_1422 = tpu.unpack_subelements %bitcast3A_1421, 0 {pack_format = #tpu.pack_format<interleaved>} : vector<32xbf16> -> vector<16xf32>
            %unpack3A_1423 = tpu.unpack_subelements %bitcast3A_1421, 1 {pack_format = #tpu.pack_format<interleaved>} : vector<32xbf16> -> vector<16xf32>
            %mul3A_1424 = arith.mulf %gather3A_378, %unpack3A_1422 : vector<16xf32>
            %add3A_1425 = arith.addf %add3A_1412, %mul3A_1424 : vector<16xf32>
            %mul3A_1426 = arith.mulf %gather3A_378, %unpack3A_1423 : vector<16xf32>
            %add3A_1427 = arith.addf %add3A_1414, %mul3A_1426 : vector<16xf32>
            %add3A_1428 = arith.constant 6272 : i32
            %add3A_1429 = arith.addi %mul3A_156, %add3A_1428 : i32
            %add3A_1430 = arith.addi %add3A_1429, %add3A_264 : i32
            %add3A_1431 = vector.broadcast %add3A_1430 : i32 to vector<16xi32>
            %add3A_1432 = arith.addi %mul3A_39, %add3A_1431 : vector<16xi32>
            tpu.vector_store_idx %arg9[%add3A_1432], %add3A_1425 : memref<25088xf32, #tpu.memory_space<vmem>>[vector<16xi32>], vector<16xf32>,
            %add3A_1433 = arith.constant 49 : i32
            %add3A_1434 = vector.broadcast %add3A_1433 : i32 to vector<16xi32>
            %add3A_1435 = arith.addi %add3A_1432, %add3A_1434 : vector<16xi32>
            tpu.vector_store_idx %arg9[%add3A_1435], %add3A_1427 : memref<25088xf32, #tpu.memory_space<vmem>>[vector<16xi32>], vector<16xf32>,
            %get3A_1436 = arith.index_cast %select_n3A_196 : i32 to index
            %get3A_1437 = arith.index_cast %mul3A_266 : i32 to index
            %get3A_1438 = arith.constant 80 : index
            %get3A_1439 = tpu.vector_load %arg8[%get3A_1436, %get3A_1437, %get3A_1438] {strides = array<i32>} : memref<2x112x128xf32, #tpu.memory_space<vmem>>, vector<16xf32>,
            %bitcast3A_1440 = vector.bitcast %get3A_1439 : vector<16xf32> to vector<32xbf16>
            %unpack3A_1441 = tpu.unpack_subelements %bitcast3A_1440, 0 {pack_format = #tpu.pack_format<interleaved>} : vector<32xbf16> -> vector<16xf32>
            %unpack3A_1442 = tpu.unpack_subelements %bitcast3A_1440, 1 {pack_format = #tpu.pack_format<interleaved>} : vector<32xbf16> -> vector<16xf32>
            %mul3A_1443 = arith.mulf %gather3A_273, %unpack3A_1441 : vector<16xf32>
            %mul3A_1444 = arith.mulf %gather3A_273, %unpack3A_1442 : vector<16xf32>
            %add3A_1445 = arith.constant 1 : i32
            %add3A_1446 = arith.addi %mul3A_266, %add3A_1445 : i32
            %get3A_1447 = arith.index_cast %select_n3A_196 : i32 to index
            %get3A_1448 = arith.index_cast %add3A_1446 : i32 to index
            %get3A_1449 = arith.constant 80 : index
            %get3A_1450 = tpu.vector_load %arg8[%get3A_1447, %get3A_1448, %get3A_1449] {strides = array<i32>} : memref<2x112x128xf32, #tpu.memory_space<vmem>>, vector<16xf32>,
            %bitcast3A_1451 = vector.bitcast %get3A_1450 : vector<16xf32> to vector<32xbf16>
            %unpack3A_1452 = tpu.unpack_subelements %bitcast3A_1451, 0 {pack_format = #tpu.pack_format<interleaved>} : vector<32xbf16> -> vector<16xf32>
            %unpack3A_1453 = tpu.unpack_subelements %bitcast3A_1451, 1 {pack_format = #tpu.pack_format<interleaved>} : vector<32xbf16> -> vector<16xf32>
            %mul3A_1454 = arith.mulf %gather3A_280, %unpack3A_1452 : vector<16xf32>
            %add3A_1455 = arith.addf %mul3A_1443, %mul3A_1454 : vector<16xf32>
            %mul3A_1456 = arith.mulf %gather3A_280, %unpack3A_1453 : vector<16xf32>
            %add3A_1457 = arith.addf %mul3A_1444, %mul3A_1456 : vector<16xf32>
            %add3A_1458 = arith.constant 2 : i32
            %add3A_1459 = arith.addi %mul3A_266, %add3A_1458 : i32
            %get3A_1460 = arith.index_cast %select_n3A_196 : i32 to index
            %get3A_1461 = arith.index_cast %add3A_1459 : i32 to index
            %get3A_1462 = arith.constant 80 : index
            %get3A_1463 = tpu.vector_load %arg8[%get3A_1460, %get3A_1461, %get3A_1462] {strides = array<i32>} : memref<2x112x128xf32, #tpu.memory_space<vmem>>, vector<16xf32>,
            %bitcast3A_1464 = vector.bitcast %get3A_1463 : vector<16xf32> to vector<32xbf16>
            %unpack3A_1465 = tpu.unpack_subelements %bitcast3A_1464, 0 {pack_format = #tpu.pack_format<interleaved>} : vector<32xbf16> -> vector<16xf32>
            %unpack3A_1466 = tpu.unpack_subelements %bitcast3A_1464, 1 {pack_format = #tpu.pack_format<interleaved>} : vector<32xbf16> -> vector<16xf32>
            %mul3A_1467 = arith.mulf %gather3A_287, %unpack3A_1465 : vector<16xf32>
            %add3A_1468 = arith.addf %add3A_1455, %mul3A_1467 : vector<16xf32>
            %mul3A_1469 = arith.mulf %gather3A_287, %unpack3A_1466 : vector<16xf32>
            %add3A_1470 = arith.addf %add3A_1457, %mul3A_1469 : vector<16xf32>
            %add3A_1471 = arith.constant 3 : i32
            %add3A_1472 = arith.addi %mul3A_266, %add3A_1471 : i32
            %get3A_1473 = arith.index_cast %select_n3A_196 : i32 to index
            %get3A_1474 = arith.index_cast %add3A_1472 : i32 to index
            %get3A_1475 = arith.constant 80 : index
            %get3A_1476 = tpu.vector_load %arg8[%get3A_1473, %get3A_1474, %get3A_1475] {strides = array<i32>} : memref<2x112x128xf32, #tpu.memory_space<vmem>>, vector<16xf32>,
            %bitcast3A_1477 = vector.bitcast %get3A_1476 : vector<16xf32> to vector<32xbf16>
            %unpack3A_1478 = tpu.unpack_subelements %bitcast3A_1477, 0 {pack_format = #tpu.pack_format<interleaved>} : vector<32xbf16> -> vector<16xf32>
            %unpack3A_1479 = tpu.unpack_subelements %bitcast3A_1477, 1 {pack_format = #tpu.pack_format<interleaved>} : vector<32xbf16> -> vector<16xf32>
            %mul3A_1480 = arith.mulf %gather3A_294, %unpack3A_1478 : vector<16xf32>
            %add3A_1481 = arith.addf %add3A_1468, %mul3A_1480 : vector<16xf32>
            %mul3A_1482 = arith.mulf %gather3A_294, %unpack3A_1479 : vector<16xf32>
            %add3A_1483 = arith.addf %add3A_1470, %mul3A_1482 : vector<16xf32>
            %add3A_1484 = arith.constant 4 : i32
            %add3A_1485 = arith.addi %mul3A_266, %add3A_1484 : i32
            %get3A_1486 = arith.index_cast %select_n3A_196 : i32 to index
            %get3A_1487 = arith.index_cast %add3A_1485 : i32 to index
            %get3A_1488 = arith.constant 80 : index
            %get3A_1489 = tpu.vector_load %arg8[%get3A_1486, %get3A_1487, %get3A_1488] {strides = array<i32>} : memref<2x112x128xf32, #tpu.memory_space<vmem>>, vector<16xf32>,
            %bitcast3A_1490 = vector.bitcast %get3A_1489 : vector<16xf32> to vector<32xbf16>
            %unpack3A_1491 = tpu.unpack_subelements %bitcast3A_1490, 0 {pack_format = #tpu.pack_format<interleaved>} : vector<32xbf16> -> vector<16xf32>
            %unpack3A_1492 = tpu.unpack_subelements %bitcast3A_1490, 1 {pack_format = #tpu.pack_format<interleaved>} : vector<32xbf16> -> vector<16xf32>
            %mul3A_1493 = arith.mulf %gather3A_301, %unpack3A_1491 : vector<16xf32>
            %add3A_1494 = arith.addf %add3A_1481, %mul3A_1493 : vector<16xf32>
            %mul3A_1495 = arith.mulf %gather3A_301, %unpack3A_1492 : vector<16xf32>
            %add3A_1496 = arith.addf %add3A_1483, %mul3A_1495 : vector<16xf32>
            %add3A_1497 = arith.constant 5 : i32
            %add3A_1498 = arith.addi %mul3A_266, %add3A_1497 : i32
            %get3A_1499 = arith.index_cast %select_n3A_196 : i32 to index
            %get3A_1500 = arith.index_cast %add3A_1498 : i32 to index
            %get3A_1501 = arith.constant 80 : index
            %get3A_1502 = tpu.vector_load %arg8[%get3A_1499, %get3A_1500, %get3A_1501] {strides = array<i32>} : memref<2x112x128xf32, #tpu.memory_space<vmem>>, vector<16xf32>,
            %bitcast3A_1503 = vector.bitcast %get3A_1502 : vector<16xf32> to vector<32xbf16>
            %unpack3A_1504 = tpu.unpack_subelements %bitcast3A_1503, 0 {pack_format = #tpu.pack_format<interleaved>} : vector<32xbf16> -> vector<16xf32>
            %unpack3A_1505 = tpu.unpack_subelements %bitcast3A_1503, 1 {pack_format = #tpu.pack_format<interleaved>} : vector<32xbf16> -> vector<16xf32>
            %mul3A_1506 = arith.mulf %gather3A_308, %unpack3A_1504 : vector<16xf32>
            %add3A_1507 = arith.addf %add3A_1494, %mul3A_1506 : vector<16xf32>
            %mul3A_1508 = arith.mulf %gather3A_308, %unpack3A_1505 : vector<16xf32>
            %add3A_1509 = arith.addf %add3A_1496, %mul3A_1508 : vector<16xf32>
            %add3A_1510 = arith.constant 6 : i32
            %add3A_1511 = arith.addi %mul3A_266, %add3A_1510 : i32
            %get3A_1512 = arith.index_cast %select_n3A_196 : i32 to index
            %get3A_1513 = arith.index_cast %add3A_1511 : i32 to index
            %get3A_1514 = arith.constant 80 : index
            %get3A_1515 = tpu.vector_load %arg8[%get3A_1512, %get3A_1513, %get3A_1514] {strides = array<i32>} : memref<2x112x128xf32, #tpu.memory_space<vmem>>, vector<16xf32>,
            %bitcast3A_1516 = vector.bitcast %get3A_1515 : vector<16xf32> to vector<32xbf16>
            %unpack3A_1517 = tpu.unpack_subelements %bitcast3A_1516, 0 {pack_format = #tpu.pack_format<interleaved>} : vector<32xbf16> -> vector<16xf32>
            %unpack3A_1518 = tpu.unpack_subelements %bitcast3A_1516, 1 {pack_format = #tpu.pack_format<interleaved>} : vector<32xbf16> -> vector<16xf32>
            %mul3A_1519 = arith.mulf %gather3A_315, %unpack3A_1517 : vector<16xf32>
            %add3A_1520 = arith.addf %add3A_1507, %mul3A_1519 : vector<16xf32>
            %mul3A_1521 = arith.mulf %gather3A_315, %unpack3A_1518 : vector<16xf32>
            %add3A_1522 = arith.addf %add3A_1509, %mul3A_1521 : vector<16xf32>
            %add3A_1523 = arith.constant 7 : i32
            %add3A_1524 = arith.addi %mul3A_266, %add3A_1523 : i32
            %get3A_1525 = arith.index_cast %select_n3A_196 : i32 to index
            %get3A_1526 = arith.index_cast %add3A_1524 : i32 to index
            %get3A_1527 = arith.constant 80 : index
            %get3A_1528 = tpu.vector_load %arg8[%get3A_1525, %get3A_1526, %get3A_1527] {strides = array<i32>} : memref<2x112x128xf32, #tpu.memory_space<vmem>>, vector<16xf32>,
            %bitcast3A_1529 = vector.bitcast %get3A_1528 : vector<16xf32> to vector<32xbf16>
            %unpack3A_1530 = tpu.unpack_subelements %bitcast3A_1529, 0 {pack_format = #tpu.pack_format<interleaved>} : vector<32xbf16> -> vector<16xf32>
            %unpack3A_1531 = tpu.unpack_subelements %bitcast3A_1529, 1 {pack_format = #tpu.pack_format<interleaved>} : vector<32xbf16> -> vector<16xf32>
            %mul3A_1532 = arith.mulf %gather3A_322, %unpack3A_1530 : vector<16xf32>
            %add3A_1533 = arith.addf %add3A_1520, %mul3A_1532 : vector<16xf32>
            %mul3A_1534 = arith.mulf %gather3A_322, %unpack3A_1531 : vector<16xf32>
            %add3A_1535 = arith.addf %add3A_1522, %mul3A_1534 : vector<16xf32>
            %add3A_1536 = arith.constant 8 : i32
            %add3A_1537 = arith.addi %mul3A_266, %add3A_1536 : i32
            %get3A_1538 = arith.index_cast %select_n3A_196 : i32 to index
            %get3A_1539 = arith.index_cast %add3A_1537 : i32 to index
            %get3A_1540 = arith.constant 80 : index
            %get3A_1541 = tpu.vector_load %arg8[%get3A_1538, %get3A_1539, %get3A_1540] {strides = array<i32>} : memref<2x112x128xf32, #tpu.memory_space<vmem>>, vector<16xf32>,
            %bitcast3A_1542 = vector.bitcast %get3A_1541 : vector<16xf32> to vector<32xbf16>
            %unpack3A_1543 = tpu.unpack_subelements %bitcast3A_1542, 0 {pack_format = #tpu.pack_format<interleaved>} : vector<32xbf16> -> vector<16xf32>
            %unpack3A_1544 = tpu.unpack_subelements %bitcast3A_1542, 1 {pack_format = #tpu.pack_format<interleaved>} : vector<32xbf16> -> vector<16xf32>
            %mul3A_1545 = arith.mulf %gather3A_329, %unpack3A_1543 : vector<16xf32>
            %add3A_1546 = arith.addf %add3A_1533, %mul3A_1545 : vector<16xf32>
            %mul3A_1547 = arith.mulf %gather3A_329, %unpack3A_1544 : vector<16xf32>
            %add3A_1548 = arith.addf %add3A_1535, %mul3A_1547 : vector<16xf32>
            %add3A_1549 = arith.constant 9 : i32
            %add3A_1550 = arith.addi %mul3A_266, %add3A_1549 : i32
            %get3A_1551 = arith.index_cast %select_n3A_196 : i32 to index
            %get3A_1552 = arith.index_cast %add3A_1550 : i32 to index
            %get3A_1553 = arith.constant 80 : index
            %get3A_1554 = tpu.vector_load %arg8[%get3A_1551, %get3A_1552, %get3A_1553] {strides = array<i32>} : memref<2x112x128xf32, #tpu.memory_space<vmem>>, vector<16xf32>,
            %bitcast3A_1555 = vector.bitcast %get3A_1554 : vector<16xf32> to vector<32xbf16>
            %unpack3A_1556 = tpu.unpack_subelements %bitcast3A_1555, 0 {pack_format = #tpu.pack_format<interleaved>} : vector<32xbf16> -> vector<16xf32>
            %unpack3A_1557 = tpu.unpack_subelements %bitcast3A_1555, 1 {pack_format = #tpu.pack_format<interleaved>} : vector<32xbf16> -> vector<16xf32>
            %mul3A_1558 = arith.mulf %gather3A_336, %unpack3A_1556 : vector<16xf32>
            %add3A_1559 = arith.addf %add3A_1546, %mul3A_1558 : vector<16xf32>
            %mul3A_1560 = arith.mulf %gather3A_336, %unpack3A_1557 : vector<16xf32>
            %add3A_1561 = arith.addf %add3A_1548, %mul3A_1560 : vector<16xf32>
            %add3A_1562 = arith.constant 10 : i32
            %add3A_1563 = arith.addi %mul3A_266, %add3A_1562 : i32
            %get3A_1564 = arith.index_cast %select_n3A_196 : i32 to index
            %get3A_1565 = arith.index_cast %add3A_1563 : i32 to index
            %get3A_1566 = arith.constant 80 : index
            %get3A_1567 = tpu.vector_load %arg8[%get3A_1564, %get3A_1565, %get3A_1566] {strides = array<i32>} : memref<2x112x128xf32, #tpu.memory_space<vmem>>, vector<16xf32>,
            %bitcast3A_1568 = vector.bitcast %get3A_1567 : vector<16xf32> to vector<32xbf16>
            %unpack3A_1569 = tpu.unpack_subelements %bitcast3A_1568, 0 {pack_format = #tpu.pack_format<interleaved>} : vector<32xbf16> -> vector<16xf32>
            %unpack3A_1570 = tpu.unpack_subelements %bitcast3A_1568, 1 {pack_format = #tpu.pack_format<interleaved>} : vector<32xbf16> -> vector<16xf32>
            %mul3A_1571 = arith.mulf %gather3A_343, %unpack3A_1569 : vector<16xf32>
            %add3A_1572 = arith.addf %add3A_1559, %mul3A_1571 : vector<16xf32>
            %mul3A_1573 = arith.mulf %gather3A_343, %unpack3A_1570 : vector<16xf32>
            %add3A_1574 = arith.addf %add3A_1561, %mul3A_1573 : vector<16xf32>
            %add3A_1575 = arith.constant 11 : i32
            %add3A_1576 = arith.addi %mul3A_266, %add3A_1575 : i32
            %get3A_1577 = arith.index_cast %select_n3A_196 : i32 to index
            %get3A_1578 = arith.index_cast %add3A_1576 : i32 to index
            %get3A_1579 = arith.constant 80 : index
            %get3A_1580 = tpu.vector_load %arg8[%get3A_1577, %get3A_1578, %get3A_1579] {strides = array<i32>} : memref<2x112x128xf32, #tpu.memory_space<vmem>>, vector<16xf32>,
            %bitcast3A_1581 = vector.bitcast %get3A_1580 : vector<16xf32> to vector<32xbf16>
            %unpack3A_1582 = tpu.unpack_subelements %bitcast3A_1581, 0 {pack_format = #tpu.pack_format<interleaved>} : vector<32xbf16> -> vector<16xf32>
            %unpack3A_1583 = tpu.unpack_subelements %bitcast3A_1581, 1 {pack_format = #tpu.pack_format<interleaved>} : vector<32xbf16> -> vector<16xf32>
            %mul3A_1584 = arith.mulf %gather3A_350, %unpack3A_1582 : vector<16xf32>
            %add3A_1585 = arith.addf %add3A_1572, %mul3A_1584 : vector<16xf32>
            %mul3A_1586 = arith.mulf %gather3A_350, %unpack3A_1583 : vector<16xf32>
            %add3A_1587 = arith.addf %add3A_1574, %mul3A_1586 : vector<16xf32>
            %add3A_1588 = arith.constant 12 : i32
            %add3A_1589 = arith.addi %mul3A_266, %add3A_1588 : i32
            %get3A_1590 = arith.index_cast %select_n3A_196 : i32 to index
            %get3A_1591 = arith.index_cast %add3A_1589 : i32 to index
            %get3A_1592 = arith.constant 80 : index
            %get3A_1593 = tpu.vector_load %arg8[%get3A_1590, %get3A_1591, %get3A_1592] {strides = array<i32>} : memref<2x112x128xf32, #tpu.memory_space<vmem>>, vector<16xf32>,
            %bitcast3A_1594 = vector.bitcast %get3A_1593 : vector<16xf32> to vector<32xbf16>
            %unpack3A_1595 = tpu.unpack_subelements %bitcast3A_1594, 0 {pack_format = #tpu.pack_format<interleaved>} : vector<32xbf16> -> vector<16xf32>
            %unpack3A_1596 = tpu.unpack_subelements %bitcast3A_1594, 1 {pack_format = #tpu.pack_format<interleaved>} : vector<32xbf16> -> vector<16xf32>
            %mul3A_1597 = arith.mulf %gather3A_357, %unpack3A_1595 : vector<16xf32>
            %add3A_1598 = arith.addf %add3A_1585, %mul3A_1597 : vector<16xf32>
            %mul3A_1599 = arith.mulf %gather3A_357, %unpack3A_1596 : vector<16xf32>
            %add3A_1600 = arith.addf %add3A_1587, %mul3A_1599 : vector<16xf32>
            %add3A_1601 = arith.constant 13 : i32
            %add3A_1602 = arith.addi %mul3A_266, %add3A_1601 : i32
            %get3A_1603 = arith.index_cast %select_n3A_196 : i32 to index
            %get3A_1604 = arith.index_cast %add3A_1602 : i32 to index
            %get3A_1605 = arith.constant 80 : index
            %get3A_1606 = tpu.vector_load %arg8[%get3A_1603, %get3A_1604, %get3A_1605] {strides = array<i32>} : memref<2x112x128xf32, #tpu.memory_space<vmem>>, vector<16xf32>,
            %bitcast3A_1607 = vector.bitcast %get3A_1606 : vector<16xf32> to vector<32xbf16>
            %unpack3A_1608 = tpu.unpack_subelements %bitcast3A_1607, 0 {pack_format = #tpu.pack_format<interleaved>} : vector<32xbf16> -> vector<16xf32>
            %unpack3A_1609 = tpu.unpack_subelements %bitcast3A_1607, 1 {pack_format = #tpu.pack_format<interleaved>} : vector<32xbf16> -> vector<16xf32>
            %mul3A_1610 = arith.mulf %gather3A_364, %unpack3A_1608 : vector<16xf32>
            %add3A_1611 = arith.addf %add3A_1598, %mul3A_1610 : vector<16xf32>
            %mul3A_1612 = arith.mulf %gather3A_364, %unpack3A_1609 : vector<16xf32>
            %add3A_1613 = arith.addf %add3A_1600, %mul3A_1612 : vector<16xf32>
            %add3A_1614 = arith.constant 14 : i32
            %add3A_1615 = arith.addi %mul3A_266, %add3A_1614 : i32
            %get3A_1616 = arith.index_cast %select_n3A_196 : i32 to index
            %get3A_1617 = arith.index_cast %add3A_1615 : i32 to index
            %get3A_1618 = arith.constant 80 : index
            %get3A_1619 = tpu.vector_load %arg8[%get3A_1616, %get3A_1617, %get3A_1618] {strides = array<i32>} : memref<2x112x128xf32, #tpu.memory_space<vmem>>, vector<16xf32>,
            %bitcast3A_1620 = vector.bitcast %get3A_1619 : vector<16xf32> to vector<32xbf16>
            %unpack3A_1621 = tpu.unpack_subelements %bitcast3A_1620, 0 {pack_format = #tpu.pack_format<interleaved>} : vector<32xbf16> -> vector<16xf32>
            %unpack3A_1622 = tpu.unpack_subelements %bitcast3A_1620, 1 {pack_format = #tpu.pack_format<interleaved>} : vector<32xbf16> -> vector<16xf32>
            %mul3A_1623 = arith.mulf %gather3A_371, %unpack3A_1621 : vector<16xf32>
            %add3A_1624 = arith.addf %add3A_1611, %mul3A_1623 : vector<16xf32>
            %mul3A_1625 = arith.mulf %gather3A_371, %unpack3A_1622 : vector<16xf32>
            %add3A_1626 = arith.addf %add3A_1613, %mul3A_1625 : vector<16xf32>
            %add3A_1627 = arith.constant 15 : i32
            %add3A_1628 = arith.addi %mul3A_266, %add3A_1627 : i32
            %get3A_1629 = arith.index_cast %select_n3A_196 : i32 to index
            %get3A_1630 = arith.index_cast %add3A_1628 : i32 to index
            %get3A_1631 = arith.constant 80 : index
            %get3A_1632 = tpu.vector_load %arg8[%get3A_1629, %get3A_1630, %get3A_1631] {strides = array<i32>} : memref<2x112x128xf32, #tpu.memory_space<vmem>>, vector<16xf32>,
            %bitcast3A_1633 = vector.bitcast %get3A_1632 : vector<16xf32> to vector<32xbf16>
            %unpack3A_1634 = tpu.unpack_subelements %bitcast3A_1633, 0 {pack_format = #tpu.pack_format<interleaved>} : vector<32xbf16> -> vector<16xf32>
            %unpack3A_1635 = tpu.unpack_subelements %bitcast3A_1633, 1 {pack_format = #tpu.pack_format<interleaved>} : vector<32xbf16> -> vector<16xf32>
            %mul3A_1636 = arith.mulf %gather3A_378, %unpack3A_1634 : vector<16xf32>
            %add3A_1637 = arith.addf %add3A_1624, %mul3A_1636 : vector<16xf32>
            %mul3A_1638 = arith.mulf %gather3A_378, %unpack3A_1635 : vector<16xf32>
            %add3A_1639 = arith.addf %add3A_1626, %mul3A_1638 : vector<16xf32>
            %add3A_1640 = arith.constant 7840 : i32
            %add3A_1641 = arith.addi %mul3A_156, %add3A_1640 : i32
            %add3A_1642 = arith.addi %add3A_1641, %add3A_264 : i32
            %add3A_1643 = vector.broadcast %add3A_1642 : i32 to vector<16xi32>
            %add3A_1644 = arith.addi %mul3A_39, %add3A_1643 : vector<16xi32>
            tpu.vector_store_idx %arg9[%add3A_1644], %add3A_1637 : memref<25088xf32, #tpu.memory_space<vmem>>[vector<16xi32>], vector<16xf32>,
            %add3A_1645 = arith.constant 49 : i32
            %add3A_1646 = vector.broadcast %add3A_1645 : i32 to vector<16xi32>
            %add3A_1647 = arith.addi %add3A_1644, %add3A_1646 : vector<16xi32>
            tpu.vector_store_idx %arg9[%add3A_1647], %add3A_1639 : memref<25088xf32, #tpu.memory_space<vmem>>[vector<16xi32>], vector<16xf32>,
            %get3A_1648 = arith.index_cast %select_n3A_196 : i32 to index
            %get3A_1649 = arith.index_cast %mul3A_266 : i32 to index
            %get3A_1650 = arith.constant 96 : index
            %get3A_1651 = tpu.vector_load %arg8[%get3A_1648, %get3A_1649, %get3A_1650] {strides = array<i32>} : memref<2x112x128xf32, #tpu.memory_space<vmem>>, vector<16xf32>,
            %bitcast3A_1652 = vector.bitcast %get3A_1651 : vector<16xf32> to vector<32xbf16>
            %unpack3A_1653 = tpu.unpack_subelements %bitcast3A_1652, 0 {pack_format = #tpu.pack_format<interleaved>} : vector<32xbf16> -> vector<16xf32>
            %unpack3A_1654 = tpu.unpack_subelements %bitcast3A_1652, 1 {pack_format = #tpu.pack_format<interleaved>} : vector<32xbf16> -> vector<16xf32>
            %mul3A_1655 = arith.mulf %gather3A_273, %unpack3A_1653 : vector<16xf32>
            %mul3A_1656 = arith.mulf %gather3A_273, %unpack3A_1654 : vector<16xf32>
            %add3A_1657 = arith.constant 1 : i32
            %add3A_1658 = arith.addi %mul3A_266, %add3A_1657 : i32
            %get3A_1659 = arith.index_cast %select_n3A_196 : i32 to index
            %get3A_1660 = arith.index_cast %add3A_1658 : i32 to index
            %get3A_1661 = arith.constant 96 : index
            %get3A_1662 = tpu.vector_load %arg8[%get3A_1659, %get3A_1660, %get3A_1661] {strides = array<i32>} : memref<2x112x128xf32, #tpu.memory_space<vmem>>, vector<16xf32>,
            %bitcast3A_1663 = vector.bitcast %get3A_1662 : vector<16xf32> to vector<32xbf16>
            %unpack3A_1664 = tpu.unpack_subelements %bitcast3A_1663, 0 {pack_format = #tpu.pack_format<interleaved>} : vector<32xbf16> -> vector<16xf32>
            %unpack3A_1665 = tpu.unpack_subelements %bitcast3A_1663, 1 {pack_format = #tpu.pack_format<interleaved>} : vector<32xbf16> -> vector<16xf32>
            %mul3A_1666 = arith.mulf %gather3A_280, %unpack3A_1664 : vector<16xf32>
            %add3A_1667 = arith.addf %mul3A_1655, %mul3A_1666 : vector<16xf32>
            %mul3A_1668 = arith.mulf %gather3A_280, %unpack3A_1665 : vector<16xf32>
            %add3A_1669 = arith.addf %mul3A_1656, %mul3A_1668 : vector<16xf32>
            %add3A_1670 = arith.constant 2 : i32
            %add3A_1671 = arith.addi %mul3A_266, %add3A_1670 : i32
            %get3A_1672 = arith.index_cast %select_n3A_196 : i32 to index
            %get3A_1673 = arith.index_cast %add3A_1671 : i32 to index
            %get3A_1674 = arith.constant 96 : index
            %get3A_1675 = tpu.vector_load %arg8[%get3A_1672, %get3A_1673, %get3A_1674] {strides = array<i32>} : memref<2x112x128xf32, #tpu.memory_space<vmem>>, vector<16xf32>,
            %bitcast3A_1676 = vector.bitcast %get3A_1675 : vector<16xf32> to vector<32xbf16>
            %unpack3A_1677 = tpu.unpack_subelements %bitcast3A_1676, 0 {pack_format = #tpu.pack_format<interleaved>} : vector<32xbf16> -> vector<16xf32>
            %unpack3A_1678 = tpu.unpack_subelements %bitcast3A_1676, 1 {pack_format = #tpu.pack_format<interleaved>} : vector<32xbf16> -> vector<16xf32>
            %mul3A_1679 = arith.mulf %gather3A_287, %unpack3A_1677 : vector<16xf32>
            %add3A_1680 = arith.addf %add3A_1667, %mul3A_1679 : vector<16xf32>
            %mul3A_1681 = arith.mulf %gather3A_287, %unpack3A_1678 : vector<16xf32>
            %add3A_1682 = arith.addf %add3A_1669, %mul3A_1681 : vector<16xf32>
            %add3A_1683 = arith.constant 3 : i32
            %add3A_1684 = arith.addi %mul3A_266, %add3A_1683 : i32
            %get3A_1685 = arith.index_cast %select_n3A_196 : i32 to index
            %get3A_1686 = arith.index_cast %add3A_1684 : i32 to index
            %get3A_1687 = arith.constant 96 : index
            %get3A_1688 = tpu.vector_load %arg8[%get3A_1685, %get3A_1686, %get3A_1687] {strides = array<i32>} : memref<2x112x128xf32, #tpu.memory_space<vmem>>, vector<16xf32>,
            %bitcast3A_1689 = vector.bitcast %get3A_1688 : vector<16xf32> to vector<32xbf16>
            %unpack3A_1690 = tpu.unpack_subelements %bitcast3A_1689, 0 {pack_format = #tpu.pack_format<interleaved>} : vector<32xbf16> -> vector<16xf32>
            %unpack3A_1691 = tpu.unpack_subelements %bitcast3A_1689, 1 {pack_format = #tpu.pack_format<interleaved>} : vector<32xbf16> -> vector<16xf32>
            %mul3A_1692 = arith.mulf %gather3A_294, %unpack3A_1690 : vector<16xf32>
            %add3A_1693 = arith.addf %add3A_1680, %mul3A_1692 : vector<16xf32>
            %mul3A_1694 = arith.mulf %gather3A_294, %unpack3A_1691 : vector<16xf32>
            %add3A_1695 = arith.addf %add3A_1682, %mul3A_1694 : vector<16xf32>
            %add3A_1696 = arith.constant 4 : i32
            %add3A_1697 = arith.addi %mul3A_266, %add3A_1696 : i32
            %get3A_1698 = arith.index_cast %select_n3A_196 : i32 to index
            %get3A_1699 = arith.index_cast %add3A_1697 : i32 to index
            %get3A_1700 = arith.constant 96 : index
            %get3A_1701 = tpu.vector_load %arg8[%get3A_1698, %get3A_1699, %get3A_1700] {strides = array<i32>} : memref<2x112x128xf32, #tpu.memory_space<vmem>>, vector<16xf32>,
            %bitcast3A_1702 = vector.bitcast %get3A_1701 : vector<16xf32> to vector<32xbf16>
            %unpack3A_1703 = tpu.unpack_subelements %bitcast3A_1702, 0 {pack_format = #tpu.pack_format<interleaved>} : vector<32xbf16> -> vector<16xf32>
            %unpack3A_1704 = tpu.unpack_subelements %bitcast3A_1702, 1 {pack_format = #tpu.pack_format<interleaved>} : vector<32xbf16> -> vector<16xf32>
            %mul3A_1705 = arith.mulf %gather3A_301, %unpack3A_1703 : vector<16xf32>
            %add3A_1706 = arith.addf %add3A_1693, %mul3A_1705 : vector<16xf32>
            %mul3A_1707 = arith.mulf %gather3A_301, %unpack3A_1704 : vector<16xf32>
            %add3A_1708 = arith.addf %add3A_1695, %mul3A_1707 : vector<16xf32>
            %add3A_1709 = arith.constant 5 : i32
            %add3A_1710 = arith.addi %mul3A_266, %add3A_1709 : i32
            %get3A_1711 = arith.index_cast %select_n3A_196 : i32 to index
            %get3A_1712 = arith.index_cast %add3A_1710 : i32 to index
            %get3A_1713 = arith.constant 96 : index
            %get3A_1714 = tpu.vector_load %arg8[%get3A_1711, %get3A_1712, %get3A_1713] {strides = array<i32>} : memref<2x112x128xf32, #tpu.memory_space<vmem>>, vector<16xf32>,
            %bitcast3A_1715 = vector.bitcast %get3A_1714 : vector<16xf32> to vector<32xbf16>
            %unpack3A_1716 = tpu.unpack_subelements %bitcast3A_1715, 0 {pack_format = #tpu.pack_format<interleaved>} : vector<32xbf16> -> vector<16xf32>
            %unpack3A_1717 = tpu.unpack_subelements %bitcast3A_1715, 1 {pack_format = #tpu.pack_format<interleaved>} : vector<32xbf16> -> vector<16xf32>
            %mul3A_1718 = arith.mulf %gather3A_308, %unpack3A_1716 : vector<16xf32>
            %add3A_1719 = arith.addf %add3A_1706, %mul3A_1718 : vector<16xf32>
            %mul3A_1720 = arith.mulf %gather3A_308, %unpack3A_1717 : vector<16xf32>
            %add3A_1721 = arith.addf %add3A_1708, %mul3A_1720 : vector<16xf32>
            %add3A_1722 = arith.constant 6 : i32
            %add3A_1723 = arith.addi %mul3A_266, %add3A_1722 : i32
            %get3A_1724 = arith.index_cast %select_n3A_196 : i32 to index
            %get3A_1725 = arith.index_cast %add3A_1723 : i32 to index
            %get3A_1726 = arith.constant 96 : index
            %get3A_1727 = tpu.vector_load %arg8[%get3A_1724, %get3A_1725, %get3A_1726] {strides = array<i32>} : memref<2x112x128xf32, #tpu.memory_space<vmem>>, vector<16xf32>,
            %bitcast3A_1728 = vector.bitcast %get3A_1727 : vector<16xf32> to vector<32xbf16>
            %unpack3A_1729 = tpu.unpack_subelements %bitcast3A_1728, 0 {pack_format = #tpu.pack_format<interleaved>} : vector<32xbf16> -> vector<16xf32>
            %unpack3A_1730 = tpu.unpack_subelements %bitcast3A_1728, 1 {pack_format = #tpu.pack_format<interleaved>} : vector<32xbf16> -> vector<16xf32>
            %mul3A_1731 = arith.mulf %gather3A_315, %unpack3A_1729 : vector<16xf32>
            %add3A_1732 = arith.addf %add3A_1719, %mul3A_1731 : vector<16xf32>
            %mul3A_1733 = arith.mulf %gather3A_315, %unpack3A_1730 : vector<16xf32>
            %add3A_1734 = arith.addf %add3A_1721, %mul3A_1733 : vector<16xf32>
            %add3A_1735 = arith.constant 7 : i32
            %add3A_1736 = arith.addi %mul3A_266, %add3A_1735 : i32
            %get3A_1737 = arith.index_cast %select_n3A_196 : i32 to index
            %get3A_1738 = arith.index_cast %add3A_1736 : i32 to index
            %get3A_1739 = arith.constant 96 : index
            %get3A_1740 = tpu.vector_load %arg8[%get3A_1737, %get3A_1738, %get3A_1739] {strides = array<i32>} : memref<2x112x128xf32, #tpu.memory_space<vmem>>, vector<16xf32>,
            %bitcast3A_1741 = vector.bitcast %get3A_1740 : vector<16xf32> to vector<32xbf16>
            %unpack3A_1742 = tpu.unpack_subelements %bitcast3A_1741, 0 {pack_format = #tpu.pack_format<interleaved>} : vector<32xbf16> -> vector<16xf32>
            %unpack3A_1743 = tpu.unpack_subelements %bitcast3A_1741, 1 {pack_format = #tpu.pack_format<interleaved>} : vector<32xbf16> -> vector<16xf32>
            %mul3A_1744 = arith.mulf %gather3A_322, %unpack3A_1742 : vector<16xf32>
            %add3A_1745 = arith.addf %add3A_1732, %mul3A_1744 : vector<16xf32>
            %mul3A_1746 = arith.mulf %gather3A_322, %unpack3A_1743 : vector<16xf32>
            %add3A_1747 = arith.addf %add3A_1734, %mul3A_1746 : vector<16xf32>
            %add3A_1748 = arith.constant 8 : i32
            %add3A_1749 = arith.addi %mul3A_266, %add3A_1748 : i32
            %get3A_1750 = arith.index_cast %select_n3A_196 : i32 to index
            %get3A_1751 = arith.index_cast %add3A_1749 : i32 to index
            %get3A_1752 = arith.constant 96 : index
            %get3A_1753 = tpu.vector_load %arg8[%get3A_1750, %get3A_1751, %get3A_1752] {strides = array<i32>} : memref<2x112x128xf32, #tpu.memory_space<vmem>>, vector<16xf32>,
            %bitcast3A_1754 = vector.bitcast %get3A_1753 : vector<16xf32> to vector<32xbf16>
            %unpack3A_1755 = tpu.unpack_subelements %bitcast3A_1754, 0 {pack_format = #tpu.pack_format<interleaved>} : vector<32xbf16> -> vector<16xf32>
            %unpack3A_1756 = tpu.unpack_subelements %bitcast3A_1754, 1 {pack_format = #tpu.pack_format<interleaved>} : vector<32xbf16> -> vector<16xf32>
            %mul3A_1757 = arith.mulf %gather3A_329, %unpack3A_1755 : vector<16xf32>
            %add3A_1758 = arith.addf %add3A_1745, %mul3A_1757 : vector<16xf32>
            %mul3A_1759 = arith.mulf %gather3A_329, %unpack3A_1756 : vector<16xf32>
            %add3A_1760 = arith.addf %add3A_1747, %mul3A_1759 : vector<16xf32>
            %add3A_1761 = arith.constant 9 : i32
            %add3A_1762 = arith.addi %mul3A_266, %add3A_1761 : i32
            %get3A_1763 = arith.index_cast %select_n3A_196 : i32 to index
            %get3A_1764 = arith.index_cast %add3A_1762 : i32 to index
            %get3A_1765 = arith.constant 96 : index
            %get3A_1766 = tpu.vector_load %arg8[%get3A_1763, %get3A_1764, %get3A_1765] {strides = array<i32>} : memref<2x112x128xf32, #tpu.memory_space<vmem>>, vector<16xf32>,
            %bitcast3A_1767 = vector.bitcast %get3A_1766 : vector<16xf32> to vector<32xbf16>
            %unpack3A_1768 = tpu.unpack_subelements %bitcast3A_1767, 0 {pack_format = #tpu.pack_format<interleaved>} : vector<32xbf16> -> vector<16xf32>
            %unpack3A_1769 = tpu.unpack_subelements %bitcast3A_1767, 1 {pack_format = #tpu.pack_format<interleaved>} : vector<32xbf16> -> vector<16xf32>
            %mul3A_1770 = arith.mulf %gather3A_336, %unpack3A_1768 : vector<16xf32>
            %add3A_1771 = arith.addf %add3A_1758, %mul3A_1770 : vector<16xf32>
            %mul3A_1772 = arith.mulf %gather3A_336, %unpack3A_1769 : vector<16xf32>
            %add3A_1773 = arith.addf %add3A_1760, %mul3A_1772 : vector<16xf32>
            %add3A_1774 = arith.constant 10 : i32
            %add3A_1775 = arith.addi %mul3A_266, %add3A_1774 : i32
            %get3A_1776 = arith.index_cast %select_n3A_196 : i32 to index
            %get3A_1777 = arith.index_cast %add3A_1775 : i32 to index
            %get3A_1778 = arith.constant 96 : index
            %get3A_1779 = tpu.vector_load %arg8[%get3A_1776, %get3A_1777, %get3A_1778] {strides = array<i32>} : memref<2x112x128xf32, #tpu.memory_space<vmem>>, vector<16xf32>,
            %bitcast3A_1780 = vector.bitcast %get3A_1779 : vector<16xf32> to vector<32xbf16>
            %unpack3A_1781 = tpu.unpack_subelements %bitcast3A_1780, 0 {pack_format = #tpu.pack_format<interleaved>} : vector<32xbf16> -> vector<16xf32>
            %unpack3A_1782 = tpu.unpack_subelements %bitcast3A_1780, 1 {pack_format = #tpu.pack_format<interleaved>} : vector<32xbf16> -> vector<16xf32>
            %mul3A_1783 = arith.mulf %gather3A_343, %unpack3A_1781 : vector<16xf32>
            %add3A_1784 = arith.addf %add3A_1771, %mul3A_1783 : vector<16xf32>
            %mul3A_1785 = arith.mulf %gather3A_343, %unpack3A_1782 : vector<16xf32>
            %add3A_1786 = arith.addf %add3A_1773, %mul3A_1785 : vector<16xf32>
            %add3A_1787 = arith.constant 11 : i32
            %add3A_1788 = arith.addi %mul3A_266, %add3A_1787 : i32
            %get3A_1789 = arith.index_cast %select_n3A_196 : i32 to index
            %get3A_1790 = arith.index_cast %add3A_1788 : i32 to index
            %get3A_1791 = arith.constant 96 : index
            %get3A_1792 = tpu.vector_load %arg8[%get3A_1789, %get3A_1790, %get3A_1791] {strides = array<i32>} : memref<2x112x128xf32, #tpu.memory_space<vmem>>, vector<16xf32>,
            %bitcast3A_1793 = vector.bitcast %get3A_1792 : vector<16xf32> to vector<32xbf16>
            %unpack3A_1794 = tpu.unpack_subelements %bitcast3A_1793, 0 {pack_format = #tpu.pack_format<interleaved>} : vector<32xbf16> -> vector<16xf32>
            %unpack3A_1795 = tpu.unpack_subelements %bitcast3A_1793, 1 {pack_format = #tpu.pack_format<interleaved>} : vector<32xbf16> -> vector<16xf32>
            %mul3A_1796 = arith.mulf %gather3A_350, %unpack3A_1794 : vector<16xf32>
            %add3A_1797 = arith.addf %add3A_1784, %mul3A_1796 : vector<16xf32>
            %mul3A_1798 = arith.mulf %gather3A_350, %unpack3A_1795 : vector<16xf32>
            %add3A_1799 = arith.addf %add3A_1786, %mul3A_1798 : vector<16xf32>
            %add3A_1800 = arith.constant 12 : i32
            %add3A_1801 = arith.addi %mul3A_266, %add3A_1800 : i32
            %get3A_1802 = arith.index_cast %select_n3A_196 : i32 to index
            %get3A_1803 = arith.index_cast %add3A_1801 : i32 to index
            %get3A_1804 = arith.constant 96 : index
            %get3A_1805 = tpu.vector_load %arg8[%get3A_1802, %get3A_1803, %get3A_1804] {strides = array<i32>} : memref<2x112x128xf32, #tpu.memory_space<vmem>>, vector<16xf32>,
            %bitcast3A_1806 = vector.bitcast %get3A_1805 : vector<16xf32> to vector<32xbf16>
            %unpack3A_1807 = tpu.unpack_subelements %bitcast3A_1806, 0 {pack_format = #tpu.pack_format<interleaved>} : vector<32xbf16> -> vector<16xf32>
            %unpack3A_1808 = tpu.unpack_subelements %bitcast3A_1806, 1 {pack_format = #tpu.pack_format<interleaved>} : vector<32xbf16> -> vector<16xf32>
            %mul3A_1809 = arith.mulf %gather3A_357, %unpack3A_1807 : vector<16xf32>
            %add3A_1810 = arith.addf %add3A_1797, %mul3A_1809 : vector<16xf32>
            %mul3A_1811 = arith.mulf %gather3A_357, %unpack3A_1808 : vector<16xf32>
            %add3A_1812 = arith.addf %add3A_1799, %mul3A_1811 : vector<16xf32>
            %add3A_1813 = arith.constant 13 : i32
            %add3A_1814 = arith.addi %mul3A_266, %add3A_1813 : i32
            %get3A_1815 = arith.index_cast %select_n3A_196 : i32 to index
            %get3A_1816 = arith.index_cast %add3A_1814 : i32 to index
            %get3A_1817 = arith.constant 96 : index
            %get3A_1818 = tpu.vector_load %arg8[%get3A_1815, %get3A_1816, %get3A_1817] {strides = array<i32>} : memref<2x112x128xf32, #tpu.memory_space<vmem>>, vector<16xf32>,
            %bitcast3A_1819 = vector.bitcast %get3A_1818 : vector<16xf32> to vector<32xbf16>
            %unpack3A_1820 = tpu.unpack_subelements %bitcast3A_1819, 0 {pack_format = #tpu.pack_format<interleaved>} : vector<32xbf16> -> vector<16xf32>
            %unpack3A_1821 = tpu.unpack_subelements %bitcast3A_1819, 1 {pack_format = #tpu.pack_format<interleaved>} : vector<32xbf16> -> vector<16xf32>
            %mul3A_1822 = arith.mulf %gather3A_364, %unpack3A_1820 : vector<16xf32>
            %add3A_1823 = arith.addf %add3A_1810, %mul3A_1822 : vector<16xf32>
            %mul3A_1824 = arith.mulf %gather3A_364, %unpack3A_1821 : vector<16xf32>
            %add3A_1825 = arith.addf %add3A_1812, %mul3A_1824 : vector<16xf32>
            %add3A_1826 = arith.constant 14 : i32
            %add3A_1827 = arith.addi %mul3A_266, %add3A_1826 : i32
            %get3A_1828 = arith.index_cast %select_n3A_196 : i32 to index
            %get3A_1829 = arith.index_cast %add3A_1827 : i32 to index
            %get3A_1830 = arith.constant 96 : index
            %get3A_1831 = tpu.vector_load %arg8[%get3A_1828, %get3A_1829, %get3A_1830] {strides = array<i32>} : memref<2x112x128xf32, #tpu.memory_space<vmem>>, vector<16xf32>,
            %bitcast3A_1832 = vector.bitcast %get3A_1831 : vector<16xf32> to vector<32xbf16>
            %unpack3A_1833 = tpu.unpack_subelements %bitcast3A_1832, 0 {pack_format = #tpu.pack_format<interleaved>} : vector<32xbf16> -> vector<16xf32>
            %unpack3A_1834 = tpu.unpack_subelements %bitcast3A_1832, 1 {pack_format = #tpu.pack_format<interleaved>} : vector<32xbf16> -> vector<16xf32>
            %mul3A_1835 = arith.mulf %gather3A_371, %unpack3A_1833 : vector<16xf32>
            %add3A_1836 = arith.addf %add3A_1823, %mul3A_1835 : vector<16xf32>
            %mul3A_1837 = arith.mulf %gather3A_371, %unpack3A_1834 : vector<16xf32>
            %add3A_1838 = arith.addf %add3A_1825, %mul3A_1837 : vector<16xf32>
            %add3A_1839 = arith.constant 15 : i32
            %add3A_1840 = arith.addi %mul3A_266, %add3A_1839 : i32
            %get3A_1841 = arith.index_cast %select_n3A_196 : i32 to index
            %get3A_1842 = arith.index_cast %add3A_1840 : i32 to index
            %get3A_1843 = arith.constant 96 : index
            %get3A_1844 = tpu.vector_load %arg8[%get3A_1841, %get3A_1842, %get3A_1843] {strides = array<i32>} : memref<2x112x128xf32, #tpu.memory_space<vmem>>, vector<16xf32>,
            %bitcast3A_1845 = vector.bitcast %get3A_1844 : vector<16xf32> to vector<32xbf16>
            %unpack3A_1846 = tpu.unpack_subelements %bitcast3A_1845, 0 {pack_format = #tpu.pack_format<interleaved>} : vector<32xbf16> -> vector<16xf32>
            %unpack3A_1847 = tpu.unpack_subelements %bitcast3A_1845, 1 {pack_format = #tpu.pack_format<interleaved>} : vector<32xbf16> -> vector<16xf32>
            %mul3A_1848 = arith.mulf %gather3A_378, %unpack3A_1846 : vector<16xf32>
            %add3A_1849 = arith.addf %add3A_1836, %mul3A_1848 : vector<16xf32>
            %mul3A_1850 = arith.mulf %gather3A_378, %unpack3A_1847 : vector<16xf32>
            %add3A_1851 = arith.addf %add3A_1838, %mul3A_1850 : vector<16xf32>
            %add3A_1852 = arith.constant 9408 : i32
            %add3A_1853 = arith.addi %mul3A_156, %add3A_1852 : i32
            %add3A_1854 = arith.addi %add3A_1853, %add3A_264 : i32
            %add3A_1855 = vector.broadcast %add3A_1854 : i32 to vector<16xi32>
            %add3A_1856 = arith.addi %mul3A_39, %add3A_1855 : vector<16xi32>
            tpu.vector_store_idx %arg9[%add3A_1856], %add3A_1849 : memref<25088xf32, #tpu.memory_space<vmem>>[vector<16xi32>], vector<16xf32>,
            %add3A_1857 = arith.constant 49 : i32
            %add3A_1858 = vector.broadcast %add3A_1857 : i32 to vector<16xi32>
            %add3A_1859 = arith.addi %add3A_1856, %add3A_1858 : vector<16xi32>
            tpu.vector_store_idx %arg9[%add3A_1859], %add3A_1851 : memref<25088xf32, #tpu.memory_space<vmem>>[vector<16xi32>], vector<16xf32>,
            %get3A_1860 = arith.index_cast %select_n3A_196 : i32 to index
            %get3A_1861 = arith.index_cast %mul3A_266 : i32 to index
            %get3A_1862 = arith.constant 112 : index
            %get3A_1863 = tpu.vector_load %arg8[%get3A_1860, %get3A_1861, %get3A_1862] {strides = array<i32>} : memref<2x112x128xf32, #tpu.memory_space<vmem>>, vector<16xf32>,
            %bitcast3A_1864 = vector.bitcast %get3A_1863 : vector<16xf32> to vector<32xbf16>
            %unpack3A_1865 = tpu.unpack_subelements %bitcast3A_1864, 0 {pack_format = #tpu.pack_format<interleaved>} : vector<32xbf16> -> vector<16xf32>
            %unpack3A_1866 = tpu.unpack_subelements %bitcast3A_1864, 1 {pack_format = #tpu.pack_format<interleaved>} : vector<32xbf16> -> vector<16xf32>
            %mul3A_1867 = arith.mulf %gather3A_273, %unpack3A_1865 : vector<16xf32>
            %mul3A_1868 = arith.mulf %gather3A_273, %unpack3A_1866 : vector<16xf32>
            %add3A_1869 = arith.constant 1 : i32
            %add3A_1870 = arith.addi %mul3A_266, %add3A_1869 : i32
            %get3A_1871 = arith.index_cast %select_n3A_196 : i32 to index
            %get3A_1872 = arith.index_cast %add3A_1870 : i32 to index
            %get3A_1873 = arith.constant 112 : index
            %get3A_1874 = tpu.vector_load %arg8[%get3A_1871, %get3A_1872, %get3A_1873] {strides = array<i32>} : memref<2x112x128xf32, #tpu.memory_space<vmem>>, vector<16xf32>,
            %bitcast3A_1875 = vector.bitcast %get3A_1874 : vector<16xf32> to vector<32xbf16>
            %unpack3A_1876 = tpu.unpack_subelements %bitcast3A_1875, 0 {pack_format = #tpu.pack_format<interleaved>} : vector<32xbf16> -> vector<16xf32>
            %unpack3A_1877 = tpu.unpack_subelements %bitcast3A_1875, 1 {pack_format = #tpu.pack_format<interleaved>} : vector<32xbf16> -> vector<16xf32>
            %mul3A_1878 = arith.mulf %gather3A_280, %unpack3A_1876 : vector<16xf32>
            %add3A_1879 = arith.addf %mul3A_1867, %mul3A_1878 : vector<16xf32>
            %mul3A_1880 = arith.mulf %gather3A_280, %unpack3A_1877 : vector<16xf32>
            %add3A_1881 = arith.addf %mul3A_1868, %mul3A_1880 : vector<16xf32>
            %add3A_1882 = arith.constant 2 : i32
            %add3A_1883 = arith.addi %mul3A_266, %add3A_1882 : i32
            %get3A_1884 = arith.index_cast %select_n3A_196 : i32 to index
            %get3A_1885 = arith.index_cast %add3A_1883 : i32 to index
            %get3A_1886 = arith.constant 112 : index
            %get3A_1887 = tpu.vector_load %arg8[%get3A_1884, %get3A_1885, %get3A_1886] {strides = array<i32>} : memref<2x112x128xf32, #tpu.memory_space<vmem>>, vector<16xf32>,
            %bitcast3A_1888 = vector.bitcast %get3A_1887 : vector<16xf32> to vector<32xbf16>
            %unpack3A_1889 = tpu.unpack_subelements %bitcast3A_1888, 0 {pack_format = #tpu.pack_format<interleaved>} : vector<32xbf16> -> vector<16xf32>
            %unpack3A_1890 = tpu.unpack_subelements %bitcast3A_1888, 1 {pack_format = #tpu.pack_format<interleaved>} : vector<32xbf16> -> vector<16xf32>
            %mul3A_1891 = arith.mulf %gather3A_287, %unpack3A_1889 : vector<16xf32>
            %add3A_1892 = arith.addf %add3A_1879, %mul3A_1891 : vector<16xf32>
            %mul3A_1893 = arith.mulf %gather3A_287, %unpack3A_1890 : vector<16xf32>
            %add3A_1894 = arith.addf %add3A_1881, %mul3A_1893 : vector<16xf32>
            %add3A_1895 = arith.constant 3 : i32
            %add3A_1896 = arith.addi %mul3A_266, %add3A_1895 : i32
            %get3A_1897 = arith.index_cast %select_n3A_196 : i32 to index
            %get3A_1898 = arith.index_cast %add3A_1896 : i32 to index
            %get3A_1899 = arith.constant 112 : index
            %get3A_1900 = tpu.vector_load %arg8[%get3A_1897, %get3A_1898, %get3A_1899] {strides = array<i32>} : memref<2x112x128xf32, #tpu.memory_space<vmem>>, vector<16xf32>,
            %bitcast3A_1901 = vector.bitcast %get3A_1900 : vector<16xf32> to vector<32xbf16>
            %unpack3A_1902 = tpu.unpack_subelements %bitcast3A_1901, 0 {pack_format = #tpu.pack_format<interleaved>} : vector<32xbf16> -> vector<16xf32>
            %unpack3A_1903 = tpu.unpack_subelements %bitcast3A_1901, 1 {pack_format = #tpu.pack_format<interleaved>} : vector<32xbf16> -> vector<16xf32>
            %mul3A_1904 = arith.mulf %gather3A_294, %unpack3A_1902 : vector<16xf32>
            %add3A_1905 = arith.addf %add3A_1892, %mul3A_1904 : vector<16xf32>
            %mul3A_1906 = arith.mulf %gather3A_294, %unpack3A_1903 : vector<16xf32>
            %add3A_1907 = arith.addf %add3A_1894, %mul3A_1906 : vector<16xf32>
            %add3A_1908 = arith.constant 4 : i32
            %add3A_1909 = arith.addi %mul3A_266, %add3A_1908 : i32
            %get3A_1910 = arith.index_cast %select_n3A_196 : i32 to index
            %get3A_1911 = arith.index_cast %add3A_1909 : i32 to index
            %get3A_1912 = arith.constant 112 : index
            %get3A_1913 = tpu.vector_load %arg8[%get3A_1910, %get3A_1911, %get3A_1912] {strides = array<i32>} : memref<2x112x128xf32, #tpu.memory_space<vmem>>, vector<16xf32>,
            %bitcast3A_1914 = vector.bitcast %get3A_1913 : vector<16xf32> to vector<32xbf16>
            %unpack3A_1915 = tpu.unpack_subelements %bitcast3A_1914, 0 {pack_format = #tpu.pack_format<interleaved>} : vector<32xbf16> -> vector<16xf32>
            %unpack3A_1916 = tpu.unpack_subelements %bitcast3A_1914, 1 {pack_format = #tpu.pack_format<interleaved>} : vector<32xbf16> -> vector<16xf32>
            %mul3A_1917 = arith.mulf %gather3A_301, %unpack3A_1915 : vector<16xf32>
            %add3A_1918 = arith.addf %add3A_1905, %mul3A_1917 : vector<16xf32>
            %mul3A_1919 = arith.mulf %gather3A_301, %unpack3A_1916 : vector<16xf32>
            %add3A_1920 = arith.addf %add3A_1907, %mul3A_1919 : vector<16xf32>
            %add3A_1921 = arith.constant 5 : i32
            %add3A_1922 = arith.addi %mul3A_266, %add3A_1921 : i32
            %get3A_1923 = arith.index_cast %select_n3A_196 : i32 to index
            %get3A_1924 = arith.index_cast %add3A_1922 : i32 to index
            %get3A_1925 = arith.constant 112 : index
            %get3A_1926 = tpu.vector_load %arg8[%get3A_1923, %get3A_1924, %get3A_1925] {strides = array<i32>} : memref<2x112x128xf32, #tpu.memory_space<vmem>>, vector<16xf32>,
            %bitcast3A_1927 = vector.bitcast %get3A_1926 : vector<16xf32> to vector<32xbf16>
            %unpack3A_1928 = tpu.unpack_subelements %bitcast3A_1927, 0 {pack_format = #tpu.pack_format<interleaved>} : vector<32xbf16> -> vector<16xf32>
            %unpack3A_1929 = tpu.unpack_subelements %bitcast3A_1927, 1 {pack_format = #tpu.pack_format<interleaved>} : vector<32xbf16> -> vector<16xf32>
            %mul3A_1930 = arith.mulf %gather3A_308, %unpack3A_1928 : vector<16xf32>
            %add3A_1931 = arith.addf %add3A_1918, %mul3A_1930 : vector<16xf32>
            %mul3A_1932 = arith.mulf %gather3A_308, %unpack3A_1929 : vector<16xf32>
            %add3A_1933 = arith.addf %add3A_1920, %mul3A_1932 : vector<16xf32>
            %add3A_1934 = arith.constant 6 : i32
            %add3A_1935 = arith.addi %mul3A_266, %add3A_1934 : i32
            %get3A_1936 = arith.index_cast %select_n3A_196 : i32 to index
            %get3A_1937 = arith.index_cast %add3A_1935 : i32 to index
            %get3A_1938 = arith.constant 112 : index
            %get3A_1939 = tpu.vector_load %arg8[%get3A_1936, %get3A_1937, %get3A_1938] {strides = array<i32>} : memref<2x112x128xf32, #tpu.memory_space<vmem>>, vector<16xf32>,
            %bitcast3A_1940 = vector.bitcast %get3A_1939 : vector<16xf32> to vector<32xbf16>
            %unpack3A_1941 = tpu.unpack_subelements %bitcast3A_1940, 0 {pack_format = #tpu.pack_format<interleaved>} : vector<32xbf16> -> vector<16xf32>
            %unpack3A_1942 = tpu.unpack_subelements %bitcast3A_1940, 1 {pack_format = #tpu.pack_format<interleaved>} : vector<32xbf16> -> vector<16xf32>
            %mul3A_1943 = arith.mulf %gather3A_315, %unpack3A_1941 : vector<16xf32>
            %add3A_1944 = arith.addf %add3A_1931, %mul3A_1943 : vector<16xf32>
            %mul3A_1945 = arith.mulf %gather3A_315, %unpack3A_1942 : vector<16xf32>
            %add3A_1946 = arith.addf %add3A_1933, %mul3A_1945 : vector<16xf32>
            %add3A_1947 = arith.constant 7 : i32
            %add3A_1948 = arith.addi %mul3A_266, %add3A_1947 : i32
            %get3A_1949 = arith.index_cast %select_n3A_196 : i32 to index
            %get3A_1950 = arith.index_cast %add3A_1948 : i32 to index
            %get3A_1951 = arith.constant 112 : index
            %get3A_1952 = tpu.vector_load %arg8[%get3A_1949, %get3A_1950, %get3A_1951] {strides = array<i32>} : memref<2x112x128xf32, #tpu.memory_space<vmem>>, vector<16xf32>,
            %bitcast3A_1953 = vector.bitcast %get3A_1952 : vector<16xf32> to vector<32xbf16>
            %unpack3A_1954 = tpu.unpack_subelements %bitcast3A_1953, 0 {pack_format = #tpu.pack_format<interleaved>} : vector<32xbf16> -> vector<16xf32>
            %unpack3A_1955 = tpu.unpack_subelements %bitcast3A_1953, 1 {pack_format = #tpu.pack_format<interleaved>} : vector<32xbf16> -> vector<16xf32>
            %mul3A_1956 = arith.mulf %gather3A_322, %unpack3A_1954 : vector<16xf32>
            %add3A_1957 = arith.addf %add3A_1944, %mul3A_1956 : vector<16xf32>
            %mul3A_1958 = arith.mulf %gather3A_322, %unpack3A_1955 : vector<16xf32>
            %add3A_1959 = arith.addf %add3A_1946, %mul3A_1958 : vector<16xf32>
            %add3A_1960 = arith.constant 8 : i32
            %add3A_1961 = arith.addi %mul3A_266, %add3A_1960 : i32
            %get3A_1962 = arith.index_cast %select_n3A_196 : i32 to index
            %get3A_1963 = arith.index_cast %add3A_1961 : i32 to index
            %get3A_1964 = arith.constant 112 : index
            %get3A_1965 = tpu.vector_load %arg8[%get3A_1962, %get3A_1963, %get3A_1964] {strides = array<i32>} : memref<2x112x128xf32, #tpu.memory_space<vmem>>, vector<16xf32>,
            %bitcast3A_1966 = vector.bitcast %get3A_1965 : vector<16xf32> to vector<32xbf16>
            %unpack3A_1967 = tpu.unpack_subelements %bitcast3A_1966, 0 {pack_format = #tpu.pack_format<interleaved>} : vector<32xbf16> -> vector<16xf32>
            %unpack3A_1968 = tpu.unpack_subelements %bitcast3A_1966, 1 {pack_format = #tpu.pack_format<interleaved>} : vector<32xbf16> -> vector<16xf32>
            %mul3A_1969 = arith.mulf %gather3A_329, %unpack3A_1967 : vector<16xf32>
            %add3A_1970 = arith.addf %add3A_1957, %mul3A_1969 : vector<16xf32>
            %mul3A_1971 = arith.mulf %gather3A_329, %unpack3A_1968 : vector<16xf32>
            %add3A_1972 = arith.addf %add3A_1959, %mul3A_1971 : vector<16xf32>
            %add3A_1973 = arith.constant 9 : i32
            %add3A_1974 = arith.addi %mul3A_266, %add3A_1973 : i32
            %get3A_1975 = arith.index_cast %select_n3A_196 : i32 to index
            %get3A_1976 = arith.index_cast %add3A_1974 : i32 to index
            %get3A_1977 = arith.constant 112 : index
            %get3A_1978 = tpu.vector_load %arg8[%get3A_1975, %get3A_1976, %get3A_1977] {strides = array<i32>} : memref<2x112x128xf32, #tpu.memory_space<vmem>>, vector<16xf32>,
            %bitcast3A_1979 = vector.bitcast %get3A_1978 : vector<16xf32> to vector<32xbf16>
            %unpack3A_1980 = tpu.unpack_subelements %bitcast3A_1979, 0 {pack_format = #tpu.pack_format<interleaved>} : vector<32xbf16> -> vector<16xf32>
            %unpack3A_1981 = tpu.unpack_subelements %bitcast3A_1979, 1 {pack_format = #tpu.pack_format<interleaved>} : vector<32xbf16> -> vector<16xf32>
            %mul3A_1982 = arith.mulf %gather3A_336, %unpack3A_1980 : vector<16xf32>
            %add3A_1983 = arith.addf %add3A_1970, %mul3A_1982 : vector<16xf32>
            %mul3A_1984 = arith.mulf %gather3A_336, %unpack3A_1981 : vector<16xf32>
            %add3A_1985 = arith.addf %add3A_1972, %mul3A_1984 : vector<16xf32>
            %add3A_1986 = arith.constant 10 : i32
            %add3A_1987 = arith.addi %mul3A_266, %add3A_1986 : i32
            %get3A_1988 = arith.index_cast %select_n3A_196 : i32 to index
            %get3A_1989 = arith.index_cast %add3A_1987 : i32 to index
            %get3A_1990 = arith.constant 112 : index
            %get3A_1991 = tpu.vector_load %arg8[%get3A_1988, %get3A_1989, %get3A_1990] {strides = array<i32>} : memref<2x112x128xf32, #tpu.memory_space<vmem>>, vector<16xf32>,
            %bitcast3A_1992 = vector.bitcast %get3A_1991 : vector<16xf32> to vector<32xbf16>
            %unpack3A_1993 = tpu.unpack_subelements %bitcast3A_1992, 0 {pack_format = #tpu.pack_format<interleaved>} : vector<32xbf16> -> vector<16xf32>
            %unpack3A_1994 = tpu.unpack_subelements %bitcast3A_1992, 1 {pack_format = #tpu.pack_format<interleaved>} : vector<32xbf16> -> vector<16xf32>
            %mul3A_1995 = arith.mulf %gather3A_343, %unpack3A_1993 : vector<16xf32>
            %add3A_1996 = arith.addf %add3A_1983, %mul3A_1995 : vector<16xf32>
            %mul3A_1997 = arith.mulf %gather3A_343, %unpack3A_1994 : vector<16xf32>
            %add3A_1998 = arith.addf %add3A_1985, %mul3A_1997 : vector<16xf32>
            %add3A_1999 = arith.constant 11 : i32
            %add3A_2000 = arith.addi %mul3A_266, %add3A_1999 : i32
            %get3A_2001 = arith.index_cast %select_n3A_196 : i32 to index
            %get3A_2002 = arith.index_cast %add3A_2000 : i32 to index
            %get3A_2003 = arith.constant 112 : index
            %get3A_2004 = tpu.vector_load %arg8[%get3A_2001, %get3A_2002, %get3A_2003] {strides = array<i32>} : memref<2x112x128xf32, #tpu.memory_space<vmem>>, vector<16xf32>,
            %bitcast3A_2005 = vector.bitcast %get3A_2004 : vector<16xf32> to vector<32xbf16>
            %unpack3A_2006 = tpu.unpack_subelements %bitcast3A_2005, 0 {pack_format = #tpu.pack_format<interleaved>} : vector<32xbf16> -> vector<16xf32>
            %unpack3A_2007 = tpu.unpack_subelements %bitcast3A_2005, 1 {pack_format = #tpu.pack_format<interleaved>} : vector<32xbf16> -> vector<16xf32>
            %mul3A_2008 = arith.mulf %gather3A_350, %unpack3A_2006 : vector<16xf32>
            %add3A_2009 = arith.addf %add3A_1996, %mul3A_2008 : vector<16xf32>
            %mul3A_2010 = arith.mulf %gather3A_350, %unpack3A_2007 : vector<16xf32>
            %add3A_2011 = arith.addf %add3A_1998, %mul3A_2010 : vector<16xf32>
            %add3A_2012 = arith.constant 12 : i32
            %add3A_2013 = arith.addi %mul3A_266, %add3A_2012 : i32
            %get3A_2014 = arith.index_cast %select_n3A_196 : i32 to index
            %get3A_2015 = arith.index_cast %add3A_2013 : i32 to index
            %get3A_2016 = arith.constant 112 : index
            %get3A_2017 = tpu.vector_load %arg8[%get3A_2014, %get3A_2015, %get3A_2016] {strides = array<i32>} : memref<2x112x128xf32, #tpu.memory_space<vmem>>, vector<16xf32>,
            %bitcast3A_2018 = vector.bitcast %get3A_2017 : vector<16xf32> to vector<32xbf16>
            %unpack3A_2019 = tpu.unpack_subelements %bitcast3A_2018, 0 {pack_format = #tpu.pack_format<interleaved>} : vector<32xbf16> -> vector<16xf32>
            %unpack3A_2020 = tpu.unpack_subelements %bitcast3A_2018, 1 {pack_format = #tpu.pack_format<interleaved>} : vector<32xbf16> -> vector<16xf32>
            %mul3A_2021 = arith.mulf %gather3A_357, %unpack3A_2019 : vector<16xf32>
            %add3A_2022 = arith.addf %add3A_2009, %mul3A_2021 : vector<16xf32>
            %mul3A_2023 = arith.mulf %gather3A_357, %unpack3A_2020 : vector<16xf32>
            %add3A_2024 = arith.addf %add3A_2011, %mul3A_2023 : vector<16xf32>
            %add3A_2025 = arith.constant 13 : i32
            %add3A_2026 = arith.addi %mul3A_266, %add3A_2025 : i32
            %get3A_2027 = arith.index_cast %select_n3A_196 : i32 to index
            %get3A_2028 = arith.index_cast %add3A_2026 : i32 to index
            %get3A_2029 = arith.constant 112 : index
            %get3A_2030 = tpu.vector_load %arg8[%get3A_2027, %get3A_2028, %get3A_2029] {strides = array<i32>} : memref<2x112x128xf32, #tpu.memory_space<vmem>>, vector<16xf32>,
            %bitcast3A_2031 = vector.bitcast %get3A_2030 : vector<16xf32> to vector<32xbf16>
            %unpack3A_2032 = tpu.unpack_subelements %bitcast3A_2031, 0 {pack_format = #tpu.pack_format<interleaved>} : vector<32xbf16> -> vector<16xf32>
            %unpack3A_2033 = tpu.unpack_subelements %bitcast3A_2031, 1 {pack_format = #tpu.pack_format<interleaved>} : vector<32xbf16> -> vector<16xf32>
            %mul3A_2034 = arith.mulf %gather3A_364, %unpack3A_2032 : vector<16xf32>
            %add3A_2035 = arith.addf %add3A_2022, %mul3A_2034 : vector<16xf32>
            %mul3A_2036 = arith.mulf %gather3A_364, %unpack3A_2033 : vector<16xf32>
            %add3A_2037 = arith.addf %add3A_2024, %mul3A_2036 : vector<16xf32>
            %add3A_2038 = arith.constant 14 : i32
            %add3A_2039 = arith.addi %mul3A_266, %add3A_2038 : i32
            %get3A_2040 = arith.index_cast %select_n3A_196 : i32 to index
            %get3A_2041 = arith.index_cast %add3A_2039 : i32 to index
            %get3A_2042 = arith.constant 112 : index
            %get3A_2043 = tpu.vector_load %arg8[%get3A_2040, %get3A_2041, %get3A_2042] {strides = array<i32>} : memref<2x112x128xf32, #tpu.memory_space<vmem>>, vector<16xf32>,
            %bitcast3A_2044 = vector.bitcast %get3A_2043 : vector<16xf32> to vector<32xbf16>
            %unpack3A_2045 = tpu.unpack_subelements %bitcast3A_2044, 0 {pack_format = #tpu.pack_format<interleaved>} : vector<32xbf16> -> vector<16xf32>
            %unpack3A_2046 = tpu.unpack_subelements %bitcast3A_2044, 1 {pack_format = #tpu.pack_format<interleaved>} : vector<32xbf16> -> vector<16xf32>
            %mul3A_2047 = arith.mulf %gather3A_371, %unpack3A_2045 : vector<16xf32>
            %add3A_2048 = arith.addf %add3A_2035, %mul3A_2047 : vector<16xf32>
            %mul3A_2049 = arith.mulf %gather3A_371, %unpack3A_2046 : vector<16xf32>
            %add3A_2050 = arith.addf %add3A_2037, %mul3A_2049 : vector<16xf32>
            %add3A_2051 = arith.constant 15 : i32
            %add3A_2052 = arith.addi %mul3A_266, %add3A_2051 : i32
            %get3A_2053 = arith.index_cast %select_n3A_196 : i32 to index
            %get3A_2054 = arith.index_cast %add3A_2052 : i32 to index
            %get3A_2055 = arith.constant 112 : index
            %get3A_2056 = tpu.vector_load %arg8[%get3A_2053, %get3A_2054, %get3A_2055] {strides = array<i32>} : memref<2x112x128xf32, #tpu.memory_space<vmem>>, vector<16xf32>,
            %bitcast3A_2057 = vector.bitcast %get3A_2056 : vector<16xf32> to vector<32xbf16>
            %unpack3A_2058 = tpu.unpack_subelements %bitcast3A_2057, 0 {pack_format = #tpu.pack_format<interleaved>} : vector<32xbf16> -> vector<16xf32>
            %unpack3A_2059 = tpu.unpack_subelements %bitcast3A_2057, 1 {pack_format = #tpu.pack_format<interleaved>} : vector<32xbf16> -> vector<16xf32>
            %mul3A_2060 = arith.mulf %gather3A_378, %unpack3A_2058 : vector<16xf32>
            %add3A_2061 = arith.addf %add3A_2048, %mul3A_2060 : vector<16xf32>
            %mul3A_2062 = arith.mulf %gather3A_378, %unpack3A_2059 : vector<16xf32>
            %add3A_2063 = arith.addf %add3A_2050, %mul3A_2062 : vector<16xf32>
            %add3A_2064 = arith.constant 10976 : i32
            %add3A_2065 = arith.addi %mul3A_156, %add3A_2064 : i32
            %add3A_2066 = arith.addi %add3A_2065, %add3A_264 : i32
            %add3A_2067 = vector.broadcast %add3A_2066 : i32 to vector<16xi32>
            %add3A_2068 = arith.addi %mul3A_39, %add3A_2067 : vector<16xi32>
            tpu.vector_store_idx %arg9[%add3A_2068], %add3A_2061 : memref<25088xf32, #tpu.memory_space<vmem>>[vector<16xi32>], vector<16xf32>,
            %add3A_2069 = arith.constant 49 : i32
            %add3A_2070 = vector.broadcast %add3A_2069 : i32 to vector<16xi32>
            %add3A_2071 = arith.addi %add3A_2068, %add3A_2070 : vector<16xi32>
            tpu.vector_store_idx %arg9[%add3A_2071], %add3A_2063 : memref<25088xf32, #tpu.memory_space<vmem>>[vector<16xi32>], vector<16xf32>,
          }
          %scan3A_260 = arith.constant 7 : i32
        }
        %scan3A_168 = arith.constant 7 : i32
        %dma_start3A_169 = tpu.memref_slice %arg9[%mul3A_156] : memref<25088xf32, #tpu.memory_space<vmem>> -> memref<12544xf32, #tpu.memory_space<vmem>>
        %dma_start3A_170 = arith.constant 0 : i32
        %dma_start3A_171 = tpu.memref_slice %arg4[%add3A_139, %dma_start3A_170] : memref<1000x12544xf32, #tpu.memory_space<hbm>> -> memref<1x12544xf32, #tpu.memory_space<hbm>>
        %dma_start3A_172 = tpu.memref_squeeze %dma_start3A_171 : memref<1x12544xf32, #tpu.memory_space<hbm>> -> memref<12544xf32, #tpu.memory_space<hbm>>
        %dma_start3A_173 = tpu.memref_slice %arg11[%select_n3A_154] : memref<2x!tpu.dma_semaphore, #tpu.memory_space<semaphore_mem>> -> memref<1x!tpu.dma_semaphore, #tpu.memory_space<semaphore_mem>>
        %dma_start3A_174 = tpu.memref_squeeze %dma_start3A_173 : memref<1x!tpu.dma_semaphore, #tpu.memory_space<semaphore_mem>> -> memref<!tpu.dma_semaphore, #tpu.memory_space<semaphore_mem>>
        %dma_start3A_175 = arith.constant 0 : i32
        %dma_start3A_176 = tpu.memref_slice %arg4[%add3A_139, %dma_start3A_175] : memref<1000x12544xf32, #tpu.memory_space<hbm>> -> memref<1x12544xf32, #tpu.memory_space<hbm>>
        %dma_start3A_177 = tpu.memref_squeeze %dma_start3A_176 : memref<1x12544xf32, #tpu.memory_space<hbm>> -> memref<12544xf32, #tpu.memory_space<hbm>>
        %dma_start3A_178 = tpu.memref_slice %arg9[%mul3A_156] : memref<25088xf32, #tpu.memory_space<vmem>> -> memref<12544xf32, #tpu.memory_space<vmem>>
        tpu.enqueue_dma source(%dma_start3A_178 : memref<12544xf32, #tpu.memory_space<vmem>>) target(%dma_start3A_177 : memref<12544xf32, #tpu.memory_space<hbm>>) target_semaphore(%dma_start3A_174 : memref<!tpu.dma_semaphore, #tpu.memory_space<semaphore_mem>>)
      } else {
      }
    }
    %scan3A_110 = arith.constant 32 : i32
    %dma_wait3A = arith.constant 0 : i32
    %dma_wait3A_111 = arith.constant 0 : i32
    %dma_wait3A_112 = tpu.memref_slice %arg9[%dma_wait3A_111] : memref<25088xf32, #tpu.memory_space<vmem>> -> memref<12544xf32, #tpu.memory_space<vmem>>
    %dma_wait3A_113 = arith.constant 0 : i32
    %dma_wait3A_114 = tpu.memref_slice %arg4[%add3A, %dma_wait3A_113] : memref<1000x12544xf32, #tpu.memory_space<hbm>> -> memref<1x12544xf32, #tpu.memory_space<hbm>>
    %dma_wait3A_115 = tpu.memref_squeeze %dma_wait3A_114 : memref<1x12544xf32, #tpu.memory_space<hbm>> -> memref<12544xf32, #tpu.memory_space<hbm>>
    %dma_wait3A_116 = tpu.memref_slice %arg11[%dma_wait3A] : memref<2x!tpu.dma_semaphore, #tpu.memory_space<semaphore_mem>> -> memref<1x!tpu.dma_semaphore, #tpu.memory_space<semaphore_mem>>
    %dma_wait3A_117 = tpu.memref_squeeze %dma_wait3A_116 : memref<1x!tpu.dma_semaphore, #tpu.memory_space<semaphore_mem>> -> memref<!tpu.dma_semaphore, #tpu.memory_space<semaphore_mem>>
    %dma_wait3A_118 = arith.constant 0 : i32
    %dma_wait3A_119 = tpu.memref_slice %arg4[%add3A, %dma_wait3A_118] : memref<1000x12544xf32, #tpu.memory_space<hbm>> -> memref<1x12544xf32, #tpu.memory_space<hbm>>
    %dma_wait3A_120 = tpu.memref_squeeze %dma_wait3A_119 : memref<1x12544xf32, #tpu.memory_space<hbm>> -> memref<12544xf32, #tpu.memory_space<hbm>>
    %dma_wait3A_121 = arith.constant 0 : i32
    %dma_wait3A_122 = tpu.memref_slice %arg9[%dma_wait3A_121] : memref<25088xf32, #tpu.memory_space<vmem>> -> memref<12544xf32, #tpu.memory_space<vmem>>
    tpu.wait_dma2 semaphore(%dma_wait3A_117 : memref<!tpu.dma_semaphore, #tpu.memory_space<semaphore_mem>>) src(%dma_wait3A_122 : memref<12544xf32, #tpu.memory_space<vmem>>) dst(%dma_wait3A_120 : memref<12544xf32, #tpu.memory_space<hbm>>)
    %dma_wait3A_123 = arith.constant 1 : i32
    %dma_wait3A_124 = arith.constant 12544 : i32
    %dma_wait3A_125 = tpu.memref_slice %arg9[%dma_wait3A_124] : memref<25088xf32, #tpu.memory_space<vmem>> -> memref<12544xf32, #tpu.memory_space<vmem>>
    %dma_wait3A_126 = arith.constant 0 : i32
    %dma_wait3A_127 = tpu.memref_slice %arg4[%add3A, %dma_wait3A_126] : memref<1000x12544xf32, #tpu.memory_space<hbm>> -> memref<1x12544xf32, #tpu.memory_space<hbm>>
    %dma_wait3A_128 = tpu.memref_squeeze %dma_wait3A_127 : memref<1x12544xf32, #tpu.memory_space<hbm>> -> memref<12544xf32, #tpu.memory_space<hbm>>
    %dma_wait3A_129 = tpu.memref_slice %arg11[%dma_wait3A_123] : memref<2x!tpu.dma_semaphore, #tpu.memory_space<semaphore_mem>> -> memref<1x!tpu.dma_semaphore, #tpu.memory_space<semaphore_mem>>
    %dma_wait3A_130 = tpu.memref_squeeze %dma_wait3A_129 : memref<1x!tpu.dma_semaphore, #tpu.memory_space<semaphore_mem>> -> memref<!tpu.dma_semaphore, #tpu.memory_space<semaphore_mem>>
    %dma_wait3A_131 = arith.constant 0 : i32
    %dma_wait3A_132 = tpu.memref_slice %arg4[%add3A, %dma_wait3A_131] : memref<1000x12544xf32, #tpu.memory_space<hbm>> -> memref<1x12544xf32, #tpu.memory_space<hbm>>
    %dma_wait3A_133 = tpu.memref_squeeze %dma_wait3A_132 : memref<1x12544xf32, #tpu.memory_space<hbm>> -> memref<12544xf32, #tpu.memory_space<hbm>>
    %dma_wait3A_134 = arith.constant 12544 : i32
    %dma_wait3A_135 = tpu.memref_slice %arg9[%dma_wait3A_134] : memref<25088xf32, #tpu.memory_space<vmem>> -> memref<12544xf32, #tpu.memory_space<vmem>>
    tpu.wait_dma2 semaphore(%dma_wait3A_130 : memref<!tpu.dma_semaphore, #tpu.memory_space<semaphore_mem>>) src(%dma_wait3A_135 : memref<12544xf32, #tpu.memory_space<vmem>>) dst(%dma_wait3A_133 : memref<12544xf32, #tpu.memory_space<hbm>>)
    return
  }
}

</mosaic_0001>

<sc_bundles>
// kernel: kernel.3.cloned.1.call-start
scs
__scs_entry_jumppad:
0x0: {  	(pc) =	sbr.rel $0x88, $3  }
0x1: {  	(tag) =	ssettag $0x0;
	lr =	simm.s32 $0x1  }
0x2: {  	[smem:$0x3F9C] =	sst lr;
	_ =	strace $0xD0000000  }
0x3: {  	_ = 	snop  }
0x4: {  	_ = 	snop  }
0x5: {  	_ = 	snop  }
0x6: {  	_ = 	snop  }
0x7: {  	_ = 	snop  }
__scs_overlays_trampoline_lowered:
0x8: {  	[smem:$0x3FAB] =	sst s0  }
0x9: {  	[smem:$0x3FAC] =	sst s1  }
0xa: {  	[smem:$0x3FAD] =	sst s2  }
0xb: {  	[smem:$0x3FAE] =	sst s3  }
0xc: {  	[smem:$0x3FAF] =	sst s4  }
0xd: {  	[smem:$0x3FB0] =	sst s5  }
0xe: {  	[smem:$0x3FB1] =	sst s6  }
0xf: {  	[smem:$0x3FB2] =	sst s7  }
0x10: {  	[smem:$0x3FB3] =	sst s8  }
0x11: {  	[smem:$0x3FB4] =	sst s9;
	s0 =	simm.s32 @!p0 $0x0  }
0x12: {  	s1 =	sld [smem:$0x3F9A];
	s0 =	simm.s32 @p0 $0x1  }
0x13: {  	[smem:$0x3FB5] =	sst s0;
	s0 =	simm.s32 @!p1 $0x0  }
0x14: {  	s2 =	sld [smem:$0x3F99];
	s0 =	simm.s32 @p1 $0x1  }
0x15: {  	[smem:$0x3FB6] =	sst s0;
	s0 =	simm.s32 @!p2 $0x0  }
0x16: {  	s3 =	sld [smem:$0x3FDB];
	s0 =	simm.s32 @p2 $0x1  }
0x17: {  	s4 =	simm.s32 $0x1BF5;
	[smem:$0x3FB8] =	sst s0  }
0x18: {  	s0 =	sld [smem:$0x3F9B];
	_ =	swait.ge [sflag:s4], $0x0  }
0x19: {  	s7 =	sld [smem:$0x3F9C]  }
0x1a: {  	s8 =	sadd.s32 $0xFFFFE003, lr  }
0x1b: {  	s9 =	sadd.s32 $0xFFFFFEF7, lr;
	s5 =	simm.s32 $0xFFFFFFFF;
	p2 =	slt.u32 s8, $0xFFFFF086  }
0x1c: {  	p1 =	slt.u32 s9, $0xF7A;
	s5 =	simm.s32 @!p2 $0x0  }
0x1d: {  	s5 =	simm.s32 @p1 $0x1;
	p0 =	seq.s32 s7, s2  }
0x1e: {  	s7 =	smul.u32 @!p0 $0xF7A, s2;
	p2 =	seq.s32 @!p0 s5, $0x0  }
0x1f: {  	s9 =	smul.u32 $0xF7A, s1;
	s8 =	simm.s32 @!p0 $0x1BF5;
	p2 =	por !p2, p0  }
0x20: {  	[sflag:s8] =	ssyncset.s32 @!p0 $0xFFFFF086;
	s6 =	sadd.s32 @!p0 s3, s7;
	s7 =	simm.s32 @!p0 $0x108  }
0x21: {  	s3 =	sadd.s32 s3, s9;
	s6 =	sadd.s32 @!p0 $0x88, s6;
	s7 =	simm.s32 @p2 $0x1082  }
0x22: {  	[simem:s7], [sflag:s8] =	dma.local @!p0 [hbm:s6], $0xF7A  }
0x23: {  	s9 =	sor.u32 $0xD0000000, s2;
	s6 =	simm.s32 $0x108;
	_ =	swait.ge @!p0 [sflag:s8], $0x0  }
0x24: {  	s3 =	sadd.s32 $0x88, s3;
	s6 =	simm.s32 @!p1 $0x1082;
	[sflag:s4] =	ssyncset.s32 $0xFFFFF086  }
0x25: {  	[simem:s6], [sflag:s4] =	dma.local [hbm:s3], $0xF7A  }
0x26: {  	[smem:$0x3F9C] =	sst s1;
	(tag) =	ssettag s2;
	_ =	strace s9  }
0x27: {  	s1 =	sld [smem:$0x3FAC]  }
0x28: {  	s2 =	sld [smem:$0x3FAD]  }
0x29: {  	s4 =	sld [smem:$0x3FAF]  }
0x2a: {  	p0 =	seq.s32 s5, $0x0;
	s5 =	sld [smem:$0x3FB0]  }
0x2b: {  	s6 =	sld [smem:$0x3FB1]  }
0x2c: {  	s7 =	sld [smem:$0x3FB2]  }
0x2d: {  	s3 =	simm.s32 $0x108;
	s8 =	sld [smem:$0x3FB3]  }
0x2e: {  	s3 =	simm.s32 @!p0 $0x1082;
	s9 =	sld [smem:$0x3FB4]  }
0x2f: {  	lr =	sadd.s32 s0, s3;
	s0 =	sld [smem:$0x3FAB]  }
0x30: {  	s3 =	sld [smem:$0x3FAE]  }
0x31: {  	[smem:$0x3FB7] =	sst s10  }
0x32: {  	s10 =	sld [smem:$0x3FB5];
	_ =	sdelay $0x3  }
0x33: {  	p0 =	seq.s32 s10, $0x1;
	s10 =	sld [smem:$0x3FB7];
	_ =	sdelay $0x3  }
0x34: {  	[smem:$0x3FB7] =	sst s10  }
0x35: {  	s10 =	sld [smem:$0x3FB6];
	_ =	sdelay $0x3  }
0x36: {  	p1 =	seq.s32 s10, $0x1;
	s10 =	sld [smem:$0x3FB7];
	_ =	sdelay $0x3  }
0x37: {  	[smem:$0x3FB7] =	sst s10  }
0x38: {  	s10 =	sld [smem:$0x3FB8]  }
0x39: {  	_ = 	snop;
	(pc) =	sbr.ind lr, $3  }
0x3a: {  	_ = 	snop  }
0x3b: {  	_ = 	snop  }
0x3c: {  	p2 =	seq.s32 s10, $0x1;
	s10 =	sld [smem:$0x3FB7]  }
0x3d: {  	_ =	shalt  }
0x3e: {  	_ =	shalt  }
0x3f: {  	_ =	shalt  }
0x40: {  	_ =	shalt  }
0x41: {  	_ =	shalt  }
0x42: {  	_ =	shalt  }
0x43: {  	_ =	shalt  }
0x44: {  	_ =	shalt  }
0x45: {  	_ =	shalt  }
0x46: {  	_ =	shalt  }
0x47: {  	_ =	shalt  }
0x48: {  	_ =	shalt  }
0x49: {  	_ =	shalt  }
0x4a: {  	_ =	shalt  }
0x4b: {  	_ =	shalt  }
0x4c: {  	_ =	shalt  }
0x4d: {  	_ =	shalt  }
0x4e: {  	_ =	shalt  }
0x4f: {  	_ =	shalt  }
0x50: {  	_ =	shalt  }
0x51: {  	_ =	shalt  }
0x52: {  	_ =	shalt  }
0x53: {  	_ =	shalt  }
0x54: {  	_ =	shalt  }
0x55: {  	_ =	shalt  }
0x56: {  	_ =	shalt  }
0x57: {  	_ =	shalt  }
0x58: {  	_ =	shalt  }
0x59: {  	_ =	shalt  }
0x5a: {  	_ =	shalt  }
0x5b: {  	_ =	shalt  }
0x5c: {  	_ =	shalt  }
0x5d: {  	_ =	shalt  }
0x5e: {  	_ =	shalt  }
0x5f: {  	_ =	shalt  }
0x60: {  	_ =	shalt  }
0x61: {  	_ =	shalt  }
0x62: {  	_ =	shalt  }
0x63: {  	_ =	shalt  }
0x64: {  	_ =	shalt  }
0x65: {  	_ =	shalt  }
0x66: {  	_ =	shalt  }
0x67: {  	_ =	shalt  }
0x68: {  	_ =	shalt  }
0x69: {  	_ =	shalt  }
0x6a: {  	_ =	shalt  }
0x6b: {  	_ =	shalt  }
0x6c: {  	_ =	shalt  }
0x6d: {  	_ =	shalt  }
0x6e: {  	_ =	shalt  }
0x6f: {  	_ =	shalt  }
0x70: {  	_ =	shalt  }
0x71: {  	_ =	shalt  }
0x72: {  	_ =	shalt  }
0x73: {  	_ =	shalt  }
0x74: {  	_ =	shalt  }
0x75: {  	_ =	shalt  }
0x76: {  	_ =	shalt  }
0x77: {  	_ =	shalt  }
0x78: {  	_ =	shalt  }
0x79: {  	_ =	shalt  }
0x7a: {  	_ =	shalt  }
0x7b: {  	_ =	shalt  }
0x7c: {  	_ =	shalt  }
0x7d: {  	_ =	shalt  }
0x7e: {  	_ =	shalt  }
0x7f: {  	_ =	shalt  }
0x80: {  	_ =	shalt  }
0x81: {  	_ =	shalt  }
0x82: {  	_ =	shalt  }
0x83: {  	_ =	shalt  }
0x84: {  	_ =	shalt  }
0x85: {  	_ =	shalt  }
0x86: {  	_ =	shalt  }
0x87: {  	_ =	shalt  }
.Lfunc_end0:
.L_simem_size_0:
called_computation.1_lowered:
.L_overlay_start_0:
0x88: {  	s2 =	sld [smem:$0x3FD9]  }
0x89: {  	s3 =	sld [smem:$0x3FFE];
	_ =	sdelay $0x1  }
0x8a: {  	s1 =	srdreg.scid  }
0x8b: {  	s0 =	sand.u32 $0x1, s1  }
0x8c: {  	s17 =	sshll.u32 s0, $0xA;
	s2 =	sadd.s32 s3, s2  }
0x8d: {  	s2 =	sadd.s32 s2, s17  }
0x8e: {  	[smem:$0x3FC3] =	sst s2  }
0x8f: {  	_ = 	snop  }
0x90: {  	s2 =	sld [smem:$0x3FD0];
	(tm) =	ssettm $0x1  }
0x91: {  	s18 =	sld [smem:$0x3FFB];
	_ =	sdelay $0x3  }
0x92: {  	_ =	strace s18  }
0x93: {  	s3 =	sld [smem:$0x3FFC];
	_ =	sdelay $0x3  }
0x94: {  	_ =	strace s3  }
0x95: {  	s3 =	sld [smem:$0x3FFD];
	_ =	sdelay $0x3  }
0x96: {  	_ =	strace s3  }
0x97: {  	_ =	strace $0x8FFFFFFF  }
0x98: {  	s19 =	sld [smem:$0x3FDB];
	_ =	sdelay $0x1  }
0x99: {  	s4 =	simm.s32 $_scs_section_size  }
0x9a: {  	s5 =	simm.s32 $_size__tile_overlayer_lowered;
	s6 =	simm.s32 $_tile_overlayer_lowered  }
0x9b: {  	s22 =	simm.s32 $0x1BFF;
	s21 =	sshll.u32 s6, $0x1;
	s3 =	sadd.s32 s4, s19  }
0x9c: {  	s7 =	simm.s32 $0x0;
	s20 =	sshll.u32 s5, $0x1;
	s5 =	sadd.s32 s21, s3  }
0x9d: {  	[timem:s7], [sflag:s22] =	dma.local [hbm:s5], s20  }
0x9e: {  	_ =	swait.ge [sflag:s22], s20  }
0x9f: {  	s4 =	ssub.s32 $0x0, s20;
	[sflag:s22] =	ssyncset.done $0x0  }
0xa0: {  	[sflag:s22] =	ssyncadd.s32 s4;
	_ =	sdelay $0x1  }
0xa1: {  	s23 =	simm.s32 $0x1B8B  }
0xa2: {  	_ =	swait.ge [sflag:s23], $0x1  }
0xa3: {  	[sflag:s23] =	ssyncset.done $0x0  }
0xa4: {  	s25 =	simm.s32 $0x1B8E;
	s24 =	sld [smem:$0x3FFE];
	[sflag:s23] =	ssyncadd.s32 $0xFFFFFFFF  }
0xa5: {  	s26 =	simm.s32 $execute0_lowered;
	[smem:$0x3FD2] =	sst s25  }
0xa6: {  	s5 =	sshll.u32 s26, $0x1;
	_ =	strace $0x80000046;
	[dreg:$0x1] =	wrdreg $0xFFFFFFFF  }
0xa7: {  	s28 =	simm.s32 $_size_execute0_lowered;
	s3 =	sadd.s32 s3, s5;
	[dreg:$0x0] =	wrdreg $0x0  }
0xa8: {  	s5 =	sshll.u32 s28, $0x1;
	[dreg:$0x2] =	wrdreg s3  }
0xa9: {  	[dreg:$0x3] =	wrdreg s5  }
0xaa: {  	[dreg:$0x4] =	wrdreg $0xC0  }
0xab: {  	_ =	task [dreg:s7], $0x5FFFF  }
0xac: {  	[dreg:$0x1] =	wrdreg $0xFFFFFFFF  }
0xad: {  	[dreg:$0x0] =	wrdreg $0x60  }
0xae: {  	[dreg:$0x2] =	wrdreg s24  }
0xaf: {  	[dreg:$0x3] =	wrdreg s2  }
0xb0: {  	[dreg:$0x4] =	wrdreg $0x9  }
0xb1: {  	_ =	task.clear_ibuf [dreg:s7], $0x5FFFF;
	_ =	strace $0x90000046  }
0xb2: {  	s29 =	simm.s32 $0x9;
	_ =	strace $0x80000048  }
0xb3: {  	_ =	swait.ge [sflag:s29], $0x1  }
0xb4: {  	[sflag:s29] =	ssyncadd.s32 $0xFFFFFFFF  }
0xb5: {  	_ =	strace $0x90000048  }
0xb6: {  	_ =	sfence  }
0xb7: {  	s30 =	sld [smem:$0x0];
	_ =	sdelay $0x2  }
0xb8: {  	s31 =	sshll.u32 s1, $0xD;
	s1 =	sshrl.u32 s1, $0x2  }
0xb9: {  	s3 =	sand.u32 $0x4000, s31;
	s1 =	sadd.s32 s1, s30  }
0xba: {  	s0 =	sor.u32 s3, s0;
	s1 =	sshll.u32 s1, $0x11  }
0xbb: {  	s0 =	sor.u32 s1, s0  }
0xbc: {  	s0 =	sadd.s32 $0x8F2B, s0  }
0xbd: {  	[sflag:s0] =	ssyncadd.remote.s32 $0x1  }
0xbe: {  	_ =	sfence.sel $0xFFFF  }
0xbf: {  	[dreg:$0x0] =	wrdreg $0xFFFFFFFF;
	(pc) =	sbr.abs _section_cstart, $3  }
0xc0: {  	[dreg:$0x1] =	wrdreg $0xFFFFFFFF  }
0xc1: {  	_ =	task.clear_ibuf [dreg:s7], $0x2FFFF;
	_ =	strace $0x9FFFFFFF  }
0xc2: {  	(tm) =	ssettm $0x7FFFFFFF  }
0xc3: {  	_ =	shalt  }
tec
execute0_lowered:
.L_overlay_start_1:
0x0: {  	(tag) =	ssettag $0x1  }
0x1: {  	v0 =	vimm.s32 $0x1;
	v1 =	vimm.s32 $0x2  }
0x2: {  	v2 =	vimm.s32 $0x3;
	v3 =	vimm.s32 $0x4;
	v4 =	vimm.s32 $0x5  }
0x3: {  	v5 =	vimm.s32 $0x6;
	v6 =	vimm.s32 $0x7;
	v7 =	vimm.s32 $0x8  }
0x4: {  	vm0 =	vcmask $0x1F00;
	v9 =	vimm.f32 $5.000000000e-01;
	vm1 =	vcmask $0xF00  }
0x5: {  	v10 =	vimm.f32 $1.000000000e+00;
	vm4 =	vcmask $0x300;
	vm5 =	vcmask $0xB08  }
0x6: {  	vm2 =	vcmask $0x2720;
	vm6 =	vcmask $0x1310;
	vm7 =	vcmask $0x1B18  }
0x7: {  	vm3 =	vcmask $0x3730;
	vm8 =	vcmask $0x2320;
	vm9 =	vcmask $0x2B28  }
0x8: {  	s0 =	rddreg [dreg:$0x0];
	s1 =	simm.s32 $0x0;
	v8 =	vsel vm0, $0x0, v9;
	v9 =	vsel vm1, $0x0, v9;
	vm0 =	vcmask $0x2F20  }
0x9: {  	s25 =	srdreg.scid;
	s3 =	stileid.u32;
	vm14 =	vcmask $0x3330;
	s10 =	simm.s32 $0x5;
	v9 =	vsel vm0, $0x0, v9;
	vm0 =	vcmask $0x700  }
0xa: {  	vm15 =	vcmask $0x3B38;
	[smem:$0x7FF] =	sst s1;
	s1 =	sand.u32 $0x1, s25;
	s4 =	sadd.s32 $0x4C00, s0;
	v11 =	vsel vm0, $0x0, v10;
	v10 =	vsel vm4, $0x0, v10  }
0xb: {  	vm1 =	vcmask $0x1710;
	s3 =	sshll.u32 s3, $0x1;
	s0 =	sadd.s32 $0xC00, s0;
	s2 =	ssub.s32 $0x2, s1;
	vm4 =	vmor vm4, vm5;
	v10 =	vsel vm5, $0x0, v10  }
0xc: {  	_ =	strace $0x80000047;
	s19 =	sor.u32 s1, s3;
	s5 =	sshrl.u32 s2, $0x1;
	vm0 =	vmor vm0, vm1;
	vm4 =	vmor vm4, vm6;
	v10 =	vsel vm6, $0x0, v10  }
0xd: {  	s28 =	sshll.u32 s19, $0x7;
	s3 =	sshll.u32 s19, $0x4;
	[dreg:$0x3] =	wrdreg s19;
	v11 =	vsel vm1, $0x0, v11;
	vm4 =	vmor vm4, vm7;
	v10 =	vsel vm7, $0x0, v10  }
.Ltmp0:
0xe: {  	s26 =	ssub.s32 s2, s5;
	s2 =	sand.u32 $0x380, s28;
	v11 =	vsel vm2, $0x0, v11;
	vm4 =	vmor vm4, vm8;
	v10 =	vsel vm8, $0x0, v10;
	(pc) =	sbr.rel .LBB2_1-.Ltmp0, $4  }
0xf: {  	s29 =	sadd.s32 s0, s3;
	s30 =	sand.u32 $0x70, s3;
	[dreg:$0x4] =	wrdreg s2;
	v12 =	vsel vm9, $0x0, v10;
	v10 =	vsel vm3, $0x0, v11;
	v11 =	vlaneseq.u32  }
0x10: {  	s11 =	simm.s32 $0x70;
	vm0 =	vmor vm0, vm2;
	[dreg:$0x5] =	wrdreg s29;
	s0 =	sadd.s32 s0, s30;
	vm1 =	vmor vm4, vm9;
	v11 =	vmul.u32 $0x62, v11  }
0x11: {  	s14 =	simm.s32 $0x880;
	s31 =	smax.u32 s26, $0x1;
	vm0 =	vmor vm0, vm3;
	[dreg:$0x6] =	wrdreg s0;
	vm1 =	vmor vm1, vm14;
	v12 =	vsel vm14, $0x0, v12  }
0x12: {  	s15 =	simm.s32 $0x7F00;
	s2 =	simm.s32 $0x0;
	[dreg:$0x7] =	wrdreg s31;
	vm1 =	vmor vm1, vm15;
	v12 =	vsel vm15, $0x0, v12;
	v13 =	vadd.s32 $0x31, v11  }
.LBB2_18:
0x13: {  	s0 =	simm.s32 $0x3  }
0x14: {  	_ =	swait.ge [sflag:s0], $0x3100  }
0x15: {  	[sflag:s0] =	ssyncset.done $0x0  }
0x16: {  	s1 =	simm.s32 $0x4;
	[sflag:s0] =	ssyncadd.s32 $0xFFFFCF00  }
0x17: {  	_ =	swait.ge [sflag:s1], $0x3100  }
0x18: {  	s2 =	rddreg [dreg:$0x8]  }
0x19: {  	s31 =	rddreg [dreg:$0x7];
	s2 =	sadd.s32 $0x1, s2  }
0x1a: {  	p0 =	sne.s32 s2, s31  }
.Ltmp1:
0x1b: {  	_ = 	snop;
	(pc) =	sbr.rel @!p0 .LBB2_19-.Ltmp1, $3  }
0x1c: {  	_ =	sdelay $0x1  }
0x1d: {  	[sflag:s1] =	ssyncset.done $0x0  }
0x1e: {  	[sflag:s1] =	ssyncadd.s32 $0xFFFFCF00  }
.LBB2_1:
0x1f: {  	[dreg:$0x8] =	wrdreg s2  }
0x20: {  	s8 =	simm.s32 $0x0;
	s0 =	rddreg [dreg:$0x5]  }
0x21: {  	[tilespmem:s8], [sflag:$0x5] =	stream.linear.gather [hbm4b:s0+s8], $0x80, $0x38;
	[tilespmem:$0xE100] =	vst v63  }
0x22: {  	s24 =	smul.u32 $0x25, s8;
	_ =	swait.ge [sflag:s10], $0x80  }
0x23: {  	[sflag:s10] =	ssyncset.done $0x0  }
0x24: {  	s0 =	sshrl.u32 s24, $0x8;
	[sflag:s10] =	ssyncadd.s32 $0xFFFFFF80  }
0x25: {  	s1 =	ssub.s32 $0x0, s0;
	v16 =	vld.idx.msk [tilespmem:v1+s8+$0x0], $0xffff  }
0x26: {  	v14 =	vld.idx.msk [tilespmem:v3+s8+$0x0], $0xffff;
	s1 =	sand.u32 $0xFE, s1  }
0x27: {  	v18 =	vld.idx.msk [tilespmem:v0+s8+$0x0], $0xffff;
	s1 =	sshrl.u32 s1, $0x1  }
0x28: {  	v22 =	vld.idx.msk [tilespmem:v4+s8+$0x0], $0xffff;
	s0 =	sadd.s32 s0, s1  }
0x29: {  	v15 =	vld.idx.msk [tilespmem:v2+s8+$0x0], $0xffff;
	s0 =	sand.u32 $0xFC, s0  }
0x2a: {  	s1 =	sshrl.u32 s0, $0x2  }
0x2b: {  	s25 =	simm.s32 $0x1;
	v14 =	vsub.f32 v14, v16;
	s26 =	smul.u32 $0x7, s1  }
0x2c: {  	s0 =	smul.u32 $0x25, s25;
	s3 =	scvt.s32.f32 s1  }
0x2d: {  	s6 =	simm.s32 $0x2;
	v17 =	vmul.f32 v22, v14;
	s2 =	ssub.s32 $0x0, s26  }
0x2e: {  	v15 =	vsub.f32 v15, v18;
	s0 =	sshrl.u32 s0, $0x8;
	s3 =	sadd.f32 $2.500000000e-01, s3;
	s2 =	sand.u32 $0xFF, s2  }
0x2f: {  	s29 =	smul.u32 $0x25, s6;
	v14 =	vld.idx.msk [tilespmem:v7+s8+$0x0], $0xffff;
	s5 =	ssub.s32 $0x1, s0;
	v17 =	vmax.f32 v17, $1.000000000e+00;
	s7 =	scvt.s32.f32 s2  }
0x30: {  	v21 =	vmul.f32 v22, v15;
	s28 =	sand.u32 $0xFE, s5;
	v19 =	vmul.f32 $1.428571490e-01, v17;
	v17 =	vadd.f32 s3, v8  }
0x31: {  	s31 =	sshrl.u32 s29, $0x8;
	s3 =	sshrl.u32 s28, $0x1;
	s30 =	sadd.f32 $2.500000000e-01, s7  }
0x32: {  	v20 =	vmul.f32 v22, v16;
	v15 =	vld.idx.msk [tilespmem:v6+s8+$0x0], $0xffff;
	s5 =	ssub.s32 $0x2, s31;
	v16 =	vmax.f32 v21, $1.000000000e+00;
	s0 =	sadd.s32 s0, s3;
	v23 =	vmul.f32 v17, v19  }
0x33: {  	v21 =	vmul.f32 $1.428571490e-01, v16;
	s7 =	sand.u32 $0xFE, s5;
	s0 =	sand.u32 $0xFC, s0;
	v16 =	vadd.f32 s30, v9  }
0x34: {  	v17 =	vadd.f32 $-1.000000000e+00, v14;
	s17 =	sshrl.u32 s0, $0x2;
	s0 =	sshrl.u32 s7, $0x1;
	v23 =	vadd.f32 v23, v20  }
0x35: {  	v22 =	vmul.f32 v22, v18;
	s9 =	scvt.s32.f32 s17;
	s0 =	sadd.s32 s31, s0;
	v18 =	vmul.f32 v16, v21  }
0x36: {  	s12 =	smul.u32 $0x7, s17;
	s0 =	sand.u32 $0xFC, s0;
	v24 =	vmin.f32 v23, v17  }
0x37: {  	v16 =	vadd.f32 $-1.000000000e+00, v15;
	s5 =	sadd.f32 $2.500000000e-01, s9;
	s0 =	sshrl.u32 s0, $0x2;
	v25 =	vtrunc.f32 v24;
	v26 =	vadd.f32 v18, v22  }
0x38: {  	s3 =	ssub.s32 $0x1, s12;
	s13 =	scvt.s32.f32 s0;
	v18 =	vcvt.f32.s32 v25  }
0x39: {  	s16 =	sand.u32 $0xFF, s3;
	v25 =	vadd.f32 s5, v8;
	v27 =	vmin.f32 v26, v16  }
0x3a: {  	s3 =	scvt.s32.f32 s16;
	s5 =	sadd.f32 $2.500000000e-01, s13;
	v28 =	vcvt.s32.f32 v18;
	v18 =	vtrunc.f32 v27  }
0x3b: {  	v25 =	vmul.f32 v25, v19;
	v29 =	vcvt.f32.s32 v18  }
0x3c: {  	vm2 =	vlt.f32 v23, v14;
	s3 =	sadd.f32 $2.500000000e-01, s3;
	v31 =	vadd.f32 s5, v8  }
0x3d: {  	v18 =	vld.idx.msk [tilespmem:v5+s8+$0x0], $0xffff;
	v30 =	vadd.f32 v10, v28;
	v32 =	vadd.f32 v25, v20;
	v25 =	vcvt.s32.f32 v29  }
0x3e: {  	v24 =	vsub.f32 v24, v28;
	v29 =	vadd.f32 s3, v9;
	v23 =	vmul.f32 v31, v19  }
0x3f: {  	v28 =	vmin.f32 v30, v17;
	v30 =	vmin.f32 v32, v17;
	v27 =	vsub.f32 v27, v25  }
0x40: {  	v33 =	vsub.f32 $1.000000000e+00, v24;
	v28 =	vmul.f32 v28, v15;
	v29 =	vmul.f32 v29, v21  }
0x41: {  	v25 =	vadd.f32 v12, v25;
	v34 =	vtrunc.f32 v30;
	v35 =	vsub.f32 $1.000000000e+00, v27  }
0x42: {  	s18 =	simm.s32 $0x3;
	s20 =	smul.u32 $0x7, s0;
	v24 =	vsel vm0, v33, v24;
	v28 =	vadd.f32 v28, v18;
	v36 =	vadd.f32 v29, v22  }
0x43: {  	s3 =	smul.u32 $0x25, s18;
	v29 =	vcvt.f32.s32 v34;
	v25 =	vmin.f32 v25, v16;
	v27 =	vsel vm1, v35, v27  }
0x44: {  	s22 =	ssub.s32 $0x2, s20;
	v25 =	vadd.f32 v28, v25;
	v28 =	vmin.f32 v36, v16;
	v24 =	vmul.f32 v27, v24  }
0x45: {  	s21 =	sshrl.u32 s3, $0x8;
	s3 =	sand.u32 $0xFF, s22;
	v29 =	vcvt.s32.f32 v29;
	v27 =	vtrunc.f32 v28  }
0x46: {  	s24 =	scvt.s32.f32 s3;
	v25 =	vtrunc.f32 v25;
	v24 =	vmul.f32 $2.500000000e-01, v24  }
0x47: {  	s13 =	simm.s32 $0x4;
	vm3 =	vlt.f32 v26, v15;
	s23 =	ssub.s32 $0x3, s21;
	v26 =	vcvt.f32.s32 v25;
	v25 =	vcvt.f32.s32 v27  }
0x48: {  	s25 =	smul.u32 $0x25, s13;
	vm2 =	vmand vm2, vm3;
	v23 =	vadd.f32 v23, v20;
	s5 =	sand.u32 $0xFE, s23;
	s26 =	sadd.f32 $2.500000000e-01, s24;
	v27 =	vadd.f32 v10, v29  }
0x49: {  	s5 =	sshrl.u32 s5, $0x1;
	v29 =	vsub.f32 v30, v29;
	v31 =	vnsel vm2, $0x0, v24;
	v24 =	vcvt.s32.f32 v25  }
0x4a: {  	s8 =	sshrl.u32 s25, $0x8;
	s5 =	sadd.s32 s21, s5;
	v30 =	vadd.f32 s26, v9;
	v27 =	vmin.f32 v27, v17;
	v25 =	vmin.f32 v23, v17  }
0x4b: {  	s28 =	ssub.s32 $0x4, s8;
	s5 =	sand.u32 $0xFC, s5;
	v60 =	vsub.f32 $1.000000000e+00, v29;
	v27 =	vmul.f32 v27, v15;
	v28 =	vsub.f32 v28, v24  }
0x4c: {  	s7 =	sshrl.u32 s5, $0x2;
	s5 =	sand.u32 $0xFE, s28;
	v30 =	vmul.f32 v30, v21;
	v62 =	vtrunc.f32 v25;
	v61 =	vadd.f32 v12, v24  }
0x4d: {  	s1 =	sshll.u32 s1, $0x7;
	s29 =	scvt.s32.f32 s7;
	s5 =	sshrl.u32 s5, $0x1;
	v33 =	vsel vm0, v60, v29;
	v37 =	vadd.f32 v27, v18;
	v29 =	vsub.f32 $1.000000000e+00, v28  }
0x4e: {  	s2 =	sshll.u32 s2, $0x4;
	s30 =	smul.u32 $0x7, s7;
	s5 =	sadd.s32 s8, s5;
	v24 =	vadd.f32 v30, v22;
	v30 =	vcvt.f32.s32 v62;
	v34 =	vmin.f32 v61, v16  }
0x4f: {  	s1 =	sor.u32 s2, s1;
	vm3 =	vlt.f32 v36, v15;
	s6 =	sadd.f32 $2.500000000e-01, s29;
	s5 =	sand.u32 $0xFC, s5;
	v34 =	vadd.f32 v37, v34;
	v63 =	vsel vm1, v29, v28  }
0x50: {  	s2 =	simm.s32 $0x880;
	s31 =	ssub.s32 $0x3, s30;
	s9 =	sshrl.u32 s5, $0x2;
	v28 =	vmin.f32 v24, v16;
	v29 =	vcvt.s32.f32 v30;
	v33 =	vmul.f32 v63, v33  }
0x51: {  	s17 =	sshll.u32 s17, $0x7;
	[tilespmem:s1+$0x80] =	vst v26;
	s1 =	sand.u32 $0xFF, s31;
	s18 =	scvt.s32.f32 s9;
	v27 =	vadd.f32 s6, v8;
	v30 =	vtrunc.f32 v28;
	v26 =	vtrunc.f32 v34  }
0x52: {  	s12 =	sshll.u32 s16, $0x4;
	vm2 =	vlt.f32 v32, v14;
	[tilespmem:s14+$0x0] =	vst v31;
	s8 =	scvt.s32.f32 s1;
	s6 =	simm.s32 $0x5;
	v26 =	vcvt.f32.s32 v26;
	v31 =	vmul.f32 $2.500000000e-01, v33  }
.LBB2_2:
0x53: {  	p0 =	sne.s32 s6, $0x30;
	s5 =	sadd.f32 $2.500000000e-01, s18;
	v32 =	vmul.f32 v27, v19;
	v30 =	vcvt.f32.s32 v30;
	vm2 =	vmand vm2, vm3;
	s12 =	sor.u32 s12, s17  }
0x54: {  	s16 =	smul.u32 $0x25, s6;
	v33 =	vadd.f32 v10, v29;
	s2 =	sadd.s32 $0x10, s2;
	s8 =	sadd.f32 $2.500000000e-01, s8;
	v31 =	vnsel vm2, $0x0, v31;
	[tilespmem:s12+$0x80] =	vst v26  }
0x55: {  	v27 =	vadd.f32 s5, v8;
	v26 =	vadd.f32 v32, v20;
	v30 =	vcvt.s32.f32 v30;
	[tilespmem:s2+$0x0] =	vst v31;
	s5 =	smov.u32 s0;
	s0 =	smov.u32 s7;
	s7 =	smov.u32 s9  }
0x56: {  	v29 =	vsub.f32 v25, v29;
	s12 =	smov.u32 s3;
	s3 =	smov.u32 s1;
	s9 =	sshrl.u32 s16, $0x8;
	v32 =	vmin.f32 v33, v17;
	v31 =	vadd.f32 s8, v9  }
0x57: {  	s1 =	ssub.s32 s6, s9;
	v32 =	vmul.f32 v32, v15;
	v25 =	vmin.f32 v26, v17;
	v28 =	vsub.f32 v28, v30  }
0x58: {  	v33 =	vsub.f32 $1.000000000e+00, v29;
	s1 =	sand.u32 $0xFE, s1;
	v30 =	vadd.f32 v12, v30;
	v31 =	vmul.f32 v31, v21  }
0x59: {  	s8 =	smul.u32 $0x7, s7;
	s1 =	sshrl.u32 s1, $0x1;
	v34 =	vtrunc.f32 v25;
	v32 =	vadd.f32 v32, v18;
	v35 =	vsub.f32 $1.000000000e+00, v28  }
.Ltmp2:
0x5a: {  	s1 =	sadd.s32 s9, s1;
	v30 =	vmin.f32 v30, v16;
	v36 =	vadd.f32 v31, v22;
	v31 =	vcvt.f32.s32 v34;
	(pc) =	sbr.rel @p0 .LBB2_2-.Ltmp2, $4  }
0x5b: {  	v33 =	vsel vm0, v33, v29;
	s1 =	sand.u32 $0xFC, s1;
	v32 =	vadd.f32 v32, v30;
	v34 =	vsel vm1, v35, v28  }
0x5c: {  	s9 =	sshrl.u32 s1, $0x2;
	s1 =	ssub.s32 s13, s8;
	s13 =	smov.u32 s6;
	v28 =	vmin.f32 v36, v16;
	v29 =	vcvt.s32.f32 v31;
	v31 =	vmul.f32 v34, v33  }
0x5d: {  	vm2 =	vlt.f32 v23, v14;
	s17 =	sshll.u32 s5, $0x7;
	v23 =	vmovc v26;
	s18 =	scvt.s32.f32 s9;
	s1 =	sand.u32 $0xFF, s1;
	v32 =	vtrunc.f32 v32;
	v30 =	vtrunc.f32 v28  }
0x5e: {  	vm3 =	vlt.f32 v24, v15;
	s12 =	sshll.u32 s12, $0x4;
	s6 =	sadd.s32 $0x1, s6;
	v24 =	vmovc v36;
	s8 =	scvt.s32.f32 s1;
	v26 =	vcvt.f32.s32 v32;
	v31 =	vmul.f32 $2.500000000e-01, v31  }
0x5f: {  	v27 =	vmul.f32 v27, v19;
	v30 =	vcvt.f32.s32 v30  }
0x60: {  	vm2 =	vmand vm2, vm3;
	v32 =	vadd.f32 v10, v29;
	v25 =	vsub.f32 v25, v29  }
0x61: {  	s6 =	sadd.f32 $2.500000000e-01, s18;
	vm3 =	vlt.f32 v24, v15;
	v31 =	vnsel vm2, $0x0, v31;
	vm2 =	vlt.f32 v23, v14  }
0x62: {  	s23 =	smul.u32 $0x7, s9;
	s5 =	sadd.f32 $2.500000000e-01, s8;
	v27 =	vadd.f32 v27, v20;
	v30 =	vcvt.s32.f32 v30;
	v32 =	vmin.f32 v32, v17  }
0x63: {  	v34 =	vsub.f32 $1.000000000e+00, v25;
	v63 =	vadd.f32 s6, v8;
	vm2 =	vmand vm2, vm3  }
0x64: {  	v61 =	vadd.f32 s5, v9;
	v32 =	vmul.f32 v32, v15;
	s5 =	ssub.s32 s13, s23;
	v33 =	vmin.f32 v27, v17  }
0x65: {  	v28 =	vsub.f32 v28, v30;
	v30 =	vadd.f32 v12, v30;
	s13 =	sand.u32 $0xFF, s5;
	v38 =	vmul.f32 v63, v19  }
0x66: {  	v25 =	vsel vm0, v34, v25;
	v29 =	vmul.f32 v61, v21;
	v35 =	vtrunc.f32 v33;
	s5 =	scvt.s32.f32 s13  }
0x67: {  	v32 =	vadd.f32 v32, v18;
	v62 =	vsub.f32 $1.000000000e+00, v28;
	v35 =	vcvt.f32.s32 v35  }
0x68: {  	v30 =	vmin.f32 v30, v16;
	v19 =	vadd.f32 v38, v20;
	v29 =	vadd.f32 v29, v22;
	s5 =	sadd.f32 $2.500000000e-01, s5  }
0x69: {  	v30 =	vadd.f32 v32, v30;
	v28 =	vsel vm1, v62, v28;
	v35 =	vcvt.s32.f32 v35  }
0x6a: {  	v45 =	vmin.f32 v19, v17;
	v25 =	vmul.f32 v28, v25;
	v40 =	vadd.f32 s5, v9  }
0x6b: {  	v36 =	vmin.f32 v29, v16;
	v46 =	vtrunc.f32 v45;
	v30 =	vtrunc.f32 v30  }
0x6c: {  	vm3 =	vlt.f32 v29, v15;
	v37 =	vtrunc.f32 v36;
	v42 =	vmul.f32 v40, v21  }
0x6d: {  	v41 =	vadd.f32 v10, v35;
	v44 =	vsub.f32 v33, v35;
	v33 =	vcvt.f32.s32 v46  }
0x6e: {  	v30 =	vcvt.f32.s32 v30;
	v39 =	vcvt.f32.s32 v37;
	v21 =	vadd.f32 v42, v22  }
0x6f: {  	v25 =	vmul.f32 $2.500000000e-01, v25;
	v20 =	vmin.f32 v41, v17;
	v47 =	vsub.f32 $1.000000000e+00, v44  }
0x70: {  	v50 =	vcvt.s32.f32 v33;
	v23 =	vcvt.s32.f32 v39;
	v49 =	vmin.f32 v21, v16  }
0x71: {  	v43 =	vnsel vm2, $0x0, v25;
	v20 =	vmul.f32 v20, v15;
	v51 =	vtrunc.f32 v49  }
0x72: {  	vm2 =	vlt.f32 v27, v14;
	v52 =	vadd.f32 v10, v50;
	v33 =	vcvt.f32.s32 v51  }
0x73: {  	v22 =	vsel vm0, v47, v44;
	v53 =	vsub.f32 v45, v50;
	v32 =	vsub.f32 v36, v23  }
0x74: {  	v23 =	vadd.f32 v12, v23;
	v20 =	vadd.f32 v20, v18;
	v33 =	vcvt.s32.f32 v33  }
0x75: {  	v54 =	vmin.f32 v52, v17;
	v28 =	vsub.f32 $1.000000000e+00, v53;
	v48 =	vsub.f32 $1.000000000e+00, v32  }
0x76: {  	v23 =	vmin.f32 v23, v16;
	v17 =	vmul.f32 v54, v15;
	v55 =	vsub.f32 v49, v33  }
0x77: {  	v20 =	vadd.f32 v20, v23;
	v32 =	vsel vm1, v48, v32;
	v56 =	vadd.f32 v12, v33  }
0x78: {  	s24 =	sor.u32 s12, s17;
	v17 =	vadd.f32 v17, v18;
	v22 =	vmul.f32 v32, v22;
	v57 =	vsub.f32 $1.000000000e+00, v55  }
0x79: {  	s2 =	sadd.s32 $0x10, s2;
	s0 =	sshll.u32 s0, $0x7;
	s3 =	sshll.u32 s3, $0x4;
	[tilespmem:s24+$0x80] =	vst v26;
	v60 =	vsel vm0, v28, v53;
	v20 =	vtrunc.f32 v20;
	v59 =	vmin.f32 v56, v16  }
0x7a: {  	s0 =	sor.u32 s3, s0;
	[tilespmem:s2+$0x0] =	vst v31;
	v58 =	vmul.f32 $2.500000000e-01, v22;
	v16 =	vadd.f32 v17, v59;
	v61 =	vsel vm1, v57, v55  }
0x7b: {  	s26 =	sshll.u32 s7, $0x7;
	s1 =	sshll.u32 s1, $0x4;
	s25 =	sadd.s32 $0x10, s2;
	[tilespmem:s0+$0x80] =	vst v30;
	vm2 =	vmand vm2, vm3;
	v62 =	vcvt.f32.s32 v20;
	v63 =	vmul.f32 v61, v60  }
0x7c: {  	s28 =	sshll.u32 s9, $0x7;
	s1 =	sor.u32 s1, s26;
	[tilespmem:s25+$0x0] =	vst v43;
	v18 =	vnsel vm2, $0x0, v58;
	vm2 =	vlt.f32 v19, v14;
	v14 =	vtrunc.f32 v16  }
.Ltmp3:
0x7d: {  	s29 =	sshll.u32 s13, $0x4;
	s0 =	sadd.s32 $0x10, s25;
	vm3 =	vlt.f32 v21, v15;
	[tilespmem:s1+$0x80] =	vst v62;
	v14 =	vcvt.f32.s32 v14;
	v15 =	vmul.f32 $2.500000000e-01, v63;
	(pc) =	sbr.rel .LBB2_4-.Ltmp3, $4  }
0x7e: {  	s1 =	sor.u32 s29, s28;
	[tilespmem:s0+$0x0] =	vst v18;
	vm2 =	vmand vm2, vm3  }
0x7f: {  	s30 =	simm.s32 $0x80;
	s31 =	simm.s32 $0xF00;
	s0 =	sadd.s32 $0x10, s0;
	[tilespmem:s1+$0x80] =	vst v14;
	v15 =	vnsel vm2, $0x0, v15  }
0x80: {  	s20 =	simm.s32 $0x0;
	p0 =	por $0x1, $0x1;
	p1 =	por $0x0, $0x0;
	[tilespmem:s0+$0x0] =	vst v15  }
0x81: {  	[tilespmem:s31], [sflag:$0x1] =	stream.indirect.gather [hbm4b:s4+s11], $0x80, s30, s11, $0xb8;
	[tilespmem:$0xE100] =	vst v63  }
.LBB2_5:
0x82: {  	s22 =	sadd.s32 $0x1, s20  }
.LBB2_17:
0x83: {  	p2 =	sne.s32 s22, $0x20  }
.Ltmp4:
0x84: {  	_ = 	snop;
	(pc) =	sbr.rel @!p2 .LBB2_18-.Ltmp4, $2  }
0x85: {  	_ =	sdelay $0x2  }
0x86: {  	p0 =	por !p0, !p0;
	p1 =	por !p1, !p1;
	s20 =	smov.u32 s22  }
.LBB2_4:
0x87: {  	s0 =	sshll.u32 s20, $0x5  }
0x88: {  	s21 =	sor.u32 s19, s0  }
0x89: {  	p2 =	slt.u32 s21, $0x3E8  }
.Ltmp5:
0x8a: {  	_ = 	snop;
	(pc) =	sbr.rel @!p2 .LBB2_5-.Ltmp5, $1  }
0x8b: {  	_ =	sdelay $0x3  }
0x8c: {  	s0 =	simm.s32 $0x1;
	s23 =	sand.u32 $0x1, s20  }
0x8d: {  	s1 =	simm.s32 $0x1;
	s0 =	simm.s32 @!p0 $0x0;
	s28 =	smul.u32 $0x7, s23  }
0x8e: {  	s1 =	simm.s32 @!p1 $0x0;
	s0 =	smul.u32 $0xC40, s0  }
0x8f: {  	s22 =	sadd.s32 $0x1, s20;
	s2 =	smul.u32 $0x3100, s1  }
0x90: {  	p2 =	slt.u32 s20, $0x2;
	s3 =	sand.u32 $0x1, s22;
	s25 =	smul.u32 $0x310, s1  }
0x91: {  	s13 =	simm.s32 $0x0;
	s16 =	sshll.u32 s22, $0x5;
	s5 =	smul.u32 $0xE000, s3  }
0x92: {  	p3 =	por p1, p1;
	s1 =	sor.u32 s19, s16;
	s7 =	smul.u32 $0xE00, s3  }
0x93: {  	s30 =	smul.u32 $0x7, s3;
	s6 =	sshll.u32 s1, $0x4;
	s0 =	sshrl.u32 s0, $0x2  }
0x94: {  	s17 =	sadd.s32 $0x1880, s2;
	s2 =	sadd.s32 $0x880, s0;
	s0 =	sadd.s32 @!p2 $0x3, s23  }
0x95: {  	s3 =	sadd.s32 $0x1, s3;
	s18 =	sand.u32 $0x3F80, s6;
	_ =	swait.ge @!p2 [sflag:s0], $0x3100  }
0x96: {  	s24 =	sshrl.u32 s5, $0x2;
	s26 =	sshrl.u32 s7, $0x2;
	[sflag:s0] =	ssyncset.done @!p2 $0x0  }
0x97: {  	s31 =	sadd.s32 $0xF00, s24;
	s19 =	rddreg [dreg:$0x6];
	[sflag:s0] =	ssyncadd.s32 @!p2 $0xFFFFCF00  }
0x98: {  	s29 =	sadd.s32 s18, s19;
	s0 =	sadd.s32 $0x80, s26;
	p2 =	sgt.u32 s1, $0x3E7  }
.LBB2_7:
0x99: {  	s1 =	sadd.s32 s20, s13;
	p4 =	seq.s32 s13, $0x6  }
.Ltmp6:
0x9a: {  	s1 =	sand.u32 $0x1, s1;
	(pc) =	sbr.rel @!p4 .LBB2_8-.Ltmp6, $4  }
0x9b: {  	s1 =	sadd.s32 $0x1, s1  }
0x9c: {  	_ =	swait.ge [sflag:s1], $0x3800  }
0x9d: {  	[sflag:s1] =	ssyncset.done $0x0  }
0x9e: {  	[sflag:s1] =	ssyncadd.s32 $0xFFFFC800  }
.Ltmp7:
0x9f: {  	(pc) =	sbr.rel @p2 .LBB2_13-.Ltmp7, $1  }
0xa0: {  	_ =	sdelay $0x3  }
0xa1: {  	s6 =	simm.s32 $0x0  }
0xa2: {  	[tilespmem:s6], [sflag:$0x5] =	stream.linear.gather [hbm4b:s29+s6], $0x80, $0x38;
	[tilespmem:$0xE100] =	vst v63  }
0xa3: {  	s1 =	smul.u32 $0x25, s6;
	_ =	swait.ge [sflag:s10], $0x80  }
0xa4: {  	[sflag:s10] =	ssyncset.done $0x0  }
0xa5: {  	s1 =	sshrl.u32 s1, $0x8;
	[sflag:s10] =	ssyncadd.s32 $0xFFFFFF80  }
0xa6: {  	s5 =	ssub.s32 $0x0, s1;
	v16 =	vld.idx.msk [tilespmem:v1+s6+$0x0], $0xffff  }
0xa7: {  	v14 =	vld.idx.msk [tilespmem:v3+s6+$0x0], $0xffff;
	s5 =	sand.u32 $0xFE, s5  }
0xa8: {  	v18 =	vld.idx.msk [tilespmem:v0+s6+$0x0], $0xffff;
	s5 =	sshrl.u32 s5, $0x1  }
0xa9: {  	v22 =	vld.idx.msk [tilespmem:v4+s6+$0x0], $0xffff;
	s1 =	sadd.s32 s1, s5  }
0xaa: {  	v15 =	vld.idx.msk [tilespmem:v2+s6+$0x0], $0xffff;
	s1 =	sand.u32 $0xFC, s1  }
0xab: {  	s1 =	sshrl.u32 s1, $0x2  }
0xac: {  	s24 =	simm.s32 $0x1;
	v14 =	vsub.f32 v14, v16;
	s7 =	smul.u32 $0x7, s1  }
0xad: {  	s5 =	smul.u32 $0x25, s24;
	s8 =	scvt.s32.f32 s1  }
0xae: {  	s9 =	simm.s32 $0x2;
	v17 =	vmul.f32 v22, v14;
	s7 =	ssub.s32 $0x0, s7  }
0xaf: {  	s5 =	sshrl.u32 s5, $0x8;
	v15 =	vsub.f32 v15, v18;
	s8 =	sadd.f32 $2.500000000e-01, s8;
	s18 =	sand.u32 $0xFF, s7  }
0xb0: {  	s16 =	smul.u32 $0x25, s9;
	s26 =	ssub.s32 $0x1, s5;
	v14 =	vld.idx.msk [tilespmem:v7+s6+$0x0], $0xffff;
	v17 =	vmax.f32 v17, $1.000000000e+00;
	s12 =	scvt.s32.f32 s18  }
0xb1: {  	v21 =	vmul.f32 v22, v15;
	s7 =	sand.u32 $0xFE, s26;
	v19 =	vmul.f32 $1.428571490e-01, v17;
	v17 =	vadd.f32 s8, v8  }
0xb2: {  	s24 =	sshrl.u32 s16, $0x8;
	s7 =	sshrl.u32 s7, $0x1;
	s19 =	sadd.f32 $2.500000000e-01, s12  }
0xb3: {  	v20 =	vmul.f32 v22, v16;
	v15 =	vld.idx.msk [tilespmem:v6+s6+$0x0], $0xffff;
	v16 =	vmax.f32 v21, $1.000000000e+00;
	s5 =	sadd.s32 s5, s7;
	s8 =	ssub.s32 $0x2, s24;
	v23 =	vmul.f32 v17, v19  }
0xb4: {  	v21 =	vmul.f32 $1.428571490e-01, v16;
	s5 =	sand.u32 $0xFC, s5;
	s9 =	sand.u32 $0xFE, s8;
	v16 =	vadd.f32 s19, v9  }
0xb5: {  	v17 =	vadd.f32 $-1.000000000e+00, v14;
	s26 =	sshrl.u32 s5, $0x2;
	s5 =	sshrl.u32 s9, $0x1;
	v23 =	vadd.f32 v23, v20  }
0xb6: {  	v22 =	vmul.f32 v22, v18;
	s12 =	scvt.s32.f32 s26;
	s5 =	sadd.s32 s24, s5;
	v18 =	vmul.f32 v16, v21  }
0xb7: {  	s16 =	smul.u32 $0x7, s26;
	s5 =	sand.u32 $0xFC, s5;
	v24 =	vmin.f32 v23, v17  }
0xb8: {  	v16 =	vadd.f32 $-1.000000000e+00, v15;
	s8 =	sadd.f32 $2.500000000e-01, s12;
	s7 =	sshrl.u32 s5, $0x2;
	v25 =	vtrunc.f32 v24;
	v26 =	vadd.f32 v18, v22  }
0xb9: {  	s19 =	ssub.s32 $0x1, s16;
	s24 =	scvt.s32.f32 s7;
	v18 =	vcvt.f32.s32 v25  }
0xba: {  	s16 =	sand.u32 $0xFF, s19;
	v25 =	vadd.f32 s8, v8;
	v27 =	vmin.f32 v26, v16  }
0xbb: {  	s5 =	scvt.s32.f32 s16;
	s8 =	sadd.f32 $2.500000000e-01, s24;
	v28 =	vcvt.s32.f32 v18;
	v18 =	vtrunc.f32 v27  }
0xbc: {  	v25 =	vmul.f32 v25, v19;
	v29 =	vcvt.f32.s32 v18  }
0xbd: {  	vm2 =	vlt.f32 v23, v14;
	s5 =	sadd.f32 $2.500000000e-01, s5;
	v31 =	vadd.f32 s8, v8  }
0xbe: {  	v18 =	vld.idx.msk [tilespmem:v5+s6+$0x0], $0xffff;
	v30 =	vadd.f32 v10, v28;
	v32 =	vadd.f32 v25, v20;
	v25 =	vcvt.s32.f32 v29  }
0xbf: {  	v24 =	vsub.f32 v24, v28;
	v23 =	vmul.f32 v31, v19;
	v29 =	vadd.f32 s5, v9  }
0xc0: {  	v28 =	vmin.f32 v30, v17;
	v30 =	vmin.f32 v32, v17;
	v27 =	vsub.f32 v27, v25  }
0xc1: {  	v33 =	vsub.f32 $1.000000000e+00, v24;
	v28 =	vmul.f32 v28, v15;
	v29 =	vmul.f32 v29, v21  }
0xc2: {  	s9 =	smul.u32 $0x7, s7;
	s8 =	simm.s32 $0x3;
	v25 =	vadd.f32 v12, v25;
	v34 =	vtrunc.f32 v30;
	v35 =	vsub.f32 $1.000000000e+00, v27  }
0xc3: {  	s5 =	smul.u32 $0x25, s8;
	v24 =	vsel vm0, v33, v24;
	v28 =	vadd.f32 v28, v18;
	v36 =	vadd.f32 v29, v22  }
0xc4: {  	v29 =	vcvt.f32.s32 v34;
	v25 =	vmin.f32 v25, v16;
	v27 =	vsel vm1, v35, v27  }
0xc5: {  	s6 =	ssub.s32 $0x2, s9;
	s5 =	sshrl.u32 s5, $0x8;
	v25 =	vadd.f32 v28, v25;
	v28 =	vmin.f32 v36, v16;
	v24 =	vmul.f32 v27, v24  }
0xc6: {  	s9 =	sand.u32 $0xFF, s6;
	s12 =	ssub.s32 $0x3, s5;
	v29 =	vcvt.s32.f32 v29;
	v27 =	vtrunc.f32 v28  }
0xc7: {  	s24 =	scvt.s32.f32 s9;
	s19 =	sand.u32 $0xFE, s12;
	v25 =	vtrunc.f32 v25;
	v24 =	vmul.f32 $2.500000000e-01, v24  }
0xc8: {  	vm3 =	vlt.f32 v26, v15;
	s6 =	sshrl.u32 s19, $0x1;
	s19 =	simm.s32 $0x4;
	v26 =	vcvt.f32.s32 v25;
	v25 =	vcvt.f32.s32 v27  }
0xc9: {  	vm2 =	vmand vm2, vm3;
	v23 =	vadd.f32 v23, v20;
	s8 =	sadd.f32 $2.500000000e-01, s24;
	s5 =	sadd.s32 s5, s6;
	s12 =	smul.u32 $0x25, s19;
	v27 =	vadd.f32 v10, v29  }
0xca: {  	s5 =	sand.u32 $0xFC, s5;
	v29 =	vsub.f32 v30, v29;
	v31 =	vnsel vm2, $0x0, v24;
	v24 =	vcvt.s32.f32 v25  }
0xcb: {  	s24 =	sshrl.u32 s5, $0x2;
	s5 =	sshrl.u32 s12, $0x8;
	v30 =	vadd.f32 s8, v9;
	v27 =	vmin.f32 v27, v17;
	v25 =	vmin.f32 v23, v17  }
0xcc: {  	s1 =	sadd.s32 s1, s30;
	s12 =	ssub.s32 $0x4, s5;
	v60 =	vsub.f32 $1.000000000e+00, v29;
	v27 =	vmul.f32 v27, v15;
	v28 =	vsub.f32 v28, v24  }
0xcd: {  	s1 =	sshll.u32 s1, $0x7;
	s8 =	sand.u32 $0xFE, s12;
	v30 =	vmul.f32 v30, v21;
	v62 =	vtrunc.f32 v25;
	v61 =	vadd.f32 v12, v24  }
0xce: {  	s18 =	sshll.u32 s18, $0x4;
	s6 =	scvt.s32.f32 s24;
	s8 =	sshrl.u32 s8, $0x1;
	v33 =	vsel vm0, v60, v29;
	v37 =	vadd.f32 v27, v18;
	v29 =	vsub.f32 $1.000000000e+00, v28  }
0xcf: {  	s1 =	sor.u32 s18, s1;
	s5 =	sadd.s32 s5, s8;
	s8 =	smul.u32 $0x7, s24;
	v24 =	vadd.f32 v30, v22;
	v30 =	vcvt.f32.s32 v62;
	v34 =	vmin.f32 v61, v16  }
0xd0: {  	s26 =	sadd.s32 s26, s30;
	vm3 =	vlt.f32 v36, v15;
	s6 =	sadd.f32 $2.500000000e-01, s6;
	s5 =	sand.u32 $0xFC, s5;
	v34 =	vadd.f32 v37, v34;
	v63 =	vsel vm1, v29, v28  }
0xd1: {  	s16 =	sshll.u32 s16, $0x4;
	s18 =	sshrl.u32 s5, $0x2;
	s12 =	ssub.s32 $0x3, s8;
	v28 =	vmin.f32 v24, v16;
	v29 =	vcvt.s32.f32 v30;
	v33 =	vmul.f32 v63, v33  }
0xd2: {  	[tilespmem:s1+$0x80] =	vst v26;
	v27 =	vadd.f32 s6, v8;
	s6 =	simm.s32 $0x5;
	s8 =	scvt.s32.f32 s18;
	s1 =	sand.u32 $0xFF, s12;
	v30 =	vtrunc.f32 v28;
	v26 =	vtrunc.f32 v34  }
0xd3: {  	vm2 =	vlt.f32 v32, v14;
	[tilespmem:s2+$0x0] =	vst v31;
	s12 =	sshll.u32 s26, $0x7;
	s26 =	smov.u32 s2;
	s5 =	scvt.s32.f32 s1;
	v26 =	vcvt.f32.s32 v26;
	v31 =	vmul.f32 $2.500000000e-01, v33  }
.LBB2_11:
0xd4: {  	s8 =	sadd.f32 $2.500000000e-01, s8  }
0xd5: {  	p4 =	sne.s32 s6, $0x30;
	v32 =	vmul.f32 v27, v19;
	v30 =	vcvt.f32.s32 v30;
	vm2 =	vmand vm2, vm3;
	s12 =	sor.u32 s16, s12;
	s16 =	smul.u32 $0x25, s6  }
0xd6: {  	v33 =	vadd.f32 v10, v29;
	s26 =	sadd.s32 $0x10, s26;
	s5 =	sadd.f32 $2.500000000e-01, s5;
	v31 =	vnsel vm2, $0x0, v31;
	[tilespmem:s12+$0x80] =	vst v26;
	v27 =	vadd.f32 s8, v8;
	s8 =	smov.u32 s7  }
0xd7: {  	v26 =	vadd.f32 v32, v20;
	v30 =	vcvt.s32.f32 v30;
	[tilespmem:s26+$0x0] =	vst v31;
	s7 =	smov.u32 s24;
	s24 =	smov.u32 s18;
	s12 =	sshrl.u32 s16, $0x8  }
0xd8: {  	v29 =	vsub.f32 v25, v29;
	v32 =	vmin.f32 v33, v17;
	s16 =	smov.u32 s9;
	s9 =	smov.u32 s1;
	v31 =	vadd.f32 s5, v9;
	s1 =	ssub.s32 s6, s12  }
0xd9: {  	v32 =	vmul.f32 v32, v15;
	s5 =	smov.u32 s19;
	s19 =	smov.u32 s6;
	v25 =	vmin.f32 v26, v17;
	v28 =	vsub.f32 v28, v30;
	s1 =	sand.u32 $0xFE, s1  }
0xda: {  	v33 =	vsub.f32 $1.000000000e+00, v29;
	v30 =	vadd.f32 v12, v30;
	v31 =	vmul.f32 v31, v21;
	s1 =	sshrl.u32 s1, $0x1  }
0xdb: {  	v34 =	vtrunc.f32 v25;
	v32 =	vadd.f32 v32, v18;
	v35 =	vsub.f32 $1.000000000e+00, v28;
	s1 =	sadd.s32 s12, s1;
	s12 =	smul.u32 $0x7, s24  }
.Ltmp8:
0xdc: {  	v30 =	vmin.f32 v30, v16;
	v36 =	vadd.f32 v31, v22;
	v31 =	vcvt.f32.s32 v34;
	(pc) =	sbr.rel @p4 .LBB2_11-.Ltmp8, $4  }
0xdd: {  	v33 =	vsel vm0, v33, v29;
	s1 =	sand.u32 $0xFC, s1;
	v32 =	vadd.f32 v32, v30;
	v34 =	vsel vm1, v35, v28  }
0xde: {  	s18 =	sshrl.u32 s1, $0x2;
	s1 =	ssub.s32 s5, s12;
	s5 =	sadd.s32 s8, s30;
	v28 =	vmin.f32 v36, v16;
	v29 =	vcvt.s32.f32 v31;
	v31 =	vmul.f32 v34, v33  }
0xdf: {  	vm2 =	vlt.f32 v23, v14;
	v23 =	vmovc v26;
	s8 =	scvt.s32.f32 s18;
	s1 =	sand.u32 $0xFF, s1;
	v32 =	vtrunc.f32 v32;
	s12 =	sshll.u32 s5, $0x7;
	v30 =	vtrunc.f32 v28  }
0xe0: {  	vm3 =	vlt.f32 v24, v15;
	s6 =	sadd.s32 $0x1, s6;
	s16 =	sshll.u32 s16, $0x4;
	v24 =	vmovc v36;
	s5 =	scvt.s32.f32 s1;
	v26 =	vcvt.f32.s32 v32;
	v31 =	vmul.f32 $2.500000000e-01, v31  }
0xe1: {  	v27 =	vmul.f32 v27, v19;
	v30 =	vcvt.f32.s32 v30  }
0xe2: {  	vm2 =	vmand vm2, vm3;
	v32 =	vadd.f32 v10, v29;
	v25 =	vsub.f32 v25, v29  }
0xe3: {  	vm3 =	vlt.f32 v24, v15;
	s5 =	sadd.f32 $2.500000000e-01, s5;
	v31 =	vnsel vm2, $0x0, v31;
	vm2 =	vlt.f32 v23, v14  }
0xe4: {  	s6 =	smul.u32 $0x7, s18;
	v27 =	vadd.f32 v27, v20;
	v30 =	vcvt.s32.f32 v30;
	v32 =	vmin.f32 v32, v17  }
0xe5: {  	v34 =	vsub.f32 $1.000000000e+00, v25;
	v61 =	vadd.f32 s5, v9;
	v32 =	vmul.f32 v32, v15  }
0xe6: {  	vm2 =	vmand vm2, vm3;
	s5 =	ssub.s32 s19, s6;
	s6 =	sadd.f32 $2.500000000e-01, s8;
	v33 =	vmin.f32 v27, v17;
	v28 =	vsub.f32 v28, v30  }
0xe7: {  	v30 =	vadd.f32 v12, v30;
	s19 =	sand.u32 $0xFF, s5;
	v29 =	vmul.f32 v61, v21;
	v32 =	vadd.f32 v32, v18  }
0xe8: {  	v35 =	vtrunc.f32 v33;
	s5 =	scvt.s32.f32 s19;
	v63 =	vadd.f32 s6, v8;
	v62 =	vsub.f32 $1.000000000e+00, v28  }
0xe9: {  	v35 =	vcvt.f32.s32 v35;
	v30 =	vmin.f32 v30, v16;
	v29 =	vadd.f32 v29, v22  }
0xea: {  	v25 =	vsel vm0, v34, v25;
	v30 =	vadd.f32 v32, v30;
	s5 =	sadd.f32 $2.500000000e-01, s5;
	v38 =	vmul.f32 v63, v19  }
0xeb: {  	v28 =	vsel vm1, v62, v28;
	v35 =	vcvt.s32.f32 v35;
	v36 =	vmin.f32 v29, v16  }
0xec: {  	v25 =	vmul.f32 v28, v25;
	v40 =	vadd.f32 s5, v9;
	v19 =	vadd.f32 v38, v20  }
0xed: {  	v30 =	vtrunc.f32 v30;
	vm3 =	vlt.f32 v29, v15;
	v37 =	vtrunc.f32 v36  }
0xee: {  	v41 =	vadd.f32 v10, v35;
	v44 =	vsub.f32 v33, v35;
	v42 =	vmul.f32 v40, v21  }
0xef: {  	v30 =	vcvt.f32.s32 v30;
	v39 =	vcvt.f32.s32 v37;
	v45 =	vmin.f32 v19, v17  }
0xf0: {  	v25 =	vmul.f32 $2.500000000e-01, v25;
	v46 =	vtrunc.f32 v45;
	v21 =	vadd.f32 v42, v22  }
0xf1: {  	v20 =	vmin.f32 v41, v17;
	v47 =	vsub.f32 $1.000000000e+00, v44;
	v33 =	vcvt.f32.s32 v46  }
0xf2: {  	v23 =	vcvt.s32.f32 v39;
	v20 =	vmul.f32 v20, v15;
	v49 =	vmin.f32 v21, v16  }
0xf3: {  	v43 =	vnsel vm2, $0x0, v25;
	v50 =	vcvt.s32.f32 v33;
	v51 =	vtrunc.f32 v49  }
0xf4: {  	vm2 =	vlt.f32 v27, v14;
	v32 =	vsub.f32 v36, v23;
	v33 =	vcvt.f32.s32 v51  }
0xf5: {  	v22 =	vsel vm0, v47, v44;
	v23 =	vadd.f32 v12, v23;
	v52 =	vadd.f32 v10, v50  }
0xf6: {  	v20 =	vadd.f32 v20, v18;
	v48 =	vsub.f32 $1.000000000e+00, v32;
	v33 =	vcvt.s32.f32 v33  }
0xf7: {  	v23 =	vmin.f32 v23, v16;
	v53 =	vsub.f32 v45, v50;
	v54 =	vmin.f32 v52, v17  }
0xf8: {  	v20 =	vadd.f32 v20, v23;
	v17 =	vmul.f32 v54, v15;
	v55 =	vsub.f32 v49, v33  }
0xf9: {  	v32 =	vsel vm1, v48, v32;
	v28 =	vsub.f32 $1.000000000e+00, v53;
	v56 =	vadd.f32 v12, v33  }
0xfa: {  	s12 =	sor.u32 s16, s12;
	s16 =	sadd.s32 s7, s30;
	v22 =	vmul.f32 v32, v22;
	v17 =	vadd.f32 v17, v18;
	v57 =	vsub.f32 $1.000000000e+00, v55  }
0xfb: {  	s26 =	sadd.s32 $0x10, s26;
	[tilespmem:s12+$0x80] =	vst v26;
	s8 =	sshll.u32 s9, $0x4;
	s6 =	sshll.u32 s16, $0x7;
	v20 =	vtrunc.f32 v20;
	v60 =	vsel vm0, v28, v53;
	v59 =	vmin.f32 v56, v16  }
0xfc: {  	s1 =	sshll.u32 s1, $0x4;
	[tilespmem:s26+$0x0] =	vst v31;
	s9 =	sadd.s32 s24, s30;
	s6 =	sor.u32 s8, s6;
	v58 =	vmul.f32 $2.500000000e-01, v22;
	v16 =	vadd.f32 v17, v59;
	v61 =	vsel vm1, v57, v55  }
0xfd: {  	s12 =	sshll.u32 s9, $0x7;
	s16 =	sadd.s32 s18, s30;
	s5 =	sadd.s32 $0x10, s26;
	[tilespmem:s6+$0x80] =	vst v30;
	vm2 =	vmand vm2, vm3;
	v62 =	vcvt.f32.s32 v20;
	v63 =	vmul.f32 v61, v60  }
0xfe: {  	s1 =	sor.u32 s1, s12;
	s24 =	sshll.u32 s16, $0x7;
	[tilespmem:s5+$0x0] =	vst v43;
	v18 =	vnsel vm2, $0x0, v58;
	vm2 =	vlt.f32 v19, v14;
	v14 =	vtrunc.f32 v16  }
.Ltmp9:
0xff: {  	s26 =	sshll.u32 s19, $0x4;
	s18 =	sadd.s32 $0x10, s5;
	vm3 =	vlt.f32 v21, v15;
	[tilespmem:s1+$0x80] =	vst v62;
	v14 =	vcvt.f32.s32 v14;
	v15 =	vmul.f32 $2.500000000e-01, v63;
	(pc) =	sbr.rel .LBB2_13-.Ltmp9, $4  }
0x100: {  	s5 =	sor.u32 s26, s24;
	[tilespmem:s18+$0x0] =	vst v18;
	vm2 =	vmand vm2, vm3  }
0x101: {  	s1 =	sadd.s32 $0x10, s18;
	[tilespmem:s5+$0x80] =	vst v14;
	v15 =	vnsel vm2, $0x0, v15  }
0x102: {  	[tilespmem:s1+$0x0] =	vst v15  }
0x103: {  	[tilespmem:s31], [sflag:s3] =	stream.indirect.gather [hbm4b:s4+s11], $0x80, s0, s11, $0xb8;
	[tilespmem:$0xE100] =	vst v63  }
.LBB2_8:
0x104: {  	s1 =	sadd.s32 $0x1, s13  }
0x105: {  	s5 =	sadd.s32 s20, s1  }
0x106: {  	s5 =	sand.u32 $0x1, s5  }
0x107: {  	s1 =	sadd.s32 s28, s1;
	s6 =	smul.u32 $0xE000, s5  }
0x108: {  	s1 =	sshll.u32 s1, $0x7  }
0x109: {  	s1 =	sand.u32 $0x3FFFFF80, s1;
	s6 =	sshrl.u32 s6, $0x2  }
0x10a: {  	s5 =	sadd.s32 $0x1, s5;
	s1 =	sadd.s32 $0x80, s1;
	s6 =	sadd.s32 $0xF00, s6  }
0x10b: {  	[tilespmem:s6], [sflag:s5] =	stream.indirect.gather [hbm4b:s4+s11], $0x80, s1, s11, $0xb8;
	[tilespmem:$0xE100] =	vst v63  }
.LBB2_13:
0x10c: {  	s1 =	simm.s32 $0x1  }
0x10d: {  	s1 =	simm.s32 @!p3 $0x0  }
0x10e: {  	s1 =	smul.u32 $0xE000, s1;
	_ =	sdelay $0x1  }
0x10f: {  	s1 =	sshrl.u32 s1, $0x2  }
0x110: {  	s9 =	simm.s32 $0x0;
	s24 =	smov.u32 s17;
	s7 =	sadd.s32 $0x1300, s1  }
.LBB2_14:
0x111: {  	s1 =	sadd.s32 s9, s25  }
0x112: {  	v14 =	vmov s1;
	s5 =	sadd.s32 $0x1, s1  }
0x113: {  	s6 =	sadd.s32 $0x2, s1;
	s12 =	sadd.s32 $0x3, s1;
	s16 =	sadd.s32 $0x4, s1;
	v15 =	vmov s5;
	v14 =	vand.u32 $0xFFFFFFF0, v14  }
0x114: {  	s18 =	sadd.s32 $0x5, s1;
	s19 =	sadd.s32 $0x6, s1;
	s26 =	sadd.s32 $0x7, s1;
	v16 =	vmov s6;
	v17 =	vmov s12;
	v18 =	vmov s16  }
0x115: {  	s8 =	sadd.s32 $0x9, s1;
	v19 =	vmov s18;
	v20 =	vmov s19;
	v21 =	vmov s26  }
0x116: {  	v23 =	vmov s8;
	v14 =	vbroadcast v14, $0x0;
	v15 =	vand.u32 $0xFFFFFFF1, v15  }
0x117: {  	s6 =	sadd.s32 $0x8, s1;
	v16 =	vand.u32 $0xFFFFFFF2, v16;
	v17 =	vand.u32 $0xFFFFFFF3, v17;
	v18 =	vand.u32 $0xFFFFFFF4, v18  }
0x118: {  	s12 =	sadd.s32 $0xA, s1;
	v19 =	vand.u32 $0xFFFFFFF5, v19;
	v20 =	vand.u32 $0xFFFFFFF6, v20;
	v22 =	vmov s6  }
0x119: {  	s16 =	sadd.s32 $0xB, s1;
	s18 =	sadd.s32 $0xC, s1;
	v21 =	vand.u32 $0xFFFFFFF7, v21;
	v24 =	vmov s12;
	v15 =	vbroadcast v15, $0x0  }
0x11a: {  	v26 =	vld [tilespmem:s7+$0xFFFFFC00];
	s19 =	sadd.s32 $0xD, s1;
	v23 =	vand.u32 $0xFFFFFFF9, v23;
	v25 =	vmov s16;
	v27 =	vmov s18  }
0x11b: {  	v28 =	vld [tilespmem:s7+$0xFFFFFC80];
	s26 =	sadd.s32 $0xE, s1;
	v29 =	vmov s19;
	v16 =	vbroadcast v16, $0x0;
	v17 =	vbroadcast v17, $0x0  }
0x11c: {  	v31 =	vld [tilespmem:s7+$0xFFFFFD00];
	s1 =	sadd.s32 $0xF, s1;
	v30 =	vmov s26;
	v18 =	vbroadcast v18, $0x0;
	v19 =	vbroadcast v19, $0x0  }
0x11d: {  	v33 =	vld [tilespmem:s7+$0xFFFFFD80];
	v32 =	vmov s1;
	v20 =	vbroadcast v20, $0x0;
	v21 =	vbroadcast v21, $0x0  }
0x11e: {  	v22 =	vand.u32 $0xFFFFFFF8, v22;
	v23 =	vbroadcast v23, $0x0;
	v24 =	vand.u32 $0xFFFFFFFA, v24;
	v14 =	vld.idx.msk [tilespmem:v14+s14+$0x0], $0xffff  }
0x11f: {  	v25 =	vand.u32 $0xFFFFFFFB, v25;
	v27 =	vand.u32 $0xFFFFFFFC, v27;
	v22 =	vbroadcast v22, $0x0;
	v15 =	vld.idx.msk [tilespmem:v15+s14+$0x0], $0xffff  }
0x120: {  	v36 =	vld [tilespmem:s7+$0xFFFFFE00];
	v29 =	vand.u32 $0xFFFFFFFD, v29;
	v24 =	vbroadcast v24, $0x0;
	v25 =	vbroadcast v25, $0x0  }
0x121: {  	v30 =	vand.u32 $0xFFFFFFFE, v30;
	v27 =	vbroadcast v27, $0x0;
	v29 =	vbroadcast v29, $0x0;
	v16 =	vld.idx.msk [tilespmem:v16+s14+$0x0], $0xffff  }
0x122: {  	v41 =	vld [tilespmem:s7+$0xFFFFFE80];
	v30 =	vbroadcast v30, $0x0;
	v34 =	vunpack.i.u.bf16.f32 v26;
	v26 =	vunpack.i.l.bf16.f32 v26  }
0x123: {  	v35 =	vunpack.i.l.bf16.f32 v28;
	v28 =	vunpack.i.u.bf16.f32 v28;
	v37 =	vunpack.i.l.bf16.f32 v31;
	v17 =	vld.idx.msk [tilespmem:v17+s14+$0x0], $0xffff  }
0x124: {  	v43 =	vld [tilespmem:s7+$0xFFFFFF00];
	v31 =	vunpack.i.u.bf16.f32 v31;
	v26 =	vmul.f32 v26, v14;
	v35 =	vmul.f32 v35, v15  }
0x125: {  	v42 =	vunpack.i.l.bf16.f32 v33;
	v18 =	vld.idx.msk [tilespmem:v18+s14+$0x0], $0xffff;
	v34 =	vmul.f32 v34, v14;
	v28 =	vmul.f32 v28, v15  }
0x126: {  	v47 =	vld [tilespmem:s7+$0xFFFFFF80];
	v33 =	vunpack.i.u.bf16.f32 v33;
	v40 =	vmul.f32 v37, v16;
	v26 =	vadd.f32 v35, v26  }
0x127: {  	v45 =	vunpack.i.l.bf16.f32 v36;
	v19 =	vld.idx.msk [tilespmem:v19+s14+$0x0], $0xffff;
	v31 =	vmul.f32 v31, v16;
	v28 =	vadd.f32 v28, v34  }
0x128: {  	v51 =	vld [tilespmem:s7+$0x0];
	v46 =	vunpack.i.u.bf16.f32 v36;
	v34 =	vmul.f32 v42, v17;
	v26 =	vadd.f32 v40, v26  }
0x129: {  	v49 =	vunpack.i.l.bf16.f32 v41;
	v20 =	vld.idx.msk [tilespmem:v20+s14+$0x0], $0xffff;
	v44 =	vmul.f32 v33, v17;
	v28 =	vadd.f32 v31, v28  }
0x12a: {  	v55 =	vld [tilespmem:s7+$0x80];
	v50 =	vunpack.i.u.bf16.f32 v41;
	v33 =	vmul.f32 v45, v18;
	v26 =	vadd.f32 v34, v26  }
0x12b: {  	v53 =	vunpack.i.l.bf16.f32 v43;
	v21 =	vld.idx.msk [tilespmem:v21+s14+$0x0], $0xffff;
	v48 =	vmul.f32 v46, v18;
	v28 =	vadd.f32 v44, v28  }
0x12c: {  	v59 =	vld [tilespmem:s7+$0x100];
	v54 =	vunpack.i.u.bf16.f32 v43;
	v34 =	vmul.f32 v49, v19;
	v26 =	vadd.f32 v33, v26  }
0x12d: {  	v57 =	vunpack.i.l.bf16.f32 v47;
	v22 =	vld.idx.msk [tilespmem:v22+s14+$0x0], $0xffff;
	v52 =	vmul.f32 v50, v19;
	v28 =	vadd.f32 v48, v28  }
0x12e: {  	v38 =	vld [tilespmem:s7+$0x280];
	v58 =	vunpack.i.u.bf16.f32 v47;
	v33 =	vmul.f32 v53, v20;
	v26 =	vadd.f32 v34, v26  }
0x12f: {  	v61 =	vunpack.i.l.bf16.f32 v51;
	v23 =	vld.idx.msk [tilespmem:v23+s14+$0x0], $0xffff;
	v56 =	vmul.f32 v54, v20;
	v28 =	vadd.f32 v52, v28  }
0x130: {  	v62 =	vunpack.i.u.bf16.f32 v51;
	v43 =	vld [tilespmem:s7+$0x200];
	v34 =	vmul.f32 v57, v21;
	v26 =	vadd.f32 v33, v26  }
0x131: {  	v41 =	vunpack.i.l.bf16.f32 v55;
	v24 =	vld.idx.msk [tilespmem:v24+s14+$0x0], $0xffff;
	v60 =	vmul.f32 v58, v21;
	v28 =	vadd.f32 v56, v28  }
0x132: {  	v63 =	vld [tilespmem:s7+$0x180];
	v36 =	vunpack.i.u.bf16.f32 v59;
	v33 =	vmul.f32 v61, v22;
	v26 =	vadd.f32 v34, v26  }
0x133: {  	v25 =	vld.idx.msk [tilespmem:v25+s14+$0x0], $0xffff;
	v45 =	vunpack.i.l.bf16.f32 v59;
	v40 =	vmul.f32 v62, v22;
	v28 =	vadd.f32 v60, v28  }
0x134: {  	v51 =	vld [tilespmem:s7+$0x300];
	v42 =	vunpack.i.u.bf16.f32 v55;
	v34 =	vmul.f32 v41, v23;
	v26 =	vadd.f32 v33, v26  }
0x135: {  	v27 =	vld.idx.msk [tilespmem:v27+s14+$0x0], $0xffff;
	v54 =	vunpack.i.u.bf16.f32 v43;
	v44 =	vmul.f32 v42, v23;
	v28 =	vadd.f32 v40, v28  }
0x136: {  	v58 =	vunpack.i.u.bf16.f32 v38;
	v33 =	vmul.f32 v45, v24;
	v34 =	vadd.f32 v34, v26  }
0x137: {  	v47 =	vmul.f32 v36, v24;
	v48 =	vunpack.i.l.bf16.f32 v63;
	v26 =	vld.idx.msk [tilespmem:v29+s14+$0x0], $0xffff;
	v46 =	vadd.f32 v44, v28  }
0x138: {  	v49 =	vunpack.i.u.bf16.f32 v63;
	v50 =	vmul.f32 v48, v25;
	v57 =	vld [tilespmem:s7+$0x380];
	v33 =	vadd.f32 v33, v34  }
0x139: {  	v53 =	vunpack.i.l.bf16.f32 v43;
	v52 =	vmul.f32 v49, v25;
	v28 =	vld.idx.msk [tilespmem:v30+s14+$0x0], $0xffff;
	v29 =	vadd.f32 v47, v46  }
0x13a: {  	v59 =	vunpack.i.l.bf16.f32 v51;
	v31 =	vmul.f32 v53, v27;
	v33 =	vadd.f32 v50, v33  }
0x13b: {  	s6 =	sadd.s32 $0xFFFFE780, s24;
	v55 =	vunpack.i.l.bf16.f32 v38;
	v34 =	vmul.f32 v54, v27;
	v30 =	vadd.f32 v52, v29;
	v29 =	vld.idx.msk [tilespmem:v32+s14+$0x0], $0xffff  }
0x13c: {  	v63 =	vadd.s32 s6, v11;
	v56 =	vmul.f32 v55, v26;
	v31 =	vadd.f32 v31, v33  }
0x13d: {  	v61 =	vunpack.i.u.bf16.f32 v51;
	v32 =	vmul.f32 v58, v26;
	v30 =	vadd.f32 v34, v30  }
0x13e: {  	v62 =	vunpack.i.l.bf16.f32 v57;
	v60 =	vmul.f32 v59, v28;
	v31 =	vadd.f32 v56, v31  }
0x13f: {  	v35 =	vunpack.i.u.bf16.f32 v57;
	v30 =	vadd.f32 v32, v30;
	v32 =	vmul.f32 v61, v28  }
0x140: {  	v40 =	vadd.s32 s6, v13;
	v33 =	vmul.f32 v62, v29;
	v31 =	vadd.f32 v60, v31  }
0x141: {  	v41 =	vmul.f32 v35, v29;
	v30 =	vadd.f32 v32, v30  }
0x142: {  	v31 =	vadd.f32 v33, v31  }
0x143: {  	v30 =	vadd.f32 v41, v30  }
0x144: {  	[tilespmem:v63+s15+$0x0] =	vst.idx.msk $0xffff, v31  }
0x145: {  	[tilespmem:v40+s15+$0x0] =	vst.idx.msk $0xffff, v30  }
0x146: {  	v30 =	vld [tilespmem:s7+$0xFFFFFC10]  }
0x147: {  	v31 =	vld [tilespmem:s7+$0xFFFFFC90]  }
0x148: {  	v42 =	vld [tilespmem:s7+$0xFFFFFD10];
	_ =	sdelay $0x1  }
0x149: {  	v43 =	vld [tilespmem:s7+$0xFFFFFD90];
	_ =	sdelay $0x1  }
0x14a: {  	v36 =	vld [tilespmem:s7+$0xFFFFFE10];
	v44 =	vunpack.i.u.bf16.f32 v30;
	v30 =	vunpack.i.l.bf16.f32 v30  }
0x14b: {  	v45 =	vunpack.i.l.bf16.f32 v31;
	v31 =	vunpack.i.u.bf16.f32 v31;
	v46 =	vunpack.i.l.bf16.f32 v42  }
0x14c: {  	v48 =	vld [tilespmem:s7+$0xFFFFFE90];
	v32 =	vunpack.i.u.bf16.f32 v42;
	v30 =	vmul.f32 v30, v14;
	v35 =	vmul.f32 v45, v15  }
0x14d: {  	v49 =	vunpack.i.l.bf16.f32 v43;
	v34 =	vmul.f32 v44, v14;
	v31 =	vmul.f32 v31, v15  }
0x14e: {  	v50 =	vld [tilespmem:s7+$0xFFFFFF10];
	v33 =	vunpack.i.u.bf16.f32 v43;
	v47 =	vmul.f32 v46, v16;
	v30 =	vadd.f32 v35, v30  }
0x14f: {  	v52 =	vunpack.i.l.bf16.f32 v36;
	v32 =	vmul.f32 v32, v16;
	v31 =	vadd.f32 v31, v34  }
0x150: {  	v54 =	vld [tilespmem:s7+$0xFFFFFF90];
	v53 =	vunpack.i.u.bf16.f32 v36;
	v34 =	vmul.f32 v49, v17;
	v30 =	vadd.f32 v47, v30  }
0x151: {  	v56 =	vunpack.i.l.bf16.f32 v48;
	v51 =	vmul.f32 v33, v17;
	v31 =	vadd.f32 v32, v31  }
0x152: {  	v58 =	vld [tilespmem:s7+$0x10];
	v57 =	vunpack.i.u.bf16.f32 v48;
	v33 =	vmul.f32 v52, v18;
	v30 =	vadd.f32 v34, v30  }
0x153: {  	v62 =	vld [tilespmem:s7+$0x90];
	v60 =	vunpack.i.l.bf16.f32 v50;
	v55 =	vmul.f32 v53, v18;
	v31 =	vadd.f32 v51, v31  }
0x154: {  	v61 =	vunpack.i.u.bf16.f32 v50;
	v34 =	vmul.f32 v56, v19;
	v30 =	vadd.f32 v33, v30  }
0x155: {  	v39 =	vunpack.i.l.bf16.f32 v54;
	v59 =	vmul.f32 v57, v19;
	v31 =	vadd.f32 v55, v31  }
0x156: {  	v40 =	vunpack.i.u.bf16.f32 v54;
	v33 =	vmul.f32 v60, v20;
	v30 =	vadd.f32 v34, v30  }
0x157: {  	v41 =	vld [tilespmem:s7+$0x110];
	v43 =	vunpack.i.l.bf16.f32 v58;
	v63 =	vmul.f32 v61, v20;
	v31 =	vadd.f32 v59, v31  }
0x158: {  	v48 =	vunpack.i.u.bf16.f32 v62;
	v34 =	vmul.f32 v39, v21;
	v30 =	vadd.f32 v33, v30  }
0x159: {  	v42 =	vmul.f32 v40, v21;
	v44 =	vunpack.i.u.bf16.f32 v58;
	v45 =	vld [tilespmem:s7+$0x190];
	v31 =	vadd.f32 v63, v31  }
0x15a: {  	v50 =	vmul.f32 v48, v23;
	v53 =	vld [tilespmem:s7+$0x290];
	v33 =	vmul.f32 v43, v22;
	v30 =	vadd.f32 v34, v30  }
0x15b: {  	v46 =	vmul.f32 v44, v22;
	v47 =	vunpack.i.l.bf16.f32 v62;
	v31 =	vadd.f32 v42, v31  }
0x15c: {  	v52 =	vunpack.i.u.bf16.f32 v41;
	v49 =	vld [tilespmem:s7+$0x210];
	v34 =	vmul.f32 v47, v23;
	v30 =	vadd.f32 v33, v30  }
0x15d: {  	s8 =	sadd.s32 $0xFFFFEDA0, s24;
	v54 =	vmul.f32 v52, v24;
	v51 =	vunpack.i.l.bf16.f32 v41;
	v31 =	vadd.f32 v46, v31  }
0x15e: {  	v57 =	vld [tilespmem:s7+$0x310];
	v44 =	vadd.s32 s8, v11;
	v33 =	vmul.f32 v51, v24;
	v30 =	vadd.f32 v34, v30  }
0x15f: {  	v62 =	vunpack.i.l.bf16.f32 v53;
	v55 =	vunpack.i.l.bf16.f32 v45;
	v31 =	vadd.f32 v50, v31  }
0x160: {  	v56 =	vunpack.i.u.bf16.f32 v45;
	v34 =	vmul.f32 v55, v25;
	v30 =	vadd.f32 v33, v30  }
0x161: {  	v58 =	vmul.f32 v56, v25;
	v59 =	vunpack.i.l.bf16.f32 v49;
	v31 =	vadd.f32 v54, v31  }
0x162: {  	v38 =	vld [tilespmem:s7+$0x390];
	v60 =	vunpack.i.u.bf16.f32 v49;
	v33 =	vmul.f32 v59, v27;
	v30 =	vadd.f32 v34, v30  }
0x163: {  	v40 =	vunpack.i.l.bf16.f32 v57;
	v61 =	vmul.f32 v60, v27;
	v31 =	vadd.f32 v58, v31  }
0x164: {  	v39 =	vunpack.i.u.bf16.f32 v53;
	v63 =	vmul.f32 v62, v26;
	v30 =	vadd.f32 v33, v30  }
0x165: {  	v41 =	vmul.f32 v40, v28;
	v32 =	vmul.f32 v39, v26;
	v31 =	vadd.f32 v61, v31  }
0x166: {  	v45 =	vadd.s32 s8, v13;
	v42 =	vunpack.i.u.bf16.f32 v57;
	v30 =	vadd.f32 v63, v30  }
0x167: {  	v43 =	vunpack.i.l.bf16.f32 v38;
	v31 =	vadd.f32 v32, v31;
	v32 =	vmul.f32 v42, v28  }
0x168: {  	v34 =	vunpack.i.u.bf16.f32 v38;
	v33 =	vmul.f32 v43, v29;
	v30 =	vadd.f32 v41, v30  }
0x169: {  	v46 =	vmul.f32 v34, v29;
	v31 =	vadd.f32 v32, v31  }
0x16a: {  	v30 =	vadd.f32 v33, v30  }
0x16b: {  	v31 =	vadd.f32 v46, v31  }
0x16c: {  	[tilespmem:v44+s15+$0x0] =	vst.idx.msk $0xffff, v30  }
0x16d: {  	[tilespmem:v45+s15+$0x0] =	vst.idx.msk $0xffff, v31  }
0x16e: {  	v30 =	vld [tilespmem:s7+$0xFFFFFC20]  }
0x16f: {  	v31 =	vld [tilespmem:s7+$0xFFFFFCA0]  }
0x170: {  	v47 =	vld [tilespmem:s7+$0xFFFFFD20];
	_ =	sdelay $0x1  }
0x171: {  	v48 =	vld [tilespmem:s7+$0xFFFFFDA0];
	_ =	sdelay $0x1  }
0x172: {  	v36 =	vld [tilespmem:s7+$0xFFFFFE20];
	v49 =	vunpack.i.u.bf16.f32 v30;
	v30 =	vunpack.i.l.bf16.f32 v30  }
0x173: {  	v50 =	vunpack.i.l.bf16.f32 v31;
	v31 =	vunpack.i.u.bf16.f32 v31;
	v51 =	vunpack.i.l.bf16.f32 v47  }
0x174: {  	v53 =	vld [tilespmem:s7+$0xFFFFFEA0];
	v32 =	vunpack.i.u.bf16.f32 v47;
	v30 =	vmul.f32 v30, v14;
	v35 =	vmul.f32 v50, v15  }
0x175: {  	v54 =	vunpack.i.l.bf16.f32 v48;
	v34 =	vmul.f32 v49, v14;
	v31 =	vmul.f32 v31, v15  }
0x176: {  	v55 =	vld [tilespmem:s7+$0xFFFFFF20];
	v33 =	vunpack.i.u.bf16.f32 v48;
	v52 =	vmul.f32 v51, v16;
	v30 =	vadd.f32 v35, v30  }
0x177: {  	v57 =	vunpack.i.l.bf16.f32 v36;
	v32 =	vmul.f32 v32, v16;
	v31 =	vadd.f32 v31, v34  }
0x178: {  	v59 =	vld [tilespmem:s7+$0xFFFFFFA0];
	v58 =	vunpack.i.u.bf16.f32 v36;
	v34 =	vmul.f32 v54, v17;
	v30 =	vadd.f32 v52, v30  }
0x179: {  	v61 =	vunpack.i.l.bf16.f32 v53;
	v56 =	vmul.f32 v33, v17;
	v31 =	vadd.f32 v32, v31  }
0x17a: {  	v63 =	vld [tilespmem:s7+$0x20];
	v62 =	vunpack.i.u.bf16.f32 v53;
	v33 =	vmul.f32 v57, v18;
	v30 =	vadd.f32 v34, v30  }
0x17b: {  	v39 =	vunpack.i.l.bf16.f32 v55;
	v60 =	vmul.f32 v58, v18;
	v31 =	vadd.f32 v56, v31  }
0x17c: {  	v45 =	vld [tilespmem:s7+$0x120];
	v40 =	vunpack.i.u.bf16.f32 v55;
	v34 =	vmul.f32 v61, v19;
	v30 =	vadd.f32 v33, v30  }
0x17d: {  	v43 =	vunpack.i.l.bf16.f32 v59;
	v38 =	vmul.f32 v62, v19;
	v31 =	vadd.f32 v60, v31  }
0x17e: {  	v41 =	vld [tilespmem:s7+$0xA0];
	v44 =	vunpack.i.u.bf16.f32 v59;
	v33 =	vmul.f32 v39, v20;
	v30 =	vadd.f32 v34, v30  }
0x17f: {  	v47 =	vunpack.i.l.bf16.f32 v63;
	v42 =	vmul.f32 v40, v20;
	v31 =	vadd.f32 v38, v31  }
0x180: {  	v48 =	vunpack.i.u.bf16.f32 v63;
	v53 =	vld [tilespmem:s7+$0x220];
	v34 =	vmul.f32 v43, v21;
	v30 =	vadd.f32 v33, v30  }
0x181: {  	v55 =	vunpack.i.l.bf16.f32 v45;
	v46 =	vmul.f32 v44, v21;
	v31 =	vadd.f32 v42, v31  }
0x182: {  	s12 =	sadd.s32 $0xFFFFF3C0, s24;
	v49 =	vld [tilespmem:s7+$0x1A0];
	v50 =	vmul.f32 v48, v22;
	v33 =	vmul.f32 v47, v22;
	v30 =	vadd.f32 v34, v30  }
0x183: {  	v51 =	vunpack.i.l.bf16.f32 v41;
	v48 =	vadd.s32 s12, v11;
	v31 =	vadd.f32 v46, v31  }
0x184: {  	v57 =	vld [tilespmem:s7+$0x2A0];
	v52 =	vunpack.i.u.bf16.f32 v41;
	v34 =	vmul.f32 v51, v23;
	v30 =	vadd.f32 v33, v30  }
0x185: {  	v63 =	vunpack.i.l.bf16.f32 v53;
	v54 =	vmul.f32 v52, v23;
	v31 =	vadd.f32 v50, v31  }
0x186: {  	v56 =	vunpack.i.u.bf16.f32 v45;
	v33 =	vmul.f32 v55, v24;
	v30 =	vadd.f32 v34, v30  }
0x187: {  	v59 =	vunpack.i.l.bf16.f32 v49;
	v58 =	vmul.f32 v56, v24;
	v31 =	vadd.f32 v54, v31  }
0x188: {  	v61 =	vld [tilespmem:s7+$0x320];
	v60 =	vunpack.i.u.bf16.f32 v49;
	v34 =	vmul.f32 v59, v25;
	v30 =	vadd.f32 v33, v30  }
0x189: {  	v40 =	vunpack.i.l.bf16.f32 v57;
	v62 =	vmul.f32 v60, v25;
	v31 =	vadd.f32 v58, v31  }
0x18a: {  	v38 =	vunpack.i.u.bf16.f32 v53;
	v42 =	vld [tilespmem:s7+$0x3A0];
	v33 =	vmul.f32 v63, v27;
	v30 =	vadd.f32 v34, v30  }
0x18b: {  	v41 =	vmul.f32 v40, v26;
	v39 =	vmul.f32 v38, v27;
	v31 =	vadd.f32 v62, v31  }
0x18c: {  	v49 =	vadd.s32 s12, v13;
	v43 =	vunpack.i.u.bf16.f32 v57;
	v30 =	vadd.f32 v33, v30  }
0x18d: {  	v44 =	vunpack.i.l.bf16.f32 v61;
	v32 =	vmul.f32 v43, v26;
	v31 =	vadd.f32 v39, v31  }
0x18e: {  	v45 =	vmul.f32 v44, v28;
	v46 =	vunpack.i.u.bf16.f32 v61;
	v30 =	vadd.f32 v41, v30  }
0x18f: {  	v47 =	vunpack.i.l.bf16.f32 v42;
	v31 =	vadd.f32 v32, v31;
	v32 =	vmul.f32 v46, v28  }
0x190: {  	v34 =	vunpack.i.u.bf16.f32 v42;
	v33 =	vmul.f32 v47, v29;
	v30 =	vadd.f32 v45, v30  }
0x191: {  	v50 =	vmul.f32 v34, v29;
	v31 =	vadd.f32 v32, v31  }
0x192: {  	v30 =	vadd.f32 v33, v30  }
0x193: {  	v31 =	vadd.f32 v50, v31  }
0x194: {  	[tilespmem:v48+s15+$0x0] =	vst.idx.msk $0xffff, v30  }
0x195: {  	[tilespmem:v49+s15+$0x0] =	vst.idx.msk $0xffff, v31  }
0x196: {  	v30 =	vld [tilespmem:s7+$0xFFFFFC30]  }
0x197: {  	v31 =	vld [tilespmem:s7+$0xFFFFFCB0]  }
0x198: {  	v51 =	vld [tilespmem:s7+$0xFFFFFD30];
	_ =	sdelay $0x1  }
0x199: {  	v52 =	vld [tilespmem:s7+$0xFFFFFDB0];
	_ =	sdelay $0x1  }
0x19a: {  	v36 =	vld [tilespmem:s7+$0xFFFFFE30];
	v53 =	vunpack.i.u.bf16.f32 v30;
	v30 =	vunpack.i.l.bf16.f32 v30  }
0x19b: {  	v54 =	vunpack.i.l.bf16.f32 v31;
	v31 =	vunpack.i.u.bf16.f32 v31;
	v55 =	vunpack.i.l.bf16.f32 v51  }
0x19c: {  	v57 =	vld [tilespmem:s7+$0xFFFFFEB0];
	v32 =	vunpack.i.u.bf16.f32 v51;
	v30 =	vmul.f32 v30, v14;
	v35 =	vmul.f32 v54, v15  }
0x19d: {  	v58 =	vunpack.i.l.bf16.f32 v52;
	v34 =	vmul.f32 v53, v14;
	v31 =	vmul.f32 v31, v15  }
0x19e: {  	v59 =	vld [tilespmem:s7+$0xFFFFFF30];
	v33 =	vunpack.i.u.bf16.f32 v52;
	v56 =	vmul.f32 v55, v16;
	v30 =	vadd.f32 v35, v30  }
0x19f: {  	v61 =	vunpack.i.l.bf16.f32 v36;
	v32 =	vmul.f32 v32, v16;
	v31 =	vadd.f32 v31, v34  }
0x1a0: {  	v63 =	vld [tilespmem:s7+$0xFFFFFFB0];
	v62 =	vunpack.i.u.bf16.f32 v36;
	v34 =	vmul.f32 v58, v17;
	v30 =	vadd.f32 v56, v30  }
0x1a1: {  	v41 =	vunpack.i.l.bf16.f32 v57;
	v60 =	vmul.f32 v33, v17;
	v31 =	vadd.f32 v32, v31  }
0x1a2: {  	v47 =	vld [tilespmem:s7+$0xB0];
	v42 =	vunpack.i.u.bf16.f32 v57;
	v33 =	vmul.f32 v61, v18;
	v30 =	vadd.f32 v34, v30  }
0x1a3: {  	v45 =	vunpack.i.l.bf16.f32 v59;
	v40 =	vmul.f32 v62, v18;
	v31 =	vadd.f32 v60, v31  }
0x1a4: {  	v43 =	vld [tilespmem:s7+$0x30];
	v46 =	vunpack.i.u.bf16.f32 v59;
	v34 =	vmul.f32 v41, v19;
	v30 =	vadd.f32 v33, v30  }
0x1a5: {  	v49 =	vunpack.i.l.bf16.f32 v63;
	v44 =	vmul.f32 v42, v19;
	v31 =	vadd.f32 v40, v31  }
0x1a6: {  	v50 =	vunpack.i.u.bf16.f32 v63;
	v51 =	vld [tilespmem:s7+$0x130];
	v33 =	vmul.f32 v45, v20;
	v30 =	vadd.f32 v34, v30  }
0x1a7: {  	v57 =	vunpack.i.l.bf16.f32 v47;
	v48 =	vmul.f32 v46, v20;
	v31 =	vadd.f32 v44, v31  }
0x1a8: {  	v59 =	vld [tilespmem:s7+$0x230];
	v52 =	vmul.f32 v50, v21;
	v34 =	vmul.f32 v49, v21;
	v30 =	vadd.f32 v33, v30  }
0x1a9: {  	v63 =	vld [tilespmem:s7+$0x2B0];
	v53 =	vunpack.i.l.bf16.f32 v43;
	v54 =	vunpack.i.u.bf16.f32 v43;
	v31 =	vadd.f32 v48, v31  }
0x1aa: {  	v55 =	vld [tilespmem:s7+$0x1B0];
	v58 =	vunpack.i.u.bf16.f32 v47;
	v33 =	vmul.f32 v53, v22;
	v30 =	vadd.f32 v34, v30  }
0x1ab: {  	v56 =	vmul.f32 v54, v22;
	v61 =	vunpack.i.l.bf16.f32 v51;
	v31 =	vadd.f32 v52, v31  }
0x1ac: {  	v62 =	vunpack.i.u.bf16.f32 v51;
	v34 =	vmul.f32 v57, v23;
	v30 =	vadd.f32 v33, v30  }
0x1ad: {  	v46 =	vunpack.i.u.bf16.f32 v59;
	v60 =	vmul.f32 v58, v23;
	v31 =	vadd.f32 v56, v31  }
0x1ae: {  	v51 =	vunpack.i.u.bf16.f32 v63;
	v33 =	vmul.f32 v61, v24;
	v30 =	vadd.f32 v34, v30  }
0x1af: {  	v43 =	vld [tilespmem:s7+$0x330];
	v41 =	vunpack.i.l.bf16.f32 v55;
	v40 =	vmul.f32 v62, v24;
	v31 =	vadd.f32 v60, v31  }
0x1b0: {  	v50 =	vld [tilespmem:s7+$0x3B0];
	v42 =	vunpack.i.u.bf16.f32 v55;
	v34 =	vmul.f32 v41, v25;
	v30 =	vadd.f32 v33, v30  }
0x1b1: {  	v45 =	vunpack.i.l.bf16.f32 v59;
	v44 =	vmul.f32 v42, v25;
	v31 =	vadd.f32 v40, v31  }
0x1b2: {  	v47 =	vmul.f32 v46, v27;
	v33 =	vmul.f32 v45, v27;
	v30 =	vadd.f32 v34, v30  }
0x1b3: {  	v32 =	vmul.f32 v51, v26;
	v48 =	vunpack.i.l.bf16.f32 v63;
	v31 =	vadd.f32 v44, v31  }
0x1b4: {  	v54 =	vunpack.i.u.bf16.f32 v43;
	v49 =	vmul.f32 v48, v26;
	v30 =	vadd.f32 v33, v30  }
0x1b5: {  	s16 =	sadd.s32 $0xFFFFF9E0, s24;
	v55 =	vunpack.i.l.bf16.f32 v50;
	v52 =	vunpack.i.l.bf16.f32 v43;
	v31 =	vadd.f32 v47, v31  }
0x1b6: {  	v57 =	vadd.s32 s16, v13;
	v53 =	vmul.f32 v52, v28;
	v30 =	vadd.f32 v49, v30  }
0x1b7: {  	v56 =	vadd.s32 s16, v11;
	v31 =	vadd.f32 v32, v31;
	v32 =	vmul.f32 v54, v28  }
0x1b8: {  	v34 =	vunpack.i.u.bf16.f32 v50;
	v33 =	vmul.f32 v55, v29;
	v30 =	vadd.f32 v53, v30  }
0x1b9: {  	v58 =	vmul.f32 v34, v29;
	v31 =	vadd.f32 v32, v31  }
0x1ba: {  	v30 =	vadd.f32 v33, v30  }
0x1bb: {  	v31 =	vadd.f32 v58, v31  }
0x1bc: {  	[tilespmem:v56+s15+$0x0] =	vst.idx.msk $0xffff, v30  }
0x1bd: {  	[tilespmem:v57+s15+$0x0] =	vst.idx.msk $0xffff, v31  }
0x1be: {  	v30 =	vld [tilespmem:s7+$0xFFFFFC40]  }
0x1bf: {  	v31 =	vld [tilespmem:s7+$0xFFFFFCC0]  }
0x1c0: {  	v59 =	vld [tilespmem:s7+$0xFFFFFD40];
	_ =	sdelay $0x1  }
0x1c1: {  	v60 =	vld [tilespmem:s7+$0xFFFFFDC0];
	_ =	sdelay $0x1  }
0x1c2: {  	v36 =	vld [tilespmem:s7+$0xFFFFFE40];
	v61 =	vunpack.i.u.bf16.f32 v30;
	v30 =	vunpack.i.l.bf16.f32 v30  }
0x1c3: {  	v62 =	vunpack.i.l.bf16.f32 v31;
	v31 =	vunpack.i.u.bf16.f32 v31;
	v63 =	vunpack.i.l.bf16.f32 v59  }
0x1c4: {  	v41 =	vld [tilespmem:s7+$0xFFFFFEC0];
	v32 =	vunpack.i.u.bf16.f32 v59;
	v30 =	vmul.f32 v30, v14;
	v35 =	vmul.f32 v62, v15  }
0x1c5: {  	v42 =	vunpack.i.l.bf16.f32 v60;
	v34 =	vmul.f32 v61, v14;
	v31 =	vmul.f32 v31, v15  }
0x1c6: {  	v43 =	vld [tilespmem:s7+$0xFFFFFF40];
	v33 =	vunpack.i.u.bf16.f32 v60;
	v40 =	vmul.f32 v63, v16;
	v30 =	vadd.f32 v35, v30  }
0x1c7: {  	v45 =	vunpack.i.l.bf16.f32 v36;
	v32 =	vmul.f32 v32, v16;
	v31 =	vadd.f32 v31, v34  }
0x1c8: {  	v47 =	vld [tilespmem:s7+$0xFFFFFFC0];
	v46 =	vunpack.i.u.bf16.f32 v36;
	v34 =	vmul.f32 v42, v17;
	v30 =	vadd.f32 v40, v30  }
0x1c9: {  	v49 =	vunpack.i.l.bf16.f32 v41;
	v44 =	vmul.f32 v33, v17;
	v31 =	vadd.f32 v32, v31  }
0x1ca: {  	v55 =	vld [tilespmem:s7+$0xC0];
	v50 =	vunpack.i.u.bf16.f32 v41;
	v33 =	vmul.f32 v45, v18;
	v30 =	vadd.f32 v34, v30  }
0x1cb: {  	v53 =	vunpack.i.l.bf16.f32 v43;
	v48 =	vmul.f32 v46, v18;
	v31 =	vadd.f32 v44, v31  }
0x1cc: {  	v51 =	vld [tilespmem:s7+$0x40];
	v54 =	vunpack.i.u.bf16.f32 v43;
	v34 =	vmul.f32 v49, v19;
	v30 =	vadd.f32 v33, v30  }
0x1cd: {  	v57 =	vunpack.i.l.bf16.f32 v47;
	v52 =	vmul.f32 v50, v19;
	v31 =	vadd.f32 v48, v31  }
0x1ce: {  	v58 =	vunpack.i.u.bf16.f32 v47;
	v33 =	vmul.f32 v53, v20;
	v30 =	vadd.f32 v34, v30  }
0x1cf: {  	v59 =	vld [tilespmem:s7+$0x140];
	v41 =	vunpack.i.u.bf16.f32 v55;
	v56 =	vmul.f32 v54, v20;
	v31 =	vadd.f32 v52, v31  }
0x1d0: {  	v60 =	vmul.f32 v58, v21;
	v34 =	vmul.f32 v57, v21;
	v30 =	vadd.f32 v33, v30  }
0x1d1: {  	v61 =	vunpack.i.l.bf16.f32 v51;
	v62 =	vunpack.i.u.bf16.f32 v51;
	v46 =	vld [tilespmem:s7+$0x2C0];
	v31 =	vadd.f32 v56, v31  }
0x1d2: {  	v63 =	vld [tilespmem:s7+$0x1C0];
	v43 =	vmul.f32 v41, v23;
	v33 =	vmul.f32 v61, v22;
	v30 =	vadd.f32 v34, v30  }
0x1d3: {  	v39 =	vmul.f32 v62, v22;
	v40 =	vunpack.i.l.bf16.f32 v55;
	v31 =	vadd.f32 v60, v31  }
0x1d4: {  	v42 =	vld [tilespmem:s7+$0x240];
	v45 =	vunpack.i.u.bf16.f32 v59;
	v34 =	vmul.f32 v40, v23;
	v30 =	vadd.f32 v33, v30  }
0x1d5: {  	v47 =	vmul.f32 v45, v24;
	v44 =	vunpack.i.l.bf16.f32 v59;
	v31 =	vadd.f32 v39, v31  }
0x1d6: {  	v50 =	vld [tilespmem:s7+$0x340];
	v55 =	vunpack.i.l.bf16.f32 v46;
	v33 =	vmul.f32 v44, v24;
	v30 =	vadd.f32 v34, v30  }
0x1d7: {  	v58 =	vunpack.i.u.bf16.f32 v46;
	v48 =	vunpack.i.l.bf16.f32 v63;
	v31 =	vadd.f32 v43, v31  }
0x1d8: {  	v49 =	vunpack.i.u.bf16.f32 v63;
	v34 =	vmul.f32 v48, v25;
	v30 =	vadd.f32 v33, v30  }
0x1d9: {  	v51 =	vmul.f32 v49, v25;
	v52 =	vunpack.i.l.bf16.f32 v42;
	v31 =	vadd.f32 v47, v31  }
0x1da: {  	v53 =	vunpack.i.u.bf16.f32 v42;
	v57 =	vld [tilespmem:s7+$0x3C0];
	v33 =	vmul.f32 v52, v27;
	v30 =	vadd.f32 v34, v30  }
0x1db: {  	v59 =	vunpack.i.l.bf16.f32 v50;
	v54 =	vmul.f32 v53, v27;
	v31 =	vadd.f32 v51, v31  }
0x1dc: {  	v32 =	vmul.f32 v58, v26;
	v56 =	vmul.f32 v55, v26;
	v30 =	vadd.f32 v33, v30  }
0x1dd: {  	v63 =	vadd.s32 s24, v11;
	v61 =	vunpack.i.u.bf16.f32 v50;
	v31 =	vadd.f32 v54, v31  }
0x1de: {  	v60 =	vmul.f32 v59, v28;
	v40 =	vadd.s32 s24, v13;
	v30 =	vadd.f32 v56, v30  }
0x1df: {  	v62 =	vunpack.i.l.bf16.f32 v57;
	v31 =	vadd.f32 v32, v31;
	v32 =	vmul.f32 v61, v28  }
0x1e0: {  	v34 =	vunpack.i.u.bf16.f32 v57;
	v33 =	vmul.f32 v62, v29;
	v30 =	vadd.f32 v60, v30  }
0x1e1: {  	v41 =	vmul.f32 v34, v29;
	v31 =	vadd.f32 v32, v31  }
0x1e2: {  	v30 =	vadd.f32 v33, v30  }
0x1e3: {  	v31 =	vadd.f32 v41, v31  }
0x1e4: {  	[tilespmem:v63+s15+$0x0] =	vst.idx.msk $0xffff, v30  }
0x1e5: {  	[tilespmem:v40+s15+$0x0] =	vst.idx.msk $0xffff, v31  }
0x1e6: {  	v30 =	vld [tilespmem:s7+$0xFFFFFC50]  }
0x1e7: {  	v31 =	vld [tilespmem:s7+$0xFFFFFCD0]  }
0x1e8: {  	v42 =	vld [tilespmem:s7+$0xFFFFFD50];
	_ =	sdelay $0x1  }
0x1e9: {  	v43 =	vld [tilespmem:s7+$0xFFFFFDD0];
	_ =	sdelay $0x1  }
0x1ea: {  	v36 =	vld [tilespmem:s7+$0xFFFFFE50];
	v44 =	vunpack.i.u.bf16.f32 v30;
	v30 =	vunpack.i.l.bf16.f32 v30  }
0x1eb: {  	v45 =	vunpack.i.l.bf16.f32 v31;
	v31 =	vunpack.i.u.bf16.f32 v31;
	v46 =	vunpack.i.l.bf16.f32 v42  }
0x1ec: {  	v48 =	vld [tilespmem:s7+$0xFFFFFED0];
	v32 =	vunpack.i.u.bf16.f32 v42;
	v30 =	vmul.f32 v30, v14;
	v35 =	vmul.f32 v45, v15  }
0x1ed: {  	v49 =	vunpack.i.l.bf16.f32 v43;
	v34 =	vmul.f32 v44, v14;
	v31 =	vmul.f32 v31, v15  }
0x1ee: {  	v50 =	vld [tilespmem:s7+$0xFFFFFF50];
	v33 =	vunpack.i.u.bf16.f32 v43;
	v47 =	vmul.f32 v46, v16;
	v30 =	vadd.f32 v35, v30  }
0x1ef: {  	v52 =	vunpack.i.l.bf16.f32 v36;
	v32 =	vmul.f32 v32, v16;
	v31 =	vadd.f32 v31, v34  }
0x1f0: {  	v54 =	vld [tilespmem:s7+$0xFFFFFFD0];
	v53 =	vunpack.i.u.bf16.f32 v36;
	v34 =	vmul.f32 v49, v17;
	v30 =	vadd.f32 v47, v30  }
0x1f1: {  	v56 =	vunpack.i.l.bf16.f32 v48;
	v51 =	vmul.f32 v33, v17;
	v31 =	vadd.f32 v32, v31  }
0x1f2: {  	v58 =	vld [tilespmem:s7+$0x50];
	v57 =	vunpack.i.u.bf16.f32 v48;
	v33 =	vmul.f32 v52, v18;
	v30 =	vadd.f32 v34, v30  }
0x1f3: {  	v62 =	vld [tilespmem:s7+$0xD0];
	v60 =	vunpack.i.l.bf16.f32 v50;
	v55 =	vmul.f32 v53, v18;
	v31 =	vadd.f32 v51, v31  }
0x1f4: {  	v61 =	vunpack.i.u.bf16.f32 v50;
	v34 =	vmul.f32 v56, v19;
	v30 =	vadd.f32 v33, v30  }
0x1f5: {  	v39 =	vunpack.i.l.bf16.f32 v54;
	v59 =	vmul.f32 v57, v19;
	v31 =	vadd.f32 v55, v31  }
0x1f6: {  	v40 =	vunpack.i.u.bf16.f32 v54;
	v33 =	vmul.f32 v60, v20;
	v30 =	vadd.f32 v34, v30  }
0x1f7: {  	v41 =	vld [tilespmem:s7+$0x150];
	v43 =	vunpack.i.l.bf16.f32 v58;
	v63 =	vmul.f32 v61, v20;
	v31 =	vadd.f32 v59, v31  }
0x1f8: {  	v48 =	vunpack.i.u.bf16.f32 v62;
	v34 =	vmul.f32 v39, v21;
	v30 =	vadd.f32 v33, v30  }
0x1f9: {  	v42 =	vmul.f32 v40, v21;
	v44 =	vunpack.i.u.bf16.f32 v58;
	v45 =	vld [tilespmem:s7+$0x1D0];
	v31 =	vadd.f32 v63, v31  }
0x1fa: {  	v50 =	vmul.f32 v48, v23;
	v53 =	vld [tilespmem:s7+$0x2D0];
	v33 =	vmul.f32 v43, v22;
	v30 =	vadd.f32 v34, v30  }
0x1fb: {  	v46 =	vmul.f32 v44, v22;
	v47 =	vunpack.i.l.bf16.f32 v62;
	v31 =	vadd.f32 v42, v31  }
0x1fc: {  	v52 =	vunpack.i.u.bf16.f32 v41;
	v49 =	vld [tilespmem:s7+$0x250];
	v34 =	vmul.f32 v47, v23;
	v30 =	vadd.f32 v33, v30  }
0x1fd: {  	s18 =	sadd.s32 $0x620, s24;
	v54 =	vmul.f32 v52, v24;
	v51 =	vunpack.i.l.bf16.f32 v41;
	v31 =	vadd.f32 v46, v31  }
0x1fe: {  	v57 =	vld [tilespmem:s7+$0x350];
	v44 =	vadd.s32 s18, v11;
	v33 =	vmul.f32 v51, v24;
	v30 =	vadd.f32 v34, v30  }
0x1ff: {  	v62 =	vunpack.i.l.bf16.f32 v53;
	v55 =	vunpack.i.l.bf16.f32 v45;
	v31 =	vadd.f32 v50, v31  }
0x200: {  	v56 =	vunpack.i.u.bf16.f32 v45;
	v34 =	vmul.f32 v55, v25;
	v30 =	vadd.f32 v33, v30  }
0x201: {  	v58 =	vmul.f32 v56, v25;
	v59 =	vunpack.i.l.bf16.f32 v49;
	v31 =	vadd.f32 v54, v31  }
0x202: {  	v38 =	vld [tilespmem:s7+$0x3D0];
	v60 =	vunpack.i.u.bf16.f32 v49;
	v33 =	vmul.f32 v59, v27;
	v30 =	vadd.f32 v34, v30  }
0x203: {  	v40 =	vunpack.i.l.bf16.f32 v57;
	v61 =	vmul.f32 v60, v27;
	v31 =	vadd.f32 v58, v31  }
0x204: {  	v39 =	vunpack.i.u.bf16.f32 v53;
	v63 =	vmul.f32 v62, v26;
	v30 =	vadd.f32 v33, v30  }
0x205: {  	v41 =	vmul.f32 v40, v28;
	v32 =	vmul.f32 v39, v26;
	v31 =	vadd.f32 v61, v31  }
0x206: {  	v45 =	vadd.s32 s18, v13;
	v42 =	vunpack.i.u.bf16.f32 v57;
	v30 =	vadd.f32 v63, v30  }
0x207: {  	v43 =	vunpack.i.l.bf16.f32 v38;
	v31 =	vadd.f32 v32, v31;
	v32 =	vmul.f32 v42, v28  }
0x208: {  	v34 =	vunpack.i.u.bf16.f32 v38;
	v33 =	vmul.f32 v43, v29;
	v30 =	vadd.f32 v41, v30  }
0x209: {  	v46 =	vmul.f32 v34, v29;
	v31 =	vadd.f32 v32, v31  }
0x20a: {  	v30 =	vadd.f32 v33, v30  }
0x20b: {  	v31 =	vadd.f32 v46, v31  }
0x20c: {  	[tilespmem:v44+s15+$0x0] =	vst.idx.msk $0xffff, v30  }
0x20d: {  	[tilespmem:v45+s15+$0x0] =	vst.idx.msk $0xffff, v31  }
0x20e: {  	v30 =	vld [tilespmem:s7+$0xFFFFFC60]  }
0x20f: {  	v31 =	vld [tilespmem:s7+$0xFFFFFCE0]  }
0x210: {  	v47 =	vld [tilespmem:s7+$0xFFFFFD60];
	_ =	sdelay $0x1  }
0x211: {  	v48 =	vld [tilespmem:s7+$0xFFFFFDE0];
	_ =	sdelay $0x1  }
0x212: {  	v36 =	vld [tilespmem:s7+$0xFFFFFE60];
	v49 =	vunpack.i.u.bf16.f32 v30;
	v30 =	vunpack.i.l.bf16.f32 v30  }
0x213: {  	v50 =	vunpack.i.l.bf16.f32 v31;
	v31 =	vunpack.i.u.bf16.f32 v31;
	v51 =	vunpack.i.l.bf16.f32 v47  }
0x214: {  	v53 =	vld [tilespmem:s7+$0xFFFFFEE0];
	v32 =	vunpack.i.u.bf16.f32 v47;
	v30 =	vmul.f32 v30, v14;
	v35 =	vmul.f32 v50, v15  }
0x215: {  	v54 =	vunpack.i.l.bf16.f32 v48;
	v34 =	vmul.f32 v49, v14;
	v31 =	vmul.f32 v31, v15  }
0x216: {  	v55 =	vld [tilespmem:s7+$0xFFFFFF60];
	v33 =	vunpack.i.u.bf16.f32 v48;
	v52 =	vmul.f32 v51, v16;
	v30 =	vadd.f32 v35, v30  }
0x217: {  	v57 =	vunpack.i.l.bf16.f32 v36;
	v32 =	vmul.f32 v32, v16;
	v31 =	vadd.f32 v31, v34  }
0x218: {  	v59 =	vld [tilespmem:s7+$0xFFFFFFE0];
	v58 =	vunpack.i.u.bf16.f32 v36;
	v34 =	vmul.f32 v54, v17;
	v30 =	vadd.f32 v52, v30  }
0x219: {  	v61 =	vunpack.i.l.bf16.f32 v53;
	v56 =	vmul.f32 v33, v17;
	v31 =	vadd.f32 v32, v31  }
0x21a: {  	v63 =	vld [tilespmem:s7+$0x60];
	v62 =	vunpack.i.u.bf16.f32 v53;
	v33 =	vmul.f32 v57, v18;
	v30 =	vadd.f32 v34, v30  }
0x21b: {  	v42 =	vld [tilespmem:s7+$0xE0];
	v40 =	vunpack.i.l.bf16.f32 v55;
	v60 =	vmul.f32 v58, v18;
	v31 =	vadd.f32 v56, v31  }
0x21c: {  	v41 =	vunpack.i.u.bf16.f32 v55;
	v34 =	vmul.f32 v61, v19;
	v30 =	vadd.f32 v33, v30  }
0x21d: {  	v44 =	vunpack.i.l.bf16.f32 v59;
	v39 =	vmul.f32 v62, v19;
	v31 =	vadd.f32 v60, v31  }
0x21e: {  	v45 =	vunpack.i.u.bf16.f32 v59;
	v33 =	vmul.f32 v40, v20;
	v30 =	vadd.f32 v34, v30  }
0x21f: {  	v46 =	vld [tilespmem:s7+$0x160];
	v48 =	vunpack.i.l.bf16.f32 v63;
	v43 =	vmul.f32 v41, v20;
	v31 =	vadd.f32 v39, v31  }
0x220: {  	v53 =	vunpack.i.u.bf16.f32 v42;
	v34 =	vmul.f32 v44, v21;
	v30 =	vadd.f32 v33, v30  }
0x221: {  	v47 =	vmul.f32 v45, v21;
	v49 =	vunpack.i.u.bf16.f32 v63;
	v50 =	vld [tilespmem:s7+$0x1E0];
	v31 =	vadd.f32 v43, v31  }
0x222: {  	v55 =	vmul.f32 v53, v23;
	v58 =	vld [tilespmem:s7+$0x2E0];
	v33 =	vmul.f32 v48, v22;
	v30 =	vadd.f32 v34, v30  }
0x223: {  	v51 =	vmul.f32 v49, v22;
	v52 =	vunpack.i.l.bf16.f32 v42;
	v31 =	vadd.f32 v47, v31  }
0x224: {  	v57 =	vunpack.i.u.bf16.f32 v46;
	v54 =	vld [tilespmem:s7+$0x260];
	v34 =	vmul.f32 v52, v23;
	v30 =	vadd.f32 v33, v30  }
0x225: {  	s19 =	sadd.s32 $0xC40, s24;
	v59 =	vmul.f32 v57, v24;
	v56 =	vunpack.i.l.bf16.f32 v46;
	v31 =	vadd.f32 v51, v31  }
0x226: {  	v62 =	vld [tilespmem:s7+$0x360];
	v49 =	vadd.s32 s19, v11;
	v33 =	vmul.f32 v56, v24;
	v30 =	vadd.f32 v34, v30  }
0x227: {  	v41 =	vunpack.i.l.bf16.f32 v58;
	v60 =	vunpack.i.l.bf16.f32 v50;
	v31 =	vadd.f32 v55, v31  }
0x228: {  	v61 =	vunpack.i.u.bf16.f32 v50;
	v34 =	vmul.f32 v60, v25;
	v30 =	vadd.f32 v33, v30  }
0x229: {  	v63 =	vmul.f32 v61, v25;
	v38 =	vunpack.i.l.bf16.f32 v54;
	v31 =	vadd.f32 v59, v31  }
0x22a: {  	v39 =	vunpack.i.u.bf16.f32 v54;
	v43 =	vld [tilespmem:s7+$0x3E0];
	v33 =	vmul.f32 v38, v27;
	v30 =	vadd.f32 v34, v30  }
0x22b: {  	v45 =	vunpack.i.l.bf16.f32 v62;
	v40 =	vmul.f32 v39, v27;
	v31 =	vadd.f32 v63, v31  }
0x22c: {  	v42 =	vmul.f32 v41, v26;
	v44 =	vunpack.i.u.bf16.f32 v58;
	v30 =	vadd.f32 v33, v30  }
0x22d: {  	v46 =	vmul.f32 v45, v28;
	v32 =	vmul.f32 v44, v26;
	v31 =	vadd.f32 v40, v31  }
0x22e: {  	v50 =	vadd.s32 s19, v13;
	v47 =	vunpack.i.u.bf16.f32 v62;
	v30 =	vadd.f32 v42, v30  }
0x22f: {  	v48 =	vunpack.i.l.bf16.f32 v43;
	v31 =	vadd.f32 v32, v31;
	v32 =	vmul.f32 v47, v28  }
0x230: {  	v34 =	vunpack.i.u.bf16.f32 v43;
	v33 =	vmul.f32 v48, v29;
	v30 =	vadd.f32 v46, v30  }
0x231: {  	v51 =	vmul.f32 v34, v29;
	v31 =	vadd.f32 v32, v31  }
0x232: {  	v30 =	vadd.f32 v33, v30  }
0x233: {  	v31 =	vadd.f32 v51, v31  }
0x234: {  	[tilespmem:v49+s15+$0x0] =	vst.idx.msk $0xffff, v30  }
0x235: {  	[tilespmem:v50+s15+$0x0] =	vst.idx.msk $0xffff, v31  }
0x236: {  	v30 =	vld [tilespmem:s7+$0xFFFFFC70]  }
0x237: {  	v31 =	vld [tilespmem:s7+$0xFFFFFCF0];
	_ =	sdelay $0x2  }
0x238: {  	v52 =	vld [tilespmem:s7+$0xFFFFFD70];
	_ =	sdelay $0x1  }
0x239: {  	v53 =	vld [tilespmem:s7+$0xFFFFFDF0];
	v54 =	vunpack.i.u.bf16.f32 v30;
	v30 =	vunpack.i.l.bf16.f32 v30;
	v55 =	vunpack.i.l.bf16.f32 v31  }
0x23a: {  	v31 =	vunpack.i.u.bf16.f32 v31;
	v30 =	vmul.f32 v30, v14;
	v35 =	vmul.f32 v55, v15  }
0x23b: {  	v36 =	vld [tilespmem:s7+$0xFFFFFE70];
	v14 =	vmul.f32 v54, v14;
	v15 =	vmul.f32 v31, v15  }
0x23c: {  	v32 =	vunpack.i.u.bf16.f32 v52  }
0x23d: {  	v57 =	vld [tilespmem:s7+$0xFFFFFEF0];
	v56 =	vunpack.i.l.bf16.f32 v52;
	v14 =	vadd.f32 v15, v14;
	v15 =	vmul.f32 v32, v16  }
0x23e: {  	v59 =	vunpack.i.u.bf16.f32 v53;
	v31 =	vmul.f32 v56, v16;
	v30 =	vadd.f32 v35, v30  }
0x23f: {  	v60 =	vld [tilespmem:s7+$0xFFFFFF70];
	v58 =	vunpack.i.l.bf16.f32 v53;
	v14 =	vadd.f32 v15, v14;
	v15 =	vmul.f32 v59, v17  }
0x240: {  	v62 =	vunpack.i.u.bf16.f32 v36;
	v16 =	vmul.f32 v58, v17;
	v30 =	vadd.f32 v31, v30  }
0x241: {  	v63 =	vld [tilespmem:s7+$0xFFFFFFF0];
	v61 =	vunpack.i.l.bf16.f32 v36;
	v14 =	vadd.f32 v15, v14;
	v15 =	vmul.f32 v62, v18  }
0x242: {  	v34 =	vunpack.i.u.bf16.f32 v57;
	v17 =	vmul.f32 v61, v18;
	v16 =	vadd.f32 v16, v30  }
0x243: {  	v33 =	vunpack.i.l.bf16.f32 v57;
	v35 =	vld [tilespmem:s7+$0x70];
	v14 =	vadd.f32 v15, v14;
	v15 =	vmul.f32 v34, v19  }
0x244: {  	v37 =	vunpack.i.u.bf16.f32 v60;
	v18 =	vmul.f32 v33, v19;
	v16 =	vadd.f32 v17, v16  }
0x245: {  	v38 =	vld [tilespmem:s7+$0xF0];
	v36 =	vunpack.i.l.bf16.f32 v60;
	v14 =	vadd.f32 v15, v14;
	v15 =	vmul.f32 v37, v20  }
0x246: {  	v40 =	vunpack.i.u.bf16.f32 v63;
	v17 =	vmul.f32 v36, v20;
	v16 =	vadd.f32 v18, v16  }
0x247: {  	v41 =	vld [tilespmem:s7+$0x170];
	v39 =	vunpack.i.l.bf16.f32 v63;
	v14 =	vadd.f32 v15, v14;
	v15 =	vmul.f32 v40, v21  }
0x248: {  	v43 =	vunpack.i.u.bf16.f32 v35;
	v18 =	vmul.f32 v39, v21;
	v16 =	vadd.f32 v17, v16  }
0x249: {  	v44 =	vld [tilespmem:s7+$0x1F0];
	v42 =	vunpack.i.l.bf16.f32 v35;
	v14 =	vadd.f32 v15, v14;
	v15 =	vmul.f32 v43, v22  }
0x24a: {  	v46 =	vunpack.i.u.bf16.f32 v38;
	v17 =	vmul.f32 v42, v22;
	v16 =	vadd.f32 v18, v16  }
0x24b: {  	v47 =	vld [tilespmem:s7+$0x270];
	v45 =	vunpack.i.l.bf16.f32 v38;
	v14 =	vadd.f32 v15, v14;
	v15 =	vmul.f32 v46, v23  }
0x24c: {  	v49 =	vunpack.i.u.bf16.f32 v41;
	v18 =	vmul.f32 v45, v23;
	v16 =	vadd.f32 v17, v16  }
0x24d: {  	v50 =	vld [tilespmem:s7+$0x2F0];
	v48 =	vunpack.i.l.bf16.f32 v41;
	v14 =	vadd.f32 v15, v14;
	v15 =	vmul.f32 v49, v24  }
0x24e: {  	v52 =	vunpack.i.u.bf16.f32 v44;
	v17 =	vmul.f32 v48, v24;
	v16 =	vadd.f32 v18, v16  }
0x24f: {  	v51 =	vunpack.i.l.bf16.f32 v44;
	v53 =	vld [tilespmem:s7+$0x370];
	v14 =	vadd.f32 v15, v14;
	v15 =	vmul.f32 v52, v25  }
0x250: {  	v55 =	vunpack.i.u.bf16.f32 v47;
	v18 =	vmul.f32 v51, v25;
	v16 =	vadd.f32 v17, v16  }
0x251: {  	v54 =	vunpack.i.l.bf16.f32 v47;
	v14 =	vadd.f32 v15, v14;
	v15 =	vmul.f32 v55, v27  }
0x252: {  	v56 =	vunpack.i.l.bf16.f32 v50;
	v58 =	vld [tilespmem:s7+$0x3F0];
	v17 =	vmul.f32 v54, v27;
	v16 =	vadd.f32 v18, v16  }
0x253: {  	v57 =	vmul.f32 v56, v26;
	v14 =	vadd.f32 v15, v14;
	v15 =	vunpack.i.u.bf16.f32 v50  }
0x254: {  	s26 =	sadd.s32 $0x1260, s24;
	v59 =	vunpack.i.l.bf16.f32 v53;
	v16 =	vadd.f32 v17, v16;
	v15 =	vmul.f32 v15, v26  }
0x255: {  	v63 =	vadd.s32 s26, v13;
	v60 =	vmul.f32 v59, v28  }
0x256: {  	v16 =	vadd.f32 v57, v16;
	v14 =	vadd.f32 v15, v14;
	v15 =	vunpack.i.u.bf16.f32 v53  }
0x257: {  	v62 =	vadd.s32 s26, v11;
	v61 =	vunpack.i.l.bf16.f32 v58;
	v15 =	vmul.f32 v15, v28  }
0x258: {  	p4 =	sne.s32 s9, $0x60;
	v18 =	vunpack.i.u.bf16.f32 v58;
	v17 =	vmul.f32 v61, v29;
	v16 =	vadd.f32 v60, v16  }
.Ltmp10:
0x259: {  	v14 =	vadd.f32 v15, v14;
	v15 =	vmul.f32 v18, v29;
	(pc) =	sbr.rel @p4 .LBB2_14-.Ltmp10, $4  }
0x25a: {  	v16 =	vadd.f32 v17, v16  }
0x25b: {  	v14 =	vadd.f32 v15, v14  }
0x25c: {  	[tilespmem:v62+s15+$0x0] =	vst.idx.msk $0xffff, v16  }
0x25d: {  	s9 =	sadd.s32 $0x10, s9;
	s24 =	sadd.s32 $0x1, s24;
	s7 =	sadd.s32 $0x800, s7;
	[tilespmem:v63+s15+$0x0] =	vst.idx.msk $0xffff, v14  }
0x25e: {  	s13 =	sadd.s32 $0x1, s13  }
0x25f: {  	p4 =	sne.s32 s13, $0x7  }
.Ltmp11:
0x260: {  	_ = 	snop;
	(pc) =	sbr.rel @p4 .LBB2_7-.Ltmp11, $2  }
0x261: {  	_ =	sdelay $0x2  }
0x262: {  	s17 =	sadd.s32 $0x7, s17;
	s25 =	sadd.s32 $0x70, s25;
	p3 =	por !p3, !p3  }
0x263: {  	s0 =	sshrl.u32 s21, $0x3;
	s1 =	smul.u32 $0xC400, s23  }
0x264: {  	s0 =	smul.u32 $0x18800, s0  }
.Ltmp12:
0x265: {  	s2 =	rddreg [dreg:$0x4];
	s30 =	sadd.s32 $0x3, s23;
	(pc) =	sbr.rel .LBB2_17-.Ltmp12, $4  }
0x266: {  	s3 =	rddreg [dreg:$0x1];
	s31 =	simm.s32 $0x80;
	s0 =	sor.u32 s2, s0  }
0x267: {  	s5 =	simm.s32 $0x400;
	s1 =	sshrl.u32 s1, $0x2;
	s0 =	sshrl.u32 s0, $0x3  }
0x268: {  	s19 =	rddreg [dreg:$0x3];
	s1 =	sadd.s32 $0x7F00, s1;
	s0 =	sadd.s32 s3, s0  }
0x269: {  	[hbm4b:s0+s31] =	stream.strided.scatter [tilespmem:s1], [sflag:s30], $0x3100, s5, s31, $0x38;
	[tilespmem:$0xE100] =	vst v63  }
.LBB2_19:
0x26a: {  	_ =	sfence.sel $0x180000  }
0x26b: {  	[bflag:$0x0] =	sbarrier.arrive $0xFFFF  }
0x26c: {  	_ =	strace $0x90000047  }
0x26d: {  	s0 =	stileid.u32;
	[bflag:$0x2] =	sbarrier.arrive $0xFFFF  }
0x26e: {  	p0 =	sne.s32 s0, $0x0;
	s0 =	rddreg [dreg:$0x2]  }
0x26f: {  	s0 =	sadd.s32 @!p0 $0x100000, s0  }
0x270: {  	[sflag:s0] =	ssyncadd.tile.s32 @!p0 $0x1;
	_ =	shalt  }
.Lfunc_end2:
_tile_overlayer_lowered:
.L_overlay_start_2:
0x271: {  	(tag) =	ssettag $0x2  }
0x272: {  	s0 =	rddreg [dreg:$0x0];
	s2 =	stileid.u32  }
0x273: {  	s1 =	rddreg [dreg:$0x1];
	p0 =	sne.s32 s2, $0x0  }
0x274: {  	s3 =	rddreg [dreg:$0x2];
	[bflag:$0x3] =	sbarrier.arrive $0xFFFF;
	s2 =	simm.s32 @!p0 $0x1C05  }
0x275: {  	[timem:s3], [sflag:s2] =	dma.local @!p0 [hbm:s0], s1  }
0x276: {  	s0 =	simm.s32 @!p0 $0x5  }
0x277: {  	_ =	swait.ge @!p0 [sflag:s0], s1  }
0x278: {  	s1 =	ssub.s32 @!p0 $0x0, s1;
	[sflag:s0] =	ssyncset.done @!p0 $0x0  }
0x279: {  	[sflag:s0] =	ssyncadd.s32 @!p0 s1  }
0x27a: {  	[bflag:$0x3] =	sbarrier.arrive $0xFFFF  }
0x27b: {  	_ =	shalt  }

// kernel: sparse-core-data-format-call.cloned.1.call-start
scs
called_computation_lowered:
.L_overlay_start_0:
0x0: {  	s2 =	sld [smem:$0x3FD9]  }
0x1: {  	s3 =	sld [smem:$0x3FFE];
	_ =	sdelay $0x1  }
0x2: {  	s1 =	srdreg.scid  }
0x3: {  	s0 =	sand.u32 $0x1, s1  }
0x4: {  	s18 =	sshll.u32 s0, $0xA;
	s2 =	sadd.s32 s3, s2  }
0x5: {  	s2 =	sadd.s32 s2, s18  }
0x6: {  	[smem:$0x3FC3] =	sst s2  }
0x7: {  	_ = 	snop  }
0x8: {  	s2 =	sld [smem:$0x3FD0];
	(tm) =	ssettm $0x1  }
0x9: {  	s19 =	sld [smem:$0x3FFB];
	_ =	sdelay $0x3  }
0xa: {  	_ =	strace s19  }
0xb: {  	s3 =	sld [smem:$0x3FFC];
	_ =	sdelay $0x3  }
0xc: {  	_ =	strace s3  }
0xd: {  	s3 =	sld [smem:$0x3FFD];
	_ =	sdelay $0x3  }
0xe: {  	_ =	strace s3  }
0xf: {  	_ =	strace $0x8FFFFFFF  }
0x10: {  	s20 =	sld [smem:$0x3FDB];
	_ =	sdelay $0x1  }
0x11: {  	s4 =	simm.s32 $_scs_section_size  }
0x12: {  	s5 =	simm.s32 $_size__tile_overlayer_lowered;
	s6 =	simm.s32 $_tile_overlayer_lowered  }
0x13: {  	s23 =	simm.s32 $0x1BFF;
	s22 =	sshll.u32 s6, $0x1;
	s3 =	sadd.s32 s4, s20  }
0x14: {  	s7 =	simm.s32 $0x0;
	s21 =	sshll.u32 s5, $0x1;
	s5 =	sadd.s32 s22, s3  }
0x15: {  	[timem:s7], [sflag:s23] =	dma.local [hbm:s5], s21  }
0x16: {  	_ =	swait.ge [sflag:s23], s21  }
0x17: {  	s4 =	ssub.s32 $0x0, s21;
	[sflag:s23] =	ssyncset.done $0x0  }
0x18: {  	[sflag:s23] =	ssyncadd.s32 s4;
	_ =	sdelay $0x1  }
0x19: {  	s24 =	simm.s32 $0x1B8B  }
0x1a: {  	_ =	swait.ge [sflag:s24], $0x1  }
0x1b: {  	[sflag:s24] =	ssyncset.done $0x0  }
0x1c: {  	s26 =	simm.s32 $0x1B8E;
	s25 =	sld [smem:$0x3FFE];
	[sflag:s24] =	ssyncadd.s32 $0xFFFFFFFF  }
0x1d: {  	s27 =	simm.s32 $execute0_lowered;
	[smem:$0x3FD2] =	sst s26  }
0x1e: {  	s5 =	sshll.u32 s27, $0x1;
	_ =	strace $0x80000049;
	[dreg:$0x1] =	wrdreg $0xFFFFFFFF  }
0x1f: {  	s28 =	simm.s32 $_size_execute0_lowered;
	s3 =	sadd.s32 s3, s5;
	[dreg:$0x0] =	wrdreg $0x0  }
0x20: {  	s5 =	sshll.u32 s28, $0x1;
	[dreg:$0x2] =	wrdreg s3  }
0x21: {  	[dreg:$0x3] =	wrdreg s5  }
0x22: {  	[dreg:$0x4] =	wrdreg $0xC0  }
0x23: {  	_ =	task [dreg:s7], $0x5FFFF  }
0x24: {  	[dreg:$0x1] =	wrdreg $0xFFFFFFFF  }
0x25: {  	[dreg:$0x0] =	wrdreg $0x60  }
0x26: {  	[dreg:$0x2] =	wrdreg s25  }
0x27: {  	[dreg:$0x3] =	wrdreg s2  }
0x28: {  	[dreg:$0x4] =	wrdreg $0x9  }
0x29: {  	_ =	task.clear_ibuf [dreg:s7], $0x5FFFF;
	_ =	strace $0x90000049  }
0x2a: {  	s29 =	simm.s32 $0x9;
	_ =	strace $0x8000004B  }
0x2b: {  	_ =	swait.ge [sflag:s29], $0x1  }
0x2c: {  	[sflag:s29] =	ssyncadd.s32 $0xFFFFFFFF  }
0x2d: {  	_ =	strace $0x9000004B  }
0x2e: {  	_ =	sfence  }
0x2f: {  	s30 =	sld [smem:$0x0];
	_ =	sdelay $0x2  }
0x30: {  	s31 =	sshll.u32 s1, $0xD;
	s1 =	sshrl.u32 s1, $0x2  }
0x31: {  	s3 =	sand.u32 $0x4000, s31;
	s1 =	sadd.s32 s1, s30  }
0x32: {  	s0 =	sor.u32 s3, s0;
	s1 =	sshll.u32 s1, $0x11  }
0x33: {  	s0 =	sor.u32 s1, s0  }
0x34: {  	s0 =	sadd.s32 $0x8F2B, s0  }
0x35: {  	[sflag:s0] =	ssyncadd.remote.s32 $0x1  }
0x36: {  	_ =	sfence.sel $0xFFFF  }
0x37: {  	[dreg:$0x0] =	wrdreg $0xFFFFFFFF;
	(pc) =	sbr.abs _section_cstart, $3  }
0x38: {  	[dreg:$0x1] =	wrdreg $0xFFFFFFFF  }
0x39: {  	_ =	task.clear_ibuf [dreg:s7], $0x2FFFF;
	_ =	strace $0x9FFFFFFF  }
0x3a: {  	(tm) =	ssettm $0x7FFFFFFF  }
0x3b: {  	_ =	shalt  }
tec
execute0_lowered:
.L_overlay_start_1:
0x0: {  	(tag) =	ssettag $0x1  }
0x1: {  	s0 =	stileid.u32;
	s8 =	rddreg [dreg:$0x0]  }
0x2: {  	s3 =	rddreg [dreg:$0x1];
	s7 =	srdreg.scid  }
0x3: {  	_ =	strace $0x8000004A;
	s31 =	simm.s32 $0x2;
	s19 =	simm.s32 $0x0  }
0x4: {  	p0 =	por $0x0, $0x0;
	s20 =	simm.s32 $0x0;
	s1 =	sshll.u32 s0, $0x7  }
0x5: {  	s22 =	simm.s32 $0x0;
	s21 =	simm.s32 $0x0;
	s2 =	sand.u32 $0x80, s1  }
0x6: {  	s11 =	simm.s32 $0x0;
	s12 =	simm.s32 $0x0;
	s5 =	ssub.s32 $0x100, s2  }
0x7: {  	s13 =	simm.s32 $0x0;
	s4 =	sshrl.u32 s0, $0x1;
	s6 =	sshrl.u32 s5, $0x7  }
0x8: {  	s4 =	sand.u32 $0x1, s4;
	s5 =	sshrl.u32 s5, $0x8;
	s6 =	sand.u32 $0x1, s6  }
0x9: {  	s14 =	simm.s32 $0x0;
	s29 =	ssub.s32 $0x4, s4;
	s5 =	sadd.s32 s5, s6  }
0xa: {  	s15 =	simm.s32 $0x0;
	s18 =	simm.s32 $0x0;
	s10 =	smul.u32 s5, s29  }
.Ltmp0:
0xb: {  	s9 =	sshll.u32 s0, $0x5;
	s7 =	sshll.u32 s7, $0x9;
	(pc) =	sbr.rel .LBB1_1-.Ltmp0, $4  }
0xc: {  	s30 =	sor.u32 s9, s7;
	s16 =	smov.u32 s4;
	s6 =	simm.s32 $0x1  }
0xd: {  	s5 =	sand.u32 $0x380, s30;
	[sflag:s6] =	ssyncpa.u1 $0x0;
	s7 =	smul.u32 $0x7, s10  }
0xe: {  	s17 =	smov.u32 s2;
	s8 =	sadd.s32 s5, s8;
	[sflag:s31] =	ssyncpa.u1 $0x0  }
0xf: {  	s8 =	sadd.s32 $0x188C00, s8;
	s10 =	simm.s32 $0x800;
	s9 =	sadd.s32 $0x1, s7  }
.LBB1_4:
0x10: {  	v5 =	vld [tilespmem:s24+$0xFFFFFFD0]  }
0x11: {  	s28 =	sshrl.u32 s14, $0x5;
	v58 =	vld [tilespmem:s24+$0xFFFFFFE0]  }
0x12: {  	p1 =	sgt.s32 s13, $0x6;
	v59 =	vld [tilespmem:s24+$0xFFFFFFF0];
	s28 =	sadd.s32 s28, s11  }
0x13: {  	s30 =	smov.u32 s13;
	s31 =	sshra.s32 s13, $0x1F;
	v60 =	vld [tilespmem:s24+$0x0];
	s28 =	sand.u32 $0xFFFFFC, s28  }
0x14: {  	s27 =	sshra.s32 s27, $0x2;
	p2 =	sgt.s32 s12, $0x6;
	v61 =	vld [tilespmem:s24+$0x10];
	s29 =	smulhi.u32 $0x83126F, s28  }
0x15: {  	p3 =	sgt.s32 s14, $0x80;
	v62 =	vld [tilespmem:s24+$0x20];
	s30 =	simm.s32 @!p1 $0x6;
	s31 =	sand.u32 s31, s13  }
0x16: {  	v63 =	vld [tilespmem:s24+$0xFFFFFFC0];
	s24 =	smul.u32 $0x36B00, s13;
	s30 =	ssub.s32 s30, s31;
	s29 =	sshrl.u32 s29, $0x1  }
0x17: {  	s1 =	sshra.s32 s12, $0x1F;
	s31 =	sadd.s32 $0xFFFFFFFA, s30;
	s29 =	smul.u32 $0x3E8, s29  }
0x18: {  	s26 =	sadd.s32 s27, s26;
	s1 =	sand.u32 s1, s12;
	p1 =	sgt.s32 s31, $0x0  }
0x19: {  	s27 =	ssub.s32 s28, s29;
	s28 =	smov.u32 s14;
	s29 =	sshra.s32 s14, $0x1F  }
0x1a: {  	[tilespmem:s25+$0x2040 ss:$0x81] =	vst.msk $0xffff, v4;
	s31 =	smov.u32 s12;
	s28 =	simm.s32 @!p3 $0x80;
	s29 =	sand.u32 s29, s14  }
0x1b: {  	[tilespmem:s25+$0x2850 ss:$0x81] =	vst.msk $0xffff, v3;
	s31 =	simm.s32 @!p2 $0x6;
	p2 =	sgt.s32 s11, $0x368;
	s28 =	ssub.s32 s28, s29  }
0x1c: {  	[tilespmem:s25+$0x3060 ss:$0x81] =	vst.msk $0xffff, v2;
	s1 =	ssub.s32 s31, s1;
	s29 =	smov.u32 s11;
	s31 =	sadd.s32 $0xFFFFFF80, s28  }
0x1d: {  	[tilespmem:s25+$0x0 ss:$0x81] =	vst.msk $0xffff, v1;
	s29 =	simm.s32 @!p2 $0x368;
	s25 =	ssub.s32 $0x100, s28;
	p3 =	sgt.s32 s31, $0x7F  }
0x1e: {  	[tilespmem:s26+$0x3870 ss:$0x81] =	vst.msk $0xffff, v0;
	s29 =	ssub.s32 $0x3E8, s29;
	s25 =	simm.s32 @p3 $0x0  }
0x1f: {  	s24 =	sadd.s32 s3, s24;
	[tilespmem:s26+$0x810 ss:$0x81] =	vst.msk $0xffff, v5;
	s28 =	ssub.s32 $0x7, s30;
	s25 =	smul.u32 s29, s25  }
0x20: {  	[tilespmem:s26+$0x1020 ss:$0x81] =	vst.msk $0xffff, v58;
	s30 =	sadd.s32 $0xFFFFFFFA, s1;
	s1 =	ssub.s32 $0x7, s1;
	s28 =	simm.s32 @p1 $0x0  }
0x21: {  	[tilespmem:s26+$0x1830 ss:$0x81] =	vst.msk $0xffff, v59;
	p1 =	sgt.s32 s30, $0x0;
	s31 =	sshrl.u32 s14, $0x3;
	s25 =	smul.u32 s28, s25  }
0x22: {  	[tilespmem:s26+$0x2040 ss:$0x81] =	vst.msk $0xffff, v60;
	s30 =	smul.u32 $0x7D00, s12;
	s1 =	simm.s32 @p1 $0x0;
	s28 =	sand.u32 $0xF, s31  }
0x23: {  	[tilespmem:s26+$0x2850 ss:$0x81] =	vst.msk $0xffff, v61;
	s31 =	sand.u32 $0x7, s14;
	s24 =	sadd.s32 s28, s24;
	s1 =	smul.u32 s1, s25  }
0x24: {  	[tilespmem:s26+$0x3060 ss:$0x81] =	vst.msk $0xffff, v62;
	s27 =	sshll.u32 s27, $0x5;
	s24 =	sadd.s32 s30, s24;
	s25 =	sshll.u32 s31, $0x12  }
0x25: {  	[tilespmem:s26+$0x0 ss:$0x81] =	vst.msk $0xffff, v63;
	s24 =	sadd.s32 s27, s24;
	s25 =	sor.u32 $0x400, s25;
	s1 =	sand.u32 $0x3FFFFFFF, s1  }
0x26: {  	[hbm4b:s24+s25] =	stream.strided.scatter [tilespmem:s23], [sflag:$0x2], s1, s10, s25, $0x20;
	[tilespmem:$0x10100] =	vst v63  }
.LBB1_5:
0x27: {  	p1 =	slt.u32 s18, $0x2  }
0x28: {  	s1 =	smov.u32 s22;
	s24 =	smov.u32 s16;
	s26 =	smov.u32 s17  }
0x29: {  	s27 =	sadd.s32 $0x1, s18;
	p2 =	sgt.s32 @!p1 s22, $0x6;
	s23 =	sshra.s32 @!p1 s22, $0x1F  }
0x2a: {  	p3 =	sgt.s32 @!p1 s20, $0x6;
	p4 =	sgt.s32 @!p1 s19, $0x368;
	p2 =	por !p2, p1  }
0x2b: {  	s22 =	sand.u32 @!p1 s23, s22;
	s23 =	sshra.s32 @!p1 s21, $0x1F;
	p3 =	por !p3, p1  }
0x2c: {  	p4 =	por !p4, p1;
	s1 =	simm.s32 @p2 $0x6;
	p2 =	sgt.s32 @!p1 s21, $0x80  }
0x2d: {  	s1 =	ssub.s32 @!p1 s1, s22;
	p2 =	por !p2, p1;
	s22 =	smov.u32 s21  }
0x2e: {  	s19 =	simm.s32 @p4 $0x368;
	s21 =	sand.u32 @!p1 s23, s21;
	s22 =	simm.s32 @p2 $0x80  }
0x2f: {  	s19 =	ssub.s32 @!p1 $0x3E8, s19;
	s23 =	sadd.s32 @!p1 $0xFFFFFFFA, s1;
	s21 =	ssub.s32 @!p1 s22, s21  }
0x30: {  	s22 =	smov.u32 s20;
	p2 =	sgt.s32 @!p1 s23, $0x0;
	s23 =	sadd.s32 @!p1 $0xFFFFFF80, s21  }
0x31: {  	s22 =	simm.s32 @p3 $0x6;
	p3 =	sgt.s32 @!p1 s23, $0x7F;
	s23 =	sshra.s32 @!p1 s20, $0x1F  }
0x32: {  	s21 =	ssub.s32 @!p1 $0x100, s21;
	p3 =	por !p3, p1;
	s20 =	sand.u32 @!p1 s23, s20  }
0x33: {  	s1 =	ssub.s32 @!p1 $0x7, s1;
	s21 =	simm.s32 @!p3 $0x0;
	s20 =	ssub.s32 @!p1 s22, s20  }
0x34: {  	p2 =	por !p2, p1;
	s22 =	sadd.s32 @!p1 $0xFFFFFFFA, s20;
	s19 =	smul.u32 @!p1 s19, s21  }
0x35: {  	s1 =	simm.s32 @!p2 $0x0;
	s23 =	sadd.s32 $0x1, s15;
	p2 =	sgt.s32 @!p1 s22, $0x0  }
0x36: {  	s20 =	ssub.s32 @!p1 $0x7, s20;
	p2 =	por !p2, p1;
	s1 =	smul.u32 @!p1 s1, s19  }
0x37: {  	s19 =	sadd.s32 $0x2, s16;
	s20 =	simm.s32 @!p2 $0x0;
	p2 =	sgt.s32 s23, $0x6  }
0x38: {  	p0 =	por !p0, !p0;
	s25 =	simm.s32 @!p1 $0x2;
	s24 =	smov.u32 @p2 s19  }
0x39: {  	s23 =	simm.s32 @p2 $0x0;
	s19 =	sadd.s32 $0x100, s17;
	p2 =	sgt.s32 s24, $0x6  }
0x3a: {  	s21 =	smov.u32 s14;
	s14 =	smov.u32 s17;
	s26 =	smov.u32 @p2 s19  }
0x3b: {  	s22 =	smov.u32 s13;
	s24 =	smov.u32 @p2 s4;
	p2 =	sgt.s32 s26, $0xFF  }
0x3c: {  	s1 =	smul.u32 @!p1 s20, s1;
	s26 =	smov.u32 @p2 s2;
	p2 =	sne.s32 s18, s9  }
.Ltmp1:
0x3d: {  	s13 =	smov.u32 s16;
	s20 =	smov.u32 s12;
	(pc) =	sbr.rel @!p2 .LBB1_6-.Ltmp1, $4  }
0x3e: {  	s12 =	smov.u32 s15;
	s15 =	smov.u32 s23;
	s1 =	sand.u32 @!p1 $0x3FFFFFFF, s1  }
0x3f: {  	s19 =	smov.u32 s11;
	s11 =	smov.u32 s5;
	_ =	swait.ge @!p1 [sflag:s25], s1  }
0x40: {  	s1 =	ssub.s32 @!p1 $0x0, s1;
	s16 =	smov.u32 s24;
	[sflag:s25] =	ssyncset.done @!p1 $0x0  }
0x41: {  	s18 =	smov.u32 s27;
	[sflag:s25] =	ssyncadd.s32 @!p1 s1;
	s17 =	smov.u32 s26  }
.LBB1_1:
0x42: {  	p1 =	sge.u32 s18, s7  }
0x43: {  	s24 =	smul.u32 @!p1 $0x1C00, s17  }
0x44: {  	s31 =	sadd.s32 $0xFFFFFFFF, s18;
	s23 =	sxor.u32 @!p1 $0xFFFFFFFF, s18;
	s25 =	sshll.u32 @!p1 s16, $0xA  }
0x45: {  	s26 =	sshll.u32 @!p1 s15, $0x4;
	s23 =	sshll.u32 @!p1 s23, $0xE;
	s24 =	sadd.s32 @!p1 s24, s8  }
0x46: {  	s26 =	sand.u32 @!p1 $0x70, s26;
	s23 =	sand.u32 @!p1 $0x4000, s23;
	s24 =	sadd.s32 @!p1 s25, s24  }
0x47: {  	s25 =	simm.s32 @!p1 $0x80;
	s24 =	sadd.s32 @!p1 s26, s24;
	s26 =	simm.s32 @!p1 $0xE000  }
0x48: {  	[tilespmem:s23], [sflag:$0x1] =	stream.strided.gather @!p1 [hbm4b:s24+s25], $0x4000, s26, s25, $0x38;
	[tilespmem:$0x10100] =	vst v63  }
0x49: {  	p1 =	sge.u32 s31, s7  }
.Ltmp2:
0x4a: {  	_ = 	snop;
	(pc) =	sbr.rel @p1 .LBB1_5-.Ltmp2, $1  }
0x4b: {  	_ =	sdelay $0x3  }
0x4c: {  	s23 =	simm.s32 $0x1  }
0x4d: {  	_ =	swait.ge [sflag:s6], $0x4000;
	s23 =	simm.s32 @!p0 $0x0  }
0x4e: {  	[sflag:s6] =	ssyncset.done $0x0;
	s24 =	sshll.u32 s23, $0xE  }
0x4f: {  	[sflag:s6] =	ssyncadd.s32 $0xFFFFC000;
	s24 =	sor.u32 $0x40, s24  }
0x50: {  	s23 =	smul.u32 $0x10200, s23;
	v0 =	vld [tilespmem:s24+$0x30]  }
0x51: {  	v1 =	vld [tilespmem:s24+$0xFFFFFFD0]  }
0x52: {  	s23 =	sshrl.u32 s23, $0x2;
	v5 =	vld [tilespmem:s24+$0xFFFFFFE0]  }
0x53: {  	v6 =	vld [tilespmem:s24+$0xFFFFFFF0];
	s26 =	sor.u32 $0x8000, s23  }
0x54: {  	s31 =	sand.u32 $0x1, s18;
	v4 =	vld [tilespmem:s24+$0x0];
	s25 =	sadd.s32 $0x0, s26  }
0x55: {  	v3 =	vld [tilespmem:s24+$0x10];
	s23 =	smul.u32 $0x10200, s31;
	[tilespmem:s25+$0x3870 ss:$0x81] =	vst.msk $0xffff, v0  }
0x56: {  	v2 =	vld [tilespmem:s24+$0x20];
	[tilespmem:s25+$0x810 ss:$0x81] =	vst.msk $0xffff, v1  }
0x57: {  	s23 =	sshrl.u32 s23, $0x2;
	v1 =	vld [tilespmem:s24+$0xFFFFFFC0];
	[tilespmem:s25+$0x1020 ss:$0x81] =	vst.msk $0xffff, v5;
	s24 =	sadd.s32 $0x80, s24  }
0x58: {  	s27 =	simm.s32 $0x4;
	s28 =	simm.s32 $0x8;
	s23 =	sor.u32 $0x8000, s23;
	[tilespmem:s25+$0x1830 ss:$0x81] =	vst.msk $0xffff, v6;
	v0 =	vld [tilespmem:s24+$0x30]  }
.LBB1_3:
0x59: {  	p1 =	sne.s32 s28, $0x1FC;
	v5 =	vld [tilespmem:s24+$0xFFFFFFD0];
	[tilespmem:s25+$0x2040 ss:$0x81] =	vst.msk $0xffff, v4  }
0x5a: {  	v6 =	vld [tilespmem:s24+$0xFFFFFFE0];
	[tilespmem:s25+$0x2850 ss:$0x81] =	vst.msk $0xffff, v3  }
0x5b: {  	s29 =	sshra.s32 s27, $0x2;
	s27 =	smov.u32 s28;
	v7 =	vld [tilespmem:s24+$0xFFFFFFF0];
	[tilespmem:s25+$0x3060 ss:$0x81] =	vst.msk $0xffff, v2  }
.Ltmp3:
0x5c: {  	v4 =	vld [tilespmem:s24+$0x0];
	[tilespmem:s25+$0x0 ss:$0x81] =	vst.msk $0xffff, v1;
	s25 =	sadd.s32 s29, s26;
	(pc) =	sbr.rel @p1 .LBB1_3-.Ltmp3, $4  }
0x5d: {  	v3 =	vld [tilespmem:s24+$0x10];
	[tilespmem:s25+$0x3870 ss:$0x81] =	vst.msk $0xffff, v0  }
0x5e: {  	[tilespmem:s25+$0x810 ss:$0x81] =	vst.msk $0xffff, v5;
	v2 =	vld [tilespmem:s24+$0x20]  }
0x5f: {  	v1 =	vld [tilespmem:s24+$0xFFFFFFC0];
	[tilespmem:s25+$0x1020 ss:$0x81] =	vst.msk $0xffff, v6;
	s24 =	sadd.s32 $0x80, s24  }
0x60: {  	s28 =	sadd.s32 $0x4, s28;
	v0 =	vld [tilespmem:s24+$0x30];
	[tilespmem:s25+$0x1830 ss:$0x81] =	vst.msk $0xffff, v7  }
.Ltmp4:
0x61: {  	_ = 	snop;
	(pc) =	sbr.rel .LBB1_4-.Ltmp4, $1  }
0x62: {  	_ =	sdelay $0x3  }
.LBB1_6:
0x63: {  	_ =	sfence.sel $0x180000  }
0x64: {  	s1 =	simm.s32 $0x1;
	[bflag:$0x0] =	sbarrier.arrive $0xFFFF  }
0x65: {  	s31 =	simm.s32 $0x2;
	[sflag:s1] =	ssyncpa.u1 $0x1  }
0x66: {  	[sflag:s31] =	ssyncpa.u1 $0x1  }
0x67: {  	_ =	strace $0x9000004A  }
0x68: {  	[bflag:$0x2] =	sbarrier.arrive $0xFFFF  }
0x69: {  	p0 =	sne.s32 s0, $0x0;
	s0 =	rddreg [dreg:$0x2]  }
0x6a: {  	s0 =	sadd.s32 @!p0 $0x100000, s0  }
0x6b: {  	[sflag:s0] =	ssyncadd.tile.s32 @!p0 $0x1;
	_ =	shalt  }
.Lfunc_end1:
_tile_overlayer_lowered:
.L_overlay_start_2:
0x6c: {  	(tag) =	ssettag $0x2  }
0x6d: {  	s0 =	rddreg [dreg:$0x0];
	s2 =	stileid.u32  }
0x6e: {  	s1 =	rddreg [dreg:$0x1];
	p0 =	sne.s32 s2, $0x0  }
0x6f: {  	s3 =	rddreg [dreg:$0x2];
	[bflag:$0x3] =	sbarrier.arrive $0xFFFF;
	s2 =	simm.s32 @!p0 $0x1C01  }
0x70: {  	[timem:s3], [sflag:s2] =	dma.local @!p0 [hbm:s0], s1  }
0x71: {  	s0 =	simm.s32 @!p0 $0x1  }
0x72: {  	_ =	swait.ge @!p0 [sflag:s0], s1  }
0x73: {  	s1 =	ssub.s32 @!p0 $0x0, s1;
	[sflag:s0] =	ssyncset.done @!p0 $0x0  }
0x74: {  	[sflag:s0] =	ssyncadd.s32 @!p0 s1  }
0x75: {  	[bflag:$0x3] =	sbarrier.arrive $0xFFFF  }
0x76: {  	_ =	shalt  }

</sc_bundles>
